<compile_context>
chip_gen: v7x
topology: tpu7x:2x2x1
jax: 0.10.2.dev20260603
libtpu: 0.0.44.dev20260713+nightly
codegen_flags: <defaults>
</compile_context>

<pallas_src>
import functools

import jax
import jax.numpy as jnp
from jax import lax
from jax.experimental import pallas as pl
from jax.experimental.pallas import tpu as pltpu
from jax.experimental.pallas import tpu_sc as plsc

N_NODES = 10000
HIDDEN = 128
N_PARENTS = 20000

BN = 1000
BM = 1024
BP = 2000
M_PAD = 126976
NWORK = 32
ROWS_W = M_PAD // NWORK
CH_B = 128
NCH_B = ROWS_W // CH_B
P_PAD = 20480
PAR_W = P_PAD // NWORK
CH_D = 64
NCH_D = PAR_W // CH_D


def _expand_body(x_ref, w_ref, t_ref):
    xb = x_ref[...]
    y = jnp.dot(xb, w_ref[...], preferred_element_type=jnp.float32)
    t_ref[0] = xb
    for j in range(7):
        t_ref[1 + j] = y[:, HIDDEN * j:HIDDEN * (j + 1)]
    t_ref[8] = jnp.zeros_like(xb)


def _expand(x, wcat):
    n = x.shape[0]
    return pl.pallas_call(
        _expand_body,
        grid=(n // BN,),
        in_specs=[
            pl.BlockSpec((BN, HIDDEN), lambda i: (i, 0)),
            pl.BlockSpec((HIDDEN, 7 * HIDDEN), lambda i: (0, 0)),
        ],
        out_specs=pl.BlockSpec((9, BN, HIDDEN), lambda i: (0, i, 0)),
        out_shape=jax.ShapeDtypeStruct((9, n, HIDDEN), jnp.float32),
    )(x, wcat)


def _child_body(b_ref, tm_ref, zf_ref, sf_ref, c_ref):
    b = b_ref[...]
    e = jnp.where(b > 0, b, jnp.exp(jnp.minimum(b, 0.0)) - 1.0)
    cz = jnp.dot(e, zf_ref[...], preferred_element_type=jnp.float32)
    cs = jnp.dot(e, sf_ref[...], preferred_element_type=jnp.float32)
    t = tm_ref[...]
    c_ref[...] = jnp.where(t == 2.0, cz, jnp.where(t == 3.0, cs, b))


def _child_finish(b, tm3, zft, sft):
    m = b.shape[0]
    return pl.pallas_call(
        _child_body,
        grid=(m // BM,),
        in_specs=[
            pl.BlockSpec((BM, HIDDEN), lambda i: (i, 0)),
            pl.BlockSpec((BM, 1), lambda i: (i, 0)),
            pl.BlockSpec((HIDDEN, HIDDEN), lambda i: (0, 0)),
            pl.BlockSpec((HIDDEN, HIDDEN), lambda i: (0, 0)),
        ],
        out_specs=pl.BlockSpec((BM, HIDDEN), lambda i: (i, 0)),
        out_shape=jax.ShapeDtypeStruct((m, HIDDEN), jnp.float32),
    )(b, tm3, zft, sft)


def _parent_body(s_ref, ta_ref, pf_ref, o_ref):
    s = s_ref[...]
    sp = jnp.dot(s, pf_ref[...], preferred_element_type=jnp.float32)
    e = jnp.where(s > 0, s, jnp.exp(jnp.minimum(s, 0.0)) - 1.0)
    t = ta_ref[...]
    o_ref[...] = jnp.where(t == 0.0, s, jnp.where(t == 1.0, sp, e))


def _parent_finish(s, ta3, pft):
    p = N_PARENTS
    return pl.pallas_call(
        _parent_body,
        grid=(p // BP,),
        in_specs=[
            pl.BlockSpec((BP, HIDDEN), lambda i: (i, 0)),
            pl.BlockSpec((BP, 1), lambda i: (i, 0)),
            pl.BlockSpec((HIDDEN, HIDDEN), lambda i: (0, 0)),
        ],
        out_specs=pl.BlockSpec((BP, HIDDEN), lambda i: (i, 0)),
        out_shape=jax.ShapeDtypeStruct((p, HIDDEN), jnp.float32),
    )(s, ta3, pft)


_SC_MESH = plsc.VectorSubcoreMesh(core_axis_name="c", subcore_axis_name="s")

CB = 64
NCB = ROWS_W // CB
NGRP = ROWS_W // 16


@functools.partial(
    pl.kernel, mesh=_SC_MESH,
    out_type=jax.ShapeDtypeStruct((M_PAD, HIDDEN), jnp.float32),
    scratch_types=[
        pltpu.VMEM((6, ROWS_W), jnp.int32),
        pltpu.VMEM((2, 2, CB), jnp.int32),
        pltpu.VMEM((2, 3, CB), jnp.int32),
        pltpu.VMEM((2, 3, CB, HIDDEN), jnp.float32),
        pltpu.VMEM((CB, HIDDEN), jnp.float32),
        pltpu.SemaphoreType.DMA,
        pltpu.SemaphoreType.DMA,
        pltpu.SemaphoreType.DMA,
        pltpu.SemaphoreType.DMA,
    ],
)
def _sc_gather_sum(t_hbm, im_h, o1r_h, o1c_h, o2r_h, o2c_h, tm_h,
                   out_hbm, intv, imgv, gv, rb, acc, sg0, sg1, se0, se1):
    n = N_NODES
    wid = lax.axis_index("s") * 2 + lax.axis_index("c")
    wbase = wid * ROWS_W

    sl_w = pl.ds(wbase, ROWS_W)
    pltpu.sync_copy(im_h.at[sl_w], intv.at[0])
    pltpu.sync_copy(o1r_h.at[sl_w], intv.at[1])
    pltpu.sync_copy(o1c_h.at[sl_w], intv.at[2])
    pltpu.sync_copy(o2r_h.at[sl_w], intv.at[3])
    pltpu.sync_copy(o2c_h.at[sl_w], intv.at[4])
    pltpu.sync_copy(tm_h.at[sl_w], intv.at[5])

    lanes = lax.iota(jnp.int32, 16)
    esems = (se0, se1)
    gsems = (sg0, sg1)

    def fire_elem(s, coff):
        pltpu.async_copy(im_h.at[intv.at[2, pl.ds(coff, CB)]],
                         imgv.at[s, 0], esems[s])
        pltpu.async_copy(im_h.at[intv.at[4, pl.ds(coff, CB)]],
                         imgv.at[s, 1], esems[s])

    def drain_elem(s, coff):
        pltpu.make_async_copy(im_h.at[intv.at[2, pl.ds(coff, CB)]],
                              imgv.at[s, 0], esems[s]).wait()
        pltpu.make_async_copy(im_h.at[intv.at[4, pl.ds(coff, CB)]],
                              imgv.at[s, 1], esems[s]).wait()

    def compose(s, coff):
        def grp(q, _):
            s16 = pl.ds(coff + q * 16, 16)
            d16 = pl.ds(q * 16, 16)
            t = intv[5, s16]
            imv = intv[0, s16]
            gi = wbase + coff + q * 16 + lanes
            zsp = 8 * n + lax.rem(gi, n)
            b0 = jnp.where(t == 0, 0,
                 jnp.where(t == 1, n,
                 jnp.where(t == 2, 2 * n, 5 * n)))
            gv[s, 0, d16] = b0 + imv
            for slot, raw_row in enumerate((1, 3)):
                o = intv[raw_row, s16]
                imk = imgv[s, slot, d16]
                ok = (o >= 0) & (t >= 2)
                bk = jnp.where(t == 2, (3 + slot) * n, (6 + slot) * n)
                gv[s, 1 + slot, d16] = jnp.where(ok, bk + imk, zsp)
            return _

        lax.fori_loop(0, CB // 16, grp, None)

    def fire_rows(s):
        for k in range(3):
            pltpu.async_copy(t_hbm.at[gv.at[s, k]], rb.at[s, k], gsems[s])

    def drain_rows(s):
        for k in range(3):
            pltpu.make_async_copy(t_hbm.at[gv.at[s, k]], rb.at[s, k],
                                  gsems[s]).wait()

    def sum_out(s, coff):
        def row(r, _):
            for q in range(HIDDEN // 16):
                sq = pl.ds(q * 16, 16)
                acc[r, sq] = (rb[s, 0, r, sq] + rb[s, 1, r, sq]
                              + rb[s, 2, r, sq])
            return _

        lax.fori_loop(0, CB, row, None)
        pltpu.sync_copy(acc, out_hbm.at[pl.ds(wbase + coff, CB)])

    fire_elem(0, 0)
    drain_elem(0, 0)
    compose(0, 0)
    fire_rows(0)
    fire_elem(1, CB)

    def pair(i, _):
        c0 = 2 * i * CB
        drain_elem(1, c0 + CB)
        compose(1, c0 + CB)
        fire_rows(1)

        @pl.when(i < NCB // 2 - 1)
        def _e0():
            fire_elem(0, c0 + 2 * CB)

        drain_rows(0)
        sum_out(0, c0)

        @pl.when(i < NCB // 2 - 1)
        def _c0():
            drain_elem(0, c0 + 2 * CB)
            compose(0, c0 + 2 * CB)

        drain_rows(1)

        @pl.when(i < NCB // 2 - 1)
        def _r0():
            fire_rows(0)
            fire_elem(1, c0 + 3 * CB)

        sum_out(1, c0 + CB)
        return _

    lax.fori_loop(0, NCB // 2, pair, None)


PD = 16
NPD = PAR_W // PD


@functools.partial(
    pl.kernel, mesh=_SC_MESH,
    out_type=jax.ShapeDtypeStruct((P_PAD, HIDDEN), jnp.float32),
    scratch_types=[
        pltpu.VMEM((PAR_W * 8,), jnp.int32),
        pltpu.VMEM((2, PD * 8, HIDDEN), jnp.float32),
        pltpu.VMEM((PD, HIDDEN), jnp.float32),
        pltpu.SemaphoreType.DMA,
        pltpu.SemaphoreType.DMA,
    ],
)
def _sc_segment_sum(c_hbm, gd_hbm, out_hbm, gdv, rb, acc, sg0, sg1):
    wid = lax.axis_index("s") * 2 + lax.axis_index("c")
    wbase = wid * PAR_W
    pltpu.sync_copy(gd_hbm.at[pl.ds(wbase * 8, PAR_W * 8)], gdv)

    def fire(s, sem, coff):
        pltpu.async_copy(c_hbm.at[gdv.at[pl.ds(coff * 8, PD * 8)]],
                         rb.at[s], sem)

    def drain(s, sem, coff):
        pltpu.make_async_copy(c_hbm.at[gdv.at[pl.ds(coff * 8, PD * 8)]],
                              rb.at[s], sem).wait()

    def sum_out(s, coff):
        def par(r, _):
            for q in range(HIDDEN // 16):
                sq = pl.ds(q * 16, 16)
                v = rb[s, r * 8, sq]
                for j in range(1, 8):
                    v = v + rb[s, r * 8 + j, sq]
                acc[r, sq] = v
            return _

        lax.fori_loop(0, PD, par, None)
        pltpu.sync_copy(acc, out_hbm.at[pl.ds(wbase + coff, PD)])

    fire(0, sg0, 0)

    def pair(i, _):
        c0 = 2 * i * PD
        fire(1, sg1, c0 + PD)
        drain(0, sg0, c0)
        sum_out(0, c0)

        @pl.when(i < NPD // 2 - 1)
        def _fire_next():
            fire(0, sg0, c0 + 2 * PD)

        drain(1, sg1, c0 + PD)
        sum_out(1, c0 + PD)
        return _

    lax.fori_loop(0, NPD // 2, pair, None)


def kernel(x, p_w, p_final_w, z_w, z_final_w, s_w, s_final_w,
           initial_map, order_matrix, pooling, type_mask):
    n, h = x.shape
    k, m = order_matrix.shape
    p = N_PARENTS
    im = initial_map.astype(jnp.int32)
    om = order_matrix.astype(jnp.int32)
    tm = type_mask.astype(jnp.int32)
    pool = pooling.astype(jnp.int32)

    pad = M_PAD - m
    izpad = jnp.zeros((pad,), jnp.int32)
    im_p = jnp.concatenate(
        [im, 8 * n + (jnp.arange(pad, dtype=jnp.int32) % n)])
    o1r = jnp.concatenate([om[1], jnp.full((pad,), -1, jnp.int32)])
    o2r = jnp.concatenate([om[2], jnp.full((pad,), -1, jnp.int32)])
    o1c = jnp.maximum(o1r, 0)
    o2c = jnp.maximum(o2r, 0)
    tm_pad = jnp.concatenate([tm, izpad])
    tm3 = tm_pad.astype(jnp.float32).reshape(M_PAD, 1)

    mi = jnp.arange(m, dtype=jnp.int32)
    is_start = jnp.concatenate(
        [jnp.ones((1,), bool), pool[1:] != pool[:-1]])
    seg_start = lax.cummax(jnp.where(is_start, mi, -1), axis=0)
    slot = mi - seg_start
    gd = m + (jnp.arange(8 * P_PAD, dtype=jnp.int32) % pad)
    gd = gd.at[pool * 8 + slot].set(mi)
    tm_after = jnp.zeros((p,), jnp.int32).at[pool].set(tm)
    ta3 = tm_after.astype(jnp.float32).reshape(p, 1)

    wcat = jnp.concatenate([p_w.T] + [z_w[i].T for i in range(3)]
                           + [s_w[i].T for i in range(3)], axis=1)
    t_tab = _expand(x, wcat).reshape(9 * n, h)

    b = _sc_gather_sum(t_tab, im_p, o1r, o1c, o2r, o2c, tm_pad)

    c = _child_finish(b, tm3, z_final_w.T, s_final_w.T)

    s = _sc_segment_sum(c, gd)

    return _parent_finish(s, ta3, p_final_w.T)

# --- scband reference (transcript-rebuilt; emitter-appended) ---
"""Pipeline reference for scband-advanced-permutation-tree-layer-40785009443354 (READ-ONLY COPY).

The authoritative reference and input builder live on the scoring server;
editing this copy changes nothing except your own understanding.
"""

import jax, jax.numpy as jnp
import numpy as np

N_NODES = 10000
HIDDEN = 128
K = 3
P_PARENTS = 20000
NONLEAF_DEG = 8
TYPE_DICT = {'P': 1, 'Z': 2, 'S': 3}


def setup_inputs(seed: int = 0):
    rng = np.random.default_rng(0)
    # structured permutation-tree layer: each parent is leaf-passthrough (type 0, 1 child)
    # or a P/Z/S internal node (types 1/2/3, NONLEAF_DEG children of same type).
    parent_types = rng.integers(0, 4, size=P_PARENTS)
    counts = np.where(parent_types == 0, 1, NONLEAF_DEG)
    pooling = np.repeat(np.arange(P_PARENTS), counts).astype(np.int64)
    type_mask = np.repeat(parent_types, counts).astype(np.int64)
    M = pooling.shape[0]
    initial_map = rng.integers(0, N_NODES, size=M).astype(np.int64)
    order_matrix = np.zeros((K, M), dtype=np.int64)
    order_matrix[0] = np.arange(M)
    for i in range(1, K):
        row = rng.integers(0, M, size=M)
        row[rng.random(M) < 0.3] = -1
        order_matrix[i] = row
    key = jax.random.key(seed)
    ks = jax.random.split(key, 7)
    s = 1.0 / np.sqrt(HIDDEN)
    u = lambda k_, shp: jax.random.uniform(k_, shp, jnp.float32, -s, s)
    return {
        'x': jax.random.normal(ks[0], (N_NODES, HIDDEN), jnp.float32),
        'p_w': u(ks[1], (HIDDEN, HIDDEN)),
        'p_final_w': u(ks[2], (HIDDEN, HIDDEN)),
        'z_w': u(ks[3], (K, HIDDEN, HIDDEN)),
        'z_final_w': u(ks[4], (HIDDEN, HIDDEN)),
        's_w': u(ks[5], (K, HIDDEN, HIDDEN)),
        's_final_w': u(ks[6], (HIDDEN, HIDDEN)),
        'initial_map': jnp.asarray(initial_map),
        'order_matrix': jnp.asarray(order_matrix),
        'pooling': jnp.asarray(pooling),
        'type_mask': jnp.asarray(type_mask),
    }


def reference(x, p_w, p_final_w, z_w, z_final_w, s_w, s_final_w, initial_map, order_matrix, pooling, type_mask):
    H = x.shape[1]
    M = pooling.shape[0]
    om = order_matrix + 1
    tm = type_mask
    P = P_PARENTS
    tm_after = jax.ops.segment_max(tm, pooling, num_segments=P)
    mask_empty = om == 0
    mask_all_empty = mask_empty.all(axis=0)
    data_array = jnp.concatenate([jnp.zeros((1, H), x.dtype), x[initial_map]], axis=0)
    da = data_array[om]  # [K, M, H] ordered-slot gather
    layer_output = jnp.zeros((P, H), x.dtype)
    for name, val in TYPE_DICT.items():
        m = tm == val
        if name == 'P':
            ap = jnp.where(m[:, None], da[0], 0.0) @ p_w.T
            ap = jax.ops.segment_sum(ap, pooling, num_segments=P)  # global_add_pool
            ap = ap @ p_final_w.T
            layer_output = layer_output + jnp.where((tm_after == val)[:, None], ap, 0.0)
        else:
            w = z_w if name == 'Z' else s_w
            wf = z_final_w if name == 'Z' else s_final_w
            a = jnp.einsum('kmh,kgh->kmg', da, w)  # per-slot Linear (no bias)
            a = jnp.where(mask_empty[:, :, None], 0.0, a)
            a = a.sum(axis=0)
            a = jax.nn.elu(a)
            a = a @ wf.T
            rank = jnp.clip(jnp.cumsum(m) - 1, 0, M - 1)
            a = jnp.where(mask_all_empty[rank][:, None], 0.0, a)
            a = jnp.where(m[:, None], a, 0.0)
            a = jax.ops.segment_sum(a, pooling, num_segments=P)
            a = jax.nn.elu(a)
            layer_output = layer_output + jnp.where((tm_after == val)[:, None], a, 0.0)
    m0 = tm == 0
    passthrough = jax.ops.segment_sum(jnp.where(m0[:, None], da[0], 0.0), pooling, num_segments=P)
    layer_output = layer_output + jnp.where((tm_after == 0)[:, None], passthrough, 0.0)
    return layer_output

if __name__ == "__main__":
    import jax
    _d = setup_inputs()
    print(jax.jit(kernel)(*tuple(_d.values())))

</pallas_src>

<mosaic_0001>
#map = affine_map<(d0, d1) -> (0, 0)>
#map1 = affine_map<(d0, d1) -> (0)>
module attributes {stable_mosaic.version = 14 : i64} {
  func.func @_sc_segment_sum(%arg0: i32, %arg1: i32, %arg2: memref<126976x128xf32, #tpu.memory_space<hbm>>, %arg3: memref<163840xi32, #tpu.memory_space<hbm>>, %arg4: memref<20480x128xf32, #tpu.memory_space<hbm>>, %arg5: memref<5120xi32, #tpu.memory_space<vmem>>, %arg6: memref<2x128x128xf32, #tpu.memory_space<vmem>>, %arg7: memref<16x128xf32, #tpu.memory_space<vmem>>, %arg8: memref<!tpu.dma_semaphore, #tpu.memory_space<semaphore_mem>>, %arg9: memref<!tpu.dma_semaphore, #tpu.memory_space<semaphore_mem>>) attributes {dimension_semantics = [#tpu.dimension_semantics<core_parallel>, #tpu.dimension_semantics<subcore_parallel>], iteration_bounds = array<i64: 2, 16>, scalar_prefetch = 0 : i64, scratch_operands = 5 : i64, tpu.core_type = #tpu.core_type<sc_vector_subcore>, window_params = [{transform_indices = #map}, {transform_indices = #map1}, {transform_indices = #map}]} {
    %mul3A = arith.constant 2 : i32
    %mul3A_0 = arith.muli %arg1, %mul3A : i32
    %add3A = arith.addi %mul3A_0, %arg0 : i32
    %mul3A_1 = arith.constant 640 : i32
    %mul3A_2 = arith.muli %add3A, %mul3A_1 : i32
    %mul3A_3 = arith.constant 8 : i32
    %mul3A_4 = arith.muli %mul3A_2, %mul3A_3 : i32
    "tpu.region"() ({
      %run_scoped3A = tpu.sem_alloc : memref<!tpu.dma_semaphore, #tpu.memory_space<semaphore_mem>>
      %dma_start3A_18 = tpu.memref_slice %arg3[%mul3A_4] : memref<163840xi32, #tpu.memory_space<hbm>> -> memref<5120xi32, #tpu.memory_space<hbm>>
      %dma_start3A_19 = tpu.memref_slice %arg3[%mul3A_4] : memref<163840xi32, #tpu.memory_space<hbm>> -> memref<5120xi32, #tpu.memory_space<hbm>>
      tpu.enqueue_dma source(%dma_start3A_19 : memref<5120xi32, #tpu.memory_space<hbm>>) target(%arg5 : memref<5120xi32, #tpu.memory_space<vmem>>) target_semaphore(%run_scoped3A : memref<!tpu.dma_semaphore, #tpu.memory_space<semaphore_mem>>)
      %dma_wait3A = tpu.memref_slice %arg3[%mul3A_4] : memref<163840xi32, #tpu.memory_space<hbm>> -> memref<5120xi32, #tpu.memory_space<hbm>>
      %dma_wait3A_20 = tpu.memref_slice %arg3[%mul3A_4] : memref<163840xi32, #tpu.memory_space<hbm>> -> memref<5120xi32, #tpu.memory_space<hbm>>
      tpu.wait_dma2 semaphore(%run_scoped3A : memref<!tpu.dma_semaphore, #tpu.memory_space<semaphore_mem>>) src(%dma_wait3A_20 : memref<5120xi32, #tpu.memory_space<hbm>>) dst(%arg5 : memref<5120xi32, #tpu.memory_space<vmem>>)
      tpu.yield
    }) : () -> ()
    %dma_start3A = arith.constant 0 : i32
    %dma_start3A_5 = arith.constant 0 : i32
    %dma_start3A_6 = arith.constant 0 : i32
    %dma_start3A_7 = tpu.memref_slice %arg6[%dma_start3A, %dma_start3A_5, %dma_start3A_6] : memref<2x128x128xf32, #tpu.memory_space<vmem>> -> memref<1x128x128xf32, #tpu.memory_space<vmem>>
    %dma_start3A_8 = tpu.memref_squeeze %dma_start3A_7 : memref<1x128x128xf32, #tpu.memory_space<vmem>> -> memref<128x128xf32, #tpu.memory_space<vmem>>
    %dma_start3A_9 = arith.constant 0 : i32
    %dma_start3A_10 = tpu.memref_slice %arg5[%dma_start3A_9] : memref<5120xi32, #tpu.memory_space<vmem>> -> memref<128xi32, #tpu.memory_space<vmem>>
    %dma_start3A_11 = arith.constant 0 : i32
    %dma_start3A_12 = arith.constant 0 : i32
    %dma_start3A_13 = tpu.memref_slice %arg2[%dma_start3A_11, %dma_start3A_12] : memref<126976x128xf32, #tpu.memory_space<hbm>> -> memref<126976x128xf32, #tpu.memory_space<hbm>>
    tpu.enqueue_indirect_dma source(%dma_start3A_13 : memref<126976x128xf32, #tpu.memory_space<hbm>>) target(%dma_start3A_8 : memref<128x128xf32, #tpu.memory_space<vmem>>) offsets(%dma_start3A_10 : memref<128xi32, #tpu.memory_space<vmem>>) semaphore(%arg8 : memref<!tpu.dma_semaphore, #tpu.memory_space<semaphore_mem>>)
    %scan3A = arith.constant 0 : i32
    %scan3A_14 = arith.constant 20 : i32
    %scan3A_15 = arith.addi %scan3A, %scan3A_14 : i32
    %scan3A_16 = arith.constant 1 : i32
    scf.for %scan3A_18 = %scan3A to %scan3A_15 step %scan3A_16  : i32 {
      %mul3A_19 = arith.constant 2 : i32
      %mul3A_20 = arith.muli %mul3A_19, %scan3A_18 : i32
      %mul3A_21 = arith.constant 16 : i32
      %mul3A_22 = arith.muli %mul3A_20, %mul3A_21 : i32
      %add3A_23 = arith.constant 16 : i32
      %add3A_24 = arith.addi %mul3A_22, %add3A_23 : i32
      %mul3A_25 = arith.constant 8 : i32
      %mul3A_26 = arith.muli %add3A_24, %mul3A_25 : i32
      %dma_start3A_27 = arith.constant 1 : i32
      %dma_start3A_28 = arith.constant 0 : i32
      %dma_start3A_29 = arith.constant 0 : i32
      %dma_start3A_30 = tpu.memref_slice %arg6[%dma_start3A_27, %dma_start3A_28, %dma_start3A_29] : memref<2x128x128xf32, #tpu.memory_space<vmem>> -> memref<1x128x128xf32, #tpu.memory_space<vmem>>
      %dma_start3A_31 = tpu.memref_squeeze %dma_start3A_30 : memref<1x128x128xf32, #tpu.memory_space<vmem>> -> memref<128x128xf32, #tpu.memory_space<vmem>>
      %dma_start3A_32 = tpu.memref_slice %arg5[%mul3A_26] : memref<5120xi32, #tpu.memory_space<vmem>> -> memref<128xi32, #tpu.memory_space<vmem>>
      %dma_start3A_33 = arith.constant 0 : i32
      %dma_start3A_34 = arith.constant 0 : i32
      %dma_start3A_35 = tpu.memref_slice %arg2[%dma_start3A_33, %dma_start3A_34] : memref<126976x128xf32, #tpu.memory_space<hbm>> -> memref<126976x128xf32, #tpu.memory_space<hbm>>
      tpu.enqueue_indirect_dma source(%dma_start3A_35 : memref<126976x128xf32, #tpu.memory_space<hbm>>) target(%dma_start3A_31 : memref<128x128xf32, #tpu.memory_space<vmem>>) offsets(%dma_start3A_32 : memref<128xi32, #tpu.memory_space<vmem>>) semaphore(%arg9 : memref<!tpu.dma_semaphore, #tpu.memory_space<semaphore_mem>>)
      %mul3A_36 = arith.constant 8 : i32
      %mul3A_37 = arith.muli %mul3A_22, %mul3A_36 : i32
      %dma_wait3A = arith.constant 0 : i32
      %dma_wait3A_38 = arith.constant 0 : i32
      %dma_wait3A_39 = arith.constant 0 : i32
      %dma_wait3A_40 = tpu.memref_slice %arg6[%dma_wait3A, %dma_wait3A_38, %dma_wait3A_39] : memref<2x128x128xf32, #tpu.memory_space<vmem>> -> memref<1x128x128xf32, #tpu.memory_space<vmem>>
      %dma_wait3A_41 = tpu.memref_squeeze %dma_wait3A_40 : memref<1x128x128xf32, #tpu.memory_space<vmem>> -> memref<128x128xf32, #tpu.memory_space<vmem>>
      %dma_wait3A_42 = tpu.memref_slice %arg5[%mul3A_37] : memref<5120xi32, #tpu.memory_space<vmem>> -> memref<128xi32, #tpu.memory_space<vmem>>
      %dma_wait3A_43 = arith.constant 0 : i32
      %dma_wait3A_44 = arith.constant 0 : i32
      %dma_wait3A_45 = tpu.memref_slice %arg2[%dma_wait3A_43, %dma_wait3A_44] : memref<126976x128xf32, #tpu.memory_space<hbm>> -> memref<126976x128xf32, #tpu.memory_space<hbm>>
      tpu.wait_indirect_dma semaphore(%arg8 : memref<!tpu.dma_semaphore, #tpu.memory_space<semaphore_mem>>) src(%dma_wait3A_45 : memref<126976x128xf32, #tpu.memory_space<hbm>>) dst(%dma_wait3A_41 : memref<128x128xf32, #tpu.memory_space<vmem>>)
      %scan3A_46 = arith.constant 0 : i32
      %scan3A_47 = arith.constant 16 : i32
      %scan3A_48 = arith.addi %scan3A_46, %scan3A_47 : i32
      %scan3A_49 = arith.constant 1 : i32
      scf.for %scan3A_75 = %scan3A_46 to %scan3A_48 step %scan3A_49  : i32 {
        %mul3A_76 = arith.constant 8 : i32
        %mul3A_77 = arith.muli %scan3A_75, %mul3A_76 : i32
        %get3A = arith.constant 0 : i32
        %get3A_78 = arith.index_cast %get3A : i32 to index
        %get3A_79 = arith.index_cast %mul3A_77 : i32 to index
        %get3A_80 = arith.constant 0 : index
        %get3A_81 = tpu.vector_load %arg6[%get3A_78, %get3A_79, %get3A_80] {strides = array<i32>} : memref<2x128x128xf32, #tpu.memory_space<vmem>>, vector<1x1x16xf32>,
        %get3A_82 = vector.shape_cast %get3A_81 : vector<1x1x16xf32> to vector<16xf32>
        %mul3A_83 = arith.constant 8 : i32
        %mul3A_84 = arith.muli %scan3A_75, %mul3A_83 : i32
        %add3A_85 = arith.constant 1 : i32
        %add3A_86 = arith.addi %mul3A_84, %add3A_85 : i32
        %get3A_87 = arith.constant 0 : i32
        %get3A_88 = arith.index_cast %get3A_87 : i32 to index
        %get3A_89 = arith.index_cast %add3A_86 : i32 to index
        %get3A_90 = arith.constant 0 : index
        %get3A_91 = tpu.vector_load %arg6[%get3A_88, %get3A_89, %get3A_90] {strides = array<i32>} : memref<2x128x128xf32, #tpu.memory_space<vmem>>, vector<1x1x16xf32>,
        %get3A_92 = vector.shape_cast %get3A_91 : vector<1x1x16xf32> to vector<16xf32>
        %add3A_93 = arith.addf %get3A_82, %get3A_92 : vector<16xf32>
        %mul3A_94 = arith.constant 8 : i32
        %mul3A_95 = arith.muli %scan3A_75, %mul3A_94 : i32
        %add3A_96 = arith.constant 2 : i32
        %add3A_97 = arith.addi %mul3A_95, %add3A_96 : i32
        %get3A_98 = arith.constant 0 : i32
        %get3A_99 = arith.index_cast %get3A_98 : i32 to index
        %get3A_100 = arith.index_cast %add3A_97 : i32 to index
        %get3A_101 = arith.constant 0 : index
        %get3A_102 = tpu.vector_load %arg6[%get3A_99, %get3A_100, %get3A_101] {strides = array<i32>} : memref<2x128x128xf32, #tpu.memory_space<vmem>>, vector<1x1x16xf32>,
        %get3A_103 = vector.shape_cast %get3A_102 : vector<1x1x16xf32> to vector<16xf32>
        %add3A_104 = arith.addf %add3A_93, %get3A_103 : vector<16xf32>
        %mul3A_105 = arith.constant 8 : i32
        %mul3A_106 = arith.muli %scan3A_75, %mul3A_105 : i32
        %add3A_107 = arith.constant 3 : i32
        %add3A_108 = arith.addi %mul3A_106, %add3A_107 : i32
        %get3A_109 = arith.constant 0 : i32
        %get3A_110 = arith.index_cast %get3A_109 : i32 to index
        %get3A_111 = arith.index_cast %add3A_108 : i32 to index
        %get3A_112 = arith.constant 0 : index
        %get3A_113 = tpu.vector_load %arg6[%get3A_110, %get3A_111, %get3A_112] {strides = array<i32>} : memref<2x128x128xf32, #tpu.memory_space<vmem>>, vector<1x1x16xf32>,
        %get3A_114 = vector.shape_cast %get3A_113 : vector<1x1x16xf32> to vector<16xf32>
        %add3A_115 = arith.addf %add3A_104, %get3A_114 : vector<16xf32>
        %mul3A_116 = arith.constant 8 : i32
        %mul3A_117 = arith.muli %scan3A_75, %mul3A_116 : i32
        %add3A_118 = arith.constant 4 : i32
        %add3A_119 = arith.addi %mul3A_117, %add3A_118 : i32
        %get3A_120 = arith.constant 0 : i32
        %get3A_121 = arith.index_cast %get3A_120 : i32 to index
        %get3A_122 = arith.index_cast %add3A_119 : i32 to index
        %get3A_123 = arith.constant 0 : index
        %get3A_124 = tpu.vector_load %arg6[%get3A_121, %get3A_122, %get3A_123] {strides = array<i32>} : memref<2x128x128xf32, #tpu.memory_space<vmem>>, vector<1x1x16xf32>,
        %get3A_125 = vector.shape_cast %get3A_124 : vector<1x1x16xf32> to vector<16xf32>
        %add3A_126 = arith.addf %add3A_115, %get3A_125 : vector<16xf32>
        %mul3A_127 = arith.constant 8 : i32
        %mul3A_128 = arith.muli %scan3A_75, %mul3A_127 : i32
        %add3A_129 = arith.constant 5 : i32
        %add3A_130 = arith.addi %mul3A_128, %add3A_129 : i32
        %get3A_131 = arith.constant 0 : i32
        %get3A_132 = arith.index_cast %get3A_131 : i32 to index
        %get3A_133 = arith.index_cast %add3A_130 : i32 to index
        %get3A_134 = arith.constant 0 : index
        %get3A_135 = tpu.vector_load %arg6[%get3A_132, %get3A_133, %get3A_134] {strides = array<i32>} : memref<2x128x128xf32, #tpu.memory_space<vmem>>, vector<1x1x16xf32>,
        %get3A_136 = vector.shape_cast %get3A_135 : vector<1x1x16xf32> to vector<16xf32>
        %add3A_137 = arith.addf %add3A_126, %get3A_136 : vector<16xf32>
        %mul3A_138 = arith.constant 8 : i32
        %mul3A_139 = arith.muli %scan3A_75, %mul3A_138 : i32
        %add3A_140 = arith.constant 6 : i32
        %add3A_141 = arith.addi %mul3A_139, %add3A_140 : i32
        %get3A_142 = arith.constant 0 : i32
        %get3A_143 = arith.index_cast %get3A_142 : i32 to index
        %get3A_144 = arith.index_cast %add3A_141 : i32 to index
        %get3A_145 = arith.constant 0 : index
        %get3A_146 = tpu.vector_load %arg6[%get3A_143, %get3A_144, %get3A_145] {strides = array<i32>} : memref<2x128x128xf32, #tpu.memory_space<vmem>>, vector<1x1x16xf32>,
        %get3A_147 = vector.shape_cast %get3A_146 : vector<1x1x16xf32> to vector<16xf32>
        %add3A_148 = arith.addf %add3A_137, %get3A_147 : vector<16xf32>
        %mul3A_149 = arith.constant 8 : i32
        %mul3A_150 = arith.muli %scan3A_75, %mul3A_149 : i32
        %add3A_151 = arith.constant 7 : i32
        %add3A_152 = arith.addi %mul3A_150, %add3A_151 : i32
        %get3A_153 = arith.constant 0 : i32
        %get3A_154 = arith.index_cast %get3A_153 : i32 to index
        %get3A_155 = arith.index_cast %add3A_152 : i32 to index
        %get3A_156 = arith.constant 0 : index
        %get3A_157 = tpu.vector_load %arg6[%get3A_154, %get3A_155, %get3A_156] {strides = array<i32>} : memref<2x128x128xf32, #tpu.memory_space<vmem>>, vector<1x1x16xf32>,
        %get3A_158 = vector.shape_cast %get3A_157 : vector<1x1x16xf32> to vector<16xf32>
        %add3A_159 = arith.addf %add3A_148, %get3A_158 : vector<16xf32>
        %swap3A = arith.index_cast %scan3A_75 : i32 to index
        %swap3A_160 = arith.constant 0 : index
        %swap3A_161 = tpu.vector_load %arg7[%swap3A, %swap3A_160] {strides = array<i32>} : memref<16x128xf32, #tpu.memory_space<vmem>>, vector<1x16xf32>,
        %swap3A_162 = vector.shape_cast %swap3A_161 : vector<1x16xf32> to vector<16xf32>
        %swap3A_163 = vector.shape_cast %add3A_159 : vector<16xf32> to vector<1x16xf32>
        tpu.vector_store %arg7[%swap3A, %swap3A_160], %swap3A_163 {strides = array<i32>} : memref<16x128xf32, #tpu.memory_space<vmem>>, vector<1x16xf32>,
        %mul3A_164 = arith.constant 8 : i32
        %mul3A_165 = arith.muli %scan3A_75, %mul3A_164 : i32
        %get3A_166 = arith.constant 0 : i32
        %get3A_167 = arith.index_cast %get3A_166 : i32 to index
        %get3A_168 = arith.index_cast %mul3A_165 : i32 to index
        %get3A_169 = arith.constant 16 : index
        %get3A_170 = tpu.vector_load %arg6[%get3A_167, %get3A_168, %get3A_169] {strides = array<i32>} : memref<2x128x128xf32, #tpu.memory_space<vmem>>, vector<1x1x16xf32>,
        %get3A_171 = vector.shape_cast %get3A_170 : vector<1x1x16xf32> to vector<16xf32>
        %mul3A_172 = arith.constant 8 : i32
        %mul3A_173 = arith.muli %scan3A_75, %mul3A_172 : i32
        %add3A_174 = arith.constant 1 : i32
        %add3A_175 = arith.addi %mul3A_173, %add3A_174 : i32
        %get3A_176 = arith.constant 0 : i32
        %get3A_177 = arith.index_cast %get3A_176 : i32 to index
        %get3A_178 = arith.index_cast %add3A_175 : i32 to index
        %get3A_179 = arith.constant 16 : index
        %get3A_180 = tpu.vector_load %arg6[%get3A_177, %get3A_178, %get3A_179] {strides = array<i32>} : memref<2x128x128xf32, #tpu.memory_space<vmem>>, vector<1x1x16xf32>,
        %get3A_181 = vector.shape_cast %get3A_180 : vector<1x1x16xf32> to vector<16xf32>
        %add3A_182 = arith.addf %get3A_171, %get3A_181 : vector<16xf32>
        %mul3A_183 = arith.constant 8 : i32
        %mul3A_184 = arith.muli %scan3A_75, %mul3A_183 : i32
        %add3A_185 = arith.constant 2 : i32
        %add3A_186 = arith.addi %mul3A_184, %add3A_185 : i32
        %get3A_187 = arith.constant 0 : i32
        %get3A_188 = arith.index_cast %get3A_187 : i32 to index
        %get3A_189 = arith.index_cast %add3A_186 : i32 to index
        %get3A_190 = arith.constant 16 : index
        %get3A_191 = tpu.vector_load %arg6[%get3A_188, %get3A_189, %get3A_190] {strides = array<i32>} : memref<2x128x128xf32, #tpu.memory_space<vmem>>, vector<1x1x16xf32>,
        %get3A_192 = vector.shape_cast %get3A_191 : vector<1x1x16xf32> to vector<16xf32>
        %add3A_193 = arith.addf %add3A_182, %get3A_192 : vector<16xf32>
        %mul3A_194 = arith.constant 8 : i32
        %mul3A_195 = arith.muli %scan3A_75, %mul3A_194 : i32
        %add3A_196 = arith.constant 3 : i32
        %add3A_197 = arith.addi %mul3A_195, %add3A_196 : i32
        %get3A_198 = arith.constant 0 : i32
        %get3A_199 = arith.index_cast %get3A_198 : i32 to index
        %get3A_200 = arith.index_cast %add3A_197 : i32 to index
        %get3A_201 = arith.constant 16 : index
        %get3A_202 = tpu.vector_load %arg6[%get3A_199, %get3A_200, %get3A_201] {strides = array<i32>} : memref<2x128x128xf32, #tpu.memory_space<vmem>>, vector<1x1x16xf32>,
        %get3A_203 = vector.shape_cast %get3A_202 : vector<1x1x16xf32> to vector<16xf32>
        %add3A_204 = arith.addf %add3A_193, %get3A_203 : vector<16xf32>
        %mul3A_205 = arith.constant 8 : i32
        %mul3A_206 = arith.muli %scan3A_75, %mul3A_205 : i32
        %add3A_207 = arith.constant 4 : i32
        %add3A_208 = arith.addi %mul3A_206, %add3A_207 : i32
        %get3A_209 = arith.constant 0 : i32
        %get3A_210 = arith.index_cast %get3A_209 : i32 to index
        %get3A_211 = arith.index_cast %add3A_208 : i32 to index
        %get3A_212 = arith.constant 16 : index
        %get3A_213 = tpu.vector_load %arg6[%get3A_210, %get3A_211, %get3A_212] {strides = array<i32>} : memref<2x128x128xf32, #tpu.memory_space<vmem>>, vector<1x1x16xf32>,
        %get3A_214 = vector.shape_cast %get3A_213 : vector<1x1x16xf32> to vector<16xf32>
        %add3A_215 = arith.addf %add3A_204, %get3A_214 : vector<16xf32>
        %mul3A_216 = arith.constant 8 : i32
        %mul3A_217 = arith.muli %scan3A_75, %mul3A_216 : i32
        %add3A_218 = arith.constant 5 : i32
        %add3A_219 = arith.addi %mul3A_217, %add3A_218 : i32
        %get3A_220 = arith.constant 0 : i32
        %get3A_221 = arith.index_cast %get3A_220 : i32 to index
        %get3A_222 = arith.index_cast %add3A_219 : i32 to index
        %get3A_223 = arith.constant 16 : index
        %get3A_224 = tpu.vector_load %arg6[%get3A_221, %get3A_222, %get3A_223] {strides = array<i32>} : memref<2x128x128xf32, #tpu.memory_space<vmem>>, vector<1x1x16xf32>,
        %get3A_225 = vector.shape_cast %get3A_224 : vector<1x1x16xf32> to vector<16xf32>
        %add3A_226 = arith.addf %add3A_215, %get3A_225 : vector<16xf32>
        %mul3A_227 = arith.constant 8 : i32
        %mul3A_228 = arith.muli %scan3A_75, %mul3A_227 : i32
        %add3A_229 = arith.constant 6 : i32
        %add3A_230 = arith.addi %mul3A_228, %add3A_229 : i32
        %get3A_231 = arith.constant 0 : i32
        %get3A_232 = arith.index_cast %get3A_231 : i32 to index
        %get3A_233 = arith.index_cast %add3A_230 : i32 to index
        %get3A_234 = arith.constant 16 : index
        %get3A_235 = tpu.vector_load %arg6[%get3A_232, %get3A_233, %get3A_234] {strides = array<i32>} : memref<2x128x128xf32, #tpu.memory_space<vmem>>, vector<1x1x16xf32>,
        %get3A_236 = vector.shape_cast %get3A_235 : vector<1x1x16xf32> to vector<16xf32>
        %add3A_237 = arith.addf %add3A_226, %get3A_236 : vector<16xf32>
        %mul3A_238 = arith.constant 8 : i32
        %mul3A_239 = arith.muli %scan3A_75, %mul3A_238 : i32
        %add3A_240 = arith.constant 7 : i32
        %add3A_241 = arith.addi %mul3A_239, %add3A_240 : i32
        %get3A_242 = arith.constant 0 : i32
        %get3A_243 = arith.index_cast %get3A_242 : i32 to index
        %get3A_244 = arith.index_cast %add3A_241 : i32 to index
        %get3A_245 = arith.constant 16 : index
        %get3A_246 = tpu.vector_load %arg6[%get3A_243, %get3A_244, %get3A_245] {strides = array<i32>} : memref<2x128x128xf32, #tpu.memory_space<vmem>>, vector<1x1x16xf32>,
        %get3A_247 = vector.shape_cast %get3A_246 : vector<1x1x16xf32> to vector<16xf32>
        %add3A_248 = arith.addf %add3A_237, %get3A_247 : vector<16xf32>
        %swap3A_249 = arith.index_cast %scan3A_75 : i32 to index
        %swap3A_250 = arith.constant 16 : index
        %swap3A_251 = tpu.vector_load %arg7[%swap3A_249, %swap3A_250] {strides = array<i32>} : memref<16x128xf32, #tpu.memory_space<vmem>>, vector<1x16xf32>,
        %swap3A_252 = vector.shape_cast %swap3A_251 : vector<1x16xf32> to vector<16xf32>
        %swap3A_253 = vector.shape_cast %add3A_248 : vector<16xf32> to vector<1x16xf32>
        tpu.vector_store %arg7[%swap3A_249, %swap3A_250], %swap3A_253 {strides = array<i32>} : memref<16x128xf32, #tpu.memory_space<vmem>>, vector<1x16xf32>,
        %mul3A_254 = arith.constant 8 : i32
        %mul3A_255 = arith.muli %scan3A_75, %mul3A_254 : i32
        %get3A_256 = arith.constant 0 : i32
        %get3A_257 = arith.index_cast %get3A_256 : i32 to index
        %get3A_258 = arith.index_cast %mul3A_255 : i32 to index
        %get3A_259 = arith.constant 32 : index
        %get3A_260 = tpu.vector_load %arg6[%get3A_257, %get3A_258, %get3A_259] {strides = array<i32>} : memref<2x128x128xf32, #tpu.memory_space<vmem>>, vector<1x1x16xf32>,
        %get3A_261 = vector.shape_cast %get3A_260 : vector<1x1x16xf32> to vector<16xf32>
        %mul3A_262 = arith.constant 8 : i32
        %mul3A_263 = arith.muli %scan3A_75, %mul3A_262 : i32
        %add3A_264 = arith.constant 1 : i32
        %add3A_265 = arith.addi %mul3A_263, %add3A_264 : i32
        %get3A_266 = arith.constant 0 : i32
        %get3A_267 = arith.index_cast %get3A_266 : i32 to index
        %get3A_268 = arith.index_cast %add3A_265 : i32 to index
        %get3A_269 = arith.constant 32 : index
        %get3A_270 = tpu.vector_load %arg6[%get3A_267, %get3A_268, %get3A_269] {strides = array<i32>} : memref<2x128x128xf32, #tpu.memory_space<vmem>>, vector<1x1x16xf32>,
        %get3A_271 = vector.shape_cast %get3A_270 : vector<1x1x16xf32> to vector<16xf32>
        %add3A_272 = arith.addf %get3A_261, %get3A_271 : vector<16xf32>
        %mul3A_273 = arith.constant 8 : i32
        %mul3A_274 = arith.muli %scan3A_75, %mul3A_273 : i32
        %add3A_275 = arith.constant 2 : i32
        %add3A_276 = arith.addi %mul3A_274, %add3A_275 : i32
        %get3A_277 = arith.constant 0 : i32
        %get3A_278 = arith.index_cast %get3A_277 : i32 to index
        %get3A_279 = arith.index_cast %add3A_276 : i32 to index
        %get3A_280 = arith.constant 32 : index
        %get3A_281 = tpu.vector_load %arg6[%get3A_278, %get3A_279, %get3A_280] {strides = array<i32>} : memref<2x128x128xf32, #tpu.memory_space<vmem>>, vector<1x1x16xf32>,
        %get3A_282 = vector.shape_cast %get3A_281 : vector<1x1x16xf32> to vector<16xf32>
        %add3A_283 = arith.addf %add3A_272, %get3A_282 : vector<16xf32>
        %mul3A_284 = arith.constant 8 : i32
        %mul3A_285 = arith.muli %scan3A_75, %mul3A_284 : i32
        %add3A_286 = arith.constant 3 : i32
        %add3A_287 = arith.addi %mul3A_285, %add3A_286 : i32
        %get3A_288 = arith.constant 0 : i32
        %get3A_289 = arith.index_cast %get3A_288 : i32 to index
        %get3A_290 = arith.index_cast %add3A_287 : i32 to index
        %get3A_291 = arith.constant 32 : index
        %get3A_292 = tpu.vector_load %arg6[%get3A_289, %get3A_290, %get3A_291] {strides = array<i32>} : memref<2x128x128xf32, #tpu.memory_space<vmem>>, vector<1x1x16xf32>,
        %get3A_293 = vector.shape_cast %get3A_292 : vector<1x1x16xf32> to vector<16xf32>
        %add3A_294 = arith.addf %add3A_283, %get3A_293 : vector<16xf32>
        %mul3A_295 = arith.constant 8 : i32
        %mul3A_296 = arith.muli %scan3A_75, %mul3A_295 : i32
        %add3A_297 = arith.constant 4 : i32
        %add3A_298 = arith.addi %mul3A_296, %add3A_297 : i32
        %get3A_299 = arith.constant 0 : i32
        %get3A_300 = arith.index_cast %get3A_299 : i32 to index
        %get3A_301 = arith.index_cast %add3A_298 : i32 to index
        %get3A_302 = arith.constant 32 : index
        %get3A_303 = tpu.vector_load %arg6[%get3A_300, %get3A_301, %get3A_302] {strides = array<i32>} : memref<2x128x128xf32, #tpu.memory_space<vmem>>, vector<1x1x16xf32>,
        %get3A_304 = vector.shape_cast %get3A_303 : vector<1x1x16xf32> to vector<16xf32>
        %add3A_305 = arith.addf %add3A_294, %get3A_304 : vector<16xf32>
        %mul3A_306 = arith.constant 8 : i32
        %mul3A_307 = arith.muli %scan3A_75, %mul3A_306 : i32
        %add3A_308 = arith.constant 5 : i32
        %add3A_309 = arith.addi %mul3A_307, %add3A_308 : i32
        %get3A_310 = arith.constant 0 : i32
        %get3A_311 = arith.index_cast %get3A_310 : i32 to index
        %get3A_312 = arith.index_cast %add3A_309 : i32 to index
        %get3A_313 = arith.constant 32 : index
        %get3A_314 = tpu.vector_load %arg6[%get3A_311, %get3A_312, %get3A_313] {strides = array<i32>} : memref<2x128x128xf32, #tpu.memory_space<vmem>>, vector<1x1x16xf32>,
        %get3A_315 = vector.shape_cast %get3A_314 : vector<1x1x16xf32> to vector<16xf32>
        %add3A_316 = arith.addf %add3A_305, %get3A_315 : vector<16xf32>
        %mul3A_317 = arith.constant 8 : i32
        %mul3A_318 = arith.muli %scan3A_75, %mul3A_317 : i32
        %add3A_319 = arith.constant 6 : i32
        %add3A_320 = arith.addi %mul3A_318, %add3A_319 : i32
        %get3A_321 = arith.constant 0 : i32
        %get3A_322 = arith.index_cast %get3A_321 : i32 to index
        %get3A_323 = arith.index_cast %add3A_320 : i32 to index
        %get3A_324 = arith.constant 32 : index
        %get3A_325 = tpu.vector_load %arg6[%get3A_322, %get3A_323, %get3A_324] {strides = array<i32>} : memref<2x128x128xf32, #tpu.memory_space<vmem>>, vector<1x1x16xf32>,
        %get3A_326 = vector.shape_cast %get3A_325 : vector<1x1x16xf32> to vector<16xf32>
        %add3A_327 = arith.addf %add3A_316, %get3A_326 : vector<16xf32>
        %mul3A_328 = arith.constant 8 : i32
        %mul3A_329 = arith.muli %scan3A_75, %mul3A_328 : i32
        %add3A_330 = arith.constant 7 : i32
        %add3A_331 = arith.addi %mul3A_329, %add3A_330 : i32
        %get3A_332 = arith.constant 0 : i32
        %get3A_333 = arith.index_cast %get3A_332 : i32 to index
        %get3A_334 = arith.index_cast %add3A_331 : i32 to index
        %get3A_335 = arith.constant 32 : index
        %get3A_336 = tpu.vector_load %arg6[%get3A_333, %get3A_334, %get3A_335] {strides = array<i32>} : memref<2x128x128xf32, #tpu.memory_space<vmem>>, vector<1x1x16xf32>,
        %get3A_337 = vector.shape_cast %get3A_336 : vector<1x1x16xf32> to vector<16xf32>
        %add3A_338 = arith.addf %add3A_327, %get3A_337 : vector<16xf32>
        %swap3A_339 = arith.index_cast %scan3A_75 : i32 to index
        %swap3A_340 = arith.constant 32 : index
        %swap3A_341 = tpu.vector_load %arg7[%swap3A_339, %swap3A_340] {strides = array<i32>} : memref<16x128xf32, #tpu.memory_space<vmem>>, vector<1x16xf32>,
        %swap3A_342 = vector.shape_cast %swap3A_341 : vector<1x16xf32> to vector<16xf32>
        %swap3A_343 = vector.shape_cast %add3A_338 : vector<16xf32> to vector<1x16xf32>
        tpu.vector_store %arg7[%swap3A_339, %swap3A_340], %swap3A_343 {strides = array<i32>} : memref<16x128xf32, #tpu.memory_space<vmem>>, vector<1x16xf32>,
        %mul3A_344 = arith.constant 8 : i32
        %mul3A_345 = arith.muli %scan3A_75, %mul3A_344 : i32
        %get3A_346 = arith.constant 0 : i32
        %get3A_347 = arith.index_cast %get3A_346 : i32 to index
        %get3A_348 = arith.index_cast %mul3A_345 : i32 to index
        %get3A_349 = arith.constant 48 : index
        %get3A_350 = tpu.vector_load %arg6[%get3A_347, %get3A_348, %get3A_349] {strides = array<i32>} : memref<2x128x128xf32, #tpu.memory_space<vmem>>, vector<1x1x16xf32>,
        %get3A_351 = vector.shape_cast %get3A_350 : vector<1x1x16xf32> to vector<16xf32>
        %mul3A_352 = arith.constant 8 : i32
        %mul3A_353 = arith.muli %scan3A_75, %mul3A_352 : i32
        %add3A_354 = arith.constant 1 : i32
        %add3A_355 = arith.addi %mul3A_353, %add3A_354 : i32
        %get3A_356 = arith.constant 0 : i32
        %get3A_357 = arith.index_cast %get3A_356 : i32 to index
        %get3A_358 = arith.index_cast %add3A_355 : i32 to index
        %get3A_359 = arith.constant 48 : index
        %get3A_360 = tpu.vector_load %arg6[%get3A_357, %get3A_358, %get3A_359] {strides = array<i32>} : memref<2x128x128xf32, #tpu.memory_space<vmem>>, vector<1x1x16xf32>,
        %get3A_361 = vector.shape_cast %get3A_360 : vector<1x1x16xf32> to vector<16xf32>
        %add3A_362 = arith.addf %get3A_351, %get3A_361 : vector<16xf32>
        %mul3A_363 = arith.constant 8 : i32
        %mul3A_364 = arith.muli %scan3A_75, %mul3A_363 : i32
        %add3A_365 = arith.constant 2 : i32
        %add3A_366 = arith.addi %mul3A_364, %add3A_365 : i32
        %get3A_367 = arith.constant 0 : i32
        %get3A_368 = arith.index_cast %get3A_367 : i32 to index
        %get3A_369 = arith.index_cast %add3A_366 : i32 to index
        %get3A_370 = arith.constant 48 : index
        %get3A_371 = tpu.vector_load %arg6[%get3A_368, %get3A_369, %get3A_370] {strides = array<i32>} : memref<2x128x128xf32, #tpu.memory_space<vmem>>, vector<1x1x16xf32>,
        %get3A_372 = vector.shape_cast %get3A_371 : vector<1x1x16xf32> to vector<16xf32>
        %add3A_373 = arith.addf %add3A_362, %get3A_372 : vector<16xf32>
        %mul3A_374 = arith.constant 8 : i32
        %mul3A_375 = arith.muli %scan3A_75, %mul3A_374 : i32
        %add3A_376 = arith.constant 3 : i32
        %add3A_377 = arith.addi %mul3A_375, %add3A_376 : i32
        %get3A_378 = arith.constant 0 : i32
        %get3A_379 = arith.index_cast %get3A_378 : i32 to index
        %get3A_380 = arith.index_cast %add3A_377 : i32 to index
        %get3A_381 = arith.constant 48 : index
        %get3A_382 = tpu.vector_load %arg6[%get3A_379, %get3A_380, %get3A_381] {strides = array<i32>} : memref<2x128x128xf32, #tpu.memory_space<vmem>>, vector<1x1x16xf32>,
        %get3A_383 = vector.shape_cast %get3A_382 : vector<1x1x16xf32> to vector<16xf32>
        %add3A_384 = arith.addf %add3A_373, %get3A_383 : vector<16xf32>
        %mul3A_385 = arith.constant 8 : i32
        %mul3A_386 = arith.muli %scan3A_75, %mul3A_385 : i32
        %add3A_387 = arith.constant 4 : i32
        %add3A_388 = arith.addi %mul3A_386, %add3A_387 : i32
        %get3A_389 = arith.constant 0 : i32
        %get3A_390 = arith.index_cast %get3A_389 : i32 to index
        %get3A_391 = arith.index_cast %add3A_388 : i32 to index
        %get3A_392 = arith.constant 48 : index
        %get3A_393 = tpu.vector_load %arg6[%get3A_390, %get3A_391, %get3A_392] {strides = array<i32>} : memref<2x128x128xf32, #tpu.memory_space<vmem>>, vector<1x1x16xf32>,
        %get3A_394 = vector.shape_cast %get3A_393 : vector<1x1x16xf32> to vector<16xf32>
        %add3A_395 = arith.addf %add3A_384, %get3A_394 : vector<16xf32>
        %mul3A_396 = arith.constant 8 : i32
        %mul3A_397 = arith.muli %scan3A_75, %mul3A_396 : i32
        %add3A_398 = arith.constant 5 : i32
        %add3A_399 = arith.addi %mul3A_397, %add3A_398 : i32
        %get3A_400 = arith.constant 0 : i32
        %get3A_401 = arith.index_cast %get3A_400 : i32 to index
        %get3A_402 = arith.index_cast %add3A_399 : i32 to index
        %get3A_403 = arith.constant 48 : index
        %get3A_404 = tpu.vector_load %arg6[%get3A_401, %get3A_402, %get3A_403] {strides = array<i32>} : memref<2x128x128xf32, #tpu.memory_space<vmem>>, vector<1x1x16xf32>,
        %get3A_405 = vector.shape_cast %get3A_404 : vector<1x1x16xf32> to vector<16xf32>
        %add3A_406 = arith.addf %add3A_395, %get3A_405 : vector<16xf32>
        %mul3A_407 = arith.constant 8 : i32
        %mul3A_408 = arith.muli %scan3A_75, %mul3A_407 : i32
        %add3A_409 = arith.constant 6 : i32
        %add3A_410 = arith.addi %mul3A_408, %add3A_409 : i32
        %get3A_411 = arith.constant 0 : i32
        %get3A_412 = arith.index_cast %get3A_411 : i32 to index
        %get3A_413 = arith.index_cast %add3A_410 : i32 to index
        %get3A_414 = arith.constant 48 : index
        %get3A_415 = tpu.vector_load %arg6[%get3A_412, %get3A_413, %get3A_414] {strides = array<i32>} : memref<2x128x128xf32, #tpu.memory_space<vmem>>, vector<1x1x16xf32>,
        %get3A_416 = vector.shape_cast %get3A_415 : vector<1x1x16xf32> to vector<16xf32>
        %add3A_417 = arith.addf %add3A_406, %get3A_416 : vector<16xf32>
        %mul3A_418 = arith.constant 8 : i32
        %mul3A_419 = arith.muli %scan3A_75, %mul3A_418 : i32
        %add3A_420 = arith.constant 7 : i32
        %add3A_421 = arith.addi %mul3A_419, %add3A_420 : i32
        %get3A_422 = arith.constant 0 : i32
        %get3A_423 = arith.index_cast %get3A_422 : i32 to index
        %get3A_424 = arith.index_cast %add3A_421 : i32 to index
        %get3A_425 = arith.constant 48 : index
        %get3A_426 = tpu.vector_load %arg6[%get3A_423, %get3A_424, %get3A_425] {strides = array<i32>} : memref<2x128x128xf32, #tpu.memory_space<vmem>>, vector<1x1x16xf32>,
        %get3A_427 = vector.shape_cast %get3A_426 : vector<1x1x16xf32> to vector<16xf32>
        %add3A_428 = arith.addf %add3A_417, %get3A_427 : vector<16xf32>
        %swap3A_429 = arith.index_cast %scan3A_75 : i32 to index
        %swap3A_430 = arith.constant 48 : index
        %swap3A_431 = tpu.vector_load %arg7[%swap3A_429, %swap3A_430] {strides = array<i32>} : memref<16x128xf32, #tpu.memory_space<vmem>>, vector<1x16xf32>,
        %swap3A_432 = vector.shape_cast %swap3A_431 : vector<1x16xf32> to vector<16xf32>
        %swap3A_433 = vector.shape_cast %add3A_428 : vector<16xf32> to vector<1x16xf32>
        tpu.vector_store %arg7[%swap3A_429, %swap3A_430], %swap3A_433 {strides = array<i32>} : memref<16x128xf32, #tpu.memory_space<vmem>>, vector<1x16xf32>,
        %mul3A_434 = arith.constant 8 : i32
        %mul3A_435 = arith.muli %scan3A_75, %mul3A_434 : i32
        %get3A_436 = arith.constant 0 : i32
        %get3A_437 = arith.index_cast %get3A_436 : i32 to index
        %get3A_438 = arith.index_cast %mul3A_435 : i32 to index
        %get3A_439 = arith.constant 64 : index
        %get3A_440 = tpu.vector_load %arg6[%get3A_437, %get3A_438, %get3A_439] {strides = array<i32>} : memref<2x128x128xf32, #tpu.memory_space<vmem>>, vector<1x1x16xf32>,
        %get3A_441 = vector.shape_cast %get3A_440 : vector<1x1x16xf32> to vector<16xf32>
        %mul3A_442 = arith.constant 8 : i32
        %mul3A_443 = arith.muli %scan3A_75, %mul3A_442 : i32
        %add3A_444 = arith.constant 1 : i32
        %add3A_445 = arith.addi %mul3A_443, %add3A_444 : i32
        %get3A_446 = arith.constant 0 : i32
        %get3A_447 = arith.index_cast %get3A_446 : i32 to index
        %get3A_448 = arith.index_cast %add3A_445 : i32 to index
        %get3A_449 = arith.constant 64 : index
        %get3A_450 = tpu.vector_load %arg6[%get3A_447, %get3A_448, %get3A_449] {strides = array<i32>} : memref<2x128x128xf32, #tpu.memory_space<vmem>>, vector<1x1x16xf32>,
        %get3A_451 = vector.shape_cast %get3A_450 : vector<1x1x16xf32> to vector<16xf32>
        %add3A_452 = arith.addf %get3A_441, %get3A_451 : vector<16xf32>
        %mul3A_453 = arith.constant 8 : i32
        %mul3A_454 = arith.muli %scan3A_75, %mul3A_453 : i32
        %add3A_455 = arith.constant 2 : i32
        %add3A_456 = arith.addi %mul3A_454, %add3A_455 : i32
        %get3A_457 = arith.constant 0 : i32
        %get3A_458 = arith.index_cast %get3A_457 : i32 to index
        %get3A_459 = arith.index_cast %add3A_456 : i32 to index
        %get3A_460 = arith.constant 64 : index
        %get3A_461 = tpu.vector_load %arg6[%get3A_458, %get3A_459, %get3A_460] {strides = array<i32>} : memref<2x128x128xf32, #tpu.memory_space<vmem>>, vector<1x1x16xf32>,
        %get3A_462 = vector.shape_cast %get3A_461 : vector<1x1x16xf32> to vector<16xf32>
        %add3A_463 = arith.addf %add3A_452, %get3A_462 : vector<16xf32>
        %mul3A_464 = arith.constant 8 : i32
        %mul3A_465 = arith.muli %scan3A_75, %mul3A_464 : i32
        %add3A_466 = arith.constant 3 : i32
        %add3A_467 = arith.addi %mul3A_465, %add3A_466 : i32
        %get3A_468 = arith.constant 0 : i32
        %get3A_469 = arith.index_cast %get3A_468 : i32 to index
        %get3A_470 = arith.index_cast %add3A_467 : i32 to index
        %get3A_471 = arith.constant 64 : index
        %get3A_472 = tpu.vector_load %arg6[%get3A_469, %get3A_470, %get3A_471] {strides = array<i32>} : memref<2x128x128xf32, #tpu.memory_space<vmem>>, vector<1x1x16xf32>,
        %get3A_473 = vector.shape_cast %get3A_472 : vector<1x1x16xf32> to vector<16xf32>
        %add3A_474 = arith.addf %add3A_463, %get3A_473 : vector<16xf32>
        %mul3A_475 = arith.constant 8 : i32
        %mul3A_476 = arith.muli %scan3A_75, %mul3A_475 : i32
        %add3A_477 = arith.constant 4 : i32
        %add3A_478 = arith.addi %mul3A_476, %add3A_477 : i32
        %get3A_479 = arith.constant 0 : i32
        %get3A_480 = arith.index_cast %get3A_479 : i32 to index
        %get3A_481 = arith.index_cast %add3A_478 : i32 to index
        %get3A_482 = arith.constant 64 : index
        %get3A_483 = tpu.vector_load %arg6[%get3A_480, %get3A_481, %get3A_482] {strides = array<i32>} : memref<2x128x128xf32, #tpu.memory_space<vmem>>, vector<1x1x16xf32>,
        %get3A_484 = vector.shape_cast %get3A_483 : vector<1x1x16xf32> to vector<16xf32>
        %add3A_485 = arith.addf %add3A_474, %get3A_484 : vector<16xf32>
        %mul3A_486 = arith.constant 8 : i32
        %mul3A_487 = arith.muli %scan3A_75, %mul3A_486 : i32
        %add3A_488 = arith.constant 5 : i32
        %add3A_489 = arith.addi %mul3A_487, %add3A_488 : i32
        %get3A_490 = arith.constant 0 : i32
        %get3A_491 = arith.index_cast %get3A_490 : i32 to index
        %get3A_492 = arith.index_cast %add3A_489 : i32 to index
        %get3A_493 = arith.constant 64 : index
        %get3A_494 = tpu.vector_load %arg6[%get3A_491, %get3A_492, %get3A_493] {strides = array<i32>} : memref<2x128x128xf32, #tpu.memory_space<vmem>>, vector<1x1x16xf32>,
        %get3A_495 = vector.shape_cast %get3A_494 : vector<1x1x16xf32> to vector<16xf32>
        %add3A_496 = arith.addf %add3A_485, %get3A_495 : vector<16xf32>
        %mul3A_497 = arith.constant 8 : i32
        %mul3A_498 = arith.muli %scan3A_75, %mul3A_497 : i32
        %add3A_499 = arith.constant 6 : i32
        %add3A_500 = arith.addi %mul3A_498, %add3A_499 : i32
        %get3A_501 = arith.constant 0 : i32
        %get3A_502 = arith.index_cast %get3A_501 : i32 to index
        %get3A_503 = arith.index_cast %add3A_500 : i32 to index
        %get3A_504 = arith.constant 64 : index
        %get3A_505 = tpu.vector_load %arg6[%get3A_502, %get3A_503, %get3A_504] {strides = array<i32>} : memref<2x128x128xf32, #tpu.memory_space<vmem>>, vector<1x1x16xf32>,
        %get3A_506 = vector.shape_cast %get3A_505 : vector<1x1x16xf32> to vector<16xf32>
        %add3A_507 = arith.addf %add3A_496, %get3A_506 : vector<16xf32>
        %mul3A_508 = arith.constant 8 : i32
        %mul3A_509 = arith.muli %scan3A_75, %mul3A_508 : i32
        %add3A_510 = arith.constant 7 : i32
        %add3A_511 = arith.addi %mul3A_509, %add3A_510 : i32
        %get3A_512 = arith.constant 0 : i32
        %get3A_513 = arith.index_cast %get3A_512 : i32 to index
        %get3A_514 = arith.index_cast %add3A_511 : i32 to index
        %get3A_515 = arith.constant 64 : index
        %get3A_516 = tpu.vector_load %arg6[%get3A_513, %get3A_514, %get3A_515] {strides = array<i32>} : memref<2x128x128xf32, #tpu.memory_space<vmem>>, vector<1x1x16xf32>,
        %get3A_517 = vector.shape_cast %get3A_516 : vector<1x1x16xf32> to vector<16xf32>
        %add3A_518 = arith.addf %add3A_507, %get3A_517 : vector<16xf32>
        %swap3A_519 = arith.index_cast %scan3A_75 : i32 to index
        %swap3A_520 = arith.constant 64 : index
        %swap3A_521 = tpu.vector_load %arg7[%swap3A_519, %swap3A_520] {strides = array<i32>} : memref<16x128xf32, #tpu.memory_space<vmem>>, vector<1x16xf32>,
        %swap3A_522 = vector.shape_cast %swap3A_521 : vector<1x16xf32> to vector<16xf32>
        %swap3A_523 = vector.shape_cast %add3A_518 : vector<16xf32> to vector<1x16xf32>
        tpu.vector_store %arg7[%swap3A_519, %swap3A_520], %swap3A_523 {strides = array<i32>} : memref<16x128xf32, #tpu.memory_space<vmem>>, vector<1x16xf32>,
        %mul3A_524 = arith.constant 8 : i32
        %mul3A_525 = arith.muli %scan3A_75, %mul3A_524 : i32
        %get3A_526 = arith.constant 0 : i32
        %get3A_527 = arith.index_cast %get3A_526 : i32 to index
        %get3A_528 = arith.index_cast %mul3A_525 : i32 to index
        %get3A_529 = arith.constant 80 : index
        %get3A_530 = tpu.vector_load %arg6[%get3A_527, %get3A_528, %get3A_529] {strides = array<i32>} : memref<2x128x128xf32, #tpu.memory_space<vmem>>, vector<1x1x16xf32>,
        %get3A_531 = vector.shape_cast %get3A_530 : vector<1x1x16xf32> to vector<16xf32>
        %mul3A_532 = arith.constant 8 : i32
        %mul3A_533 = arith.muli %scan3A_75, %mul3A_532 : i32
        %add3A_534 = arith.constant 1 : i32
        %add3A_535 = arith.addi %mul3A_533, %add3A_534 : i32
        %get3A_536 = arith.constant 0 : i32
        %get3A_537 = arith.index_cast %get3A_536 : i32 to index
        %get3A_538 = arith.index_cast %add3A_535 : i32 to index
        %get3A_539 = arith.constant 80 : index
        %get3A_540 = tpu.vector_load %arg6[%get3A_537, %get3A_538, %get3A_539] {strides = array<i32>} : memref<2x128x128xf32, #tpu.memory_space<vmem>>, vector<1x1x16xf32>,
        %get3A_541 = vector.shape_cast %get3A_540 : vector<1x1x16xf32> to vector<16xf32>
        %add3A_542 = arith.addf %get3A_531, %get3A_541 : vector<16xf32>
        %mul3A_543 = arith.constant 8 : i32
        %mul3A_544 = arith.muli %scan3A_75, %mul3A_543 : i32
        %add3A_545 = arith.constant 2 : i32
        %add3A_546 = arith.addi %mul3A_544, %add3A_545 : i32
        %get3A_547 = arith.constant 0 : i32
        %get3A_548 = arith.index_cast %get3A_547 : i32 to index
        %get3A_549 = arith.index_cast %add3A_546 : i32 to index
        %get3A_550 = arith.constant 80 : index
        %get3A_551 = tpu.vector_load %arg6[%get3A_548, %get3A_549, %get3A_550] {strides = array<i32>} : memref<2x128x128xf32, #tpu.memory_space<vmem>>, vector<1x1x16xf32>,
        %get3A_552 = vector.shape_cast %get3A_551 : vector<1x1x16xf32> to vector<16xf32>
        %add3A_553 = arith.addf %add3A_542, %get3A_552 : vector<16xf32>
        %mul3A_554 = arith.constant 8 : i32
        %mul3A_555 = arith.muli %scan3A_75, %mul3A_554 : i32
        %add3A_556 = arith.constant 3 : i32
        %add3A_557 = arith.addi %mul3A_555, %add3A_556 : i32
        %get3A_558 = arith.constant 0 : i32
        %get3A_559 = arith.index_cast %get3A_558 : i32 to index
        %get3A_560 = arith.index_cast %add3A_557 : i32 to index
        %get3A_561 = arith.constant 80 : index
        %get3A_562 = tpu.vector_load %arg6[%get3A_559, %get3A_560, %get3A_561] {strides = array<i32>} : memref<2x128x128xf32, #tpu.memory_space<vmem>>, vector<1x1x16xf32>,
        %get3A_563 = vector.shape_cast %get3A_562 : vector<1x1x16xf32> to vector<16xf32>
        %add3A_564 = arith.addf %add3A_553, %get3A_563 : vector<16xf32>
        %mul3A_565 = arith.constant 8 : i32
        %mul3A_566 = arith.muli %scan3A_75, %mul3A_565 : i32
        %add3A_567 = arith.constant 4 : i32
        %add3A_568 = arith.addi %mul3A_566, %add3A_567 : i32
        %get3A_569 = arith.constant 0 : i32
        %get3A_570 = arith.index_cast %get3A_569 : i32 to index
        %get3A_571 = arith.index_cast %add3A_568 : i32 to index
        %get3A_572 = arith.constant 80 : index
        %get3A_573 = tpu.vector_load %arg6[%get3A_570, %get3A_571, %get3A_572] {strides = array<i32>} : memref<2x128x128xf32, #tpu.memory_space<vmem>>, vector<1x1x16xf32>,
        %get3A_574 = vector.shape_cast %get3A_573 : vector<1x1x16xf32> to vector<16xf32>
        %add3A_575 = arith.addf %add3A_564, %get3A_574 : vector<16xf32>
        %mul3A_576 = arith.constant 8 : i32
        %mul3A_577 = arith.muli %scan3A_75, %mul3A_576 : i32
        %add3A_578 = arith.constant 5 : i32
        %add3A_579 = arith.addi %mul3A_577, %add3A_578 : i32
        %get3A_580 = arith.constant 0 : i32
        %get3A_581 = arith.index_cast %get3A_580 : i32 to index
        %get3A_582 = arith.index_cast %add3A_579 : i32 to index
        %get3A_583 = arith.constant 80 : index
        %get3A_584 = tpu.vector_load %arg6[%get3A_581, %get3A_582, %get3A_583] {strides = array<i32>} : memref<2x128x128xf32, #tpu.memory_space<vmem>>, vector<1x1x16xf32>,
        %get3A_585 = vector.shape_cast %get3A_584 : vector<1x1x16xf32> to vector<16xf32>
        %add3A_586 = arith.addf %add3A_575, %get3A_585 : vector<16xf32>
        %mul3A_587 = arith.constant 8 : i32
        %mul3A_588 = arith.muli %scan3A_75, %mul3A_587 : i32
        %add3A_589 = arith.constant 6 : i32
        %add3A_590 = arith.addi %mul3A_588, %add3A_589 : i32
        %get3A_591 = arith.constant 0 : i32
        %get3A_592 = arith.index_cast %get3A_591 : i32 to index
        %get3A_593 = arith.index_cast %add3A_590 : i32 to index
        %get3A_594 = arith.constant 80 : index
        %get3A_595 = tpu.vector_load %arg6[%get3A_592, %get3A_593, %get3A_594] {strides = array<i32>} : memref<2x128x128xf32, #tpu.memory_space<vmem>>, vector<1x1x16xf32>,
        %get3A_596 = vector.shape_cast %get3A_595 : vector<1x1x16xf32> to vector<16xf32>
        %add3A_597 = arith.addf %add3A_586, %get3A_596 : vector<16xf32>
        %mul3A_598 = arith.constant 8 : i32
        %mul3A_599 = arith.muli %scan3A_75, %mul3A_598 : i32
        %add3A_600 = arith.constant 7 : i32
        %add3A_601 = arith.addi %mul3A_599, %add3A_600 : i32
        %get3A_602 = arith.constant 0 : i32
        %get3A_603 = arith.index_cast %get3A_602 : i32 to index
        %get3A_604 = arith.index_cast %add3A_601 : i32 to index
        %get3A_605 = arith.constant 80 : index
        %get3A_606 = tpu.vector_load %arg6[%get3A_603, %get3A_604, %get3A_605] {strides = array<i32>} : memref<2x128x128xf32, #tpu.memory_space<vmem>>, vector<1x1x16xf32>,
        %get3A_607 = vector.shape_cast %get3A_606 : vector<1x1x16xf32> to vector<16xf32>
        %add3A_608 = arith.addf %add3A_597, %get3A_607 : vector<16xf32>
        %swap3A_609 = arith.index_cast %scan3A_75 : i32 to index
        %swap3A_610 = arith.constant 80 : index
        %swap3A_611 = tpu.vector_load %arg7[%swap3A_609, %swap3A_610] {strides = array<i32>} : memref<16x128xf32, #tpu.memory_space<vmem>>, vector<1x16xf32>,
        %swap3A_612 = vector.shape_cast %swap3A_611 : vector<1x16xf32> to vector<16xf32>
        %swap3A_613 = vector.shape_cast %add3A_608 : vector<16xf32> to vector<1x16xf32>
        tpu.vector_store %arg7[%swap3A_609, %swap3A_610], %swap3A_613 {strides = array<i32>} : memref<16x128xf32, #tpu.memory_space<vmem>>, vector<1x16xf32>,
        %mul3A_614 = arith.constant 8 : i32
        %mul3A_615 = arith.muli %scan3A_75, %mul3A_614 : i32
        %get3A_616 = arith.constant 0 : i32
        %get3A_617 = arith.index_cast %get3A_616 : i32 to index
        %get3A_618 = arith.index_cast %mul3A_615 : i32 to index
        %get3A_619 = arith.constant 96 : index
        %get3A_620 = tpu.vector_load %arg6[%get3A_617, %get3A_618, %get3A_619] {strides = array<i32>} : memref<2x128x128xf32, #tpu.memory_space<vmem>>, vector<1x1x16xf32>,
        %get3A_621 = vector.shape_cast %get3A_620 : vector<1x1x16xf32> to vector<16xf32>
        %mul3A_622 = arith.constant 8 : i32
        %mul3A_623 = arith.muli %scan3A_75, %mul3A_622 : i32
        %add3A_624 = arith.constant 1 : i32
        %add3A_625 = arith.addi %mul3A_623, %add3A_624 : i32
        %get3A_626 = arith.constant 0 : i32
        %get3A_627 = arith.index_cast %get3A_626 : i32 to index
        %get3A_628 = arith.index_cast %add3A_625 : i32 to index
        %get3A_629 = arith.constant 96 : index
        %get3A_630 = tpu.vector_load %arg6[%get3A_627, %get3A_628, %get3A_629] {strides = array<i32>} : memref<2x128x128xf32, #tpu.memory_space<vmem>>, vector<1x1x16xf32>,
        %get3A_631 = vector.shape_cast %get3A_630 : vector<1x1x16xf32> to vector<16xf32>
        %add3A_632 = arith.addf %get3A_621, %get3A_631 : vector<16xf32>
        %mul3A_633 = arith.constant 8 : i32
        %mul3A_634 = arith.muli %scan3A_75, %mul3A_633 : i32
        %add3A_635 = arith.constant 2 : i32
        %add3A_636 = arith.addi %mul3A_634, %add3A_635 : i32
        %get3A_637 = arith.constant 0 : i32
        %get3A_638 = arith.index_cast %get3A_637 : i32 to index
        %get3A_639 = arith.index_cast %add3A_636 : i32 to index
        %get3A_640 = arith.constant 96 : index
        %get3A_641 = tpu.vector_load %arg6[%get3A_638, %get3A_639, %get3A_640] {strides = array<i32>} : memref<2x128x128xf32, #tpu.memory_space<vmem>>, vector<1x1x16xf32>,
        %get3A_642 = vector.shape_cast %get3A_641 : vector<1x1x16xf32> to vector<16xf32>
        %add3A_643 = arith.addf %add3A_632, %get3A_642 : vector<16xf32>
        %mul3A_644 = arith.constant 8 : i32
        %mul3A_645 = arith.muli %scan3A_75, %mul3A_644 : i32
        %add3A_646 = arith.constant 3 : i32
        %add3A_647 = arith.addi %mul3A_645, %add3A_646 : i32
        %get3A_648 = arith.constant 0 : i32
        %get3A_649 = arith.index_cast %get3A_648 : i32 to index
        %get3A_650 = arith.index_cast %add3A_647 : i32 to index
        %get3A_651 = arith.constant 96 : index
        %get3A_652 = tpu.vector_load %arg6[%get3A_649, %get3A_650, %get3A_651] {strides = array<i32>} : memref<2x128x128xf32, #tpu.memory_space<vmem>>, vector<1x1x16xf32>,
        %get3A_653 = vector.shape_cast %get3A_652 : vector<1x1x16xf32> to vector<16xf32>
        %add3A_654 = arith.addf %add3A_643, %get3A_653 : vector<16xf32>
        %mul3A_655 = arith.constant 8 : i32
        %mul3A_656 = arith.muli %scan3A_75, %mul3A_655 : i32
        %add3A_657 = arith.constant 4 : i32
        %add3A_658 = arith.addi %mul3A_656, %add3A_657 : i32
        %get3A_659 = arith.constant 0 : i32
        %get3A_660 = arith.index_cast %get3A_659 : i32 to index
        %get3A_661 = arith.index_cast %add3A_658 : i32 to index
        %get3A_662 = arith.constant 96 : index
        %get3A_663 = tpu.vector_load %arg6[%get3A_660, %get3A_661, %get3A_662] {strides = array<i32>} : memref<2x128x128xf32, #tpu.memory_space<vmem>>, vector<1x1x16xf32>,
        %get3A_664 = vector.shape_cast %get3A_663 : vector<1x1x16xf32> to vector<16xf32>
        %add3A_665 = arith.addf %add3A_654, %get3A_664 : vector<16xf32>
        %mul3A_666 = arith.constant 8 : i32
        %mul3A_667 = arith.muli %scan3A_75, %mul3A_666 : i32
        %add3A_668 = arith.constant 5 : i32
        %add3A_669 = arith.addi %mul3A_667, %add3A_668 : i32
        %get3A_670 = arith.constant 0 : i32
        %get3A_671 = arith.index_cast %get3A_670 : i32 to index
        %get3A_672 = arith.index_cast %add3A_669 : i32 to index
        %get3A_673 = arith.constant 96 : index
        %get3A_674 = tpu.vector_load %arg6[%get3A_671, %get3A_672, %get3A_673] {strides = array<i32>} : memref<2x128x128xf32, #tpu.memory_space<vmem>>, vector<1x1x16xf32>,
        %get3A_675 = vector.shape_cast %get3A_674 : vector<1x1x16xf32> to vector<16xf32>
        %add3A_676 = arith.addf %add3A_665, %get3A_675 : vector<16xf32>
        %mul3A_677 = arith.constant 8 : i32
        %mul3A_678 = arith.muli %scan3A_75, %mul3A_677 : i32
        %add3A_679 = arith.constant 6 : i32
        %add3A_680 = arith.addi %mul3A_678, %add3A_679 : i32
        %get3A_681 = arith.constant 0 : i32
        %get3A_682 = arith.index_cast %get3A_681 : i32 to index
        %get3A_683 = arith.index_cast %add3A_680 : i32 to index
        %get3A_684 = arith.constant 96 : index
        %get3A_685 = tpu.vector_load %arg6[%get3A_682, %get3A_683, %get3A_684] {strides = array<i32>} : memref<2x128x128xf32, #tpu.memory_space<vmem>>, vector<1x1x16xf32>,
        %get3A_686 = vector.shape_cast %get3A_685 : vector<1x1x16xf32> to vector<16xf32>
        %add3A_687 = arith.addf %add3A_676, %get3A_686 : vector<16xf32>
        %mul3A_688 = arith.constant 8 : i32
        %mul3A_689 = arith.muli %scan3A_75, %mul3A_688 : i32
        %add3A_690 = arith.constant 7 : i32
        %add3A_691 = arith.addi %mul3A_689, %add3A_690 : i32
        %get3A_692 = arith.constant 0 : i32
        %get3A_693 = arith.index_cast %get3A_692 : i32 to index
        %get3A_694 = arith.index_cast %add3A_691 : i32 to index
        %get3A_695 = arith.constant 96 : index
        %get3A_696 = tpu.vector_load %arg6[%get3A_693, %get3A_694, %get3A_695] {strides = array<i32>} : memref<2x128x128xf32, #tpu.memory_space<vmem>>, vector<1x1x16xf32>,
        %get3A_697 = vector.shape_cast %get3A_696 : vector<1x1x16xf32> to vector<16xf32>
        %add3A_698 = arith.addf %add3A_687, %get3A_697 : vector<16xf32>
        %swap3A_699 = arith.index_cast %scan3A_75 : i32 to index
        %swap3A_700 = arith.constant 96 : index
        %swap3A_701 = tpu.vector_load %arg7[%swap3A_699, %swap3A_700] {strides = array<i32>} : memref<16x128xf32, #tpu.memory_space<vmem>>, vector<1x16xf32>,
        %swap3A_702 = vector.shape_cast %swap3A_701 : vector<1x16xf32> to vector<16xf32>
        %swap3A_703 = vector.shape_cast %add3A_698 : vector<16xf32> to vector<1x16xf32>
        tpu.vector_store %arg7[%swap3A_699, %swap3A_700], %swap3A_703 {strides = array<i32>} : memref<16x128xf32, #tpu.memory_space<vmem>>, vector<1x16xf32>,
        %mul3A_704 = arith.constant 8 : i32
        %mul3A_705 = arith.muli %scan3A_75, %mul3A_704 : i32
        %get3A_706 = arith.constant 0 : i32
        %get3A_707 = arith.index_cast %get3A_706 : i32 to index
        %get3A_708 = arith.index_cast %mul3A_705 : i32 to index
        %get3A_709 = arith.constant 112 : index
        %get3A_710 = tpu.vector_load %arg6[%get3A_707, %get3A_708, %get3A_709] {strides = array<i32>} : memref<2x128x128xf32, #tpu.memory_space<vmem>>, vector<1x1x16xf32>,
        %get3A_711 = vector.shape_cast %get3A_710 : vector<1x1x16xf32> to vector<16xf32>
        %mul3A_712 = arith.constant 8 : i32
        %mul3A_713 = arith.muli %scan3A_75, %mul3A_712 : i32
        %add3A_714 = arith.constant 1 : i32
        %add3A_715 = arith.addi %mul3A_713, %add3A_714 : i32
        %get3A_716 = arith.constant 0 : i32
        %get3A_717 = arith.index_cast %get3A_716 : i32 to index
        %get3A_718 = arith.index_cast %add3A_715 : i32 to index
        %get3A_719 = arith.constant 112 : index
        %get3A_720 = tpu.vector_load %arg6[%get3A_717, %get3A_718, %get3A_719] {strides = array<i32>} : memref<2x128x128xf32, #tpu.memory_space<vmem>>, vector<1x1x16xf32>,
        %get3A_721 = vector.shape_cast %get3A_720 : vector<1x1x16xf32> to vector<16xf32>
        %add3A_722 = arith.addf %get3A_711, %get3A_721 : vector<16xf32>
        %mul3A_723 = arith.constant 8 : i32
        %mul3A_724 = arith.muli %scan3A_75, %mul3A_723 : i32
        %add3A_725 = arith.constant 2 : i32
        %add3A_726 = arith.addi %mul3A_724, %add3A_725 : i32
        %get3A_727 = arith.constant 0 : i32
        %get3A_728 = arith.index_cast %get3A_727 : i32 to index
        %get3A_729 = arith.index_cast %add3A_726 : i32 to index
        %get3A_730 = arith.constant 112 : index
        %get3A_731 = tpu.vector_load %arg6[%get3A_728, %get3A_729, %get3A_730] {strides = array<i32>} : memref<2x128x128xf32, #tpu.memory_space<vmem>>, vector<1x1x16xf32>,
        %get3A_732 = vector.shape_cast %get3A_731 : vector<1x1x16xf32> to vector<16xf32>
        %add3A_733 = arith.addf %add3A_722, %get3A_732 : vector<16xf32>
        %mul3A_734 = arith.constant 8 : i32
        %mul3A_735 = arith.muli %scan3A_75, %mul3A_734 : i32
        %add3A_736 = arith.constant 3 : i32
        %add3A_737 = arith.addi %mul3A_735, %add3A_736 : i32
        %get3A_738 = arith.constant 0 : i32
        %get3A_739 = arith.index_cast %get3A_738 : i32 to index
        %get3A_740 = arith.index_cast %add3A_737 : i32 to index
        %get3A_741 = arith.constant 112 : index
        %get3A_742 = tpu.vector_load %arg6[%get3A_739, %get3A_740, %get3A_741] {strides = array<i32>} : memref<2x128x128xf32, #tpu.memory_space<vmem>>, vector<1x1x16xf32>,
        %get3A_743 = vector.shape_cast %get3A_742 : vector<1x1x16xf32> to vector<16xf32>
        %add3A_744 = arith.addf %add3A_733, %get3A_743 : vector<16xf32>
        %mul3A_745 = arith.constant 8 : i32
        %mul3A_746 = arith.muli %scan3A_75, %mul3A_745 : i32
        %add3A_747 = arith.constant 4 : i32
        %add3A_748 = arith.addi %mul3A_746, %add3A_747 : i32
        %get3A_749 = arith.constant 0 : i32
        %get3A_750 = arith.index_cast %get3A_749 : i32 to index
        %get3A_751 = arith.index_cast %add3A_748 : i32 to index
        %get3A_752 = arith.constant 112 : index
        %get3A_753 = tpu.vector_load %arg6[%get3A_750, %get3A_751, %get3A_752] {strides = array<i32>} : memref<2x128x128xf32, #tpu.memory_space<vmem>>, vector<1x1x16xf32>,
        %get3A_754 = vector.shape_cast %get3A_753 : vector<1x1x16xf32> to vector<16xf32>
        %add3A_755 = arith.addf %add3A_744, %get3A_754 : vector<16xf32>
        %mul3A_756 = arith.constant 8 : i32
        %mul3A_757 = arith.muli %scan3A_75, %mul3A_756 : i32
        %add3A_758 = arith.constant 5 : i32
        %add3A_759 = arith.addi %mul3A_757, %add3A_758 : i32
        %get3A_760 = arith.constant 0 : i32
        %get3A_761 = arith.index_cast %get3A_760 : i32 to index
        %get3A_762 = arith.index_cast %add3A_759 : i32 to index
        %get3A_763 = arith.constant 112 : index
        %get3A_764 = tpu.vector_load %arg6[%get3A_761, %get3A_762, %get3A_763] {strides = array<i32>} : memref<2x128x128xf32, #tpu.memory_space<vmem>>, vector<1x1x16xf32>,
        %get3A_765 = vector.shape_cast %get3A_764 : vector<1x1x16xf32> to vector<16xf32>
        %add3A_766 = arith.addf %add3A_755, %get3A_765 : vector<16xf32>
        %mul3A_767 = arith.constant 8 : i32
        %mul3A_768 = arith.muli %scan3A_75, %mul3A_767 : i32
        %add3A_769 = arith.constant 6 : i32
        %add3A_770 = arith.addi %mul3A_768, %add3A_769 : i32
        %get3A_771 = arith.constant 0 : i32
        %get3A_772 = arith.index_cast %get3A_771 : i32 to index
        %get3A_773 = arith.index_cast %add3A_770 : i32 to index
        %get3A_774 = arith.constant 112 : index
        %get3A_775 = tpu.vector_load %arg6[%get3A_772, %get3A_773, %get3A_774] {strides = array<i32>} : memref<2x128x128xf32, #tpu.memory_space<vmem>>, vector<1x1x16xf32>,
        %get3A_776 = vector.shape_cast %get3A_775 : vector<1x1x16xf32> to vector<16xf32>
        %add3A_777 = arith.addf %add3A_766, %get3A_776 : vector<16xf32>
        %mul3A_778 = arith.constant 8 : i32
        %mul3A_779 = arith.muli %scan3A_75, %mul3A_778 : i32
        %add3A_780 = arith.constant 7 : i32
        %add3A_781 = arith.addi %mul3A_779, %add3A_780 : i32
        %get3A_782 = arith.constant 0 : i32
        %get3A_783 = arith.index_cast %get3A_782 : i32 to index
        %get3A_784 = arith.index_cast %add3A_781 : i32 to index
        %get3A_785 = arith.constant 112 : index
        %get3A_786 = tpu.vector_load %arg6[%get3A_783, %get3A_784, %get3A_785] {strides = array<i32>} : memref<2x128x128xf32, #tpu.memory_space<vmem>>, vector<1x1x16xf32>,
        %get3A_787 = vector.shape_cast %get3A_786 : vector<1x1x16xf32> to vector<16xf32>
        %add3A_788 = arith.addf %add3A_777, %get3A_787 : vector<16xf32>
        %swap3A_789 = arith.index_cast %scan3A_75 : i32 to index
        %swap3A_790 = arith.constant 112 : index
        %swap3A_791 = tpu.vector_load %arg7[%swap3A_789, %swap3A_790] {strides = array<i32>} : memref<16x128xf32, #tpu.memory_space<vmem>>, vector<1x16xf32>,
        %swap3A_792 = vector.shape_cast %swap3A_791 : vector<1x16xf32> to vector<16xf32>
        %swap3A_793 = vector.shape_cast %add3A_788 : vector<16xf32> to vector<1x16xf32>
        tpu.vector_store %arg7[%swap3A_789, %swap3A_790], %swap3A_793 {strides = array<i32>} : memref<16x128xf32, #tpu.memory_space<vmem>>, vector<1x16xf32>,
      }
      %scan3A_50 = arith.constant 16 : i32
      %add3A_51 = arith.addi %mul3A_2, %mul3A_22 : i32
      "tpu.region"() ({
        %run_scoped3A = tpu.sem_alloc : memref<!tpu.dma_semaphore, #tpu.memory_space<semaphore_mem>>
        %dma_start3A_75 = arith.constant 0 : i32
        %dma_start3A_76 = tpu.memref_slice %arg4[%add3A_51, %dma_start3A_75] : memref<20480x128xf32, #tpu.memory_space<hbm>> -> memref<16x128xf32, #tpu.memory_space<hbm>>
        %dma_start3A_77 = arith.constant 0 : i32
        %dma_start3A_78 = tpu.memref_slice %arg4[%add3A_51, %dma_start3A_77] : memref<20480x128xf32, #tpu.memory_space<hbm>> -> memref<16x128xf32, #tpu.memory_space<hbm>>
        tpu.enqueue_dma source(%arg7 : memref<16x128xf32, #tpu.memory_space<vmem>>) target(%dma_start3A_78 : memref<16x128xf32, #tpu.memory_space<hbm>>) target_semaphore(%run_scoped3A : memref<!tpu.dma_semaphore, #tpu.memory_space<semaphore_mem>>)
        %dma_wait3A_79 = arith.constant 0 : i32
        %dma_wait3A_80 = tpu.memref_slice %arg4[%add3A_51, %dma_wait3A_79] : memref<20480x128xf32, #tpu.memory_space<hbm>> -> memref<16x128xf32, #tpu.memory_space<hbm>>
        %dma_wait3A_81 = arith.constant 0 : i32
        %dma_wait3A_82 = tpu.memref_slice %arg4[%add3A_51, %dma_wait3A_81] : memref<20480x128xf32, #tpu.memory_space<hbm>> -> memref<16x128xf32, #tpu.memory_space<hbm>>
        tpu.wait_dma2 semaphore(%run_scoped3A : memref<!tpu.dma_semaphore, #tpu.memory_space<semaphore_mem>>) src(%arg7 : memref<16x128xf32, #tpu.memory_space<vmem>>) dst(%dma_wait3A_82 : memref<16x128xf32, #tpu.memory_space<hbm>>)
        tpu.yield
      }) : () -> ()
      %lt3A = arith.constant 19 : i32
      %lt3A_52 = arith.cmpi slt, %scan3A_18, %lt3A : i32
      %convert_element_type3A = arith.extui %lt3A_52 : i1 to i32
      %cond3A = arith.constant 0 : i32
      %cond3A_53 = arith.cmpi ne, %convert_element_type3A, %cond3A : i32
      scf.if %cond3A_53 {
        %add3A_75 = arith.constant 32 : i32
        %add3A_76 = arith.addi %mul3A_22, %add3A_75 : i32
        %mul3A_77 = arith.constant 8 : i32
        %mul3A_78 = arith.muli %add3A_76, %mul3A_77 : i32
        %dma_start3A_79 = arith.constant 0 : i32
        %dma_start3A_80 = arith.constant 0 : i32
        %dma_start3A_81 = arith.constant 0 : i32
        %dma_start3A_82 = tpu.memref_slice %arg6[%dma_start3A_79, %dma_start3A_80, %dma_start3A_81] : memref<2x128x128xf32, #tpu.memory_space<vmem>> -> memref<1x128x128xf32, #tpu.memory_space<vmem>>
        %dma_start3A_83 = tpu.memref_squeeze %dma_start3A_82 : memref<1x128x128xf32, #tpu.memory_space<vmem>> -> memref<128x128xf32, #tpu.memory_space<vmem>>
        %dma_start3A_84 = tpu.memref_slice %arg5[%mul3A_78] : memref<5120xi32, #tpu.memory_space<vmem>> -> memref<128xi32, #tpu.memory_space<vmem>>
        %dma_start3A_85 = arith.constant 0 : i32
        %dma_start3A_86 = arith.constant 0 : i32
        %dma_start3A_87 = tpu.memref_slice %arg2[%dma_start3A_85, %dma_start3A_86] : memref<126976x128xf32, #tpu.memory_space<hbm>> -> memref<126976x128xf32, #tpu.memory_space<hbm>>
        tpu.enqueue_indirect_dma source(%dma_start3A_87 : memref<126976x128xf32, #tpu.memory_space<hbm>>) target(%dma_start3A_83 : memref<128x128xf32, #tpu.memory_space<vmem>>) offsets(%dma_start3A_84 : memref<128xi32, #tpu.memory_space<vmem>>) semaphore(%arg8 : memref<!tpu.dma_semaphore, #tpu.memory_space<semaphore_mem>>)
      } else {
      }
      %add3A_54 = arith.constant 16 : i32
      %add3A_55 = arith.addi %mul3A_22, %add3A_54 : i32
      %mul3A_56 = arith.constant 8 : i32
      %mul3A_57 = arith.muli %add3A_55, %mul3A_56 : i32
      %dma_wait3A_58 = arith.constant 1 : i32
      %dma_wait3A_59 = arith.constant 0 : i32
      %dma_wait3A_60 = arith.constant 0 : i32
      %dma_wait3A_61 = tpu.memref_slice %arg6[%dma_wait3A_58, %dma_wait3A_59, %dma_wait3A_60] : memref<2x128x128xf32, #tpu.memory_space<vmem>> -> memref<1x128x128xf32, #tpu.memory_space<vmem>>
      %dma_wait3A_62 = tpu.memref_squeeze %dma_wait3A_61 : memref<1x128x128xf32, #tpu.memory_space<vmem>> -> memref<128x128xf32, #tpu.memory_space<vmem>>
      %dma_wait3A_63 = tpu.memref_slice %arg5[%mul3A_57] : memref<5120xi32, #tpu.memory_space<vmem>> -> memref<128xi32, #tpu.memory_space<vmem>>
      %dma_wait3A_64 = arith.constant 0 : i32
      %dma_wait3A_65 = arith.constant 0 : i32
      %dma_wait3A_66 = tpu.memref_slice %arg2[%dma_wait3A_64, %dma_wait3A_65] : memref<126976x128xf32, #tpu.memory_space<hbm>> -> memref<126976x128xf32, #tpu.memory_space<hbm>>
      tpu.wait_indirect_dma semaphore(%arg9 : memref<!tpu.dma_semaphore, #tpu.memory_space<semaphore_mem>>) src(%dma_wait3A_66 : memref<126976x128xf32, #tpu.memory_space<hbm>>) dst(%dma_wait3A_62 : memref<128x128xf32, #tpu.memory_space<vmem>>)
      %add3A_67 = arith.constant 16 : i32
      %add3A_68 = arith.addi %mul3A_22, %add3A_67 : i32
      %scan3A_69 = arith.constant 0 : i32
      %scan3A_70 = arith.constant 16 : i32
      %scan3A_71 = arith.addi %scan3A_69, %scan3A_70 : i32
      %scan3A_72 = arith.constant 1 : i32
      scf.for %scan3A_75 = %scan3A_69 to %scan3A_71 step %scan3A_72  : i32 {
        %mul3A_76 = arith.constant 8 : i32
        %mul3A_77 = arith.muli %scan3A_75, %mul3A_76 : i32
        %get3A = arith.constant 1 : i32
        %get3A_78 = arith.index_cast %get3A : i32 to index
        %get3A_79 = arith.index_cast %mul3A_77 : i32 to index
        %get3A_80 = arith.constant 0 : index
        %get3A_81 = tpu.vector_load %arg6[%get3A_78, %get3A_79, %get3A_80] {strides = array<i32>} : memref<2x128x128xf32, #tpu.memory_space<vmem>>, vector<1x1x16xf32>,
        %get3A_82 = vector.shape_cast %get3A_81 : vector<1x1x16xf32> to vector<16xf32>
        %mul3A_83 = arith.constant 8 : i32
        %mul3A_84 = arith.muli %scan3A_75, %mul3A_83 : i32
        %add3A_85 = arith.constant 1 : i32
        %add3A_86 = arith.addi %mul3A_84, %add3A_85 : i32
        %get3A_87 = arith.constant 1 : i32
        %get3A_88 = arith.index_cast %get3A_87 : i32 to index
        %get3A_89 = arith.index_cast %add3A_86 : i32 to index
        %get3A_90 = arith.constant 0 : index
        %get3A_91 = tpu.vector_load %arg6[%get3A_88, %get3A_89, %get3A_90] {strides = array<i32>} : memref<2x128x128xf32, #tpu.memory_space<vmem>>, vector<1x1x16xf32>,
        %get3A_92 = vector.shape_cast %get3A_91 : vector<1x1x16xf32> to vector<16xf32>
        %add3A_93 = arith.addf %get3A_82, %get3A_92 : vector<16xf32>
        %mul3A_94 = arith.constant 8 : i32
        %mul3A_95 = arith.muli %scan3A_75, %mul3A_94 : i32
        %add3A_96 = arith.constant 2 : i32
        %add3A_97 = arith.addi %mul3A_95, %add3A_96 : i32
        %get3A_98 = arith.constant 1 : i32
        %get3A_99 = arith.index_cast %get3A_98 : i32 to index
        %get3A_100 = arith.index_cast %add3A_97 : i32 to index
        %get3A_101 = arith.constant 0 : index
        %get3A_102 = tpu.vector_load %arg6[%get3A_99, %get3A_100, %get3A_101] {strides = array<i32>} : memref<2x128x128xf32, #tpu.memory_space<vmem>>, vector<1x1x16xf32>,
        %get3A_103 = vector.shape_cast %get3A_102 : vector<1x1x16xf32> to vector<16xf32>
        %add3A_104 = arith.addf %add3A_93, %get3A_103 : vector<16xf32>
        %mul3A_105 = arith.constant 8 : i32
        %mul3A_106 = arith.muli %scan3A_75, %mul3A_105 : i32
        %add3A_107 = arith.constant 3 : i32
        %add3A_108 = arith.addi %mul3A_106, %add3A_107 : i32
        %get3A_109 = arith.constant 1 : i32
        %get3A_110 = arith.index_cast %get3A_109 : i32 to index
        %get3A_111 = arith.index_cast %add3A_108 : i32 to index
        %get3A_112 = arith.constant 0 : index
        %get3A_113 = tpu.vector_load %arg6[%get3A_110, %get3A_111, %get3A_112] {strides = array<i32>} : memref<2x128x128xf32, #tpu.memory_space<vmem>>, vector<1x1x16xf32>,
        %get3A_114 = vector.shape_cast %get3A_113 : vector<1x1x16xf32> to vector<16xf32>
        %add3A_115 = arith.addf %add3A_104, %get3A_114 : vector<16xf32>
        %mul3A_116 = arith.constant 8 : i32
        %mul3A_117 = arith.muli %scan3A_75, %mul3A_116 : i32
        %add3A_118 = arith.constant 4 : i32
        %add3A_119 = arith.addi %mul3A_117, %add3A_118 : i32
        %get3A_120 = arith.constant 1 : i32
        %get3A_121 = arith.index_cast %get3A_120 : i32 to index
        %get3A_122 = arith.index_cast %add3A_119 : i32 to index
        %get3A_123 = arith.constant 0 : index
        %get3A_124 = tpu.vector_load %arg6[%get3A_121, %get3A_122, %get3A_123] {strides = array<i32>} : memref<2x128x128xf32, #tpu.memory_space<vmem>>, vector<1x1x16xf32>,
        %get3A_125 = vector.shape_cast %get3A_124 : vector<1x1x16xf32> to vector<16xf32>
        %add3A_126 = arith.addf %add3A_115, %get3A_125 : vector<16xf32>
        %mul3A_127 = arith.constant 8 : i32
        %mul3A_128 = arith.muli %scan3A_75, %mul3A_127 : i32
        %add3A_129 = arith.constant 5 : i32
        %add3A_130 = arith.addi %mul3A_128, %add3A_129 : i32
        %get3A_131 = arith.constant 1 : i32
        %get3A_132 = arith.index_cast %get3A_131 : i32 to index
        %get3A_133 = arith.index_cast %add3A_130 : i32 to index
        %get3A_134 = arith.constant 0 : index
        %get3A_135 = tpu.vector_load %arg6[%get3A_132, %get3A_133, %get3A_134] {strides = array<i32>} : memref<2x128x128xf32, #tpu.memory_space<vmem>>, vector<1x1x16xf32>,
        %get3A_136 = vector.shape_cast %get3A_135 : vector<1x1x16xf32> to vector<16xf32>
        %add3A_137 = arith.addf %add3A_126, %get3A_136 : vector<16xf32>
        %mul3A_138 = arith.constant 8 : i32
        %mul3A_139 = arith.muli %scan3A_75, %mul3A_138 : i32
        %add3A_140 = arith.constant 6 : i32
        %add3A_141 = arith.addi %mul3A_139, %add3A_140 : i32
        %get3A_142 = arith.constant 1 : i32
        %get3A_143 = arith.index_cast %get3A_142 : i32 to index
        %get3A_144 = arith.index_cast %add3A_141 : i32 to index
        %get3A_145 = arith.constant 0 : index
        %get3A_146 = tpu.vector_load %arg6[%get3A_143, %get3A_144, %get3A_145] {strides = array<i32>} : memref<2x128x128xf32, #tpu.memory_space<vmem>>, vector<1x1x16xf32>,
        %get3A_147 = vector.shape_cast %get3A_146 : vector<1x1x16xf32> to vector<16xf32>
        %add3A_148 = arith.addf %add3A_137, %get3A_147 : vector<16xf32>
        %mul3A_149 = arith.constant 8 : i32
        %mul3A_150 = arith.muli %scan3A_75, %mul3A_149 : i32
        %add3A_151 = arith.constant 7 : i32
        %add3A_152 = arith.addi %mul3A_150, %add3A_151 : i32
        %get3A_153 = arith.constant 1 : i32
        %get3A_154 = arith.index_cast %get3A_153 : i32 to index
        %get3A_155 = arith.index_cast %add3A_152 : i32 to index
        %get3A_156 = arith.constant 0 : index
        %get3A_157 = tpu.vector_load %arg6[%get3A_154, %get3A_155, %get3A_156] {strides = array<i32>} : memref<2x128x128xf32, #tpu.memory_space<vmem>>, vector<1x1x16xf32>,
        %get3A_158 = vector.shape_cast %get3A_157 : vector<1x1x16xf32> to vector<16xf32>
        %add3A_159 = arith.addf %add3A_148, %get3A_158 : vector<16xf32>
        %swap3A = arith.index_cast %scan3A_75 : i32 to index
        %swap3A_160 = arith.constant 0 : index
        %swap3A_161 = tpu.vector_load %arg7[%swap3A, %swap3A_160] {strides = array<i32>} : memref<16x128xf32, #tpu.memory_space<vmem>>, vector<1x16xf32>,
        %swap3A_162 = vector.shape_cast %swap3A_161 : vector<1x16xf32> to vector<16xf32>
        %swap3A_163 = vector.shape_cast %add3A_159 : vector<16xf32> to vector<1x16xf32>
        tpu.vector_store %arg7[%swap3A, %swap3A_160], %swap3A_163 {strides = array<i32>} : memref<16x128xf32, #tpu.memory_space<vmem>>, vector<1x16xf32>,
        %mul3A_164 = arith.constant 8 : i32
        %mul3A_165 = arith.muli %scan3A_75, %mul3A_164 : i32
        %get3A_166 = arith.constant 1 : i32
        %get3A_167 = arith.index_cast %get3A_166 : i32 to index
        %get3A_168 = arith.index_cast %mul3A_165 : i32 to index
        %get3A_169 = arith.constant 16 : index
        %get3A_170 = tpu.vector_load %arg6[%get3A_167, %get3A_168, %get3A_169] {strides = array<i32>} : memref<2x128x128xf32, #tpu.memory_space<vmem>>, vector<1x1x16xf32>,
        %get3A_171 = vector.shape_cast %get3A_170 : vector<1x1x16xf32> to vector<16xf32>
        %mul3A_172 = arith.constant 8 : i32
        %mul3A_173 = arith.muli %scan3A_75, %mul3A_172 : i32
        %add3A_174 = arith.constant 1 : i32
        %add3A_175 = arith.addi %mul3A_173, %add3A_174 : i32
        %get3A_176 = arith.constant 1 : i32
        %get3A_177 = arith.index_cast %get3A_176 : i32 to index
        %get3A_178 = arith.index_cast %add3A_175 : i32 to index
        %get3A_179 = arith.constant 16 : index
        %get3A_180 = tpu.vector_load %arg6[%get3A_177, %get3A_178, %get3A_179] {strides = array<i32>} : memref<2x128x128xf32, #tpu.memory_space<vmem>>, vector<1x1x16xf32>,
        %get3A_181 = vector.shape_cast %get3A_180 : vector<1x1x16xf32> to vector<16xf32>
        %add3A_182 = arith.addf %get3A_171, %get3A_181 : vector<16xf32>
        %mul3A_183 = arith.constant 8 : i32
        %mul3A_184 = arith.muli %scan3A_75, %mul3A_183 : i32
        %add3A_185 = arith.constant 2 : i32
        %add3A_186 = arith.addi %mul3A_184, %add3A_185 : i32
        %get3A_187 = arith.constant 1 : i32
        %get3A_188 = arith.index_cast %get3A_187 : i32 to index
        %get3A_189 = arith.index_cast %add3A_186 : i32 to index
        %get3A_190 = arith.constant 16 : index
        %get3A_191 = tpu.vector_load %arg6[%get3A_188, %get3A_189, %get3A_190] {strides = array<i32>} : memref<2x128x128xf32, #tpu.memory_space<vmem>>, vector<1x1x16xf32>,
        %get3A_192 = vector.shape_cast %get3A_191 : vector<1x1x16xf32> to vector<16xf32>
        %add3A_193 = arith.addf %add3A_182, %get3A_192 : vector<16xf32>
        %mul3A_194 = arith.constant 8 : i32
        %mul3A_195 = arith.muli %scan3A_75, %mul3A_194 : i32
        %add3A_196 = arith.constant 3 : i32
        %add3A_197 = arith.addi %mul3A_195, %add3A_196 : i32
        %get3A_198 = arith.constant 1 : i32
        %get3A_199 = arith.index_cast %get3A_198 : i32 to index
        %get3A_200 = arith.index_cast %add3A_197 : i32 to index
        %get3A_201 = arith.constant 16 : index
        %get3A_202 = tpu.vector_load %arg6[%get3A_199, %get3A_200, %get3A_201] {strides = array<i32>} : memref<2x128x128xf32, #tpu.memory_space<vmem>>, vector<1x1x16xf32>,
        %get3A_203 = vector.shape_cast %get3A_202 : vector<1x1x16xf32> to vector<16xf32>
        %add3A_204 = arith.addf %add3A_193, %get3A_203 : vector<16xf32>
        %mul3A_205 = arith.constant 8 : i32
        %mul3A_206 = arith.muli %scan3A_75, %mul3A_205 : i32
        %add3A_207 = arith.constant 4 : i32
        %add3A_208 = arith.addi %mul3A_206, %add3A_207 : i32
        %get3A_209 = arith.constant 1 : i32
        %get3A_210 = arith.index_cast %get3A_209 : i32 to index
        %get3A_211 = arith.index_cast %add3A_208 : i32 to index
        %get3A_212 = arith.constant 16 : index
        %get3A_213 = tpu.vector_load %arg6[%get3A_210, %get3A_211, %get3A_212] {strides = array<i32>} : memref<2x128x128xf32, #tpu.memory_space<vmem>>, vector<1x1x16xf32>,
        %get3A_214 = vector.shape_cast %get3A_213 : vector<1x1x16xf32> to vector<16xf32>
        %add3A_215 = arith.addf %add3A_204, %get3A_214 : vector<16xf32>
        %mul3A_216 = arith.constant 8 : i32
        %mul3A_217 = arith.muli %scan3A_75, %mul3A_216 : i32
        %add3A_218 = arith.constant 5 : i32
        %add3A_219 = arith.addi %mul3A_217, %add3A_218 : i32
        %get3A_220 = arith.constant 1 : i32
        %get3A_221 = arith.index_cast %get3A_220 : i32 to index
        %get3A_222 = arith.index_cast %add3A_219 : i32 to index
        %get3A_223 = arith.constant 16 : index
        %get3A_224 = tpu.vector_load %arg6[%get3A_221, %get3A_222, %get3A_223] {strides = array<i32>} : memref<2x128x128xf32, #tpu.memory_space<vmem>>, vector<1x1x16xf32>,
        %get3A_225 = vector.shape_cast %get3A_224 : vector<1x1x16xf32> to vector<16xf32>
        %add3A_226 = arith.addf %add3A_215, %get3A_225 : vector<16xf32>
        %mul3A_227 = arith.constant 8 : i32
        %mul3A_228 = arith.muli %scan3A_75, %mul3A_227 : i32
        %add3A_229 = arith.constant 6 : i32
        %add3A_230 = arith.addi %mul3A_228, %add3A_229 : i32
        %get3A_231 = arith.constant 1 : i32
        %get3A_232 = arith.index_cast %get3A_231 : i32 to index
        %get3A_233 = arith.index_cast %add3A_230 : i32 to index
        %get3A_234 = arith.constant 16 : index
        %get3A_235 = tpu.vector_load %arg6[%get3A_232, %get3A_233, %get3A_234] {strides = array<i32>} : memref<2x128x128xf32, #tpu.memory_space<vmem>>, vector<1x1x16xf32>,
        %get3A_236 = vector.shape_cast %get3A_235 : vector<1x1x16xf32> to vector<16xf32>
        %add3A_237 = arith.addf %add3A_226, %get3A_236 : vector<16xf32>
        %mul3A_238 = arith.constant 8 : i32
        %mul3A_239 = arith.muli %scan3A_75, %mul3A_238 : i32
        %add3A_240 = arith.constant 7 : i32
        %add3A_241 = arith.addi %mul3A_239, %add3A_240 : i32
        %get3A_242 = arith.constant 1 : i32
        %get3A_243 = arith.index_cast %get3A_242 : i32 to index
        %get3A_244 = arith.index_cast %add3A_241 : i32 to index
        %get3A_245 = arith.constant 16 : index
        %get3A_246 = tpu.vector_load %arg6[%get3A_243, %get3A_244, %get3A_245] {strides = array<i32>} : memref<2x128x128xf32, #tpu.memory_space<vmem>>, vector<1x1x16xf32>,
        %get3A_247 = vector.shape_cast %get3A_246 : vector<1x1x16xf32> to vector<16xf32>
        %add3A_248 = arith.addf %add3A_237, %get3A_247 : vector<16xf32>
        %swap3A_249 = arith.index_cast %scan3A_75 : i32 to index
        %swap3A_250 = arith.constant 16 : index
        %swap3A_251 = tpu.vector_load %arg7[%swap3A_249, %swap3A_250] {strides = array<i32>} : memref<16x128xf32, #tpu.memory_space<vmem>>, vector<1x16xf32>,
        %swap3A_252 = vector.shape_cast %swap3A_251 : vector<1x16xf32> to vector<16xf32>
        %swap3A_253 = vector.shape_cast %add3A_248 : vector<16xf32> to vector<1x16xf32>
        tpu.vector_store %arg7[%swap3A_249, %swap3A_250], %swap3A_253 {strides = array<i32>} : memref<16x128xf32, #tpu.memory_space<vmem>>, vector<1x16xf32>,
        %mul3A_254 = arith.constant 8 : i32
        %mul3A_255 = arith.muli %scan3A_75, %mul3A_254 : i32
        %get3A_256 = arith.constant 1 : i32
        %get3A_257 = arith.index_cast %get3A_256 : i32 to index
        %get3A_258 = arith.index_cast %mul3A_255 : i32 to index
        %get3A_259 = arith.constant 32 : index
        %get3A_260 = tpu.vector_load %arg6[%get3A_257, %get3A_258, %get3A_259] {strides = array<i32>} : memref<2x128x128xf32, #tpu.memory_space<vmem>>, vector<1x1x16xf32>,
        %get3A_261 = vector.shape_cast %get3A_260 : vector<1x1x16xf32> to vector<16xf32>
        %mul3A_262 = arith.constant 8 : i32
        %mul3A_263 = arith.muli %scan3A_75, %mul3A_262 : i32
        %add3A_264 = arith.constant 1 : i32
        %add3A_265 = arith.addi %mul3A_263, %add3A_264 : i32
        %get3A_266 = arith.constant 1 : i32
        %get3A_267 = arith.index_cast %get3A_266 : i32 to index
        %get3A_268 = arith.index_cast %add3A_265 : i32 to index
        %get3A_269 = arith.constant 32 : index
        %get3A_270 = tpu.vector_load %arg6[%get3A_267, %get3A_268, %get3A_269] {strides = array<i32>} : memref<2x128x128xf32, #tpu.memory_space<vmem>>, vector<1x1x16xf32>,
        %get3A_271 = vector.shape_cast %get3A_270 : vector<1x1x16xf32> to vector<16xf32>
        %add3A_272 = arith.addf %get3A_261, %get3A_271 : vector<16xf32>
        %mul3A_273 = arith.constant 8 : i32
        %mul3A_274 = arith.muli %scan3A_75, %mul3A_273 : i32
        %add3A_275 = arith.constant 2 : i32
        %add3A_276 = arith.addi %mul3A_274, %add3A_275 : i32
        %get3A_277 = arith.constant 1 : i32
        %get3A_278 = arith.index_cast %get3A_277 : i32 to index
        %get3A_279 = arith.index_cast %add3A_276 : i32 to index
        %get3A_280 = arith.constant 32 : index
        %get3A_281 = tpu.vector_load %arg6[%get3A_278, %get3A_279, %get3A_280] {strides = array<i32>} : memref<2x128x128xf32, #tpu.memory_space<vmem>>, vector<1x1x16xf32>,
        %get3A_282 = vector.shape_cast %get3A_281 : vector<1x1x16xf32> to vector<16xf32>
        %add3A_283 = arith.addf %add3A_272, %get3A_282 : vector<16xf32>
        %mul3A_284 = arith.constant 8 : i32
        %mul3A_285 = arith.muli %scan3A_75, %mul3A_284 : i32
        %add3A_286 = arith.constant 3 : i32
        %add3A_287 = arith.addi %mul3A_285, %add3A_286 : i32
        %get3A_288 = arith.constant 1 : i32
        %get3A_289 = arith.index_cast %get3A_288 : i32 to index
        %get3A_290 = arith.index_cast %add3A_287 : i32 to index
        %get3A_291 = arith.constant 32 : index
        %get3A_292 = tpu.vector_load %arg6[%get3A_289, %get3A_290, %get3A_291] {strides = array<i32>} : memref<2x128x128xf32, #tpu.memory_space<vmem>>, vector<1x1x16xf32>,
        %get3A_293 = vector.shape_cast %get3A_292 : vector<1x1x16xf32> to vector<16xf32>
        %add3A_294 = arith.addf %add3A_283, %get3A_293 : vector<16xf32>
        %mul3A_295 = arith.constant 8 : i32
        %mul3A_296 = arith.muli %scan3A_75, %mul3A_295 : i32
        %add3A_297 = arith.constant 4 : i32
        %add3A_298 = arith.addi %mul3A_296, %add3A_297 : i32
        %get3A_299 = arith.constant 1 : i32
        %get3A_300 = arith.index_cast %get3A_299 : i32 to index
        %get3A_301 = arith.index_cast %add3A_298 : i32 to index
        %get3A_302 = arith.constant 32 : index
        %get3A_303 = tpu.vector_load %arg6[%get3A_300, %get3A_301, %get3A_302] {strides = array<i32>} : memref<2x128x128xf32, #tpu.memory_space<vmem>>, vector<1x1x16xf32>,
        %get3A_304 = vector.shape_cast %get3A_303 : vector<1x1x16xf32> to vector<16xf32>
        %add3A_305 = arith.addf %add3A_294, %get3A_304 : vector<16xf32>
        %mul3A_306 = arith.constant 8 : i32
        %mul3A_307 = arith.muli %scan3A_75, %mul3A_306 : i32
        %add3A_308 = arith.constant 5 : i32
        %add3A_309 = arith.addi %mul3A_307, %add3A_308 : i32
        %get3A_310 = arith.constant 1 : i32
        %get3A_311 = arith.index_cast %get3A_310 : i32 to index
        %get3A_312 = arith.index_cast %add3A_309 : i32 to index
        %get3A_313 = arith.constant 32 : index
        %get3A_314 = tpu.vector_load %arg6[%get3A_311, %get3A_312, %get3A_313] {strides = array<i32>} : memref<2x128x128xf32, #tpu.memory_space<vmem>>, vector<1x1x16xf32>,
        %get3A_315 = vector.shape_cast %get3A_314 : vector<1x1x16xf32> to vector<16xf32>
        %add3A_316 = arith.addf %add3A_305, %get3A_315 : vector<16xf32>
        %mul3A_317 = arith.constant 8 : i32
        %mul3A_318 = arith.muli %scan3A_75, %mul3A_317 : i32
        %add3A_319 = arith.constant 6 : i32
        %add3A_320 = arith.addi %mul3A_318, %add3A_319 : i32
        %get3A_321 = arith.constant 1 : i32
        %get3A_322 = arith.index_cast %get3A_321 : i32 to index
        %get3A_323 = arith.index_cast %add3A_320 : i32 to index
        %get3A_324 = arith.constant 32 : index
        %get3A_325 = tpu.vector_load %arg6[%get3A_322, %get3A_323, %get3A_324] {strides = array<i32>} : memref<2x128x128xf32, #tpu.memory_space<vmem>>, vector<1x1x16xf32>,
        %get3A_326 = vector.shape_cast %get3A_325 : vector<1x1x16xf32> to vector<16xf32>
        %add3A_327 = arith.addf %add3A_316, %get3A_326 : vector<16xf32>
        %mul3A_328 = arith.constant 8 : i32
        %mul3A_329 = arith.muli %scan3A_75, %mul3A_328 : i32
        %add3A_330 = arith.constant 7 : i32
        %add3A_331 = arith.addi %mul3A_329, %add3A_330 : i32
        %get3A_332 = arith.constant 1 : i32
        %get3A_333 = arith.index_cast %get3A_332 : i32 to index
        %get3A_334 = arith.index_cast %add3A_331 : i32 to index
        %get3A_335 = arith.constant 32 : index
        %get3A_336 = tpu.vector_load %arg6[%get3A_333, %get3A_334, %get3A_335] {strides = array<i32>} : memref<2x128x128xf32, #tpu.memory_space<vmem>>, vector<1x1x16xf32>,
        %get3A_337 = vector.shape_cast %get3A_336 : vector<1x1x16xf32> to vector<16xf32>
        %add3A_338 = arith.addf %add3A_327, %get3A_337 : vector<16xf32>
        %swap3A_339 = arith.index_cast %scan3A_75 : i32 to index
        %swap3A_340 = arith.constant 32 : index
        %swap3A_341 = tpu.vector_load %arg7[%swap3A_339, %swap3A_340] {strides = array<i32>} : memref<16x128xf32, #tpu.memory_space<vmem>>, vector<1x16xf32>,
        %swap3A_342 = vector.shape_cast %swap3A_341 : vector<1x16xf32> to vector<16xf32>
        %swap3A_343 = vector.shape_cast %add3A_338 : vector<16xf32> to vector<1x16xf32>
        tpu.vector_store %arg7[%swap3A_339, %swap3A_340], %swap3A_343 {strides = array<i32>} : memref<16x128xf32, #tpu.memory_space<vmem>>, vector<1x16xf32>,
        %mul3A_344 = arith.constant 8 : i32
        %mul3A_345 = arith.muli %scan3A_75, %mul3A_344 : i32
        %get3A_346 = arith.constant 1 : i32
        %get3A_347 = arith.index_cast %get3A_346 : i32 to index
        %get3A_348 = arith.index_cast %mul3A_345 : i32 to index
        %get3A_349 = arith.constant 48 : index
        %get3A_350 = tpu.vector_load %arg6[%get3A_347, %get3A_348, %get3A_349] {strides = array<i32>} : memref<2x128x128xf32, #tpu.memory_space<vmem>>, vector<1x1x16xf32>,
        %get3A_351 = vector.shape_cast %get3A_350 : vector<1x1x16xf32> to vector<16xf32>
        %mul3A_352 = arith.constant 8 : i32
        %mul3A_353 = arith.muli %scan3A_75, %mul3A_352 : i32
        %add3A_354 = arith.constant 1 : i32
        %add3A_355 = arith.addi %mul3A_353, %add3A_354 : i32
        %get3A_356 = arith.constant 1 : i32
        %get3A_357 = arith.index_cast %get3A_356 : i32 to index
        %get3A_358 = arith.index_cast %add3A_355 : i32 to index
        %get3A_359 = arith.constant 48 : index
        %get3A_360 = tpu.vector_load %arg6[%get3A_357, %get3A_358, %get3A_359] {strides = array<i32>} : memref<2x128x128xf32, #tpu.memory_space<vmem>>, vector<1x1x16xf32>,
        %get3A_361 = vector.shape_cast %get3A_360 : vector<1x1x16xf32> to vector<16xf32>
        %add3A_362 = arith.addf %get3A_351, %get3A_361 : vector<16xf32>
        %mul3A_363 = arith.constant 8 : i32
        %mul3A_364 = arith.muli %scan3A_75, %mul3A_363 : i32
        %add3A_365 = arith.constant 2 : i32
        %add3A_366 = arith.addi %mul3A_364, %add3A_365 : i32
        %get3A_367 = arith.constant 1 : i32
        %get3A_368 = arith.index_cast %get3A_367 : i32 to index
        %get3A_369 = arith.index_cast %add3A_366 : i32 to index
        %get3A_370 = arith.constant 48 : index
        %get3A_371 = tpu.vector_load %arg6[%get3A_368, %get3A_369, %get3A_370] {strides = array<i32>} : memref<2x128x128xf32, #tpu.memory_space<vmem>>, vector<1x1x16xf32>,
        %get3A_372 = vector.shape_cast %get3A_371 : vector<1x1x16xf32> to vector<16xf32>
        %add3A_373 = arith.addf %add3A_362, %get3A_372 : vector<16xf32>
        %mul3A_374 = arith.constant 8 : i32
        %mul3A_375 = arith.muli %scan3A_75, %mul3A_374 : i32
        %add3A_376 = arith.constant 3 : i32
        %add3A_377 = arith.addi %mul3A_375, %add3A_376 : i32
        %get3A_378 = arith.constant 1 : i32
        %get3A_379 = arith.index_cast %get3A_378 : i32 to index
        %get3A_380 = arith.index_cast %add3A_377 : i32 to index
        %get3A_381 = arith.constant 48 : index
        %get3A_382 = tpu.vector_load %arg6[%get3A_379, %get3A_380, %get3A_381] {strides = array<i32>} : memref<2x128x128xf32, #tpu.memory_space<vmem>>, vector<1x1x16xf32>,
        %get3A_383 = vector.shape_cast %get3A_382 : vector<1x1x16xf32> to vector<16xf32>
        %add3A_384 = arith.addf %add3A_373, %get3A_383 : vector<16xf32>
        %mul3A_385 = arith.constant 8 : i32
        %mul3A_386 = arith.muli %scan3A_75, %mul3A_385 : i32
        %add3A_387 = arith.constant 4 : i32
        %add3A_388 = arith.addi %mul3A_386, %add3A_387 : i32
        %get3A_389 = arith.constant 1 : i32
        %get3A_390 = arith.index_cast %get3A_389 : i32 to index
        %get3A_391 = arith.index_cast %add3A_388 : i32 to index
        %get3A_392 = arith.constant 48 : index
        %get3A_393 = tpu.vector_load %arg6[%get3A_390, %get3A_391, %get3A_392] {strides = array<i32>} : memref<2x128x128xf32, #tpu.memory_space<vmem>>, vector<1x1x16xf32>,
        %get3A_394 = vector.shape_cast %get3A_393 : vector<1x1x16xf32> to vector<16xf32>
        %add3A_395 = arith.addf %add3A_384, %get3A_394 : vector<16xf32>
        %mul3A_396 = arith.constant 8 : i32
        %mul3A_397 = arith.muli %scan3A_75, %mul3A_396 : i32
        %add3A_398 = arith.constant 5 : i32
        %add3A_399 = arith.addi %mul3A_397, %add3A_398 : i32
        %get3A_400 = arith.constant 1 : i32
        %get3A_401 = arith.index_cast %get3A_400 : i32 to index
        %get3A_402 = arith.index_cast %add3A_399 : i32 to index
        %get3A_403 = arith.constant 48 : index
        %get3A_404 = tpu.vector_load %arg6[%get3A_401, %get3A_402, %get3A_403] {strides = array<i32>} : memref<2x128x128xf32, #tpu.memory_space<vmem>>, vector<1x1x16xf32>,
        %get3A_405 = vector.shape_cast %get3A_404 : vector<1x1x16xf32> to vector<16xf32>
        %add3A_406 = arith.addf %add3A_395, %get3A_405 : vector<16xf32>
        %mul3A_407 = arith.constant 8 : i32
        %mul3A_408 = arith.muli %scan3A_75, %mul3A_407 : i32
        %add3A_409 = arith.constant 6 : i32
        %add3A_410 = arith.addi %mul3A_408, %add3A_409 : i32
        %get3A_411 = arith.constant 1 : i32
        %get3A_412 = arith.index_cast %get3A_411 : i32 to index
        %get3A_413 = arith.index_cast %add3A_410 : i32 to index
        %get3A_414 = arith.constant 48 : index
        %get3A_415 = tpu.vector_load %arg6[%get3A_412, %get3A_413, %get3A_414] {strides = array<i32>} : memref<2x128x128xf32, #tpu.memory_space<vmem>>, vector<1x1x16xf32>,
        %get3A_416 = vector.shape_cast %get3A_415 : vector<1x1x16xf32> to vector<16xf32>
        %add3A_417 = arith.addf %add3A_406, %get3A_416 : vector<16xf32>
        %mul3A_418 = arith.constant 8 : i32
        %mul3A_419 = arith.muli %scan3A_75, %mul3A_418 : i32
        %add3A_420 = arith.constant 7 : i32
        %add3A_421 = arith.addi %mul3A_419, %add3A_420 : i32
        %get3A_422 = arith.constant 1 : i32
        %get3A_423 = arith.index_cast %get3A_422 : i32 to index
        %get3A_424 = arith.index_cast %add3A_421 : i32 to index
        %get3A_425 = arith.constant 48 : index
        %get3A_426 = tpu.vector_load %arg6[%get3A_423, %get3A_424, %get3A_425] {strides = array<i32>} : memref<2x128x128xf32, #tpu.memory_space<vmem>>, vector<1x1x16xf32>,
        %get3A_427 = vector.shape_cast %get3A_426 : vector<1x1x16xf32> to vector<16xf32>
        %add3A_428 = arith.addf %add3A_417, %get3A_427 : vector<16xf32>
        %swap3A_429 = arith.index_cast %scan3A_75 : i32 to index
        %swap3A_430 = arith.constant 48 : index
        %swap3A_431 = tpu.vector_load %arg7[%swap3A_429, %swap3A_430] {strides = array<i32>} : memref<16x128xf32, #tpu.memory_space<vmem>>, vector<1x16xf32>,
        %swap3A_432 = vector.shape_cast %swap3A_431 : vector<1x16xf32> to vector<16xf32>
        %swap3A_433 = vector.shape_cast %add3A_428 : vector<16xf32> to vector<1x16xf32>
        tpu.vector_store %arg7[%swap3A_429, %swap3A_430], %swap3A_433 {strides = array<i32>} : memref<16x128xf32, #tpu.memory_space<vmem>>, vector<1x16xf32>,
        %mul3A_434 = arith.constant 8 : i32
        %mul3A_435 = arith.muli %scan3A_75, %mul3A_434 : i32
        %get3A_436 = arith.constant 1 : i32
        %get3A_437 = arith.index_cast %get3A_436 : i32 to index
        %get3A_438 = arith.index_cast %mul3A_435 : i32 to index
        %get3A_439 = arith.constant 64 : index
        %get3A_440 = tpu.vector_load %arg6[%get3A_437, %get3A_438, %get3A_439] {strides = array<i32>} : memref<2x128x128xf32, #tpu.memory_space<vmem>>, vector<1x1x16xf32>,
        %get3A_441 = vector.shape_cast %get3A_440 : vector<1x1x16xf32> to vector<16xf32>
        %mul3A_442 = arith.constant 8 : i32
        %mul3A_443 = arith.muli %scan3A_75, %mul3A_442 : i32
        %add3A_444 = arith.constant 1 : i32
        %add3A_445 = arith.addi %mul3A_443, %add3A_444 : i32
        %get3A_446 = arith.constant 1 : i32
        %get3A_447 = arith.index_cast %get3A_446 : i32 to index
        %get3A_448 = arith.index_cast %add3A_445 : i32 to index
        %get3A_449 = arith.constant 64 : index
        %get3A_450 = tpu.vector_load %arg6[%get3A_447, %get3A_448, %get3A_449] {strides = array<i32>} : memref<2x128x128xf32, #tpu.memory_space<vmem>>, vector<1x1x16xf32>,
        %get3A_451 = vector.shape_cast %get3A_450 : vector<1x1x16xf32> to vector<16xf32>
        %add3A_452 = arith.addf %get3A_441, %get3A_451 : vector<16xf32>
        %mul3A_453 = arith.constant 8 : i32
        %mul3A_454 = arith.muli %scan3A_75, %mul3A_453 : i32
        %add3A_455 = arith.constant 2 : i32
        %add3A_456 = arith.addi %mul3A_454, %add3A_455 : i32
        %get3A_457 = arith.constant 1 : i32
        %get3A_458 = arith.index_cast %get3A_457 : i32 to index
        %get3A_459 = arith.index_cast %add3A_456 : i32 to index
        %get3A_460 = arith.constant 64 : index
        %get3A_461 = tpu.vector_load %arg6[%get3A_458, %get3A_459, %get3A_460] {strides = array<i32>} : memref<2x128x128xf32, #tpu.memory_space<vmem>>, vector<1x1x16xf32>,
        %get3A_462 = vector.shape_cast %get3A_461 : vector<1x1x16xf32> to vector<16xf32>
        %add3A_463 = arith.addf %add3A_452, %get3A_462 : vector<16xf32>
        %mul3A_464 = arith.constant 8 : i32
        %mul3A_465 = arith.muli %scan3A_75, %mul3A_464 : i32
        %add3A_466 = arith.constant 3 : i32
        %add3A_467 = arith.addi %mul3A_465, %add3A_466 : i32
        %get3A_468 = arith.constant 1 : i32
        %get3A_469 = arith.index_cast %get3A_468 : i32 to index
        %get3A_470 = arith.index_cast %add3A_467 : i32 to index
        %get3A_471 = arith.constant 64 : index
        %get3A_472 = tpu.vector_load %arg6[%get3A_469, %get3A_470, %get3A_471] {strides = array<i32>} : memref<2x128x128xf32, #tpu.memory_space<vmem>>, vector<1x1x16xf32>,
        %get3A_473 = vector.shape_cast %get3A_472 : vector<1x1x16xf32> to vector<16xf32>
        %add3A_474 = arith.addf %add3A_463, %get3A_473 : vector<16xf32>
        %mul3A_475 = arith.constant 8 : i32
        %mul3A_476 = arith.muli %scan3A_75, %mul3A_475 : i32
        %add3A_477 = arith.constant 4 : i32
        %add3A_478 = arith.addi %mul3A_476, %add3A_477 : i32
        %get3A_479 = arith.constant 1 : i32
        %get3A_480 = arith.index_cast %get3A_479 : i32 to index
        %get3A_481 = arith.index_cast %add3A_478 : i32 to index
        %get3A_482 = arith.constant 64 : index
        %get3A_483 = tpu.vector_load %arg6[%get3A_480, %get3A_481, %get3A_482] {strides = array<i32>} : memref<2x128x128xf32, #tpu.memory_space<vmem>>, vector<1x1x16xf32>,
        %get3A_484 = vector.shape_cast %get3A_483 : vector<1x1x16xf32> to vector<16xf32>
        %add3A_485 = arith.addf %add3A_474, %get3A_484 : vector<16xf32>
        %mul3A_486 = arith.constant 8 : i32
        %mul3A_487 = arith.muli %scan3A_75, %mul3A_486 : i32
        %add3A_488 = arith.constant 5 : i32
        %add3A_489 = arith.addi %mul3A_487, %add3A_488 : i32
        %get3A_490 = arith.constant 1 : i32
        %get3A_491 = arith.index_cast %get3A_490 : i32 to index
        %get3A_492 = arith.index_cast %add3A_489 : i32 to index
        %get3A_493 = arith.constant 64 : index
        %get3A_494 = tpu.vector_load %arg6[%get3A_491, %get3A_492, %get3A_493] {strides = array<i32>} : memref<2x128x128xf32, #tpu.memory_space<vmem>>, vector<1x1x16xf32>,
        %get3A_495 = vector.shape_cast %get3A_494 : vector<1x1x16xf32> to vector<16xf32>
        %add3A_496 = arith.addf %add3A_485, %get3A_495 : vector<16xf32>
        %mul3A_497 = arith.constant 8 : i32
        %mul3A_498 = arith.muli %scan3A_75, %mul3A_497 : i32
        %add3A_499 = arith.constant 6 : i32
        %add3A_500 = arith.addi %mul3A_498, %add3A_499 : i32
        %get3A_501 = arith.constant 1 : i32
        %get3A_502 = arith.index_cast %get3A_501 : i32 to index
        %get3A_503 = arith.index_cast %add3A_500 : i32 to index
        %get3A_504 = arith.constant 64 : index
        %get3A_505 = tpu.vector_load %arg6[%get3A_502, %get3A_503, %get3A_504] {strides = array<i32>} : memref<2x128x128xf32, #tpu.memory_space<vmem>>, vector<1x1x16xf32>,
        %get3A_506 = vector.shape_cast %get3A_505 : vector<1x1x16xf32> to vector<16xf32>
        %add3A_507 = arith.addf %add3A_496, %get3A_506 : vector<16xf32>
        %mul3A_508 = arith.constant 8 : i32
        %mul3A_509 = arith.muli %scan3A_75, %mul3A_508 : i32
        %add3A_510 = arith.constant 7 : i32
        %add3A_511 = arith.addi %mul3A_509, %add3A_510 : i32
        %get3A_512 = arith.constant 1 : i32
        %get3A_513 = arith.index_cast %get3A_512 : i32 to index
        %get3A_514 = arith.index_cast %add3A_511 : i32 to index
        %get3A_515 = arith.constant 64 : index
        %get3A_516 = tpu.vector_load %arg6[%get3A_513, %get3A_514, %get3A_515] {strides = array<i32>} : memref<2x128x128xf32, #tpu.memory_space<vmem>>, vector<1x1x16xf32>,
        %get3A_517 = vector.shape_cast %get3A_516 : vector<1x1x16xf32> to vector<16xf32>
        %add3A_518 = arith.addf %add3A_507, %get3A_517 : vector<16xf32>
        %swap3A_519 = arith.index_cast %scan3A_75 : i32 to index
        %swap3A_520 = arith.constant 64 : index
        %swap3A_521 = tpu.vector_load %arg7[%swap3A_519, %swap3A_520] {strides = array<i32>} : memref<16x128xf32, #tpu.memory_space<vmem>>, vector<1x16xf32>,
        %swap3A_522 = vector.shape_cast %swap3A_521 : vector<1x16xf32> to vector<16xf32>
        %swap3A_523 = vector.shape_cast %add3A_518 : vector<16xf32> to vector<1x16xf32>
        tpu.vector_store %arg7[%swap3A_519, %swap3A_520], %swap3A_523 {strides = array<i32>} : memref<16x128xf32, #tpu.memory_space<vmem>>, vector<1x16xf32>,
        %mul3A_524 = arith.constant 8 : i32
        %mul3A_525 = arith.muli %scan3A_75, %mul3A_524 : i32
        %get3A_526 = arith.constant 1 : i32
        %get3A_527 = arith.index_cast %get3A_526 : i32 to index
        %get3A_528 = arith.index_cast %mul3A_525 : i32 to index
        %get3A_529 = arith.constant 80 : index
        %get3A_530 = tpu.vector_load %arg6[%get3A_527, %get3A_528, %get3A_529] {strides = array<i32>} : memref<2x128x128xf32, #tpu.memory_space<vmem>>, vector<1x1x16xf32>,
        %get3A_531 = vector.shape_cast %get3A_530 : vector<1x1x16xf32> to vector<16xf32>
        %mul3A_532 = arith.constant 8 : i32
        %mul3A_533 = arith.muli %scan3A_75, %mul3A_532 : i32
        %add3A_534 = arith.constant 1 : i32
        %add3A_535 = arith.addi %mul3A_533, %add3A_534 : i32
        %get3A_536 = arith.constant 1 : i32
        %get3A_537 = arith.index_cast %get3A_536 : i32 to index
        %get3A_538 = arith.index_cast %add3A_535 : i32 to index
        %get3A_539 = arith.constant 80 : index
        %get3A_540 = tpu.vector_load %arg6[%get3A_537, %get3A_538, %get3A_539] {strides = array<i32>} : memref<2x128x128xf32, #tpu.memory_space<vmem>>, vector<1x1x16xf32>,
        %get3A_541 = vector.shape_cast %get3A_540 : vector<1x1x16xf32> to vector<16xf32>
        %add3A_542 = arith.addf %get3A_531, %get3A_541 : vector<16xf32>
        %mul3A_543 = arith.constant 8 : i32
        %mul3A_544 = arith.muli %scan3A_75, %mul3A_543 : i32
        %add3A_545 = arith.constant 2 : i32
        %add3A_546 = arith.addi %mul3A_544, %add3A_545 : i32
        %get3A_547 = arith.constant 1 : i32
        %get3A_548 = arith.index_cast %get3A_547 : i32 to index
        %get3A_549 = arith.index_cast %add3A_546 : i32 to index
        %get3A_550 = arith.constant 80 : index
        %get3A_551 = tpu.vector_load %arg6[%get3A_548, %get3A_549, %get3A_550] {strides = array<i32>} : memref<2x128x128xf32, #tpu.memory_space<vmem>>, vector<1x1x16xf32>,
        %get3A_552 = vector.shape_cast %get3A_551 : vector<1x1x16xf32> to vector<16xf32>
        %add3A_553 = arith.addf %add3A_542, %get3A_552 : vector<16xf32>
        %mul3A_554 = arith.constant 8 : i32
        %mul3A_555 = arith.muli %scan3A_75, %mul3A_554 : i32
        %add3A_556 = arith.constant 3 : i32
        %add3A_557 = arith.addi %mul3A_555, %add3A_556 : i32
        %get3A_558 = arith.constant 1 : i32
        %get3A_559 = arith.index_cast %get3A_558 : i32 to index
        %get3A_560 = arith.index_cast %add3A_557 : i32 to index
        %get3A_561 = arith.constant 80 : index
        %get3A_562 = tpu.vector_load %arg6[%get3A_559, %get3A_560, %get3A_561] {strides = array<i32>} : memref<2x128x128xf32, #tpu.memory_space<vmem>>, vector<1x1x16xf32>,
        %get3A_563 = vector.shape_cast %get3A_562 : vector<1x1x16xf32> to vector<16xf32>
        %add3A_564 = arith.addf %add3A_553, %get3A_563 : vector<16xf32>
        %mul3A_565 = arith.constant 8 : i32
        %mul3A_566 = arith.muli %scan3A_75, %mul3A_565 : i32
        %add3A_567 = arith.constant 4 : i32
        %add3A_568 = arith.addi %mul3A_566, %add3A_567 : i32
        %get3A_569 = arith.constant 1 : i32
        %get3A_570 = arith.index_cast %get3A_569 : i32 to index
        %get3A_571 = arith.index_cast %add3A_568 : i32 to index
        %get3A_572 = arith.constant 80 : index
        %get3A_573 = tpu.vector_load %arg6[%get3A_570, %get3A_571, %get3A_572] {strides = array<i32>} : memref<2x128x128xf32, #tpu.memory_space<vmem>>, vector<1x1x16xf32>,
        %get3A_574 = vector.shape_cast %get3A_573 : vector<1x1x16xf32> to vector<16xf32>
        %add3A_575 = arith.addf %add3A_564, %get3A_574 : vector<16xf32>
        %mul3A_576 = arith.constant 8 : i32
        %mul3A_577 = arith.muli %scan3A_75, %mul3A_576 : i32
        %add3A_578 = arith.constant 5 : i32
        %add3A_579 = arith.addi %mul3A_577, %add3A_578 : i32
        %get3A_580 = arith.constant 1 : i32
        %get3A_581 = arith.index_cast %get3A_580 : i32 to index
        %get3A_582 = arith.index_cast %add3A_579 : i32 to index
        %get3A_583 = arith.constant 80 : index
        %get3A_584 = tpu.vector_load %arg6[%get3A_581, %get3A_582, %get3A_583] {strides = array<i32>} : memref<2x128x128xf32, #tpu.memory_space<vmem>>, vector<1x1x16xf32>,
        %get3A_585 = vector.shape_cast %get3A_584 : vector<1x1x16xf32> to vector<16xf32>
        %add3A_586 = arith.addf %add3A_575, %get3A_585 : vector<16xf32>
        %mul3A_587 = arith.constant 8 : i32
        %mul3A_588 = arith.muli %scan3A_75, %mul3A_587 : i32
        %add3A_589 = arith.constant 6 : i32
        %add3A_590 = arith.addi %mul3A_588, %add3A_589 : i32
        %get3A_591 = arith.constant 1 : i32
        %get3A_592 = arith.index_cast %get3A_591 : i32 to index
        %get3A_593 = arith.index_cast %add3A_590 : i32 to index
        %get3A_594 = arith.constant 80 : index
        %get3A_595 = tpu.vector_load %arg6[%get3A_592, %get3A_593, %get3A_594] {strides = array<i32>} : memref<2x128x128xf32, #tpu.memory_space<vmem>>, vector<1x1x16xf32>,
        %get3A_596 = vector.shape_cast %get3A_595 : vector<1x1x16xf32> to vector<16xf32>
        %add3A_597 = arith.addf %add3A_586, %get3A_596 : vector<16xf32>
        %mul3A_598 = arith.constant 8 : i32
        %mul3A_599 = arith.muli %scan3A_75, %mul3A_598 : i32
        %add3A_600 = arith.constant 7 : i32
        %add3A_601 = arith.addi %mul3A_599, %add3A_600 : i32
        %get3A_602 = arith.constant 1 : i32
        %get3A_603 = arith.index_cast %get3A_602 : i32 to index
        %get3A_604 = arith.index_cast %add3A_601 : i32 to index
        %get3A_605 = arith.constant 80 : index
        %get3A_606 = tpu.vector_load %arg6[%get3A_603, %get3A_604, %get3A_605] {strides = array<i32>} : memref<2x128x128xf32, #tpu.memory_space<vmem>>, vector<1x1x16xf32>,
        %get3A_607 = vector.shape_cast %get3A_606 : vector<1x1x16xf32> to vector<16xf32>
        %add3A_608 = arith.addf %add3A_597, %get3A_607 : vector<16xf32>
        %swap3A_609 = arith.index_cast %scan3A_75 : i32 to index
        %swap3A_610 = arith.constant 80 : index
        %swap3A_611 = tpu.vector_load %arg7[%swap3A_609, %swap3A_610] {strides = array<i32>} : memref<16x128xf32, #tpu.memory_space<vmem>>, vector<1x16xf32>,
        %swap3A_612 = vector.shape_cast %swap3A_611 : vector<1x16xf32> to vector<16xf32>
        %swap3A_613 = vector.shape_cast %add3A_608 : vector<16xf32> to vector<1x16xf32>
        tpu.vector_store %arg7[%swap3A_609, %swap3A_610], %swap3A_613 {strides = array<i32>} : memref<16x128xf32, #tpu.memory_space<vmem>>, vector<1x16xf32>,
        %mul3A_614 = arith.constant 8 : i32
        %mul3A_615 = arith.muli %scan3A_75, %mul3A_614 : i32
        %get3A_616 = arith.constant 1 : i32
        %get3A_617 = arith.index_cast %get3A_616 : i32 to index
        %get3A_618 = arith.index_cast %mul3A_615 : i32 to index
        %get3A_619 = arith.constant 96 : index
        %get3A_620 = tpu.vector_load %arg6[%get3A_617, %get3A_618, %get3A_619] {strides = array<i32>} : memref<2x128x128xf32, #tpu.memory_space<vmem>>, vector<1x1x16xf32>,
        %get3A_621 = vector.shape_cast %get3A_620 : vector<1x1x16xf32> to vector<16xf32>
        %mul3A_622 = arith.constant 8 : i32
        %mul3A_623 = arith.muli %scan3A_75, %mul3A_622 : i32
        %add3A_624 = arith.constant 1 : i32
        %add3A_625 = arith.addi %mul3A_623, %add3A_624 : i32
        %get3A_626 = arith.constant 1 : i32
        %get3A_627 = arith.index_cast %get3A_626 : i32 to index
        %get3A_628 = arith.index_cast %add3A_625 : i32 to index
        %get3A_629 = arith.constant 96 : index
        %get3A_630 = tpu.vector_load %arg6[%get3A_627, %get3A_628, %get3A_629] {strides = array<i32>} : memref<2x128x128xf32, #tpu.memory_space<vmem>>, vector<1x1x16xf32>,
        %get3A_631 = vector.shape_cast %get3A_630 : vector<1x1x16xf32> to vector<16xf32>
        %add3A_632 = arith.addf %get3A_621, %get3A_631 : vector<16xf32>
        %mul3A_633 = arith.constant 8 : i32
        %mul3A_634 = arith.muli %scan3A_75, %mul3A_633 : i32
        %add3A_635 = arith.constant 2 : i32
        %add3A_636 = arith.addi %mul3A_634, %add3A_635 : i32
        %get3A_637 = arith.constant 1 : i32
        %get3A_638 = arith.index_cast %get3A_637 : i32 to index
        %get3A_639 = arith.index_cast %add3A_636 : i32 to index
        %get3A_640 = arith.constant 96 : index
        %get3A_641 = tpu.vector_load %arg6[%get3A_638, %get3A_639, %get3A_640] {strides = array<i32>} : memref<2x128x128xf32, #tpu.memory_space<vmem>>, vector<1x1x16xf32>,
        %get3A_642 = vector.shape_cast %get3A_641 : vector<1x1x16xf32> to vector<16xf32>
        %add3A_643 = arith.addf %add3A_632, %get3A_642 : vector<16xf32>
        %mul3A_644 = arith.constant 8 : i32
        %mul3A_645 = arith.muli %scan3A_75, %mul3A_644 : i32
        %add3A_646 = arith.constant 3 : i32
        %add3A_647 = arith.addi %mul3A_645, %add3A_646 : i32
        %get3A_648 = arith.constant 1 : i32
        %get3A_649 = arith.index_cast %get3A_648 : i32 to index
        %get3A_650 = arith.index_cast %add3A_647 : i32 to index
        %get3A_651 = arith.constant 96 : index
        %get3A_652 = tpu.vector_load %arg6[%get3A_649, %get3A_650, %get3A_651] {strides = array<i32>} : memref<2x128x128xf32, #tpu.memory_space<vmem>>, vector<1x1x16xf32>,
        %get3A_653 = vector.shape_cast %get3A_652 : vector<1x1x16xf32> to vector<16xf32>
        %add3A_654 = arith.addf %add3A_643, %get3A_653 : vector<16xf32>
        %mul3A_655 = arith.constant 8 : i32
        %mul3A_656 = arith.muli %scan3A_75, %mul3A_655 : i32
        %add3A_657 = arith.constant 4 : i32
        %add3A_658 = arith.addi %mul3A_656, %add3A_657 : i32
        %get3A_659 = arith.constant 1 : i32
        %get3A_660 = arith.index_cast %get3A_659 : i32 to index
        %get3A_661 = arith.index_cast %add3A_658 : i32 to index
        %get3A_662 = arith.constant 96 : index
        %get3A_663 = tpu.vector_load %arg6[%get3A_660, %get3A_661, %get3A_662] {strides = array<i32>} : memref<2x128x128xf32, #tpu.memory_space<vmem>>, vector<1x1x16xf32>,
        %get3A_664 = vector.shape_cast %get3A_663 : vector<1x1x16xf32> to vector<16xf32>
        %add3A_665 = arith.addf %add3A_654, %get3A_664 : vector<16xf32>
        %mul3A_666 = arith.constant 8 : i32
        %mul3A_667 = arith.muli %scan3A_75, %mul3A_666 : i32
        %add3A_668 = arith.constant 5 : i32
        %add3A_669 = arith.addi %mul3A_667, %add3A_668 : i32
        %get3A_670 = arith.constant 1 : i32
        %get3A_671 = arith.index_cast %get3A_670 : i32 to index
        %get3A_672 = arith.index_cast %add3A_669 : i32 to index
        %get3A_673 = arith.constant 96 : index
        %get3A_674 = tpu.vector_load %arg6[%get3A_671, %get3A_672, %get3A_673] {strides = array<i32>} : memref<2x128x128xf32, #tpu.memory_space<vmem>>, vector<1x1x16xf32>,
        %get3A_675 = vector.shape_cast %get3A_674 : vector<1x1x16xf32> to vector<16xf32>
        %add3A_676 = arith.addf %add3A_665, %get3A_675 : vector<16xf32>
        %mul3A_677 = arith.constant 8 : i32
        %mul3A_678 = arith.muli %scan3A_75, %mul3A_677 : i32
        %add3A_679 = arith.constant 6 : i32
        %add3A_680 = arith.addi %mul3A_678, %add3A_679 : i32
        %get3A_681 = arith.constant 1 : i32
        %get3A_682 = arith.index_cast %get3A_681 : i32 to index
        %get3A_683 = arith.index_cast %add3A_680 : i32 to index
        %get3A_684 = arith.constant 96 : index
        %get3A_685 = tpu.vector_load %arg6[%get3A_682, %get3A_683, %get3A_684] {strides = array<i32>} : memref<2x128x128xf32, #tpu.memory_space<vmem>>, vector<1x1x16xf32>,
        %get3A_686 = vector.shape_cast %get3A_685 : vector<1x1x16xf32> to vector<16xf32>
        %add3A_687 = arith.addf %add3A_676, %get3A_686 : vector<16xf32>
        %mul3A_688 = arith.constant 8 : i32
        %mul3A_689 = arith.muli %scan3A_75, %mul3A_688 : i32
        %add3A_690 = arith.constant 7 : i32
        %add3A_691 = arith.addi %mul3A_689, %add3A_690 : i32
        %get3A_692 = arith.constant 1 : i32
        %get3A_693 = arith.index_cast %get3A_692 : i32 to index
        %get3A_694 = arith.index_cast %add3A_691 : i32 to index
        %get3A_695 = arith.constant 96 : index
        %get3A_696 = tpu.vector_load %arg6[%get3A_693, %get3A_694, %get3A_695] {strides = array<i32>} : memref<2x128x128xf32, #tpu.memory_space<vmem>>, vector<1x1x16xf32>,
        %get3A_697 = vector.shape_cast %get3A_696 : vector<1x1x16xf32> to vector<16xf32>
        %add3A_698 = arith.addf %add3A_687, %get3A_697 : vector<16xf32>
        %swap3A_699 = arith.index_cast %scan3A_75 : i32 to index
        %swap3A_700 = arith.constant 96 : index
        %swap3A_701 = tpu.vector_load %arg7[%swap3A_699, %swap3A_700] {strides = array<i32>} : memref<16x128xf32, #tpu.memory_space<vmem>>, vector<1x16xf32>,
        %swap3A_702 = vector.shape_cast %swap3A_701 : vector<1x16xf32> to vector<16xf32>
        %swap3A_703 = vector.shape_cast %add3A_698 : vector<16xf32> to vector<1x16xf32>
        tpu.vector_store %arg7[%swap3A_699, %swap3A_700], %swap3A_703 {strides = array<i32>} : memref<16x128xf32, #tpu.memory_space<vmem>>, vector<1x16xf32>,
        %mul3A_704 = arith.constant 8 : i32
        %mul3A_705 = arith.muli %scan3A_75, %mul3A_704 : i32
        %get3A_706 = arith.constant 1 : i32
        %get3A_707 = arith.index_cast %get3A_706 : i32 to index
        %get3A_708 = arith.index_cast %mul3A_705 : i32 to index
        %get3A_709 = arith.constant 112 : index
        %get3A_710 = tpu.vector_load %arg6[%get3A_707, %get3A_708, %get3A_709] {strides = array<i32>} : memref<2x128x128xf32, #tpu.memory_space<vmem>>, vector<1x1x16xf32>,
        %get3A_711 = vector.shape_cast %get3A_710 : vector<1x1x16xf32> to vector<16xf32>
        %mul3A_712 = arith.constant 8 : i32
        %mul3A_713 = arith.muli %scan3A_75, %mul3A_712 : i32
        %add3A_714 = arith.constant 1 : i32
        %add3A_715 = arith.addi %mul3A_713, %add3A_714 : i32
        %get3A_716 = arith.constant 1 : i32
        %get3A_717 = arith.index_cast %get3A_716 : i32 to index
        %get3A_718 = arith.index_cast %add3A_715 : i32 to index
        %get3A_719 = arith.constant 112 : index
        %get3A_720 = tpu.vector_load %arg6[%get3A_717, %get3A_718, %get3A_719] {strides = array<i32>} : memref<2x128x128xf32, #tpu.memory_space<vmem>>, vector<1x1x16xf32>,
        %get3A_721 = vector.shape_cast %get3A_720 : vector<1x1x16xf32> to vector<16xf32>
        %add3A_722 = arith.addf %get3A_711, %get3A_721 : vector<16xf32>
        %mul3A_723 = arith.constant 8 : i32
        %mul3A_724 = arith.muli %scan3A_75, %mul3A_723 : i32
        %add3A_725 = arith.constant 2 : i32
        %add3A_726 = arith.addi %mul3A_724, %add3A_725 : i32
        %get3A_727 = arith.constant 1 : i32
        %get3A_728 = arith.index_cast %get3A_727 : i32 to index
        %get3A_729 = arith.index_cast %add3A_726 : i32 to index
        %get3A_730 = arith.constant 112 : index
        %get3A_731 = tpu.vector_load %arg6[%get3A_728, %get3A_729, %get3A_730] {strides = array<i32>} : memref<2x128x128xf32, #tpu.memory_space<vmem>>, vector<1x1x16xf32>,
        %get3A_732 = vector.shape_cast %get3A_731 : vector<1x1x16xf32> to vector<16xf32>
        %add3A_733 = arith.addf %add3A_722, %get3A_732 : vector<16xf32>
        %mul3A_734 = arith.constant 8 : i32
        %mul3A_735 = arith.muli %scan3A_75, %mul3A_734 : i32
        %add3A_736 = arith.constant 3 : i32
        %add3A_737 = arith.addi %mul3A_735, %add3A_736 : i32
        %get3A_738 = arith.constant 1 : i32
        %get3A_739 = arith.index_cast %get3A_738 : i32 to index
        %get3A_740 = arith.index_cast %add3A_737 : i32 to index
        %get3A_741 = arith.constant 112 : index
        %get3A_742 = tpu.vector_load %arg6[%get3A_739, %get3A_740, %get3A_741] {strides = array<i32>} : memref<2x128x128xf32, #tpu.memory_space<vmem>>, vector<1x1x16xf32>,
        %get3A_743 = vector.shape_cast %get3A_742 : vector<1x1x16xf32> to vector<16xf32>
        %add3A_744 = arith.addf %add3A_733, %get3A_743 : vector<16xf32>
        %mul3A_745 = arith.constant 8 : i32
        %mul3A_746 = arith.muli %scan3A_75, %mul3A_745 : i32
        %add3A_747 = arith.constant 4 : i32
        %add3A_748 = arith.addi %mul3A_746, %add3A_747 : i32
        %get3A_749 = arith.constant 1 : i32
        %get3A_750 = arith.index_cast %get3A_749 : i32 to index
        %get3A_751 = arith.index_cast %add3A_748 : i32 to index
        %get3A_752 = arith.constant 112 : index
        %get3A_753 = tpu.vector_load %arg6[%get3A_750, %get3A_751, %get3A_752] {strides = array<i32>} : memref<2x128x128xf32, #tpu.memory_space<vmem>>, vector<1x1x16xf32>,
        %get3A_754 = vector.shape_cast %get3A_753 : vector<1x1x16xf32> to vector<16xf32>
        %add3A_755 = arith.addf %add3A_744, %get3A_754 : vector<16xf32>
        %mul3A_756 = arith.constant 8 : i32
        %mul3A_757 = arith.muli %scan3A_75, %mul3A_756 : i32
        %add3A_758 = arith.constant 5 : i32
        %add3A_759 = arith.addi %mul3A_757, %add3A_758 : i32
        %get3A_760 = arith.constant 1 : i32
        %get3A_761 = arith.index_cast %get3A_760 : i32 to index
        %get3A_762 = arith.index_cast %add3A_759 : i32 to index
        %get3A_763 = arith.constant 112 : index
        %get3A_764 = tpu.vector_load %arg6[%get3A_761, %get3A_762, %get3A_763] {strides = array<i32>} : memref<2x128x128xf32, #tpu.memory_space<vmem>>, vector<1x1x16xf32>,
        %get3A_765 = vector.shape_cast %get3A_764 : vector<1x1x16xf32> to vector<16xf32>
        %add3A_766 = arith.addf %add3A_755, %get3A_765 : vector<16xf32>
        %mul3A_767 = arith.constant 8 : i32
        %mul3A_768 = arith.muli %scan3A_75, %mul3A_767 : i32
        %add3A_769 = arith.constant 6 : i32
        %add3A_770 = arith.addi %mul3A_768, %add3A_769 : i32
        %get3A_771 = arith.constant 1 : i32
        %get3A_772 = arith.index_cast %get3A_771 : i32 to index
        %get3A_773 = arith.index_cast %add3A_770 : i32 to index
        %get3A_774 = arith.constant 112 : index
        %get3A_775 = tpu.vector_load %arg6[%get3A_772, %get3A_773, %get3A_774] {strides = array<i32>} : memref<2x128x128xf32, #tpu.memory_space<vmem>>, vector<1x1x16xf32>,
        %get3A_776 = vector.shape_cast %get3A_775 : vector<1x1x16xf32> to vector<16xf32>
        %add3A_777 = arith.addf %add3A_766, %get3A_776 : vector<16xf32>
        %mul3A_778 = arith.constant 8 : i32
        %mul3A_779 = arith.muli %scan3A_75, %mul3A_778 : i32
        %add3A_780 = arith.constant 7 : i32
        %add3A_781 = arith.addi %mul3A_779, %add3A_780 : i32
        %get3A_782 = arith.constant 1 : i32
        %get3A_783 = arith.index_cast %get3A_782 : i32 to index
        %get3A_784 = arith.index_cast %add3A_781 : i32 to index
        %get3A_785 = arith.constant 112 : index
        %get3A_786 = tpu.vector_load %arg6[%get3A_783, %get3A_784, %get3A_785] {strides = array<i32>} : memref<2x128x128xf32, #tpu.memory_space<vmem>>, vector<1x1x16xf32>,
        %get3A_787 = vector.shape_cast %get3A_786 : vector<1x1x16xf32> to vector<16xf32>
        %add3A_788 = arith.addf %add3A_777, %get3A_787 : vector<16xf32>
        %swap3A_789 = arith.index_cast %scan3A_75 : i32 to index
        %swap3A_790 = arith.constant 112 : index
        %swap3A_791 = tpu.vector_load %arg7[%swap3A_789, %swap3A_790] {strides = array<i32>} : memref<16x128xf32, #tpu.memory_space<vmem>>, vector<1x16xf32>,
        %swap3A_792 = vector.shape_cast %swap3A_791 : vector<1x16xf32> to vector<16xf32>
        %swap3A_793 = vector.shape_cast %add3A_788 : vector<16xf32> to vector<1x16xf32>
        tpu.vector_store %arg7[%swap3A_789, %swap3A_790], %swap3A_793 {strides = array<i32>} : memref<16x128xf32, #tpu.memory_space<vmem>>, vector<1x16xf32>,
      }
      %scan3A_73 = arith.constant 16 : i32
      %add3A_74 = arith.addi %mul3A_2, %add3A_68 : i32
      "tpu.region"() ({
        %run_scoped3A = tpu.sem_alloc : memref<!tpu.dma_semaphore, #tpu.memory_space<semaphore_mem>>
        %dma_start3A_75 = arith.constant 0 : i32
        %dma_start3A_76 = tpu.memref_slice %arg4[%add3A_74, %dma_start3A_75] : memref<20480x128xf32, #tpu.memory_space<hbm>> -> memref<16x128xf32, #tpu.memory_space<hbm>>
        %dma_start3A_77 = arith.constant 0 : i32
        %dma_start3A_78 = tpu.memref_slice %arg4[%add3A_74, %dma_start3A_77] : memref<20480x128xf32, #tpu.memory_space<hbm>> -> memref<16x128xf32, #tpu.memory_space<hbm>>
        tpu.enqueue_dma source(%arg7 : memref<16x128xf32, #tpu.memory_space<vmem>>) target(%dma_start3A_78 : memref<16x128xf32, #tpu.memory_space<hbm>>) target_semaphore(%run_scoped3A : memref<!tpu.dma_semaphore, #tpu.memory_space<semaphore_mem>>)
        %dma_wait3A_79 = arith.constant 0 : i32
        %dma_wait3A_80 = tpu.memref_slice %arg4[%add3A_74, %dma_wait3A_79] : memref<20480x128xf32, #tpu.memory_space<hbm>> -> memref<16x128xf32, #tpu.memory_space<hbm>>
        %dma_wait3A_81 = arith.constant 0 : i32
        %dma_wait3A_82 = tpu.memref_slice %arg4[%add3A_74, %dma_wait3A_81] : memref<20480x128xf32, #tpu.memory_space<hbm>> -> memref<16x128xf32, #tpu.memory_space<hbm>>
        tpu.wait_dma2 semaphore(%run_scoped3A : memref<!tpu.dma_semaphore, #tpu.memory_space<semaphore_mem>>) src(%arg7 : memref<16x128xf32, #tpu.memory_space<vmem>>) dst(%dma_wait3A_82 : memref<16x128xf32, #tpu.memory_space<hbm>>)
        tpu.yield
      }) : () -> ()
    }
    %scan3A_17 = arith.constant 20 : i32
    return
  }
}

#map = affine_map<(d0, d1) -> (0, 0)>
#map1 = affine_map<(d0, d1) -> (0)>
module attributes {stable_mosaic.version = 14 : i64} {
  func.func @_sc_gather_sum(%arg0: i32, %arg1: i32, %arg2: memref<90000x128xf32, #tpu.memory_space<hbm>>, %arg3: memref<126976xi32, #tpu.memory_space<hbm>>, %arg4: memref<126976xi32, #tpu.memory_space<hbm>>, %arg5: memref<126976xi32, #tpu.memory_space<hbm>>, %arg6: memref<126976xi32, #tpu.memory_space<hbm>>, %arg7: memref<126976xi32, #tpu.memory_space<hbm>>, %arg8: memref<126976xi32, #tpu.memory_space<hbm>>, %arg9: memref<126976x128xf32, #tpu.memory_space<hbm>>, %arg10: memref<6x3968xi32, #tpu.memory_space<vmem>>, %arg11: memref<2x2x64xi32, #tpu.memory_space<vmem>>, %arg12: memref<2x3x64xi32, #tpu.memory_space<vmem>>, %arg13: memref<2x3x64x128xf32, #tpu.memory_space<vmem>>, %arg14: memref<64x128xf32, #tpu.memory_space<vmem>>, %arg15: memref<!tpu.dma_semaphore, #tpu.memory_space<semaphore_mem>>, %arg16: memref<!tpu.dma_semaphore, #tpu.memory_space<semaphore_mem>>, %arg17: memref<!tpu.dma_semaphore, #tpu.memory_space<semaphore_mem>>, %arg18: memref<!tpu.dma_semaphore, #tpu.memory_space<semaphore_mem>>) attributes {dimension_semantics = [#tpu.dimension_semantics<core_parallel>, #tpu.dimension_semantics<subcore_parallel>], iteration_bounds = array<i64: 2, 16>, scalar_prefetch = 0 : i64, scratch_operands = 9 : i64, tpu.core_type = #tpu.core_type<sc_vector_subcore>, window_params = [{transform_indices = #map}, {transform_indices = #map1}, {transform_indices = #map1}, {transform_indices = #map1}, {transform_indices = #map1}, {transform_indices = #map1}, {transform_indices = #map1}, {transform_indices = #map}]} {
    %mul3A = arith.constant 2 : i32
    %mul3A_0 = arith.muli %arg1, %mul3A : i32
    %add3A = arith.addi %mul3A_0, %arg0 : i32
    %mul3A_1 = arith.constant 3968 : i32
    %mul3A_2 = arith.muli %add3A, %mul3A_1 : i32
    %run_scoped3A = arith.constant 0 : i32
    "tpu.region"() ({
      %run_scoped3A_123 = tpu.sem_alloc : memref<!tpu.dma_semaphore, #tpu.memory_space<semaphore_mem>>
      %dma_start3A_124 = arith.constant 0 : i32
      %dma_start3A_125 = tpu.memref_slice %arg10[%run_scoped3A, %dma_start3A_124] : memref<6x3968xi32, #tpu.memory_space<vmem>> -> memref<1x3968xi32, #tpu.memory_space<vmem>>
      %dma_start3A_126 = tpu.memref_squeeze %dma_start3A_125 : memref<1x3968xi32, #tpu.memory_space<vmem>> -> memref<3968xi32, #tpu.memory_space<vmem>>
      %dma_start3A_127 = tpu.memref_slice %arg3[%mul3A_2] : memref<126976xi32, #tpu.memory_space<hbm>> -> memref<3968xi32, #tpu.memory_space<hbm>>
      %dma_start3A_128 = arith.constant 0 : i32
      %dma_start3A_129 = tpu.memref_slice %arg10[%run_scoped3A, %dma_start3A_128] : memref<6x3968xi32, #tpu.memory_space<vmem>> -> memref<1x3968xi32, #tpu.memory_space<vmem>>
      %dma_start3A_130 = tpu.memref_squeeze %dma_start3A_129 : memref<1x3968xi32, #tpu.memory_space<vmem>> -> memref<3968xi32, #tpu.memory_space<vmem>>
      %dma_start3A_131 = tpu.memref_slice %arg3[%mul3A_2] : memref<126976xi32, #tpu.memory_space<hbm>> -> memref<3968xi32, #tpu.memory_space<hbm>>
      tpu.enqueue_dma source(%dma_start3A_131 : memref<3968xi32, #tpu.memory_space<hbm>>) target(%dma_start3A_130 : memref<3968xi32, #tpu.memory_space<vmem>>) target_semaphore(%run_scoped3A_123 : memref<!tpu.dma_semaphore, #tpu.memory_space<semaphore_mem>>)
      %dma_wait3A_132 = arith.constant 0 : i32
      %dma_wait3A_133 = tpu.memref_slice %arg10[%run_scoped3A, %dma_wait3A_132] : memref<6x3968xi32, #tpu.memory_space<vmem>> -> memref<1x3968xi32, #tpu.memory_space<vmem>>
      %dma_wait3A_134 = tpu.memref_squeeze %dma_wait3A_133 : memref<1x3968xi32, #tpu.memory_space<vmem>> -> memref<3968xi32, #tpu.memory_space<vmem>>
      %dma_wait3A_135 = tpu.memref_slice %arg3[%mul3A_2] : memref<126976xi32, #tpu.memory_space<hbm>> -> memref<3968xi32, #tpu.memory_space<hbm>>
      %dma_wait3A_136 = arith.constant 0 : i32
      %dma_wait3A_137 = tpu.memref_slice %arg10[%run_scoped3A, %dma_wait3A_136] : memref<6x3968xi32, #tpu.memory_space<vmem>> -> memref<1x3968xi32, #tpu.memory_space<vmem>>
      %dma_wait3A_138 = tpu.memref_squeeze %dma_wait3A_137 : memref<1x3968xi32, #tpu.memory_space<vmem>> -> memref<3968xi32, #tpu.memory_space<vmem>>
      %dma_wait3A_139 = tpu.memref_slice %arg3[%mul3A_2] : memref<126976xi32, #tpu.memory_space<hbm>> -> memref<3968xi32, #tpu.memory_space<hbm>>
      tpu.wait_dma2 semaphore(%run_scoped3A_123 : memref<!tpu.dma_semaphore, #tpu.memory_space<semaphore_mem>>) src(%dma_wait3A_139 : memref<3968xi32, #tpu.memory_space<hbm>>) dst(%dma_wait3A_138 : memref<3968xi32, #tpu.memory_space<vmem>>)
      tpu.yield
    }) : () -> ()
    %run_scoped3A_3 = arith.constant 1 : i32
    "tpu.region"() ({
      %run_scoped3A_123 = tpu.sem_alloc : memref<!tpu.dma_semaphore, #tpu.memory_space<semaphore_mem>>
      %dma_start3A_124 = arith.constant 0 : i32
      %dma_start3A_125 = tpu.memref_slice %arg10[%run_scoped3A_3, %dma_start3A_124] : memref<6x3968xi32, #tpu.memory_space<vmem>> -> memref<1x3968xi32, #tpu.memory_space<vmem>>
      %dma_start3A_126 = tpu.memref_squeeze %dma_start3A_125 : memref<1x3968xi32, #tpu.memory_space<vmem>> -> memref<3968xi32, #tpu.memory_space<vmem>>
      %dma_start3A_127 = tpu.memref_slice %arg4[%mul3A_2] : memref<126976xi32, #tpu.memory_space<hbm>> -> memref<3968xi32, #tpu.memory_space<hbm>>
      %dma_start3A_128 = arith.constant 0 : i32
      %dma_start3A_129 = tpu.memref_slice %arg10[%run_scoped3A_3, %dma_start3A_128] : memref<6x3968xi32, #tpu.memory_space<vmem>> -> memref<1x3968xi32, #tpu.memory_space<vmem>>
      %dma_start3A_130 = tpu.memref_squeeze %dma_start3A_129 : memref<1x3968xi32, #tpu.memory_space<vmem>> -> memref<3968xi32, #tpu.memory_space<vmem>>
      %dma_start3A_131 = tpu.memref_slice %arg4[%mul3A_2] : memref<126976xi32, #tpu.memory_space<hbm>> -> memref<3968xi32, #tpu.memory_space<hbm>>
      tpu.enqueue_dma source(%dma_start3A_131 : memref<3968xi32, #tpu.memory_space<hbm>>) target(%dma_start3A_130 : memref<3968xi32, #tpu.memory_space<vmem>>) target_semaphore(%run_scoped3A_123 : memref<!tpu.dma_semaphore, #tpu.memory_space<semaphore_mem>>)
      %dma_wait3A_132 = arith.constant 0 : i32
      %dma_wait3A_133 = tpu.memref_slice %arg10[%run_scoped3A_3, %dma_wait3A_132] : memref<6x3968xi32, #tpu.memory_space<vmem>> -> memref<1x3968xi32, #tpu.memory_space<vmem>>
      %dma_wait3A_134 = tpu.memref_squeeze %dma_wait3A_133 : memref<1x3968xi32, #tpu.memory_space<vmem>> -> memref<3968xi32, #tpu.memory_space<vmem>>
      %dma_wait3A_135 = tpu.memref_slice %arg4[%mul3A_2] : memref<126976xi32, #tpu.memory_space<hbm>> -> memref<3968xi32, #tpu.memory_space<hbm>>
      %dma_wait3A_136 = arith.constant 0 : i32
      %dma_wait3A_137 = tpu.memref_slice %arg10[%run_scoped3A_3, %dma_wait3A_136] : memref<6x3968xi32, #tpu.memory_space<vmem>> -> memref<1x3968xi32, #tpu.memory_space<vmem>>
      %dma_wait3A_138 = tpu.memref_squeeze %dma_wait3A_137 : memref<1x3968xi32, #tpu.memory_space<vmem>> -> memref<3968xi32, #tpu.memory_space<vmem>>
      %dma_wait3A_139 = tpu.memref_slice %arg4[%mul3A_2] : memref<126976xi32, #tpu.memory_space<hbm>> -> memref<3968xi32, #tpu.memory_space<hbm>>
      tpu.wait_dma2 semaphore(%run_scoped3A_123 : memref<!tpu.dma_semaphore, #tpu.memory_space<semaphore_mem>>) src(%dma_wait3A_139 : memref<3968xi32, #tpu.memory_space<hbm>>) dst(%dma_wait3A_138 : memref<3968xi32, #tpu.memory_space<vmem>>)
      tpu.yield
    }) : () -> ()
    %run_scoped3A_4 = arith.constant 2 : i32
    "tpu.region"() ({
      %run_scoped3A_123 = tpu.sem_alloc : memref<!tpu.dma_semaphore, #tpu.memory_space<semaphore_mem>>
      %dma_start3A_124 = arith.constant 0 : i32
      %dma_start3A_125 = tpu.memref_slice %arg10[%run_scoped3A_4, %dma_start3A_124] : memref<6x3968xi32, #tpu.memory_space<vmem>> -> memref<1x3968xi32, #tpu.memory_space<vmem>>
      %dma_start3A_126 = tpu.memref_squeeze %dma_start3A_125 : memref<1x3968xi32, #tpu.memory_space<vmem>> -> memref<3968xi32, #tpu.memory_space<vmem>>
      %dma_start3A_127 = tpu.memref_slice %arg5[%mul3A_2] : memref<126976xi32, #tpu.memory_space<hbm>> -> memref<3968xi32, #tpu.memory_space<hbm>>
      %dma_start3A_128 = arith.constant 0 : i32
      %dma_start3A_129 = tpu.memref_slice %arg10[%run_scoped3A_4, %dma_start3A_128] : memref<6x3968xi32, #tpu.memory_space<vmem>> -> memref<1x3968xi32, #tpu.memory_space<vmem>>
      %dma_start3A_130 = tpu.memref_squeeze %dma_start3A_129 : memref<1x3968xi32, #tpu.memory_space<vmem>> -> memref<3968xi32, #tpu.memory_space<vmem>>
      %dma_start3A_131 = tpu.memref_slice %arg5[%mul3A_2] : memref<126976xi32, #tpu.memory_space<hbm>> -> memref<3968xi32, #tpu.memory_space<hbm>>
      tpu.enqueue_dma source(%dma_start3A_131 : memref<3968xi32, #tpu.memory_space<hbm>>) target(%dma_start3A_130 : memref<3968xi32, #tpu.memory_space<vmem>>) target_semaphore(%run_scoped3A_123 : memref<!tpu.dma_semaphore, #tpu.memory_space<semaphore_mem>>)
      %dma_wait3A_132 = arith.constant 0 : i32
      %dma_wait3A_133 = tpu.memref_slice %arg10[%run_scoped3A_4, %dma_wait3A_132] : memref<6x3968xi32, #tpu.memory_space<vmem>> -> memref<1x3968xi32, #tpu.memory_space<vmem>>
      %dma_wait3A_134 = tpu.memref_squeeze %dma_wait3A_133 : memref<1x3968xi32, #tpu.memory_space<vmem>> -> memref<3968xi32, #tpu.memory_space<vmem>>
      %dma_wait3A_135 = tpu.memref_slice %arg5[%mul3A_2] : memref<126976xi32, #tpu.memory_space<hbm>> -> memref<3968xi32, #tpu.memory_space<hbm>>
      %dma_wait3A_136 = arith.constant 0 : i32
      %dma_wait3A_137 = tpu.memref_slice %arg10[%run_scoped3A_4, %dma_wait3A_136] : memref<6x3968xi32, #tpu.memory_space<vmem>> -> memref<1x3968xi32, #tpu.memory_space<vmem>>
      %dma_wait3A_138 = tpu.memref_squeeze %dma_wait3A_137 : memref<1x3968xi32, #tpu.memory_space<vmem>> -> memref<3968xi32, #tpu.memory_space<vmem>>
      %dma_wait3A_139 = tpu.memref_slice %arg5[%mul3A_2] : memref<126976xi32, #tpu.memory_space<hbm>> -> memref<3968xi32, #tpu.memory_space<hbm>>
      tpu.wait_dma2 semaphore(%run_scoped3A_123 : memref<!tpu.dma_semaphore, #tpu.memory_space<semaphore_mem>>) src(%dma_wait3A_139 : memref<3968xi32, #tpu.memory_space<hbm>>) dst(%dma_wait3A_138 : memref<3968xi32, #tpu.memory_space<vmem>>)
      tpu.yield
    }) : () -> ()
    %run_scoped3A_5 = arith.constant 3 : i32
    "tpu.region"() ({
      %run_scoped3A_123 = tpu.sem_alloc : memref<!tpu.dma_semaphore, #tpu.memory_space<semaphore_mem>>
      %dma_start3A_124 = arith.constant 0 : i32
      %dma_start3A_125 = tpu.memref_slice %arg10[%run_scoped3A_5, %dma_start3A_124] : memref<6x3968xi32, #tpu.memory_space<vmem>> -> memref<1x3968xi32, #tpu.memory_space<vmem>>
      %dma_start3A_126 = tpu.memref_squeeze %dma_start3A_125 : memref<1x3968xi32, #tpu.memory_space<vmem>> -> memref<3968xi32, #tpu.memory_space<vmem>>
      %dma_start3A_127 = tpu.memref_slice %arg6[%mul3A_2] : memref<126976xi32, #tpu.memory_space<hbm>> -> memref<3968xi32, #tpu.memory_space<hbm>>
      %dma_start3A_128 = arith.constant 0 : i32
      %dma_start3A_129 = tpu.memref_slice %arg10[%run_scoped3A_5, %dma_start3A_128] : memref<6x3968xi32, #tpu.memory_space<vmem>> -> memref<1x3968xi32, #tpu.memory_space<vmem>>
      %dma_start3A_130 = tpu.memref_squeeze %dma_start3A_129 : memref<1x3968xi32, #tpu.memory_space<vmem>> -> memref<3968xi32, #tpu.memory_space<vmem>>
      %dma_start3A_131 = tpu.memref_slice %arg6[%mul3A_2] : memref<126976xi32, #tpu.memory_space<hbm>> -> memref<3968xi32, #tpu.memory_space<hbm>>
      tpu.enqueue_dma source(%dma_start3A_131 : memref<3968xi32, #tpu.memory_space<hbm>>) target(%dma_start3A_130 : memref<3968xi32, #tpu.memory_space<vmem>>) target_semaphore(%run_scoped3A_123 : memref<!tpu.dma_semaphore, #tpu.memory_space<semaphore_mem>>)
      %dma_wait3A_132 = arith.constant 0 : i32
      %dma_wait3A_133 = tpu.memref_slice %arg10[%run_scoped3A_5, %dma_wait3A_132] : memref<6x3968xi32, #tpu.memory_space<vmem>> -> memref<1x3968xi32, #tpu.memory_space<vmem>>
      %dma_wait3A_134 = tpu.memref_squeeze %dma_wait3A_133 : memref<1x3968xi32, #tpu.memory_space<vmem>> -> memref<3968xi32, #tpu.memory_space<vmem>>
      %dma_wait3A_135 = tpu.memref_slice %arg6[%mul3A_2] : memref<126976xi32, #tpu.memory_space<hbm>> -> memref<3968xi32, #tpu.memory_space<hbm>>
      %dma_wait3A_136 = arith.constant 0 : i32
      %dma_wait3A_137 = tpu.memref_slice %arg10[%run_scoped3A_5, %dma_wait3A_136] : memref<6x3968xi32, #tpu.memory_space<vmem>> -> memref<1x3968xi32, #tpu.memory_space<vmem>>
      %dma_wait3A_138 = tpu.memref_squeeze %dma_wait3A_137 : memref<1x3968xi32, #tpu.memory_space<vmem>> -> memref<3968xi32, #tpu.memory_space<vmem>>
      %dma_wait3A_139 = tpu.memref_slice %arg6[%mul3A_2] : memref<126976xi32, #tpu.memory_space<hbm>> -> memref<3968xi32, #tpu.memory_space<hbm>>
      tpu.wait_dma2 semaphore(%run_scoped3A_123 : memref<!tpu.dma_semaphore, #tpu.memory_space<semaphore_mem>>) src(%dma_wait3A_139 : memref<3968xi32, #tpu.memory_space<hbm>>) dst(%dma_wait3A_138 : memref<3968xi32, #tpu.memory_space<vmem>>)
      tpu.yield
    }) : () -> ()
    %run_scoped3A_6 = arith.constant 4 : i32
    "tpu.region"() ({
      %run_scoped3A_123 = tpu.sem_alloc : memref<!tpu.dma_semaphore, #tpu.memory_space<semaphore_mem>>
      %dma_start3A_124 = arith.constant 0 : i32
      %dma_start3A_125 = tpu.memref_slice %arg10[%run_scoped3A_6, %dma_start3A_124] : memref<6x3968xi32, #tpu.memory_space<vmem>> -> memref<1x3968xi32, #tpu.memory_space<vmem>>
      %dma_start3A_126 = tpu.memref_squeeze %dma_start3A_125 : memref<1x3968xi32, #tpu.memory_space<vmem>> -> memref<3968xi32, #tpu.memory_space<vmem>>
      %dma_start3A_127 = tpu.memref_slice %arg7[%mul3A_2] : memref<126976xi32, #tpu.memory_space<hbm>> -> memref<3968xi32, #tpu.memory_space<hbm>>
      %dma_start3A_128 = arith.constant 0 : i32
      %dma_start3A_129 = tpu.memref_slice %arg10[%run_scoped3A_6, %dma_start3A_128] : memref<6x3968xi32, #tpu.memory_space<vmem>> -> memref<1x3968xi32, #tpu.memory_space<vmem>>
      %dma_start3A_130 = tpu.memref_squeeze %dma_start3A_129 : memref<1x3968xi32, #tpu.memory_space<vmem>> -> memref<3968xi32, #tpu.memory_space<vmem>>
      %dma_start3A_131 = tpu.memref_slice %arg7[%mul3A_2] : memref<126976xi32, #tpu.memory_space<hbm>> -> memref<3968xi32, #tpu.memory_space<hbm>>
      tpu.enqueue_dma source(%dma_start3A_131 : memref<3968xi32, #tpu.memory_space<hbm>>) target(%dma_start3A_130 : memref<3968xi32, #tpu.memory_space<vmem>>) target_semaphore(%run_scoped3A_123 : memref<!tpu.dma_semaphore, #tpu.memory_space<semaphore_mem>>)
      %dma_wait3A_132 = arith.constant 0 : i32
      %dma_wait3A_133 = tpu.memref_slice %arg10[%run_scoped3A_6, %dma_wait3A_132] : memref<6x3968xi32, #tpu.memory_space<vmem>> -> memref<1x3968xi32, #tpu.memory_space<vmem>>
      %dma_wait3A_134 = tpu.memref_squeeze %dma_wait3A_133 : memref<1x3968xi32, #tpu.memory_space<vmem>> -> memref<3968xi32, #tpu.memory_space<vmem>>
      %dma_wait3A_135 = tpu.memref_slice %arg7[%mul3A_2] : memref<126976xi32, #tpu.memory_space<hbm>> -> memref<3968xi32, #tpu.memory_space<hbm>>
      %dma_wait3A_136 = arith.constant 0 : i32
      %dma_wait3A_137 = tpu.memref_slice %arg10[%run_scoped3A_6, %dma_wait3A_136] : memref<6x3968xi32, #tpu.memory_space<vmem>> -> memref<1x3968xi32, #tpu.memory_space<vmem>>
      %dma_wait3A_138 = tpu.memref_squeeze %dma_wait3A_137 : memref<1x3968xi32, #tpu.memory_space<vmem>> -> memref<3968xi32, #tpu.memory_space<vmem>>
      %dma_wait3A_139 = tpu.memref_slice %arg7[%mul3A_2] : memref<126976xi32, #tpu.memory_space<hbm>> -> memref<3968xi32, #tpu.memory_space<hbm>>
      tpu.wait_dma2 semaphore(%run_scoped3A_123 : memref<!tpu.dma_semaphore, #tpu.memory_space<semaphore_mem>>) src(%dma_wait3A_139 : memref<3968xi32, #tpu.memory_space<hbm>>) dst(%dma_wait3A_138 : memref<3968xi32, #tpu.memory_space<vmem>>)
      tpu.yield
    }) : () -> ()
    %run_scoped3A_7 = arith.constant 5 : i32
    "tpu.region"() ({
      %run_scoped3A_123 = tpu.sem_alloc : memref<!tpu.dma_semaphore, #tpu.memory_space<semaphore_mem>>
      %dma_start3A_124 = arith.constant 0 : i32
      %dma_start3A_125 = tpu.memref_slice %arg10[%run_scoped3A_7, %dma_start3A_124] : memref<6x3968xi32, #tpu.memory_space<vmem>> -> memref<1x3968xi32, #tpu.memory_space<vmem>>
      %dma_start3A_126 = tpu.memref_squeeze %dma_start3A_125 : memref<1x3968xi32, #tpu.memory_space<vmem>> -> memref<3968xi32, #tpu.memory_space<vmem>>
      %dma_start3A_127 = tpu.memref_slice %arg8[%mul3A_2] : memref<126976xi32, #tpu.memory_space<hbm>> -> memref<3968xi32, #tpu.memory_space<hbm>>
      %dma_start3A_128 = arith.constant 0 : i32
      %dma_start3A_129 = tpu.memref_slice %arg10[%run_scoped3A_7, %dma_start3A_128] : memref<6x3968xi32, #tpu.memory_space<vmem>> -> memref<1x3968xi32, #tpu.memory_space<vmem>>
      %dma_start3A_130 = tpu.memref_squeeze %dma_start3A_129 : memref<1x3968xi32, #tpu.memory_space<vmem>> -> memref<3968xi32, #tpu.memory_space<vmem>>
      %dma_start3A_131 = tpu.memref_slice %arg8[%mul3A_2] : memref<126976xi32, #tpu.memory_space<hbm>> -> memref<3968xi32, #tpu.memory_space<hbm>>
      tpu.enqueue_dma source(%dma_start3A_131 : memref<3968xi32, #tpu.memory_space<hbm>>) target(%dma_start3A_130 : memref<3968xi32, #tpu.memory_space<vmem>>) target_semaphore(%run_scoped3A_123 : memref<!tpu.dma_semaphore, #tpu.memory_space<semaphore_mem>>)
      %dma_wait3A_132 = arith.constant 0 : i32
      %dma_wait3A_133 = tpu.memref_slice %arg10[%run_scoped3A_7, %dma_wait3A_132] : memref<6x3968xi32, #tpu.memory_space<vmem>> -> memref<1x3968xi32, #tpu.memory_space<vmem>>
      %dma_wait3A_134 = tpu.memref_squeeze %dma_wait3A_133 : memref<1x3968xi32, #tpu.memory_space<vmem>> -> memref<3968xi32, #tpu.memory_space<vmem>>
      %dma_wait3A_135 = tpu.memref_slice %arg8[%mul3A_2] : memref<126976xi32, #tpu.memory_space<hbm>> -> memref<3968xi32, #tpu.memory_space<hbm>>
      %dma_wait3A_136 = arith.constant 0 : i32
      %dma_wait3A_137 = tpu.memref_slice %arg10[%run_scoped3A_7, %dma_wait3A_136] : memref<6x3968xi32, #tpu.memory_space<vmem>> -> memref<1x3968xi32, #tpu.memory_space<vmem>>
      %dma_wait3A_138 = tpu.memref_squeeze %dma_wait3A_137 : memref<1x3968xi32, #tpu.memory_space<vmem>> -> memref<3968xi32, #tpu.memory_space<vmem>>
      %dma_wait3A_139 = tpu.memref_slice %arg8[%mul3A_2] : memref<126976xi32, #tpu.memory_space<hbm>> -> memref<3968xi32, #tpu.memory_space<hbm>>
      tpu.wait_dma2 semaphore(%run_scoped3A_123 : memref<!tpu.dma_semaphore, #tpu.memory_space<semaphore_mem>>) src(%dma_wait3A_139 : memref<3968xi32, #tpu.memory_space<hbm>>) dst(%dma_wait3A_138 : memref<3968xi32, #tpu.memory_space<vmem>>)
      tpu.yield
    }) : () -> ()
    %iota3A = tpu.iota {dimensions = array<i32: 0>} : vector<16xi32>
    %dma_start3A = arith.constant 2 : i32
    %dma_start3A_8 = arith.constant 0 : i32
    %dma_start3A_9 = arith.constant 0 : i32
    %dma_start3A_10 = arith.constant 0 : i32
    %dma_start3A_11 = tpu.memref_slice %arg11[%dma_start3A_8, %dma_start3A_9, %dma_start3A_10] : memref<2x2x64xi32, #tpu.memory_space<vmem>> -> memref<1x1x64xi32, #tpu.memory_space<vmem>>
    %dma_start3A_12 = tpu.memref_squeeze %dma_start3A_11 : memref<1x1x64xi32, #tpu.memory_space<vmem>> -> memref<64xi32, #tpu.memory_space<vmem>>
    %dma_start3A_13 = arith.constant 0 : i32
    %dma_start3A_14 = tpu.memref_slice %arg10[%dma_start3A, %dma_start3A_13] : memref<6x3968xi32, #tpu.memory_space<vmem>> -> memref<1x64xi32, #tpu.memory_space<vmem>>
    %dma_start3A_15 = tpu.memref_squeeze %dma_start3A_14 : memref<1x64xi32, #tpu.memory_space<vmem>> -> memref<64xi32, #tpu.memory_space<vmem>>
    %dma_start3A_16 = arith.constant 0 : i32
    %dma_start3A_17 = tpu.memref_slice %arg3[%dma_start3A_16] : memref<126976xi32, #tpu.memory_space<hbm>> -> memref<126976xi32, #tpu.memory_space<hbm>>
    tpu.enqueue_indirect_dma source(%dma_start3A_17 : memref<126976xi32, #tpu.memory_space<hbm>>) target(%dma_start3A_12 : memref<64xi32, #tpu.memory_space<vmem>>) offsets(%dma_start3A_15 : memref<64xi32, #tpu.memory_space<vmem>>) semaphore(%arg17 : memref<!tpu.dma_semaphore, #tpu.memory_space<semaphore_mem>>)
    %dma_start3A_18 = arith.constant 4 : i32
    %dma_start3A_19 = arith.constant 0 : i32
    %dma_start3A_20 = arith.constant 1 : i32
    %dma_start3A_21 = arith.constant 0 : i32
    %dma_start3A_22 = tpu.memref_slice %arg11[%dma_start3A_19, %dma_start3A_20, %dma_start3A_21] : memref<2x2x64xi32, #tpu.memory_space<vmem>> -> memref<1x1x64xi32, #tpu.memory_space<vmem>>
    %dma_start3A_23 = tpu.memref_squeeze %dma_start3A_22 : memref<1x1x64xi32, #tpu.memory_space<vmem>> -> memref<64xi32, #tpu.memory_space<vmem>>
    %dma_start3A_24 = arith.constant 0 : i32
    %dma_start3A_25 = tpu.memref_slice %arg10[%dma_start3A_18, %dma_start3A_24] : memref<6x3968xi32, #tpu.memory_space<vmem>> -> memref<1x64xi32, #tpu.memory_space<vmem>>
    %dma_start3A_26 = tpu.memref_squeeze %dma_start3A_25 : memref<1x64xi32, #tpu.memory_space<vmem>> -> memref<64xi32, #tpu.memory_space<vmem>>
    %dma_start3A_27 = arith.constant 0 : i32
    %dma_start3A_28 = tpu.memref_slice %arg3[%dma_start3A_27] : memref<126976xi32, #tpu.memory_space<hbm>> -> memref<126976xi32, #tpu.memory_space<hbm>>
    tpu.enqueue_indirect_dma source(%dma_start3A_28 : memref<126976xi32, #tpu.memory_space<hbm>>) target(%dma_start3A_23 : memref<64xi32, #tpu.memory_space<vmem>>) offsets(%dma_start3A_26 : memref<64xi32, #tpu.memory_space<vmem>>) semaphore(%arg17 : memref<!tpu.dma_semaphore, #tpu.memory_space<semaphore_mem>>)
    %dma_wait3A = arith.constant 2 : i32
    %dma_wait3A_29 = arith.constant 0 : i32
    %dma_wait3A_30 = arith.constant 0 : i32
    %dma_wait3A_31 = arith.constant 0 : i32
    %dma_wait3A_32 = tpu.memref_slice %arg11[%dma_wait3A_29, %dma_wait3A_30, %dma_wait3A_31] : memref<2x2x64xi32, #tpu.memory_space<vmem>> -> memref<1x1x64xi32, #tpu.memory_space<vmem>>
    %dma_wait3A_33 = tpu.memref_squeeze %dma_wait3A_32 : memref<1x1x64xi32, #tpu.memory_space<vmem>> -> memref<64xi32, #tpu.memory_space<vmem>>
    %dma_wait3A_34 = arith.constant 0 : i32
    %dma_wait3A_35 = tpu.memref_slice %arg10[%dma_wait3A, %dma_wait3A_34] : memref<6x3968xi32, #tpu.memory_space<vmem>> -> memref<1x64xi32, #tpu.memory_space<vmem>>
    %dma_wait3A_36 = tpu.memref_squeeze %dma_wait3A_35 : memref<1x64xi32, #tpu.memory_space<vmem>> -> memref<64xi32, #tpu.memory_space<vmem>>
    %dma_wait3A_37 = arith.constant 0 : i32
    %dma_wait3A_38 = tpu.memref_slice %arg3[%dma_wait3A_37] : memref<126976xi32, #tpu.memory_space<hbm>> -> memref<126976xi32, #tpu.memory_space<hbm>>
    tpu.wait_indirect_dma semaphore(%arg17 : memref<!tpu.dma_semaphore, #tpu.memory_space<semaphore_mem>>) src(%dma_wait3A_38 : memref<126976xi32, #tpu.memory_space<hbm>>) dst(%dma_wait3A_33 : memref<64xi32, #tpu.memory_space<vmem>>)
    %dma_wait3A_39 = arith.constant 4 : i32
    %dma_wait3A_40 = arith.constant 0 : i32
    %dma_wait3A_41 = arith.constant 1 : i32
    %dma_wait3A_42 = arith.constant 0 : i32
    %dma_wait3A_43 = tpu.memref_slice %arg11[%dma_wait3A_40, %dma_wait3A_41, %dma_wait3A_42] : memref<2x2x64xi32, #tpu.memory_space<vmem>> -> memref<1x1x64xi32, #tpu.memory_space<vmem>>
    %dma_wait3A_44 = tpu.memref_squeeze %dma_wait3A_43 : memref<1x1x64xi32, #tpu.memory_space<vmem>> -> memref<64xi32, #tpu.memory_space<vmem>>
    %dma_wait3A_45 = arith.constant 0 : i32
    %dma_wait3A_46 = tpu.memref_slice %arg10[%dma_wait3A_39, %dma_wait3A_45] : memref<6x3968xi32, #tpu.memory_space<vmem>> -> memref<1x64xi32, #tpu.memory_space<vmem>>
    %dma_wait3A_47 = tpu.memref_squeeze %dma_wait3A_46 : memref<1x64xi32, #tpu.memory_space<vmem>> -> memref<64xi32, #tpu.memory_space<vmem>>
    %dma_wait3A_48 = arith.constant 0 : i32
    %dma_wait3A_49 = tpu.memref_slice %arg3[%dma_wait3A_48] : memref<126976xi32, #tpu.memory_space<hbm>> -> memref<126976xi32, #tpu.memory_space<hbm>>
    tpu.wait_indirect_dma semaphore(%arg17 : memref<!tpu.dma_semaphore, #tpu.memory_space<semaphore_mem>>) src(%dma_wait3A_49 : memref<126976xi32, #tpu.memory_space<hbm>>) dst(%dma_wait3A_44 : memref<64xi32, #tpu.memory_space<vmem>>)
    %scan3A = arith.constant 0 : i32
    %scan3A_50 = arith.constant 4 : i32
    %scan3A_51 = arith.addi %scan3A, %scan3A_50 : i32
    %scan3A_52 = arith.constant 1 : i32
    scf.for %scan3A_123 = %scan3A to %scan3A_51 step %scan3A_52  : i32 {
      %mul3A_124 = arith.constant 16 : i32
      %mul3A_125 = arith.muli %scan3A_123, %mul3A_124 : i32
      %add3A_126 = arith.constant 0 : i32
      %add3A_127 = arith.addi %add3A_126, %mul3A_125 : i32
      %mul3A_128 = arith.constant 16 : i32
      %mul3A_129 = arith.muli %scan3A_123, %mul3A_128 : i32
      %get3A = arith.constant 5 : i32
      %get3A_130 = arith.index_cast %get3A : i32 to index
      %get3A_131 = arith.index_cast %add3A_127 : i32 to index
      %get3A_132 = tpu.vector_load %arg10[%get3A_130, %get3A_131] {strides = array<i32>} : memref<6x3968xi32, #tpu.memory_space<vmem>>, vector<1x16xi32>,
      %get3A_133 = vector.shape_cast %get3A_132 : vector<1x16xi32> to vector<16xi32>
      %get3A_134 = arith.constant 0 : i32
      %get3A_135 = arith.index_cast %get3A_134 : i32 to index
      %get3A_136 = arith.index_cast %add3A_127 : i32 to index
      %get3A_137 = tpu.vector_load %arg10[%get3A_135, %get3A_136] {strides = array<i32>} : memref<6x3968xi32, #tpu.memory_space<vmem>>, vector<1x16xi32>,
      %get3A_138 = vector.shape_cast %get3A_137 : vector<1x16xi32> to vector<16xi32>
      %add3A_139 = arith.constant 0 : i32
      %add3A_140 = arith.addi %mul3A_2, %add3A_139 : i32
      %mul3A_141 = arith.constant 16 : i32
      %mul3A_142 = arith.muli %scan3A_123, %mul3A_141 : i32
      %add3A_143 = arith.addi %add3A_140, %mul3A_142 : i32
      %add3A_144 = vector.broadcast %add3A_143 : i32 to vector<16xi32>
      %add3A_145 = arith.addi %add3A_144, %iota3A : vector<16xi32>
      %rem3A = arith.constant 10000 : i32
      %rem3A_146 = vector.broadcast %rem3A : i32 to vector<16xi32>
      %rem3A_147 = arith.remsi %add3A_145, %rem3A_146 : vector<16xi32>
      %add3A_148 = arith.constant 80000 : i32
      %add3A_149 = vector.broadcast %add3A_148 : i32 to vector<16xi32>
      %add3A_150 = arith.addi %add3A_149, %rem3A_147 : vector<16xi32>
      %eq3A = arith.constant 0 : i32
      %eq3A_151 = vector.broadcast %eq3A : i32 to vector<16xi32>
      %eq3A_152 = arith.cmpi eq, %get3A_133, %eq3A_151 : vector<16xi32>
      %eq3A_153 = arith.constant 1 : i32
      %eq3A_154 = vector.broadcast %eq3A_153 : i32 to vector<16xi32>
      %eq3A_155 = arith.cmpi eq, %get3A_133, %eq3A_154 : vector<16xi32>
      %eq3A_156 = arith.constant 2 : i32
      %eq3A_157 = vector.broadcast %eq3A_156 : i32 to vector<16xi32>
      %eq3A_158 = arith.cmpi eq, %get3A_133, %eq3A_157 : vector<16xi32>
      %jit3A = arith.constant 20000 : i32
      %jit3A_159 = arith.constant 50000 : i32
      %broadcast_in_dim3A = vector.broadcast %jit3A : i32 to vector<16xi32>
      %broadcast_in_dim3A_160 = vector.broadcast %jit3A_159 : i32 to vector<16xi32>
      %select_n3A = arith.select %eq3A_158, %broadcast_in_dim3A, %broadcast_in_dim3A_160 : vector<16xi1>, vector<16xi32>
      %jit3A_161 = arith.constant 10000 : i32
      %broadcast_in_dim3A_162 = vector.broadcast %jit3A_161 : i32 to vector<16xi32>
      %select_n3A_163 = arith.select %eq3A_155, %broadcast_in_dim3A_162, %select_n3A : vector<16xi1>, vector<16xi32>
      %jit3A_164 = arith.constant 0 : i32
      %broadcast_in_dim3A_165 = vector.broadcast %jit3A_164 : i32 to vector<16xi32>
      %select_n3A_166 = arith.select %eq3A_152, %broadcast_in_dim3A_165, %select_n3A_163 : vector<16xi1>, vector<16xi32>
      %add3A_167 = arith.addi %select_n3A_166, %get3A_138 : vector<16xi32>
      %swap3A = arith.constant 0 : i32
      %swap3A_168 = arith.constant 0 : i32
      %swap3A_169 = arith.index_cast %swap3A : i32 to index
      %swap3A_170 = arith.index_cast %swap3A_168 : i32 to index
      %swap3A_171 = arith.index_cast %mul3A_129 : i32 to index
      %swap3A_172 = tpu.vector_load %arg12[%swap3A_169, %swap3A_170, %swap3A_171] {strides = array<i32>} : memref<2x3x64xi32, #tpu.memory_space<vmem>>, vector<1x1x16xi32>,
      %swap3A_173 = vector.shape_cast %swap3A_172 : vector<1x1x16xi32> to vector<16xi32>
      %swap3A_174 = vector.shape_cast %add3A_167 : vector<16xi32> to vector<1x1x16xi32>
      tpu.vector_store %arg12[%swap3A_169, %swap3A_170, %swap3A_171], %swap3A_174 {strides = array<i32>} : memref<2x3x64xi32, #tpu.memory_space<vmem>>, vector<1x1x16xi32>,
      %get3A_175 = arith.constant 1 : i32
      %get3A_176 = arith.index_cast %get3A_175 : i32 to index
      %get3A_177 = arith.index_cast %add3A_127 : i32 to index
      %get3A_178 = tpu.vector_load %arg10[%get3A_176, %get3A_177] {strides = array<i32>} : memref<6x3968xi32, #tpu.memory_space<vmem>>, vector<1x16xi32>,
      %get3A_179 = vector.shape_cast %get3A_178 : vector<1x16xi32> to vector<16xi32>
      %get3A_180 = arith.constant 0 : i32
      %get3A_181 = arith.constant 0 : i32
      %get3A_182 = arith.index_cast %get3A_180 : i32 to index
      %get3A_183 = arith.index_cast %get3A_181 : i32 to index
      %get3A_184 = arith.index_cast %mul3A_129 : i32 to index
      %get3A_185 = tpu.vector_load %arg11[%get3A_182, %get3A_183, %get3A_184] {strides = array<i32>} : memref<2x2x64xi32, #tpu.memory_space<vmem>>, vector<1x1x16xi32>,
      %get3A_186 = vector.shape_cast %get3A_185 : vector<1x1x16xi32> to vector<16xi32>
      %ge3A = arith.constant 0 : i32
      %ge3A_187 = vector.broadcast %ge3A : i32 to vector<16xi32>
      %ge3A_188 = arith.cmpi sge, %get3A_179, %ge3A_187 : vector<16xi32>
      %ge3A_189 = arith.constant 2 : i32
      %ge3A_190 = vector.broadcast %ge3A_189 : i32 to vector<16xi32>
      %ge3A_191 = arith.cmpi sge, %get3A_133, %ge3A_190 : vector<16xi32>
      %and3A = arith.andi %ge3A_188, %ge3A_191 : vector<16xi1>
      %eq3A_192 = arith.constant 2 : i32
      %eq3A_193 = vector.broadcast %eq3A_192 : i32 to vector<16xi32>
      %eq3A_194 = arith.cmpi eq, %get3A_133, %eq3A_193 : vector<16xi32>
      %jit3A_195 = arith.constant 30000 : i32
      %jit3A_196 = arith.constant 60000 : i32
      %broadcast_in_dim3A_197 = vector.broadcast %jit3A_195 : i32 to vector<16xi32>
      %broadcast_in_dim3A_198 = vector.broadcast %jit3A_196 : i32 to vector<16xi32>
      %select_n3A_199 = arith.select %eq3A_194, %broadcast_in_dim3A_197, %broadcast_in_dim3A_198 : vector<16xi1>, vector<16xi32>
      %add3A_200 = arith.addi %select_n3A_199, %get3A_186 : vector<16xi32>
      %select_n3A_201 = arith.select %and3A, %add3A_200, %add3A_150 : vector<16xi1>, vector<16xi32>
      %swap3A_202 = arith.constant 0 : i32
      %swap3A_203 = arith.constant 1 : i32
      %swap3A_204 = arith.index_cast %swap3A_202 : i32 to index
      %swap3A_205 = arith.index_cast %swap3A_203 : i32 to index
      %swap3A_206 = arith.index_cast %mul3A_129 : i32 to index
      %swap3A_207 = tpu.vector_load %arg12[%swap3A_204, %swap3A_205, %swap3A_206] {strides = array<i32>} : memref<2x3x64xi32, #tpu.memory_space<vmem>>, vector<1x1x16xi32>,
      %swap3A_208 = vector.shape_cast %swap3A_207 : vector<1x1x16xi32> to vector<16xi32>
      %swap3A_209 = vector.shape_cast %select_n3A_201 : vector<16xi32> to vector<1x1x16xi32>
      tpu.vector_store %arg12[%swap3A_204, %swap3A_205, %swap3A_206], %swap3A_209 {strides = array<i32>} : memref<2x3x64xi32, #tpu.memory_space<vmem>>, vector<1x1x16xi32>,
      %get3A_210 = arith.constant 3 : i32
      %get3A_211 = arith.index_cast %get3A_210 : i32 to index
      %get3A_212 = arith.index_cast %add3A_127 : i32 to index
      %get3A_213 = tpu.vector_load %arg10[%get3A_211, %get3A_212] {strides = array<i32>} : memref<6x3968xi32, #tpu.memory_space<vmem>>, vector<1x16xi32>,
      %get3A_214 = vector.shape_cast %get3A_213 : vector<1x16xi32> to vector<16xi32>
      %get3A_215 = arith.constant 0 : i32
      %get3A_216 = arith.constant 1 : i32
      %get3A_217 = arith.index_cast %get3A_215 : i32 to index
      %get3A_218 = arith.index_cast %get3A_216 : i32 to index
      %get3A_219 = arith.index_cast %mul3A_129 : i32 to index
      %get3A_220 = tpu.vector_load %arg11[%get3A_217, %get3A_218, %get3A_219] {strides = array<i32>} : memref<2x2x64xi32, #tpu.memory_space<vmem>>, vector<1x1x16xi32>,
      %get3A_221 = vector.shape_cast %get3A_220 : vector<1x1x16xi32> to vector<16xi32>
      %ge3A_222 = arith.constant 0 : i32
      %ge3A_223 = vector.broadcast %ge3A_222 : i32 to vector<16xi32>
      %ge3A_224 = arith.cmpi sge, %get3A_214, %ge3A_223 : vector<16xi32>
      %ge3A_225 = arith.constant 2 : i32
      %ge3A_226 = vector.broadcast %ge3A_225 : i32 to vector<16xi32>
      %ge3A_227 = arith.cmpi sge, %get3A_133, %ge3A_226 : vector<16xi32>
      %and3A_228 = arith.andi %ge3A_224, %ge3A_227 : vector<16xi1>
      %eq3A_229 = arith.constant 2 : i32
      %eq3A_230 = vector.broadcast %eq3A_229 : i32 to vector<16xi32>
      %eq3A_231 = arith.cmpi eq, %get3A_133, %eq3A_230 : vector<16xi32>
      %jit3A_232 = arith.constant 40000 : i32
      %jit3A_233 = arith.constant 70000 : i32
      %broadcast_in_dim3A_234 = vector.broadcast %jit3A_232 : i32 to vector<16xi32>
      %broadcast_in_dim3A_235 = vector.broadcast %jit3A_233 : i32 to vector<16xi32>
      %select_n3A_236 = arith.select %eq3A_231, %broadcast_in_dim3A_234, %broadcast_in_dim3A_235 : vector<16xi1>, vector<16xi32>
      %add3A_237 = arith.addi %select_n3A_236, %get3A_221 : vector<16xi32>
      %select_n3A_238 = arith.select %and3A_228, %add3A_237, %add3A_150 : vector<16xi1>, vector<16xi32>
      %swap3A_239 = arith.constant 0 : i32
      %swap3A_240 = arith.constant 2 : i32
      %swap3A_241 = arith.index_cast %swap3A_239 : i32 to index
      %swap3A_242 = arith.index_cast %swap3A_240 : i32 to index
      %swap3A_243 = arith.index_cast %mul3A_129 : i32 to index
      %swap3A_244 = tpu.vector_load %arg12[%swap3A_241, %swap3A_242, %swap3A_243] {strides = array<i32>} : memref<2x3x64xi32, #tpu.memory_space<vmem>>, vector<1x1x16xi32>,
      %swap3A_245 = vector.shape_cast %swap3A_244 : vector<1x1x16xi32> to vector<16xi32>
      %swap3A_246 = vector.shape_cast %select_n3A_238 : vector<16xi32> to vector<1x1x16xi32>
      tpu.vector_store %arg12[%swap3A_241, %swap3A_242, %swap3A_243], %swap3A_246 {strides = array<i32>} : memref<2x3x64xi32, #tpu.memory_space<vmem>>, vector<1x1x16xi32>,
    }
    %scan3A_53 = arith.constant 4 : i32
    %dma_start3A_54 = arith.constant 0 : i32
    %dma_start3A_55 = arith.constant 0 : i32
    %dma_start3A_56 = arith.constant 0 : i32
    %dma_start3A_57 = arith.constant 0 : i32
    %dma_start3A_58 = arith.constant 0 : i32
    %dma_start3A_59 = arith.constant 0 : i32
    %dma_start3A_60 = tpu.memref_slice %arg13[%dma_start3A_56, %dma_start3A_57, %dma_start3A_58, %dma_start3A_59] : memref<2x3x64x128xf32, #tpu.memory_space<vmem>> -> memref<1x1x64x128xf32, #tpu.memory_space<vmem>>
    %dma_start3A_61 = tpu.memref_squeeze %dma_start3A_60 : memref<1x1x64x128xf32, #tpu.memory_space<vmem>> -> memref<64x128xf32, #tpu.memory_space<vmem>>
    %dma_start3A_62 = arith.constant 0 : i32
    %dma_start3A_63 = tpu.memref_slice %arg12[%dma_start3A_54, %dma_start3A_55, %dma_start3A_62] : memref<2x3x64xi32, #tpu.memory_space<vmem>> -> memref<1x1x64xi32, #tpu.memory_space<vmem>>
    %dma_start3A_64 = tpu.memref_squeeze %dma_start3A_63 : memref<1x1x64xi32, #tpu.memory_space<vmem>> -> memref<64xi32, #tpu.memory_space<vmem>>
    %dma_start3A_65 = arith.constant 0 : i32
    %dma_start3A_66 = arith.constant 0 : i32
    %dma_start3A_67 = tpu.memref_slice %arg2[%dma_start3A_65, %dma_start3A_66] : memref<90000x128xf32, #tpu.memory_space<hbm>> -> memref<90000x128xf32, #tpu.memory_space<hbm>>
    tpu.enqueue_indirect_dma source(%dma_start3A_67 : memref<90000x128xf32, #tpu.memory_space<hbm>>) target(%dma_start3A_61 : memref<64x128xf32, #tpu.memory_space<vmem>>) offsets(%dma_start3A_64 : memref<64xi32, #tpu.memory_space<vmem>>) semaphore(%arg15 : memref<!tpu.dma_semaphore, #tpu.memory_space<semaphore_mem>>)
    %dma_start3A_68 = arith.constant 0 : i32
    %dma_start3A_69 = arith.constant 1 : i32
    %dma_start3A_70 = arith.constant 0 : i32
    %dma_start3A_71 = arith.constant 1 : i32
    %dma_start3A_72 = arith.constant 0 : i32
    %dma_start3A_73 = arith.constant 0 : i32
    %dma_start3A_74 = tpu.memref_slice %arg13[%dma_start3A_70, %dma_start3A_71, %dma_start3A_72, %dma_start3A_73] : memref<2x3x64x128xf32, #tpu.memory_space<vmem>> -> memref<1x1x64x128xf32, #tpu.memory_space<vmem>>
    %dma_start3A_75 = tpu.memref_squeeze %dma_start3A_74 : memref<1x1x64x128xf32, #tpu.memory_space<vmem>> -> memref<64x128xf32, #tpu.memory_space<vmem>>
    %dma_start3A_76 = arith.constant 0 : i32
    %dma_start3A_77 = tpu.memref_slice %arg12[%dma_start3A_68, %dma_start3A_69, %dma_start3A_76] : memref<2x3x64xi32, #tpu.memory_space<vmem>> -> memref<1x1x64xi32, #tpu.memory_space<vmem>>
    %dma_start3A_78 = tpu.memref_squeeze %dma_start3A_77 : memref<1x1x64xi32, #tpu.memory_space<vmem>> -> memref<64xi32, #tpu.memory_space<vmem>>
    %dma_start3A_79 = arith.constant 0 : i32
    %dma_start3A_80 = arith.constant 0 : i32
    %dma_start3A_81 = tpu.memref_slice %arg2[%dma_start3A_79, %dma_start3A_80] : memref<90000x128xf32, #tpu.memory_space<hbm>> -> memref<90000x128xf32, #tpu.memory_space<hbm>>
    tpu.enqueue_indirect_dma source(%dma_start3A_81 : memref<90000x128xf32, #tpu.memory_space<hbm>>) target(%dma_start3A_75 : memref<64x128xf32, #tpu.memory_space<vmem>>) offsets(%dma_start3A_78 : memref<64xi32, #tpu.memory_space<vmem>>) semaphore(%arg15 : memref<!tpu.dma_semaphore, #tpu.memory_space<semaphore_mem>>)
    %dma_start3A_82 = arith.constant 0 : i32
    %dma_start3A_83 = arith.constant 2 : i32
    %dma_start3A_84 = arith.constant 0 : i32
    %dma_start3A_85 = arith.constant 2 : i32
    %dma_start3A_86 = arith.constant 0 : i32
    %dma_start3A_87 = arith.constant 0 : i32
    %dma_start3A_88 = tpu.memref_slice %arg13[%dma_start3A_84, %dma_start3A_85, %dma_start3A_86, %dma_start3A_87] : memref<2x3x64x128xf32, #tpu.memory_space<vmem>> -> memref<1x1x64x128xf32, #tpu.memory_space<vmem>>
    %dma_start3A_89 = tpu.memref_squeeze %dma_start3A_88 : memref<1x1x64x128xf32, #tpu.memory_space<vmem>> -> memref<64x128xf32, #tpu.memory_space<vmem>>
    %dma_start3A_90 = arith.constant 0 : i32
    %dma_start3A_91 = tpu.memref_slice %arg12[%dma_start3A_82, %dma_start3A_83, %dma_start3A_90] : memref<2x3x64xi32, #tpu.memory_space<vmem>> -> memref<1x1x64xi32, #tpu.memory_space<vmem>>
    %dma_start3A_92 = tpu.memref_squeeze %dma_start3A_91 : memref<1x1x64xi32, #tpu.memory_space<vmem>> -> memref<64xi32, #tpu.memory_space<vmem>>
    %dma_start3A_93 = arith.constant 0 : i32
    %dma_start3A_94 = arith.constant 0 : i32
    %dma_start3A_95 = tpu.memref_slice %arg2[%dma_start3A_93, %dma_start3A_94] : memref<90000x128xf32, #tpu.memory_space<hbm>> -> memref<90000x128xf32, #tpu.memory_space<hbm>>
    tpu.enqueue_indirect_dma source(%dma_start3A_95 : memref<90000x128xf32, #tpu.memory_space<hbm>>) target(%dma_start3A_89 : memref<64x128xf32, #tpu.memory_space<vmem>>) offsets(%dma_start3A_92 : memref<64xi32, #tpu.memory_space<vmem>>) semaphore(%arg15 : memref<!tpu.dma_semaphore, #tpu.memory_space<semaphore_mem>>)
    %dma_start3A_96 = arith.constant 2 : i32
    %dma_start3A_97 = arith.constant 1 : i32
    %dma_start3A_98 = arith.constant 0 : i32
    %dma_start3A_99 = arith.constant 0 : i32
    %dma_start3A_100 = tpu.memref_slice %arg11[%dma_start3A_97, %dma_start3A_98, %dma_start3A_99] : memref<2x2x64xi32, #tpu.memory_space<vmem>> -> memref<1x1x64xi32, #tpu.memory_space<vmem>>
    %dma_start3A_101 = tpu.memref_squeeze %dma_start3A_100 : memref<1x1x64xi32, #tpu.memory_space<vmem>> -> memref<64xi32, #tpu.memory_space<vmem>>
    %dma_start3A_102 = arith.constant 64 : i32
    %dma_start3A_103 = tpu.memref_slice %arg10[%dma_start3A_96, %dma_start3A_102] : memref<6x3968xi32, #tpu.memory_space<vmem>> -> memref<1x64xi32, #tpu.memory_space<vmem>>
    %dma_start3A_104 = tpu.memref_squeeze %dma_start3A_103 : memref<1x64xi32, #tpu.memory_space<vmem>> -> memref<64xi32, #tpu.memory_space<vmem>>
    %dma_start3A_105 = arith.constant 0 : i32
    %dma_start3A_106 = tpu.memref_slice %arg3[%dma_start3A_105] : memref<126976xi32, #tpu.memory_space<hbm>> -> memref<126976xi32, #tpu.memory_space<hbm>>
    tpu.enqueue_indirect_dma source(%dma_start3A_106 : memref<126976xi32, #tpu.memory_space<hbm>>) target(%dma_start3A_101 : memref<64xi32, #tpu.memory_space<vmem>>) offsets(%dma_start3A_104 : memref<64xi32, #tpu.memory_space<vmem>>) semaphore(%arg18 : memref<!tpu.dma_semaphore, #tpu.memory_space<semaphore_mem>>)
    %dma_start3A_107 = arith.constant 4 : i32
    %dma_start3A_108 = arith.constant 1 : i32
    %dma_start3A_109 = arith.constant 1 : i32
    %dma_start3A_110 = arith.constant 0 : i32
    %dma_start3A_111 = tpu.memref_slice %arg11[%dma_start3A_108, %dma_start3A_109, %dma_start3A_110] : memref<2x2x64xi32, #tpu.memory_space<vmem>> -> memref<1x1x64xi32, #tpu.memory_space<vmem>>
    %dma_start3A_112 = tpu.memref_squeeze %dma_start3A_111 : memref<1x1x64xi32, #tpu.memory_space<vmem>> -> memref<64xi32, #tpu.memory_space<vmem>>
    %dma_start3A_113 = arith.constant 64 : i32
    %dma_start3A_114 = tpu.memref_slice %arg10[%dma_start3A_107, %dma_start3A_113] : memref<6x3968xi32, #tpu.memory_space<vmem>> -> memref<1x64xi32, #tpu.memory_space<vmem>>
    %dma_start3A_115 = tpu.memref_squeeze %dma_start3A_114 : memref<1x64xi32, #tpu.memory_space<vmem>> -> memref<64xi32, #tpu.memory_space<vmem>>
    %dma_start3A_116 = arith.constant 0 : i32
    %dma_start3A_117 = tpu.memref_slice %arg3[%dma_start3A_116] : memref<126976xi32, #tpu.memory_space<hbm>> -> memref<126976xi32, #tpu.memory_space<hbm>>
    tpu.enqueue_indirect_dma source(%dma_start3A_117 : memref<126976xi32, #tpu.memory_space<hbm>>) target(%dma_start3A_112 : memref<64xi32, #tpu.memory_space<vmem>>) offsets(%dma_start3A_115 : memref<64xi32, #tpu.memory_space<vmem>>) semaphore(%arg18 : memref<!tpu.dma_semaphore, #tpu.memory_space<semaphore_mem>>)
    %scan3A_118 = arith.constant 0 : i32
    %scan3A_119 = arith.constant 31 : i32
    %scan3A_120 = arith.addi %scan3A_118, %scan3A_119 : i32
    %scan3A_121 = arith.constant 1 : i32
    scf.for %scan3A_123 = %scan3A_118 to %scan3A_120 step %scan3A_121  : i32 {
      %mul3A_124 = arith.constant 2 : i32
      %mul3A_125 = arith.muli %mul3A_124, %scan3A_123 : i32
      %mul3A_126 = arith.constant 64 : i32
      %mul3A_127 = arith.muli %mul3A_125, %mul3A_126 : i32
      %add3A_128 = arith.constant 64 : i32
      %add3A_129 = arith.addi %mul3A_127, %add3A_128 : i32
      %dma_wait3A_130 = arith.constant 2 : i32
      %dma_wait3A_131 = arith.constant 1 : i32
      %dma_wait3A_132 = arith.constant 0 : i32
      %dma_wait3A_133 = arith.constant 0 : i32
      %dma_wait3A_134 = tpu.memref_slice %arg11[%dma_wait3A_131, %dma_wait3A_132, %dma_wait3A_133] : memref<2x2x64xi32, #tpu.memory_space<vmem>> -> memref<1x1x64xi32, #tpu.memory_space<vmem>>
      %dma_wait3A_135 = tpu.memref_squeeze %dma_wait3A_134 : memref<1x1x64xi32, #tpu.memory_space<vmem>> -> memref<64xi32, #tpu.memory_space<vmem>>
      %dma_wait3A_136 = tpu.memref_slice %arg10[%dma_wait3A_130, %add3A_129] : memref<6x3968xi32, #tpu.memory_space<vmem>> -> memref<1x64xi32, #tpu.memory_space<vmem>>
      %dma_wait3A_137 = tpu.memref_squeeze %dma_wait3A_136 : memref<1x64xi32, #tpu.memory_space<vmem>> -> memref<64xi32, #tpu.memory_space<vmem>>
      %dma_wait3A_138 = arith.constant 0 : i32
      %dma_wait3A_139 = tpu.memref_slice %arg3[%dma_wait3A_138] : memref<126976xi32, #tpu.memory_space<hbm>> -> memref<126976xi32, #tpu.memory_space<hbm>>
      tpu.wait_indirect_dma semaphore(%arg18 : memref<!tpu.dma_semaphore, #tpu.memory_space<semaphore_mem>>) src(%dma_wait3A_139 : memref<126976xi32, #tpu.memory_space<hbm>>) dst(%dma_wait3A_135 : memref<64xi32, #tpu.memory_space<vmem>>)
      %dma_wait3A_140 = arith.constant 4 : i32
      %dma_wait3A_141 = arith.constant 1 : i32
      %dma_wait3A_142 = arith.constant 1 : i32
      %dma_wait3A_143 = arith.constant 0 : i32
      %dma_wait3A_144 = tpu.memref_slice %arg11[%dma_wait3A_141, %dma_wait3A_142, %dma_wait3A_143] : memref<2x2x64xi32, #tpu.memory_space<vmem>> -> memref<1x1x64xi32, #tpu.memory_space<vmem>>
      %dma_wait3A_145 = tpu.memref_squeeze %dma_wait3A_144 : memref<1x1x64xi32, #tpu.memory_space<vmem>> -> memref<64xi32, #tpu.memory_space<vmem>>
      %dma_wait3A_146 = tpu.memref_slice %arg10[%dma_wait3A_140, %add3A_129] : memref<6x3968xi32, #tpu.memory_space<vmem>> -> memref<1x64xi32, #tpu.memory_space<vmem>>
      %dma_wait3A_147 = tpu.memref_squeeze %dma_wait3A_146 : memref<1x64xi32, #tpu.memory_space<vmem>> -> memref<64xi32, #tpu.memory_space<vmem>>
      %dma_wait3A_148 = arith.constant 0 : i32
      %dma_wait3A_149 = tpu.memref_slice %arg3[%dma_wait3A_148] : memref<126976xi32, #tpu.memory_space<hbm>> -> memref<126976xi32, #tpu.memory_space<hbm>>
      tpu.wait_indirect_dma semaphore(%arg18 : memref<!tpu.dma_semaphore, #tpu.memory_space<semaphore_mem>>) src(%dma_wait3A_149 : memref<126976xi32, #tpu.memory_space<hbm>>) dst(%dma_wait3A_145 : memref<64xi32, #tpu.memory_space<vmem>>)
      %add3A_150 = arith.constant 64 : i32
      %add3A_151 = arith.addi %mul3A_127, %add3A_150 : i32
      %scan3A_152 = arith.constant 0 : i32
      %scan3A_153 = arith.constant 4 : i32
      %scan3A_154 = arith.addi %scan3A_152, %scan3A_153 : i32
      %scan3A_155 = arith.constant 1 : i32
      scf.for %scan3A_309 = %scan3A_152 to %scan3A_154 step %scan3A_155  : i32 {
        %mul3A_310 = arith.constant 16 : i32
        %mul3A_311 = arith.muli %scan3A_309, %mul3A_310 : i32
        %add3A_312 = arith.addi %add3A_151, %mul3A_311 : i32
        %mul3A_313 = arith.constant 16 : i32
        %mul3A_314 = arith.muli %scan3A_309, %mul3A_313 : i32
        %get3A = arith.constant 5 : i32
        %get3A_315 = arith.index_cast %get3A : i32 to index
        %get3A_316 = arith.index_cast %add3A_312 : i32 to index
        %get3A_317 = tpu.vector_load %arg10[%get3A_315, %get3A_316] {strides = array<i32>} : memref<6x3968xi32, #tpu.memory_space<vmem>>, vector<1x16xi32>,
        %get3A_318 = vector.shape_cast %get3A_317 : vector<1x16xi32> to vector<16xi32>
        %get3A_319 = arith.constant 0 : i32
        %get3A_320 = arith.index_cast %get3A_319 : i32 to index
        %get3A_321 = arith.index_cast %add3A_312 : i32 to index
        %get3A_322 = tpu.vector_load %arg10[%get3A_320, %get3A_321] {strides = array<i32>} : memref<6x3968xi32, #tpu.memory_space<vmem>>, vector<1x16xi32>,
        %get3A_323 = vector.shape_cast %get3A_322 : vector<1x16xi32> to vector<16xi32>
        %add3A_324 = arith.addi %mul3A_2, %add3A_151 : i32
        %mul3A_325 = arith.constant 16 : i32
        %mul3A_326 = arith.muli %scan3A_309, %mul3A_325 : i32
        %add3A_327 = arith.addi %add3A_324, %mul3A_326 : i32
        %add3A_328 = vector.broadcast %add3A_327 : i32 to vector<16xi32>
        %add3A_329 = arith.addi %add3A_328, %iota3A : vector<16xi32>
        %rem3A = arith.constant 10000 : i32
        %rem3A_330 = vector.broadcast %rem3A : i32 to vector<16xi32>
        %rem3A_331 = arith.remsi %add3A_329, %rem3A_330 : vector<16xi32>
        %add3A_332 = arith.constant 80000 : i32
        %add3A_333 = vector.broadcast %add3A_332 : i32 to vector<16xi32>
        %add3A_334 = arith.addi %add3A_333, %rem3A_331 : vector<16xi32>
        %eq3A = arith.constant 0 : i32
        %eq3A_335 = vector.broadcast %eq3A : i32 to vector<16xi32>
        %eq3A_336 = arith.cmpi eq, %get3A_318, %eq3A_335 : vector<16xi32>
        %eq3A_337 = arith.constant 1 : i32
        %eq3A_338 = vector.broadcast %eq3A_337 : i32 to vector<16xi32>
        %eq3A_339 = arith.cmpi eq, %get3A_318, %eq3A_338 : vector<16xi32>
        %eq3A_340 = arith.constant 2 : i32
        %eq3A_341 = vector.broadcast %eq3A_340 : i32 to vector<16xi32>
        %eq3A_342 = arith.cmpi eq, %get3A_318, %eq3A_341 : vector<16xi32>
        %jit3A = arith.constant 20000 : i32
        %jit3A_343 = arith.constant 50000 : i32
        %broadcast_in_dim3A = vector.broadcast %jit3A : i32 to vector<16xi32>
        %broadcast_in_dim3A_344 = vector.broadcast %jit3A_343 : i32 to vector<16xi32>
        %select_n3A = arith.select %eq3A_342, %broadcast_in_dim3A, %broadcast_in_dim3A_344 : vector<16xi1>, vector<16xi32>
        %jit3A_345 = arith.constant 10000 : i32
        %broadcast_in_dim3A_346 = vector.broadcast %jit3A_345 : i32 to vector<16xi32>
        %select_n3A_347 = arith.select %eq3A_339, %broadcast_in_dim3A_346, %select_n3A : vector<16xi1>, vector<16xi32>
        %jit3A_348 = arith.constant 0 : i32
        %broadcast_in_dim3A_349 = vector.broadcast %jit3A_348 : i32 to vector<16xi32>
        %select_n3A_350 = arith.select %eq3A_336, %broadcast_in_dim3A_349, %select_n3A_347 : vector<16xi1>, vector<16xi32>
        %add3A_351 = arith.addi %select_n3A_350, %get3A_323 : vector<16xi32>
        %swap3A = arith.constant 1 : i32
        %swap3A_352 = arith.constant 0 : i32
        %swap3A_353 = arith.index_cast %swap3A : i32 to index
        %swap3A_354 = arith.index_cast %swap3A_352 : i32 to index
        %swap3A_355 = arith.index_cast %mul3A_314 : i32 to index
        %swap3A_356 = tpu.vector_load %arg12[%swap3A_353, %swap3A_354, %swap3A_355] {strides = array<i32>} : memref<2x3x64xi32, #tpu.memory_space<vmem>>, vector<1x1x16xi32>,
        %swap3A_357 = vector.shape_cast %swap3A_356 : vector<1x1x16xi32> to vector<16xi32>
        %swap3A_358 = vector.shape_cast %add3A_351 : vector<16xi32> to vector<1x1x16xi32>
        tpu.vector_store %arg12[%swap3A_353, %swap3A_354, %swap3A_355], %swap3A_358 {strides = array<i32>} : memref<2x3x64xi32, #tpu.memory_space<vmem>>, vector<1x1x16xi32>,
        %get3A_359 = arith.constant 1 : i32
        %get3A_360 = arith.index_cast %get3A_359 : i32 to index
        %get3A_361 = arith.index_cast %add3A_312 : i32 to index
        %get3A_362 = tpu.vector_load %arg10[%get3A_360, %get3A_361] {strides = array<i32>} : memref<6x3968xi32, #tpu.memory_space<vmem>>, vector<1x16xi32>,
        %get3A_363 = vector.shape_cast %get3A_362 : vector<1x16xi32> to vector<16xi32>
        %get3A_364 = arith.constant 1 : i32
        %get3A_365 = arith.constant 0 : i32
        %get3A_366 = arith.index_cast %get3A_364 : i32 to index
        %get3A_367 = arith.index_cast %get3A_365 : i32 to index
        %get3A_368 = arith.index_cast %mul3A_314 : i32 to index
        %get3A_369 = tpu.vector_load %arg11[%get3A_366, %get3A_367, %get3A_368] {strides = array<i32>} : memref<2x2x64xi32, #tpu.memory_space<vmem>>, vector<1x1x16xi32>,
        %get3A_370 = vector.shape_cast %get3A_369 : vector<1x1x16xi32> to vector<16xi32>
        %ge3A = arith.constant 0 : i32
        %ge3A_371 = vector.broadcast %ge3A : i32 to vector<16xi32>
        %ge3A_372 = arith.cmpi sge, %get3A_363, %ge3A_371 : vector<16xi32>
        %ge3A_373 = arith.constant 2 : i32
        %ge3A_374 = vector.broadcast %ge3A_373 : i32 to vector<16xi32>
        %ge3A_375 = arith.cmpi sge, %get3A_318, %ge3A_374 : vector<16xi32>
        %and3A = arith.andi %ge3A_372, %ge3A_375 : vector<16xi1>
        %eq3A_376 = arith.constant 2 : i32
        %eq3A_377 = vector.broadcast %eq3A_376 : i32 to vector<16xi32>
        %eq3A_378 = arith.cmpi eq, %get3A_318, %eq3A_377 : vector<16xi32>
        %jit3A_379 = arith.constant 30000 : i32
        %jit3A_380 = arith.constant 60000 : i32
        %broadcast_in_dim3A_381 = vector.broadcast %jit3A_379 : i32 to vector<16xi32>
        %broadcast_in_dim3A_382 = vector.broadcast %jit3A_380 : i32 to vector<16xi32>
        %select_n3A_383 = arith.select %eq3A_378, %broadcast_in_dim3A_381, %broadcast_in_dim3A_382 : vector<16xi1>, vector<16xi32>
        %add3A_384 = arith.addi %select_n3A_383, %get3A_370 : vector<16xi32>
        %select_n3A_385 = arith.select %and3A, %add3A_384, %add3A_334 : vector<16xi1>, vector<16xi32>
        %swap3A_386 = arith.constant 1 : i32
        %swap3A_387 = arith.constant 1 : i32
        %swap3A_388 = arith.index_cast %swap3A_386 : i32 to index
        %swap3A_389 = arith.index_cast %swap3A_387 : i32 to index
        %swap3A_390 = arith.index_cast %mul3A_314 : i32 to index
        %swap3A_391 = tpu.vector_load %arg12[%swap3A_388, %swap3A_389, %swap3A_390] {strides = array<i32>} : memref<2x3x64xi32, #tpu.memory_space<vmem>>, vector<1x1x16xi32>,
        %swap3A_392 = vector.shape_cast %swap3A_391 : vector<1x1x16xi32> to vector<16xi32>
        %swap3A_393 = vector.shape_cast %select_n3A_385 : vector<16xi32> to vector<1x1x16xi32>
        tpu.vector_store %arg12[%swap3A_388, %swap3A_389, %swap3A_390], %swap3A_393 {strides = array<i32>} : memref<2x3x64xi32, #tpu.memory_space<vmem>>, vector<1x1x16xi32>,
        %get3A_394 = arith.constant 3 : i32
        %get3A_395 = arith.index_cast %get3A_394 : i32 to index
        %get3A_396 = arith.index_cast %add3A_312 : i32 to index
        %get3A_397 = tpu.vector_load %arg10[%get3A_395, %get3A_396] {strides = array<i32>} : memref<6x3968xi32, #tpu.memory_space<vmem>>, vector<1x16xi32>,
        %get3A_398 = vector.shape_cast %get3A_397 : vector<1x16xi32> to vector<16xi32>
        %get3A_399 = arith.constant 1 : i32
        %get3A_400 = arith.constant 1 : i32
        %get3A_401 = arith.index_cast %get3A_399 : i32 to index
        %get3A_402 = arith.index_cast %get3A_400 : i32 to index
        %get3A_403 = arith.index_cast %mul3A_314 : i32 to index
        %get3A_404 = tpu.vector_load %arg11[%get3A_401, %get3A_402, %get3A_403] {strides = array<i32>} : memref<2x2x64xi32, #tpu.memory_space<vmem>>, vector<1x1x16xi32>,
        %get3A_405 = vector.shape_cast %get3A_404 : vector<1x1x16xi32> to vector<16xi32>
        %ge3A_406 = arith.constant 0 : i32
        %ge3A_407 = vector.broadcast %ge3A_406 : i32 to vector<16xi32>
        %ge3A_408 = arith.cmpi sge, %get3A_398, %ge3A_407 : vector<16xi32>
        %ge3A_409 = arith.constant 2 : i32
        %ge3A_410 = vector.broadcast %ge3A_409 : i32 to vector<16xi32>
        %ge3A_411 = arith.cmpi sge, %get3A_318, %ge3A_410 : vector<16xi32>
        %and3A_412 = arith.andi %ge3A_408, %ge3A_411 : vector<16xi1>
        %eq3A_413 = arith.constant 2 : i32
        %eq3A_414 = vector.broadcast %eq3A_413 : i32 to vector<16xi32>
        %eq3A_415 = arith.cmpi eq, %get3A_318, %eq3A_414 : vector<16xi32>
        %jit3A_416 = arith.constant 40000 : i32
        %jit3A_417 = arith.constant 70000 : i32
        %broadcast_in_dim3A_418 = vector.broadcast %jit3A_416 : i32 to vector<16xi32>
        %broadcast_in_dim3A_419 = vector.broadcast %jit3A_417 : i32 to vector<16xi32>
        %select_n3A_420 = arith.select %eq3A_415, %broadcast_in_dim3A_418, %broadcast_in_dim3A_419 : vector<16xi1>, vector<16xi32>
        %add3A_421 = arith.addi %select_n3A_420, %get3A_405 : vector<16xi32>
        %select_n3A_422 = arith.select %and3A_412, %add3A_421, %add3A_334 : vector<16xi1>, vector<16xi32>
        %swap3A_423 = arith.constant 1 : i32
        %swap3A_424 = arith.constant 2 : i32
        %swap3A_425 = arith.index_cast %swap3A_423 : i32 to index
        %swap3A_426 = arith.index_cast %swap3A_424 : i32 to index
        %swap3A_427 = arith.index_cast %mul3A_314 : i32 to index
        %swap3A_428 = tpu.vector_load %arg12[%swap3A_425, %swap3A_426, %swap3A_427] {strides = array<i32>} : memref<2x3x64xi32, #tpu.memory_space<vmem>>, vector<1x1x16xi32>,
        %swap3A_429 = vector.shape_cast %swap3A_428 : vector<1x1x16xi32> to vector<16xi32>
        %swap3A_430 = vector.shape_cast %select_n3A_422 : vector<16xi32> to vector<1x1x16xi32>
        tpu.vector_store %arg12[%swap3A_425, %swap3A_426, %swap3A_427], %swap3A_430 {strides = array<i32>} : memref<2x3x64xi32, #tpu.memory_space<vmem>>, vector<1x1x16xi32>,
      }
      %scan3A_156 = arith.constant 4 : i32
      %dma_start3A_157 = arith.constant 1 : i32
      %dma_start3A_158 = arith.constant 0 : i32
      %dma_start3A_159 = arith.constant 1 : i32
      %dma_start3A_160 = arith.constant 0 : i32
      %dma_start3A_161 = arith.constant 0 : i32
      %dma_start3A_162 = arith.constant 0 : i32
      %dma_start3A_163 = tpu.memref_slice %arg13[%dma_start3A_159, %dma_start3A_160, %dma_start3A_161, %dma_start3A_162] : memref<2x3x64x128xf32, #tpu.memory_space<vmem>> -> memref<1x1x64x128xf32, #tpu.memory_space<vmem>>
      %dma_start3A_164 = tpu.memref_squeeze %dma_start3A_163 : memref<1x1x64x128xf32, #tpu.memory_space<vmem>> -> memref<64x128xf32, #tpu.memory_space<vmem>>
      %dma_start3A_165 = arith.constant 0 : i32
      %dma_start3A_166 = tpu.memref_slice %arg12[%dma_start3A_157, %dma_start3A_158, %dma_start3A_165] : memref<2x3x64xi32, #tpu.memory_space<vmem>> -> memref<1x1x64xi32, #tpu.memory_space<vmem>>
      %dma_start3A_167 = tpu.memref_squeeze %dma_start3A_166 : memref<1x1x64xi32, #tpu.memory_space<vmem>> -> memref<64xi32, #tpu.memory_space<vmem>>
      %dma_start3A_168 = arith.constant 0 : i32
      %dma_start3A_169 = arith.constant 0 : i32
      %dma_start3A_170 = tpu.memref_slice %arg2[%dma_start3A_168, %dma_start3A_169] : memref<90000x128xf32, #tpu.memory_space<hbm>> -> memref<90000x128xf32, #tpu.memory_space<hbm>>
      tpu.enqueue_indirect_dma source(%dma_start3A_170 : memref<90000x128xf32, #tpu.memory_space<hbm>>) target(%dma_start3A_164 : memref<64x128xf32, #tpu.memory_space<vmem>>) offsets(%dma_start3A_167 : memref<64xi32, #tpu.memory_space<vmem>>) semaphore(%arg16 : memref<!tpu.dma_semaphore, #tpu.memory_space<semaphore_mem>>)
      %dma_start3A_171 = arith.constant 1 : i32
      %dma_start3A_172 = arith.constant 1 : i32
      %dma_start3A_173 = arith.constant 1 : i32
      %dma_start3A_174 = arith.constant 1 : i32
      %dma_start3A_175 = arith.constant 0 : i32
      %dma_start3A_176 = arith.constant 0 : i32
      %dma_start3A_177 = tpu.memref_slice %arg13[%dma_start3A_173, %dma_start3A_174, %dma_start3A_175, %dma_start3A_176] : memref<2x3x64x128xf32, #tpu.memory_space<vmem>> -> memref<1x1x64x128xf32, #tpu.memory_space<vmem>>
      %dma_start3A_178 = tpu.memref_squeeze %dma_start3A_177 : memref<1x1x64x128xf32, #tpu.memory_space<vmem>> -> memref<64x128xf32, #tpu.memory_space<vmem>>
      %dma_start3A_179 = arith.constant 0 : i32
      %dma_start3A_180 = tpu.memref_slice %arg12[%dma_start3A_171, %dma_start3A_172, %dma_start3A_179] : memref<2x3x64xi32, #tpu.memory_space<vmem>> -> memref<1x1x64xi32, #tpu.memory_space<vmem>>
      %dma_start3A_181 = tpu.memref_squeeze %dma_start3A_180 : memref<1x1x64xi32, #tpu.memory_space<vmem>> -> memref<64xi32, #tpu.memory_space<vmem>>
      %dma_start3A_182 = arith.constant 0 : i32
      %dma_start3A_183 = arith.constant 0 : i32
      %dma_start3A_184 = tpu.memref_slice %arg2[%dma_start3A_182, %dma_start3A_183] : memref<90000x128xf32, #tpu.memory_space<hbm>> -> memref<90000x128xf32, #tpu.memory_space<hbm>>
      tpu.enqueue_indirect_dma source(%dma_start3A_184 : memref<90000x128xf32, #tpu.memory_space<hbm>>) target(%dma_start3A_178 : memref<64x128xf32, #tpu.memory_space<vmem>>) offsets(%dma_start3A_181 : memref<64xi32, #tpu.memory_space<vmem>>) semaphore(%arg16 : memref<!tpu.dma_semaphore, #tpu.memory_space<semaphore_mem>>)
      %dma_start3A_185 = arith.constant 1 : i32
      %dma_start3A_186 = arith.constant 2 : i32
      %dma_start3A_187 = arith.constant 1 : i32
      %dma_start3A_188 = arith.constant 2 : i32
      %dma_start3A_189 = arith.constant 0 : i32
      %dma_start3A_190 = arith.constant 0 : i32
      %dma_start3A_191 = tpu.memref_slice %arg13[%dma_start3A_187, %dma_start3A_188, %dma_start3A_189, %dma_start3A_190] : memref<2x3x64x128xf32, #tpu.memory_space<vmem>> -> memref<1x1x64x128xf32, #tpu.memory_space<vmem>>
      %dma_start3A_192 = tpu.memref_squeeze %dma_start3A_191 : memref<1x1x64x128xf32, #tpu.memory_space<vmem>> -> memref<64x128xf32, #tpu.memory_space<vmem>>
      %dma_start3A_193 = arith.constant 0 : i32
      %dma_start3A_194 = tpu.memref_slice %arg12[%dma_start3A_185, %dma_start3A_186, %dma_start3A_193] : memref<2x3x64xi32, #tpu.memory_space<vmem>> -> memref<1x1x64xi32, #tpu.memory_space<vmem>>
      %dma_start3A_195 = tpu.memref_squeeze %dma_start3A_194 : memref<1x1x64xi32, #tpu.memory_space<vmem>> -> memref<64xi32, #tpu.memory_space<vmem>>
      %dma_start3A_196 = arith.constant 0 : i32
      %dma_start3A_197 = arith.constant 0 : i32
      %dma_start3A_198 = tpu.memref_slice %arg2[%dma_start3A_196, %dma_start3A_197] : memref<90000x128xf32, #tpu.memory_space<hbm>> -> memref<90000x128xf32, #tpu.memory_space<hbm>>
      tpu.enqueue_indirect_dma source(%dma_start3A_198 : memref<90000x128xf32, #tpu.memory_space<hbm>>) target(%dma_start3A_192 : memref<64x128xf32, #tpu.memory_space<vmem>>) offsets(%dma_start3A_195 : memref<64xi32, #tpu.memory_space<vmem>>) semaphore(%arg16 : memref<!tpu.dma_semaphore, #tpu.memory_space<semaphore_mem>>)
      %lt3A = arith.constant 30 : i32
      %lt3A_199 = arith.cmpi slt, %scan3A_123, %lt3A : i32
      %convert_element_type3A = arith.extui %lt3A_199 : i1 to i32
      %cond3A = arith.constant 0 : i32
      %cond3A_200 = arith.cmpi ne, %convert_element_type3A, %cond3A : i32
      scf.if %cond3A_200 {
        %add3A_309 = arith.constant 128 : i32
        %add3A_310 = arith.addi %mul3A_127, %add3A_309 : i32
        %dma_start3A_311 = arith.constant 2 : i32
        %dma_start3A_312 = arith.constant 0 : i32
        %dma_start3A_313 = arith.constant 0 : i32
        %dma_start3A_314 = arith.constant 0 : i32
        %dma_start3A_315 = tpu.memref_slice %arg11[%dma_start3A_312, %dma_start3A_313, %dma_start3A_314] : memref<2x2x64xi32, #tpu.memory_space<vmem>> -> memref<1x1x64xi32, #tpu.memory_space<vmem>>
        %dma_start3A_316 = tpu.memref_squeeze %dma_start3A_315 : memref<1x1x64xi32, #tpu.memory_space<vmem>> -> memref<64xi32, #tpu.memory_space<vmem>>
        %dma_start3A_317 = tpu.memref_slice %arg10[%dma_start3A_311, %add3A_310] : memref<6x3968xi32, #tpu.memory_space<vmem>> -> memref<1x64xi32, #tpu.memory_space<vmem>>
        %dma_start3A_318 = tpu.memref_squeeze %dma_start3A_317 : memref<1x64xi32, #tpu.memory_space<vmem>> -> memref<64xi32, #tpu.memory_space<vmem>>
        %dma_start3A_319 = arith.constant 0 : i32
        %dma_start3A_320 = tpu.memref_slice %arg3[%dma_start3A_319] : memref<126976xi32, #tpu.memory_space<hbm>> -> memref<126976xi32, #tpu.memory_space<hbm>>
        tpu.enqueue_indirect_dma source(%dma_start3A_320 : memref<126976xi32, #tpu.memory_space<hbm>>) target(%dma_start3A_316 : memref<64xi32, #tpu.memory_space<vmem>>) offsets(%dma_start3A_318 : memref<64xi32, #tpu.memory_space<vmem>>) semaphore(%arg17 : memref<!tpu.dma_semaphore, #tpu.memory_space<semaphore_mem>>)
        %dma_start3A_321 = arith.constant 4 : i32
        %dma_start3A_322 = arith.constant 0 : i32
        %dma_start3A_323 = arith.constant 1 : i32
        %dma_start3A_324 = arith.constant 0 : i32
        %dma_start3A_325 = tpu.memref_slice %arg11[%dma_start3A_322, %dma_start3A_323, %dma_start3A_324] : memref<2x2x64xi32, #tpu.memory_space<vmem>> -> memref<1x1x64xi32, #tpu.memory_space<vmem>>
        %dma_start3A_326 = tpu.memref_squeeze %dma_start3A_325 : memref<1x1x64xi32, #tpu.memory_space<vmem>> -> memref<64xi32, #tpu.memory_space<vmem>>
        %dma_start3A_327 = tpu.memref_slice %arg10[%dma_start3A_321, %add3A_310] : memref<6x3968xi32, #tpu.memory_space<vmem>> -> memref<1x64xi32, #tpu.memory_space<vmem>>
        %dma_start3A_328 = tpu.memref_squeeze %dma_start3A_327 : memref<1x64xi32, #tpu.memory_space<vmem>> -> memref<64xi32, #tpu.memory_space<vmem>>
        %dma_start3A_329 = arith.constant 0 : i32
        %dma_start3A_330 = tpu.memref_slice %arg3[%dma_start3A_329] : memref<126976xi32, #tpu.memory_space<hbm>> -> memref<126976xi32, #tpu.memory_space<hbm>>
        tpu.enqueue_indirect_dma source(%dma_start3A_330 : memref<126976xi32, #tpu.memory_space<hbm>>) target(%dma_start3A_326 : memref<64xi32, #tpu.memory_space<vmem>>) offsets(%dma_start3A_328 : memref<64xi32, #tpu.memory_space<vmem>>) semaphore(%arg17 : memref<!tpu.dma_semaphore, #tpu.memory_space<semaphore_mem>>)
      } else {
      }
      %dma_wait3A_201 = arith.constant 0 : i32
      %dma_wait3A_202 = arith.constant 0 : i32
      %dma_wait3A_203 = arith.constant 0 : i32
      %dma_wait3A_204 = arith.constant 0 : i32
      %dma_wait3A_205 = arith.constant 0 : i32
      %dma_wait3A_206 = arith.constant 0 : i32
      %dma_wait3A_207 = tpu.memref_slice %arg13[%dma_wait3A_203, %dma_wait3A_204, %dma_wait3A_205, %dma_wait3A_206] : memref<2x3x64x128xf32, #tpu.memory_space<vmem>> -> memref<1x1x64x128xf32, #tpu.memory_space<vmem>>
      %dma_wait3A_208 = tpu.memref_squeeze %dma_wait3A_207 : memref<1x1x64x128xf32, #tpu.memory_space<vmem>> -> memref<64x128xf32, #tpu.memory_space<vmem>>
      %dma_wait3A_209 = arith.constant 0 : i32
      %dma_wait3A_210 = tpu.memref_slice %arg12[%dma_wait3A_201, %dma_wait3A_202, %dma_wait3A_209] : memref<2x3x64xi32, #tpu.memory_space<vmem>> -> memref<1x1x64xi32, #tpu.memory_space<vmem>>
      %dma_wait3A_211 = tpu.memref_squeeze %dma_wait3A_210 : memref<1x1x64xi32, #tpu.memory_space<vmem>> -> memref<64xi32, #tpu.memory_space<vmem>>
      %dma_wait3A_212 = arith.constant 0 : i32
      %dma_wait3A_213 = arith.constant 0 : i32
      %dma_wait3A_214 = tpu.memref_slice %arg2[%dma_wait3A_212, %dma_wait3A_213] : memref<90000x128xf32, #tpu.memory_space<hbm>> -> memref<90000x128xf32, #tpu.memory_space<hbm>>
      tpu.wait_indirect_dma semaphore(%arg15 : memref<!tpu.dma_semaphore, #tpu.memory_space<semaphore_mem>>) src(%dma_wait3A_214 : memref<90000x128xf32, #tpu.memory_space<hbm>>) dst(%dma_wait3A_208 : memref<64x128xf32, #tpu.memory_space<vmem>>)
      %dma_wait3A_215 = arith.constant 0 : i32
      %dma_wait3A_216 = arith.constant 1 : i32
      %dma_wait3A_217 = arith.constant 0 : i32
      %dma_wait3A_218 = arith.constant 1 : i32
      %dma_wait3A_219 = arith.constant 0 : i32
      %dma_wait3A_220 = arith.constant 0 : i32
      %dma_wait3A_221 = tpu.memref_slice %arg13[%dma_wait3A_217, %dma_wait3A_218, %dma_wait3A_219, %dma_wait3A_220] : memref<2x3x64x128xf32, #tpu.memory_space<vmem>> -> memref<1x1x64x128xf32, #tpu.memory_space<vmem>>
      %dma_wait3A_222 = tpu.memref_squeeze %dma_wait3A_221 : memref<1x1x64x128xf32, #tpu.memory_space<vmem>> -> memref<64x128xf32, #tpu.memory_space<vmem>>
      %dma_wait3A_223 = arith.constant 0 : i32
      %dma_wait3A_224 = tpu.memref_slice %arg12[%dma_wait3A_215, %dma_wait3A_216, %dma_wait3A_223] : memref<2x3x64xi32, #tpu.memory_space<vmem>> -> memref<1x1x64xi32, #tpu.memory_space<vmem>>
      %dma_wait3A_225 = tpu.memref_squeeze %dma_wait3A_224 : memref<1x1x64xi32, #tpu.memory_space<vmem>> -> memref<64xi32, #tpu.memory_space<vmem>>
      %dma_wait3A_226 = arith.constant 0 : i32
      %dma_wait3A_227 = arith.constant 0 : i32
      %dma_wait3A_228 = tpu.memref_slice %arg2[%dma_wait3A_226, %dma_wait3A_227] : memref<90000x128xf32, #tpu.memory_space<hbm>> -> memref<90000x128xf32, #tpu.memory_space<hbm>>
      tpu.wait_indirect_dma semaphore(%arg15 : memref<!tpu.dma_semaphore, #tpu.memory_space<semaphore_mem>>) src(%dma_wait3A_228 : memref<90000x128xf32, #tpu.memory_space<hbm>>) dst(%dma_wait3A_222 : memref<64x128xf32, #tpu.memory_space<vmem>>)
      %dma_wait3A_229 = arith.constant 0 : i32
      %dma_wait3A_230 = arith.constant 2 : i32
      %dma_wait3A_231 = arith.constant 0 : i32
      %dma_wait3A_232 = arith.constant 2 : i32
      %dma_wait3A_233 = arith.constant 0 : i32
      %dma_wait3A_234 = arith.constant 0 : i32
      %dma_wait3A_235 = tpu.memref_slice %arg13[%dma_wait3A_231, %dma_wait3A_232, %dma_wait3A_233, %dma_wait3A_234] : memref<2x3x64x128xf32, #tpu.memory_space<vmem>> -> memref<1x1x64x128xf32, #tpu.memory_space<vmem>>
      %dma_wait3A_236 = tpu.memref_squeeze %dma_wait3A_235 : memref<1x1x64x128xf32, #tpu.memory_space<vmem>> -> memref<64x128xf32, #tpu.memory_space<vmem>>
      %dma_wait3A_237 = arith.constant 0 : i32
      %dma_wait3A_238 = tpu.memref_slice %arg12[%dma_wait3A_229, %dma_wait3A_230, %dma_wait3A_237] : memref<2x3x64xi32, #tpu.memory_space<vmem>> -> memref<1x1x64xi32, #tpu.memory_space<vmem>>
      %dma_wait3A_239 = tpu.memref_squeeze %dma_wait3A_238 : memref<1x1x64xi32, #tpu.memory_space<vmem>> -> memref<64xi32, #tpu.memory_space<vmem>>
      %dma_wait3A_240 = arith.constant 0 : i32
      %dma_wait3A_241 = arith.constant 0 : i32
      %dma_wait3A_242 = tpu.memref_slice %arg2[%dma_wait3A_240, %dma_wait3A_241] : memref<90000x128xf32, #tpu.memory_space<hbm>> -> memref<90000x128xf32, #tpu.memory_space<hbm>>
      tpu.wait_indirect_dma semaphore(%arg15 : memref<!tpu.dma_semaphore, #tpu.memory_space<semaphore_mem>>) src(%dma_wait3A_242 : memref<90000x128xf32, #tpu.memory_space<hbm>>) dst(%dma_wait3A_236 : memref<64x128xf32, #tpu.memory_space<vmem>>)
      %scan3A_243 = arith.constant 0 : i32
      %scan3A_244 = arith.constant 64 : i32
      %scan3A_245 = arith.addi %scan3A_243, %scan3A_244 : i32
      %scan3A_246 = arith.constant 1 : i32
      scf.for %scan3A_309 = %scan3A_243 to %scan3A_245 step %scan3A_246  : i32 {
        %get3A = arith.constant 0 : i32
        %get3A_310 = arith.constant 0 : i32
        %get3A_311 = arith.index_cast %get3A : i32 to index
        %get3A_312 = arith.index_cast %get3A_310 : i32 to index
        %get3A_313 = arith.index_cast %scan3A_309 : i32 to index
        %get3A_314 = arith.constant 0 : index
        %get3A_315 = tpu.vector_load %arg13[%get3A_311, %get3A_312, %get3A_313, %get3A_314] {strides = array<i32>} : memref<2x3x64x128xf32, #tpu.memory_space<vmem>>, vector<1x1x1x16xf32>,
        %get3A_316 = vector.shape_cast %get3A_315 : vector<1x1x1x16xf32> to vector<16xf32>
        %get3A_317 = arith.constant 0 : i32
        %get3A_318 = arith.constant 1 : i32
        %get3A_319 = arith.index_cast %get3A_317 : i32 to index
        %get3A_320 = arith.index_cast %get3A_318 : i32 to index
        %get3A_321 = arith.index_cast %scan3A_309 : i32 to index
        %get3A_322 = arith.constant 0 : index
        %get3A_323 = tpu.vector_load %arg13[%get3A_319, %get3A_320, %get3A_321, %get3A_322] {strides = array<i32>} : memref<2x3x64x128xf32, #tpu.memory_space<vmem>>, vector<1x1x1x16xf32>,
        %get3A_324 = vector.shape_cast %get3A_323 : vector<1x1x1x16xf32> to vector<16xf32>
        %add3A_325 = arith.addf %get3A_316, %get3A_324 : vector<16xf32>
        %get3A_326 = arith.constant 0 : i32
        %get3A_327 = arith.constant 2 : i32
        %get3A_328 = arith.index_cast %get3A_326 : i32 to index
        %get3A_329 = arith.index_cast %get3A_327 : i32 to index
        %get3A_330 = arith.index_cast %scan3A_309 : i32 to index
        %get3A_331 = arith.constant 0 : index
        %get3A_332 = tpu.vector_load %arg13[%get3A_328, %get3A_329, %get3A_330, %get3A_331] {strides = array<i32>} : memref<2x3x64x128xf32, #tpu.memory_space<vmem>>, vector<1x1x1x16xf32>,
        %get3A_333 = vector.shape_cast %get3A_332 : vector<1x1x1x16xf32> to vector<16xf32>
        %add3A_334 = arith.addf %add3A_325, %get3A_333 : vector<16xf32>
        %swap3A = arith.index_cast %scan3A_309 : i32 to index
        %swap3A_335 = arith.constant 0 : index
        %swap3A_336 = tpu.vector_load %arg14[%swap3A, %swap3A_335] {strides = array<i32>} : memref<64x128xf32, #tpu.memory_space<vmem>>, vector<1x16xf32>,
        %swap3A_337 = vector.shape_cast %swap3A_336 : vector<1x16xf32> to vector<16xf32>
        %swap3A_338 = vector.shape_cast %add3A_334 : vector<16xf32> to vector<1x16xf32>
        tpu.vector_store %arg14[%swap3A, %swap3A_335], %swap3A_338 {strides = array<i32>} : memref<64x128xf32, #tpu.memory_space<vmem>>, vector<1x16xf32>,
        %get3A_339 = arith.constant 0 : i32
        %get3A_340 = arith.constant 0 : i32
        %get3A_341 = arith.index_cast %get3A_339 : i32 to index
        %get3A_342 = arith.index_cast %get3A_340 : i32 to index
        %get3A_343 = arith.index_cast %scan3A_309 : i32 to index
        %get3A_344 = arith.constant 16 : index
        %get3A_345 = tpu.vector_load %arg13[%get3A_341, %get3A_342, %get3A_343, %get3A_344] {strides = array<i32>} : memref<2x3x64x128xf32, #tpu.memory_space<vmem>>, vector<1x1x1x16xf32>,
        %get3A_346 = vector.shape_cast %get3A_345 : vector<1x1x1x16xf32> to vector<16xf32>
        %get3A_347 = arith.constant 0 : i32
        %get3A_348 = arith.constant 1 : i32
        %get3A_349 = arith.index_cast %get3A_347 : i32 to index
        %get3A_350 = arith.index_cast %get3A_348 : i32 to index
        %get3A_351 = arith.index_cast %scan3A_309 : i32 to index
        %get3A_352 = arith.constant 16 : index
        %get3A_353 = tpu.vector_load %arg13[%get3A_349, %get3A_350, %get3A_351, %get3A_352] {strides = array<i32>} : memref<2x3x64x128xf32, #tpu.memory_space<vmem>>, vector<1x1x1x16xf32>,
        %get3A_354 = vector.shape_cast %get3A_353 : vector<1x1x1x16xf32> to vector<16xf32>
        %add3A_355 = arith.addf %get3A_346, %get3A_354 : vector<16xf32>
        %get3A_356 = arith.constant 0 : i32
        %get3A_357 = arith.constant 2 : i32
        %get3A_358 = arith.index_cast %get3A_356 : i32 to index
        %get3A_359 = arith.index_cast %get3A_357 : i32 to index
        %get3A_360 = arith.index_cast %scan3A_309 : i32 to index
        %get3A_361 = arith.constant 16 : index
        %get3A_362 = tpu.vector_load %arg13[%get3A_358, %get3A_359, %get3A_360, %get3A_361] {strides = array<i32>} : memref<2x3x64x128xf32, #tpu.memory_space<vmem>>, vector<1x1x1x16xf32>,
        %get3A_363 = vector.shape_cast %get3A_362 : vector<1x1x1x16xf32> to vector<16xf32>
        %add3A_364 = arith.addf %add3A_355, %get3A_363 : vector<16xf32>
        %swap3A_365 = arith.index_cast %scan3A_309 : i32 to index
        %swap3A_366 = arith.constant 16 : index
        %swap3A_367 = tpu.vector_load %arg14[%swap3A_365, %swap3A_366] {strides = array<i32>} : memref<64x128xf32, #tpu.memory_space<vmem>>, vector<1x16xf32>,
        %swap3A_368 = vector.shape_cast %swap3A_367 : vector<1x16xf32> to vector<16xf32>
        %swap3A_369 = vector.shape_cast %add3A_364 : vector<16xf32> to vector<1x16xf32>
        tpu.vector_store %arg14[%swap3A_365, %swap3A_366], %swap3A_369 {strides = array<i32>} : memref<64x128xf32, #tpu.memory_space<vmem>>, vector<1x16xf32>,
        %get3A_370 = arith.constant 0 : i32
        %get3A_371 = arith.constant 0 : i32
        %get3A_372 = arith.index_cast %get3A_370 : i32 to index
        %get3A_373 = arith.index_cast %get3A_371 : i32 to index
        %get3A_374 = arith.index_cast %scan3A_309 : i32 to index
        %get3A_375 = arith.constant 32 : index
        %get3A_376 = tpu.vector_load %arg13[%get3A_372, %get3A_373, %get3A_374, %get3A_375] {strides = array<i32>} : memref<2x3x64x128xf32, #tpu.memory_space<vmem>>, vector<1x1x1x16xf32>,
        %get3A_377 = vector.shape_cast %get3A_376 : vector<1x1x1x16xf32> to vector<16xf32>
        %get3A_378 = arith.constant 0 : i32
        %get3A_379 = arith.constant 1 : i32
        %get3A_380 = arith.index_cast %get3A_378 : i32 to index
        %get3A_381 = arith.index_cast %get3A_379 : i32 to index
        %get3A_382 = arith.index_cast %scan3A_309 : i32 to index
        %get3A_383 = arith.constant 32 : index
        %get3A_384 = tpu.vector_load %arg13[%get3A_380, %get3A_381, %get3A_382, %get3A_383] {strides = array<i32>} : memref<2x3x64x128xf32, #tpu.memory_space<vmem>>, vector<1x1x1x16xf32>,
        %get3A_385 = vector.shape_cast %get3A_384 : vector<1x1x1x16xf32> to vector<16xf32>
        %add3A_386 = arith.addf %get3A_377, %get3A_385 : vector<16xf32>
        %get3A_387 = arith.constant 0 : i32
        %get3A_388 = arith.constant 2 : i32
        %get3A_389 = arith.index_cast %get3A_387 : i32 to index
        %get3A_390 = arith.index_cast %get3A_388 : i32 to index
        %get3A_391 = arith.index_cast %scan3A_309 : i32 to index
        %get3A_392 = arith.constant 32 : index
        %get3A_393 = tpu.vector_load %arg13[%get3A_389, %get3A_390, %get3A_391, %get3A_392] {strides = array<i32>} : memref<2x3x64x128xf32, #tpu.memory_space<vmem>>, vector<1x1x1x16xf32>,
        %get3A_394 = vector.shape_cast %get3A_393 : vector<1x1x1x16xf32> to vector<16xf32>
        %add3A_395 = arith.addf %add3A_386, %get3A_394 : vector<16xf32>
        %swap3A_396 = arith.index_cast %scan3A_309 : i32 to index
        %swap3A_397 = arith.constant 32 : index
        %swap3A_398 = tpu.vector_load %arg14[%swap3A_396, %swap3A_397] {strides = array<i32>} : memref<64x128xf32, #tpu.memory_space<vmem>>, vector<1x16xf32>,
        %swap3A_399 = vector.shape_cast %swap3A_398 : vector<1x16xf32> to vector<16xf32>
        %swap3A_400 = vector.shape_cast %add3A_395 : vector<16xf32> to vector<1x16xf32>
        tpu.vector_store %arg14[%swap3A_396, %swap3A_397], %swap3A_400 {strides = array<i32>} : memref<64x128xf32, #tpu.memory_space<vmem>>, vector<1x16xf32>,
        %get3A_401 = arith.constant 0 : i32
        %get3A_402 = arith.constant 0 : i32
        %get3A_403 = arith.index_cast %get3A_401 : i32 to index
        %get3A_404 = arith.index_cast %get3A_402 : i32 to index
        %get3A_405 = arith.index_cast %scan3A_309 : i32 to index
        %get3A_406 = arith.constant 48 : index
        %get3A_407 = tpu.vector_load %arg13[%get3A_403, %get3A_404, %get3A_405, %get3A_406] {strides = array<i32>} : memref<2x3x64x128xf32, #tpu.memory_space<vmem>>, vector<1x1x1x16xf32>,
        %get3A_408 = vector.shape_cast %get3A_407 : vector<1x1x1x16xf32> to vector<16xf32>
        %get3A_409 = arith.constant 0 : i32
        %get3A_410 = arith.constant 1 : i32
        %get3A_411 = arith.index_cast %get3A_409 : i32 to index
        %get3A_412 = arith.index_cast %get3A_410 : i32 to index
        %get3A_413 = arith.index_cast %scan3A_309 : i32 to index
        %get3A_414 = arith.constant 48 : index
        %get3A_415 = tpu.vector_load %arg13[%get3A_411, %get3A_412, %get3A_413, %get3A_414] {strides = array<i32>} : memref<2x3x64x128xf32, #tpu.memory_space<vmem>>, vector<1x1x1x16xf32>,
        %get3A_416 = vector.shape_cast %get3A_415 : vector<1x1x1x16xf32> to vector<16xf32>
        %add3A_417 = arith.addf %get3A_408, %get3A_416 : vector<16xf32>
        %get3A_418 = arith.constant 0 : i32
        %get3A_419 = arith.constant 2 : i32
        %get3A_420 = arith.index_cast %get3A_418 : i32 to index
        %get3A_421 = arith.index_cast %get3A_419 : i32 to index
        %get3A_422 = arith.index_cast %scan3A_309 : i32 to index
        %get3A_423 = arith.constant 48 : index
        %get3A_424 = tpu.vector_load %arg13[%get3A_420, %get3A_421, %get3A_422, %get3A_423] {strides = array<i32>} : memref<2x3x64x128xf32, #tpu.memory_space<vmem>>, vector<1x1x1x16xf32>,
        %get3A_425 = vector.shape_cast %get3A_424 : vector<1x1x1x16xf32> to vector<16xf32>
        %add3A_426 = arith.addf %add3A_417, %get3A_425 : vector<16xf32>
        %swap3A_427 = arith.index_cast %scan3A_309 : i32 to index
        %swap3A_428 = arith.constant 48 : index
        %swap3A_429 = tpu.vector_load %arg14[%swap3A_427, %swap3A_428] {strides = array<i32>} : memref<64x128xf32, #tpu.memory_space<vmem>>, vector<1x16xf32>,
        %swap3A_430 = vector.shape_cast %swap3A_429 : vector<1x16xf32> to vector<16xf32>
        %swap3A_431 = vector.shape_cast %add3A_426 : vector<16xf32> to vector<1x16xf32>
        tpu.vector_store %arg14[%swap3A_427, %swap3A_428], %swap3A_431 {strides = array<i32>} : memref<64x128xf32, #tpu.memory_space<vmem>>, vector<1x16xf32>,
        %get3A_432 = arith.constant 0 : i32
        %get3A_433 = arith.constant 0 : i32
        %get3A_434 = arith.index_cast %get3A_432 : i32 to index
        %get3A_435 = arith.index_cast %get3A_433 : i32 to index
        %get3A_436 = arith.index_cast %scan3A_309 : i32 to index
        %get3A_437 = arith.constant 64 : index
        %get3A_438 = tpu.vector_load %arg13[%get3A_434, %get3A_435, %get3A_436, %get3A_437] {strides = array<i32>} : memref<2x3x64x128xf32, #tpu.memory_space<vmem>>, vector<1x1x1x16xf32>,
        %get3A_439 = vector.shape_cast %get3A_438 : vector<1x1x1x16xf32> to vector<16xf32>
        %get3A_440 = arith.constant 0 : i32
        %get3A_441 = arith.constant 1 : i32
        %get3A_442 = arith.index_cast %get3A_440 : i32 to index
        %get3A_443 = arith.index_cast %get3A_441 : i32 to index
        %get3A_444 = arith.index_cast %scan3A_309 : i32 to index
        %get3A_445 = arith.constant 64 : index
        %get3A_446 = tpu.vector_load %arg13[%get3A_442, %get3A_443, %get3A_444, %get3A_445] {strides = array<i32>} : memref<2x3x64x128xf32, #tpu.memory_space<vmem>>, vector<1x1x1x16xf32>,
        %get3A_447 = vector.shape_cast %get3A_446 : vector<1x1x1x16xf32> to vector<16xf32>
        %add3A_448 = arith.addf %get3A_439, %get3A_447 : vector<16xf32>
        %get3A_449 = arith.constant 0 : i32
        %get3A_450 = arith.constant 2 : i32
        %get3A_451 = arith.index_cast %get3A_449 : i32 to index
        %get3A_452 = arith.index_cast %get3A_450 : i32 to index
        %get3A_453 = arith.index_cast %scan3A_309 : i32 to index
        %get3A_454 = arith.constant 64 : index
        %get3A_455 = tpu.vector_load %arg13[%get3A_451, %get3A_452, %get3A_453, %get3A_454] {strides = array<i32>} : memref<2x3x64x128xf32, #tpu.memory_space<vmem>>, vector<1x1x1x16xf32>,
        %get3A_456 = vector.shape_cast %get3A_455 : vector<1x1x1x16xf32> to vector<16xf32>
        %add3A_457 = arith.addf %add3A_448, %get3A_456 : vector<16xf32>
        %swap3A_458 = arith.index_cast %scan3A_309 : i32 to index
        %swap3A_459 = arith.constant 64 : index
        %swap3A_460 = tpu.vector_load %arg14[%swap3A_458, %swap3A_459] {strides = array<i32>} : memref<64x128xf32, #tpu.memory_space<vmem>>, vector<1x16xf32>,
        %swap3A_461 = vector.shape_cast %swap3A_460 : vector<1x16xf32> to vector<16xf32>
        %swap3A_462 = vector.shape_cast %add3A_457 : vector<16xf32> to vector<1x16xf32>
        tpu.vector_store %arg14[%swap3A_458, %swap3A_459], %swap3A_462 {strides = array<i32>} : memref<64x128xf32, #tpu.memory_space<vmem>>, vector<1x16xf32>,
        %get3A_463 = arith.constant 0 : i32
        %get3A_464 = arith.constant 0 : i32
        %get3A_465 = arith.index_cast %get3A_463 : i32 to index
        %get3A_466 = arith.index_cast %get3A_464 : i32 to index
        %get3A_467 = arith.index_cast %scan3A_309 : i32 to index
        %get3A_468 = arith.constant 80 : index
        %get3A_469 = tpu.vector_load %arg13[%get3A_465, %get3A_466, %get3A_467, %get3A_468] {strides = array<i32>} : memref<2x3x64x128xf32, #tpu.memory_space<vmem>>, vector<1x1x1x16xf32>,
        %get3A_470 = vector.shape_cast %get3A_469 : vector<1x1x1x16xf32> to vector<16xf32>
        %get3A_471 = arith.constant 0 : i32
        %get3A_472 = arith.constant 1 : i32
        %get3A_473 = arith.index_cast %get3A_471 : i32 to index
        %get3A_474 = arith.index_cast %get3A_472 : i32 to index
        %get3A_475 = arith.index_cast %scan3A_309 : i32 to index
        %get3A_476 = arith.constant 80 : index
        %get3A_477 = tpu.vector_load %arg13[%get3A_473, %get3A_474, %get3A_475, %get3A_476] {strides = array<i32>} : memref<2x3x64x128xf32, #tpu.memory_space<vmem>>, vector<1x1x1x16xf32>,
        %get3A_478 = vector.shape_cast %get3A_477 : vector<1x1x1x16xf32> to vector<16xf32>
        %add3A_479 = arith.addf %get3A_470, %get3A_478 : vector<16xf32>
        %get3A_480 = arith.constant 0 : i32
        %get3A_481 = arith.constant 2 : i32
        %get3A_482 = arith.index_cast %get3A_480 : i32 to index
        %get3A_483 = arith.index_cast %get3A_481 : i32 to index
        %get3A_484 = arith.index_cast %scan3A_309 : i32 to index
        %get3A_485 = arith.constant 80 : index
        %get3A_486 = tpu.vector_load %arg13[%get3A_482, %get3A_483, %get3A_484, %get3A_485] {strides = array<i32>} : memref<2x3x64x128xf32, #tpu.memory_space<vmem>>, vector<1x1x1x16xf32>,
        %get3A_487 = vector.shape_cast %get3A_486 : vector<1x1x1x16xf32> to vector<16xf32>
        %add3A_488 = arith.addf %add3A_479, %get3A_487 : vector<16xf32>
        %swap3A_489 = arith.index_cast %scan3A_309 : i32 to index
        %swap3A_490 = arith.constant 80 : index
        %swap3A_491 = tpu.vector_load %arg14[%swap3A_489, %swap3A_490] {strides = array<i32>} : memref<64x128xf32, #tpu.memory_space<vmem>>, vector<1x16xf32>,
        %swap3A_492 = vector.shape_cast %swap3A_491 : vector<1x16xf32> to vector<16xf32>
        %swap3A_493 = vector.shape_cast %add3A_488 : vector<16xf32> to vector<1x16xf32>
        tpu.vector_store %arg14[%swap3A_489, %swap3A_490], %swap3A_493 {strides = array<i32>} : memref<64x128xf32, #tpu.memory_space<vmem>>, vector<1x16xf32>,
        %get3A_494 = arith.constant 0 : i32
        %get3A_495 = arith.constant 0 : i32
        %get3A_496 = arith.index_cast %get3A_494 : i32 to index
        %get3A_497 = arith.index_cast %get3A_495 : i32 to index
        %get3A_498 = arith.index_cast %scan3A_309 : i32 to index
        %get3A_499 = arith.constant 96 : index
        %get3A_500 = tpu.vector_load %arg13[%get3A_496, %get3A_497, %get3A_498, %get3A_499] {strides = array<i32>} : memref<2x3x64x128xf32, #tpu.memory_space<vmem>>, vector<1x1x1x16xf32>,
        %get3A_501 = vector.shape_cast %get3A_500 : vector<1x1x1x16xf32> to vector<16xf32>
        %get3A_502 = arith.constant 0 : i32
        %get3A_503 = arith.constant 1 : i32
        %get3A_504 = arith.index_cast %get3A_502 : i32 to index
        %get3A_505 = arith.index_cast %get3A_503 : i32 to index
        %get3A_506 = arith.index_cast %scan3A_309 : i32 to index
        %get3A_507 = arith.constant 96 : index
        %get3A_508 = tpu.vector_load %arg13[%get3A_504, %get3A_505, %get3A_506, %get3A_507] {strides = array<i32>} : memref<2x3x64x128xf32, #tpu.memory_space<vmem>>, vector<1x1x1x16xf32>,
        %get3A_509 = vector.shape_cast %get3A_508 : vector<1x1x1x16xf32> to vector<16xf32>
        %add3A_510 = arith.addf %get3A_501, %get3A_509 : vector<16xf32>
        %get3A_511 = arith.constant 0 : i32
        %get3A_512 = arith.constant 2 : i32
        %get3A_513 = arith.index_cast %get3A_511 : i32 to index
        %get3A_514 = arith.index_cast %get3A_512 : i32 to index
        %get3A_515 = arith.index_cast %scan3A_309 : i32 to index
        %get3A_516 = arith.constant 96 : index
        %get3A_517 = tpu.vector_load %arg13[%get3A_513, %get3A_514, %get3A_515, %get3A_516] {strides = array<i32>} : memref<2x3x64x128xf32, #tpu.memory_space<vmem>>, vector<1x1x1x16xf32>,
        %get3A_518 = vector.shape_cast %get3A_517 : vector<1x1x1x16xf32> to vector<16xf32>
        %add3A_519 = arith.addf %add3A_510, %get3A_518 : vector<16xf32>
        %swap3A_520 = arith.index_cast %scan3A_309 : i32 to index
        %swap3A_521 = arith.constant 96 : index
        %swap3A_522 = tpu.vector_load %arg14[%swap3A_520, %swap3A_521] {strides = array<i32>} : memref<64x128xf32, #tpu.memory_space<vmem>>, vector<1x16xf32>,
        %swap3A_523 = vector.shape_cast %swap3A_522 : vector<1x16xf32> to vector<16xf32>
        %swap3A_524 = vector.shape_cast %add3A_519 : vector<16xf32> to vector<1x16xf32>
        tpu.vector_store %arg14[%swap3A_520, %swap3A_521], %swap3A_524 {strides = array<i32>} : memref<64x128xf32, #tpu.memory_space<vmem>>, vector<1x16xf32>,
        %get3A_525 = arith.constant 0 : i32
        %get3A_526 = arith.constant 0 : i32
        %get3A_527 = arith.index_cast %get3A_525 : i32 to index
        %get3A_528 = arith.index_cast %get3A_526 : i32 to index
        %get3A_529 = arith.index_cast %scan3A_309 : i32 to index
        %get3A_530 = arith.constant 112 : index
        %get3A_531 = tpu.vector_load %arg13[%get3A_527, %get3A_528, %get3A_529, %get3A_530] {strides = array<i32>} : memref<2x3x64x128xf32, #tpu.memory_space<vmem>>, vector<1x1x1x16xf32>,
        %get3A_532 = vector.shape_cast %get3A_531 : vector<1x1x1x16xf32> to vector<16xf32>
        %get3A_533 = arith.constant 0 : i32
        %get3A_534 = arith.constant 1 : i32
        %get3A_535 = arith.index_cast %get3A_533 : i32 to index
        %get3A_536 = arith.index_cast %get3A_534 : i32 to index
        %get3A_537 = arith.index_cast %scan3A_309 : i32 to index
        %get3A_538 = arith.constant 112 : index
        %get3A_539 = tpu.vector_load %arg13[%get3A_535, %get3A_536, %get3A_537, %get3A_538] {strides = array<i32>} : memref<2x3x64x128xf32, #tpu.memory_space<vmem>>, vector<1x1x1x16xf32>,
        %get3A_540 = vector.shape_cast %get3A_539 : vector<1x1x1x16xf32> to vector<16xf32>
        %add3A_541 = arith.addf %get3A_532, %get3A_540 : vector<16xf32>
        %get3A_542 = arith.constant 0 : i32
        %get3A_543 = arith.constant 2 : i32
        %get3A_544 = arith.index_cast %get3A_542 : i32 to index
        %get3A_545 = arith.index_cast %get3A_543 : i32 to index
        %get3A_546 = arith.index_cast %scan3A_309 : i32 to index
        %get3A_547 = arith.constant 112 : index
        %get3A_548 = tpu.vector_load %arg13[%get3A_544, %get3A_545, %get3A_546, %get3A_547] {strides = array<i32>} : memref<2x3x64x128xf32, #tpu.memory_space<vmem>>, vector<1x1x1x16xf32>,
        %get3A_549 = vector.shape_cast %get3A_548 : vector<1x1x1x16xf32> to vector<16xf32>
        %add3A_550 = arith.addf %add3A_541, %get3A_549 : vector<16xf32>
        %swap3A_551 = arith.index_cast %scan3A_309 : i32 to index
        %swap3A_552 = arith.constant 112 : index
        %swap3A_553 = tpu.vector_load %arg14[%swap3A_551, %swap3A_552] {strides = array<i32>} : memref<64x128xf32, #tpu.memory_space<vmem>>, vector<1x16xf32>,
        %swap3A_554 = vector.shape_cast %swap3A_553 : vector<1x16xf32> to vector<16xf32>
        %swap3A_555 = vector.shape_cast %add3A_550 : vector<16xf32> to vector<1x16xf32>
        tpu.vector_store %arg14[%swap3A_551, %swap3A_552], %swap3A_555 {strides = array<i32>} : memref<64x128xf32, #tpu.memory_space<vmem>>, vector<1x16xf32>,
      }
      %scan3A_247 = arith.constant 64 : i32
      %add3A_248 = arith.addi %mul3A_2, %mul3A_127 : i32
      "tpu.region"() ({
        %run_scoped3A_309 = tpu.sem_alloc : memref<!tpu.dma_semaphore, #tpu.memory_space<semaphore_mem>>
        %dma_start3A_310 = arith.constant 0 : i32
        %dma_start3A_311 = tpu.memref_slice %arg9[%add3A_248, %dma_start3A_310] : memref<126976x128xf32, #tpu.memory_space<hbm>> -> memref<64x128xf32, #tpu.memory_space<hbm>>
        %dma_start3A_312 = arith.constant 0 : i32
        %dma_start3A_313 = tpu.memref_slice %arg9[%add3A_248, %dma_start3A_312] : memref<126976x128xf32, #tpu.memory_space<hbm>> -> memref<64x128xf32, #tpu.memory_space<hbm>>
        tpu.enqueue_dma source(%arg14 : memref<64x128xf32, #tpu.memory_space<vmem>>) target(%dma_start3A_313 : memref<64x128xf32, #tpu.memory_space<hbm>>) target_semaphore(%run_scoped3A_309 : memref<!tpu.dma_semaphore, #tpu.memory_space<semaphore_mem>>)
        %dma_wait3A_314 = arith.constant 0 : i32
        %dma_wait3A_315 = tpu.memref_slice %arg9[%add3A_248, %dma_wait3A_314] : memref<126976x128xf32, #tpu.memory_space<hbm>> -> memref<64x128xf32, #tpu.memory_space<hbm>>
        %dma_wait3A_316 = arith.constant 0 : i32
        %dma_wait3A_317 = tpu.memref_slice %arg9[%add3A_248, %dma_wait3A_316] : memref<126976x128xf32, #tpu.memory_space<hbm>> -> memref<64x128xf32, #tpu.memory_space<hbm>>
        tpu.wait_dma2 semaphore(%run_scoped3A_309 : memref<!tpu.dma_semaphore, #tpu.memory_space<semaphore_mem>>) src(%arg14 : memref<64x128xf32, #tpu.memory_space<vmem>>) dst(%dma_wait3A_317 : memref<64x128xf32, #tpu.memory_space<hbm>>)
        tpu.yield
      }) : () -> ()
      %lt3A_249 = arith.constant 30 : i32
      %lt3A_250 = arith.cmpi slt, %scan3A_123, %lt3A_249 : i32
      %convert_element_type3A_251 = arith.extui %lt3A_250 : i1 to i32
      %cond3A_252 = arith.constant 0 : i32
      %cond3A_253 = arith.cmpi ne, %convert_element_type3A_251, %cond3A_252 : i32
      scf.if %cond3A_253 {
        %add3A_309 = arith.constant 128 : i32
        %add3A_310 = arith.addi %mul3A_127, %add3A_309 : i32
        %dma_wait3A_311 = arith.constant 2 : i32
        %dma_wait3A_312 = arith.constant 0 : i32
        %dma_wait3A_313 = arith.constant 0 : i32
        %dma_wait3A_314 = arith.constant 0 : i32
        %dma_wait3A_315 = tpu.memref_slice %arg11[%dma_wait3A_312, %dma_wait3A_313, %dma_wait3A_314] : memref<2x2x64xi32, #tpu.memory_space<vmem>> -> memref<1x1x64xi32, #tpu.memory_space<vmem>>
        %dma_wait3A_316 = tpu.memref_squeeze %dma_wait3A_315 : memref<1x1x64xi32, #tpu.memory_space<vmem>> -> memref<64xi32, #tpu.memory_space<vmem>>
        %dma_wait3A_317 = tpu.memref_slice %arg10[%dma_wait3A_311, %add3A_310] : memref<6x3968xi32, #tpu.memory_space<vmem>> -> memref<1x64xi32, #tpu.memory_space<vmem>>
        %dma_wait3A_318 = tpu.memref_squeeze %dma_wait3A_317 : memref<1x64xi32, #tpu.memory_space<vmem>> -> memref<64xi32, #tpu.memory_space<vmem>>
        %dma_wait3A_319 = arith.constant 0 : i32
        %dma_wait3A_320 = tpu.memref_slice %arg3[%dma_wait3A_319] : memref<126976xi32, #tpu.memory_space<hbm>> -> memref<126976xi32, #tpu.memory_space<hbm>>
        tpu.wait_indirect_dma semaphore(%arg17 : memref<!tpu.dma_semaphore, #tpu.memory_space<semaphore_mem>>) src(%dma_wait3A_320 : memref<126976xi32, #tpu.memory_space<hbm>>) dst(%dma_wait3A_316 : memref<64xi32, #tpu.memory_space<vmem>>)
        %dma_wait3A_321 = arith.constant 4 : i32
        %dma_wait3A_322 = arith.constant 0 : i32
        %dma_wait3A_323 = arith.constant 1 : i32
        %dma_wait3A_324 = arith.constant 0 : i32
        %dma_wait3A_325 = tpu.memref_slice %arg11[%dma_wait3A_322, %dma_wait3A_323, %dma_wait3A_324] : memref<2x2x64xi32, #tpu.memory_space<vmem>> -> memref<1x1x64xi32, #tpu.memory_space<vmem>>
        %dma_wait3A_326 = tpu.memref_squeeze %dma_wait3A_325 : memref<1x1x64xi32, #tpu.memory_space<vmem>> -> memref<64xi32, #tpu.memory_space<vmem>>
        %dma_wait3A_327 = tpu.memref_slice %arg10[%dma_wait3A_321, %add3A_310] : memref<6x3968xi32, #tpu.memory_space<vmem>> -> memref<1x64xi32, #tpu.memory_space<vmem>>
        %dma_wait3A_328 = tpu.memref_squeeze %dma_wait3A_327 : memref<1x64xi32, #tpu.memory_space<vmem>> -> memref<64xi32, #tpu.memory_space<vmem>>
        %dma_wait3A_329 = arith.constant 0 : i32
        %dma_wait3A_330 = tpu.memref_slice %arg3[%dma_wait3A_329] : memref<126976xi32, #tpu.memory_space<hbm>> -> memref<126976xi32, #tpu.memory_space<hbm>>
        tpu.wait_indirect_dma semaphore(%arg17 : memref<!tpu.dma_semaphore, #tpu.memory_space<semaphore_mem>>) src(%dma_wait3A_330 : memref<126976xi32, #tpu.memory_space<hbm>>) dst(%dma_wait3A_326 : memref<64xi32, #tpu.memory_space<vmem>>)
        %add3A_331 = arith.constant 128 : i32
        %add3A_332 = arith.addi %mul3A_127, %add3A_331 : i32
        %scan3A_333 = arith.constant 0 : i32
        %scan3A_334 = arith.constant 4 : i32
        %scan3A_335 = arith.addi %scan3A_333, %scan3A_334 : i32
        %scan3A_336 = arith.constant 1 : i32
        scf.for %scan3A_338 = %scan3A_333 to %scan3A_335 step %scan3A_336  : i32 {
          %mul3A_339 = arith.constant 16 : i32
          %mul3A_340 = arith.muli %scan3A_338, %mul3A_339 : i32
          %add3A_341 = arith.addi %add3A_332, %mul3A_340 : i32
          %mul3A_342 = arith.constant 16 : i32
          %mul3A_343 = arith.muli %scan3A_338, %mul3A_342 : i32
          %get3A = arith.constant 5 : i32
          %get3A_344 = arith.index_cast %get3A : i32 to index
          %get3A_345 = arith.index_cast %add3A_341 : i32 to index
          %get3A_346 = tpu.vector_load %arg10[%get3A_344, %get3A_345] {strides = array<i32>} : memref<6x3968xi32, #tpu.memory_space<vmem>>, vector<1x16xi32>,
          %get3A_347 = vector.shape_cast %get3A_346 : vector<1x16xi32> to vector<16xi32>
          %get3A_348 = arith.constant 0 : i32
          %get3A_349 = arith.index_cast %get3A_348 : i32 to index
          %get3A_350 = arith.index_cast %add3A_341 : i32 to index
          %get3A_351 = tpu.vector_load %arg10[%get3A_349, %get3A_350] {strides = array<i32>} : memref<6x3968xi32, #tpu.memory_space<vmem>>, vector<1x16xi32>,
          %get3A_352 = vector.shape_cast %get3A_351 : vector<1x16xi32> to vector<16xi32>
          %add3A_353 = arith.addi %mul3A_2, %add3A_332 : i32
          %mul3A_354 = arith.constant 16 : i32
          %mul3A_355 = arith.muli %scan3A_338, %mul3A_354 : i32
          %add3A_356 = arith.addi %add3A_353, %mul3A_355 : i32
          %add3A_357 = vector.broadcast %add3A_356 : i32 to vector<16xi32>
          %add3A_358 = arith.addi %add3A_357, %iota3A : vector<16xi32>
          %rem3A = arith.constant 10000 : i32
          %rem3A_359 = vector.broadcast %rem3A : i32 to vector<16xi32>
          %rem3A_360 = arith.remsi %add3A_358, %rem3A_359 : vector<16xi32>
          %add3A_361 = arith.constant 80000 : i32
          %add3A_362 = vector.broadcast %add3A_361 : i32 to vector<16xi32>
          %add3A_363 = arith.addi %add3A_362, %rem3A_360 : vector<16xi32>
          %eq3A = arith.constant 0 : i32
          %eq3A_364 = vector.broadcast %eq3A : i32 to vector<16xi32>
          %eq3A_365 = arith.cmpi eq, %get3A_347, %eq3A_364 : vector<16xi32>
          %eq3A_366 = arith.constant 1 : i32
          %eq3A_367 = vector.broadcast %eq3A_366 : i32 to vector<16xi32>
          %eq3A_368 = arith.cmpi eq, %get3A_347, %eq3A_367 : vector<16xi32>
          %eq3A_369 = arith.constant 2 : i32
          %eq3A_370 = vector.broadcast %eq3A_369 : i32 to vector<16xi32>
          %eq3A_371 = arith.cmpi eq, %get3A_347, %eq3A_370 : vector<16xi32>
          %jit3A = arith.constant 20000 : i32
          %jit3A_372 = arith.constant 50000 : i32
          %broadcast_in_dim3A = vector.broadcast %jit3A : i32 to vector<16xi32>
          %broadcast_in_dim3A_373 = vector.broadcast %jit3A_372 : i32 to vector<16xi32>
          %select_n3A = arith.select %eq3A_371, %broadcast_in_dim3A, %broadcast_in_dim3A_373 : vector<16xi1>, vector<16xi32>
          %jit3A_374 = arith.constant 10000 : i32
          %broadcast_in_dim3A_375 = vector.broadcast %jit3A_374 : i32 to vector<16xi32>
          %select_n3A_376 = arith.select %eq3A_368, %broadcast_in_dim3A_375, %select_n3A : vector<16xi1>, vector<16xi32>
          %jit3A_377 = arith.constant 0 : i32
          %broadcast_in_dim3A_378 = vector.broadcast %jit3A_377 : i32 to vector<16xi32>
          %select_n3A_379 = arith.select %eq3A_365, %broadcast_in_dim3A_378, %select_n3A_376 : vector<16xi1>, vector<16xi32>
          %add3A_380 = arith.addi %select_n3A_379, %get3A_352 : vector<16xi32>
          %swap3A = arith.constant 0 : i32
          %swap3A_381 = arith.constant 0 : i32
          %swap3A_382 = arith.index_cast %swap3A : i32 to index
          %swap3A_383 = arith.index_cast %swap3A_381 : i32 to index
          %swap3A_384 = arith.index_cast %mul3A_343 : i32 to index
          %swap3A_385 = tpu.vector_load %arg12[%swap3A_382, %swap3A_383, %swap3A_384] {strides = array<i32>} : memref<2x3x64xi32, #tpu.memory_space<vmem>>, vector<1x1x16xi32>,
          %swap3A_386 = vector.shape_cast %swap3A_385 : vector<1x1x16xi32> to vector<16xi32>
          %swap3A_387 = vector.shape_cast %add3A_380 : vector<16xi32> to vector<1x1x16xi32>
          tpu.vector_store %arg12[%swap3A_382, %swap3A_383, %swap3A_384], %swap3A_387 {strides = array<i32>} : memref<2x3x64xi32, #tpu.memory_space<vmem>>, vector<1x1x16xi32>,
          %get3A_388 = arith.constant 1 : i32
          %get3A_389 = arith.index_cast %get3A_388 : i32 to index
          %get3A_390 = arith.index_cast %add3A_341 : i32 to index
          %get3A_391 = tpu.vector_load %arg10[%get3A_389, %get3A_390] {strides = array<i32>} : memref<6x3968xi32, #tpu.memory_space<vmem>>, vector<1x16xi32>,
          %get3A_392 = vector.shape_cast %get3A_391 : vector<1x16xi32> to vector<16xi32>
          %get3A_393 = arith.constant 0 : i32
          %get3A_394 = arith.constant 0 : i32
          %get3A_395 = arith.index_cast %get3A_393 : i32 to index
          %get3A_396 = arith.index_cast %get3A_394 : i32 to index
          %get3A_397 = arith.index_cast %mul3A_343 : i32 to index
          %get3A_398 = tpu.vector_load %arg11[%get3A_395, %get3A_396, %get3A_397] {strides = array<i32>} : memref<2x2x64xi32, #tpu.memory_space<vmem>>, vector<1x1x16xi32>,
          %get3A_399 = vector.shape_cast %get3A_398 : vector<1x1x16xi32> to vector<16xi32>
          %ge3A = arith.constant 0 : i32
          %ge3A_400 = vector.broadcast %ge3A : i32 to vector<16xi32>
          %ge3A_401 = arith.cmpi sge, %get3A_392, %ge3A_400 : vector<16xi32>
          %ge3A_402 = arith.constant 2 : i32
          %ge3A_403 = vector.broadcast %ge3A_402 : i32 to vector<16xi32>
          %ge3A_404 = arith.cmpi sge, %get3A_347, %ge3A_403 : vector<16xi32>
          %and3A = arith.andi %ge3A_401, %ge3A_404 : vector<16xi1>
          %eq3A_405 = arith.constant 2 : i32
          %eq3A_406 = vector.broadcast %eq3A_405 : i32 to vector<16xi32>
          %eq3A_407 = arith.cmpi eq, %get3A_347, %eq3A_406 : vector<16xi32>
          %jit3A_408 = arith.constant 30000 : i32
          %jit3A_409 = arith.constant 60000 : i32
          %broadcast_in_dim3A_410 = vector.broadcast %jit3A_408 : i32 to vector<16xi32>
          %broadcast_in_dim3A_411 = vector.broadcast %jit3A_409 : i32 to vector<16xi32>
          %select_n3A_412 = arith.select %eq3A_407, %broadcast_in_dim3A_410, %broadcast_in_dim3A_411 : vector<16xi1>, vector<16xi32>
          %add3A_413 = arith.addi %select_n3A_412, %get3A_399 : vector<16xi32>
          %select_n3A_414 = arith.select %and3A, %add3A_413, %add3A_363 : vector<16xi1>, vector<16xi32>
          %swap3A_415 = arith.constant 0 : i32
          %swap3A_416 = arith.constant 1 : i32
          %swap3A_417 = arith.index_cast %swap3A_415 : i32 to index
          %swap3A_418 = arith.index_cast %swap3A_416 : i32 to index
          %swap3A_419 = arith.index_cast %mul3A_343 : i32 to index
          %swap3A_420 = tpu.vector_load %arg12[%swap3A_417, %swap3A_418, %swap3A_419] {strides = array<i32>} : memref<2x3x64xi32, #tpu.memory_space<vmem>>, vector<1x1x16xi32>,
          %swap3A_421 = vector.shape_cast %swap3A_420 : vector<1x1x16xi32> to vector<16xi32>
          %swap3A_422 = vector.shape_cast %select_n3A_414 : vector<16xi32> to vector<1x1x16xi32>
          tpu.vector_store %arg12[%swap3A_417, %swap3A_418, %swap3A_419], %swap3A_422 {strides = array<i32>} : memref<2x3x64xi32, #tpu.memory_space<vmem>>, vector<1x1x16xi32>,
          %get3A_423 = arith.constant 3 : i32
          %get3A_424 = arith.index_cast %get3A_423 : i32 to index
          %get3A_425 = arith.index_cast %add3A_341 : i32 to index
          %get3A_426 = tpu.vector_load %arg10[%get3A_424, %get3A_425] {strides = array<i32>} : memref<6x3968xi32, #tpu.memory_space<vmem>>, vector<1x16xi32>,
          %get3A_427 = vector.shape_cast %get3A_426 : vector<1x16xi32> to vector<16xi32>
          %get3A_428 = arith.constant 0 : i32
          %get3A_429 = arith.constant 1 : i32
          %get3A_430 = arith.index_cast %get3A_428 : i32 to index
          %get3A_431 = arith.index_cast %get3A_429 : i32 to index
          %get3A_432 = arith.index_cast %mul3A_343 : i32 to index
          %get3A_433 = tpu.vector_load %arg11[%get3A_430, %get3A_431, %get3A_432] {strides = array<i32>} : memref<2x2x64xi32, #tpu.memory_space<vmem>>, vector<1x1x16xi32>,
          %get3A_434 = vector.shape_cast %get3A_433 : vector<1x1x16xi32> to vector<16xi32>
          %ge3A_435 = arith.constant 0 : i32
          %ge3A_436 = vector.broadcast %ge3A_435 : i32 to vector<16xi32>
          %ge3A_437 = arith.cmpi sge, %get3A_427, %ge3A_436 : vector<16xi32>
          %ge3A_438 = arith.constant 2 : i32
          %ge3A_439 = vector.broadcast %ge3A_438 : i32 to vector<16xi32>
          %ge3A_440 = arith.cmpi sge, %get3A_347, %ge3A_439 : vector<16xi32>
          %and3A_441 = arith.andi %ge3A_437, %ge3A_440 : vector<16xi1>
          %eq3A_442 = arith.constant 2 : i32
          %eq3A_443 = vector.broadcast %eq3A_442 : i32 to vector<16xi32>
          %eq3A_444 = arith.cmpi eq, %get3A_347, %eq3A_443 : vector<16xi32>
          %jit3A_445 = arith.constant 40000 : i32
          %jit3A_446 = arith.constant 70000 : i32
          %broadcast_in_dim3A_447 = vector.broadcast %jit3A_445 : i32 to vector<16xi32>
          %broadcast_in_dim3A_448 = vector.broadcast %jit3A_446 : i32 to vector<16xi32>
          %select_n3A_449 = arith.select %eq3A_444, %broadcast_in_dim3A_447, %broadcast_in_dim3A_448 : vector<16xi1>, vector<16xi32>
          %add3A_450 = arith.addi %select_n3A_449, %get3A_434 : vector<16xi32>
          %select_n3A_451 = arith.select %and3A_441, %add3A_450, %add3A_363 : vector<16xi1>, vector<16xi32>
          %swap3A_452 = arith.constant 0 : i32
          %swap3A_453 = arith.constant 2 : i32
          %swap3A_454 = arith.index_cast %swap3A_452 : i32 to index
          %swap3A_455 = arith.index_cast %swap3A_453 : i32 to index
          %swap3A_456 = arith.index_cast %mul3A_343 : i32 to index
          %swap3A_457 = tpu.vector_load %arg12[%swap3A_454, %swap3A_455, %swap3A_456] {strides = array<i32>} : memref<2x3x64xi32, #tpu.memory_space<vmem>>, vector<1x1x16xi32>,
          %swap3A_458 = vector.shape_cast %swap3A_457 : vector<1x1x16xi32> to vector<16xi32>
          %swap3A_459 = vector.shape_cast %select_n3A_451 : vector<16xi32> to vector<1x1x16xi32>
          tpu.vector_store %arg12[%swap3A_454, %swap3A_455, %swap3A_456], %swap3A_459 {strides = array<i32>} : memref<2x3x64xi32, #tpu.memory_space<vmem>>, vector<1x1x16xi32>,
        }
        %scan3A_337 = arith.constant 4 : i32
      } else {
      }
      %dma_wait3A_254 = arith.constant 1 : i32
      %dma_wait3A_255 = arith.constant 0 : i32
      %dma_wait3A_256 = arith.constant 1 : i32
      %dma_wait3A_257 = arith.constant 0 : i32
      %dma_wait3A_258 = arith.constant 0 : i32
      %dma_wait3A_259 = arith.constant 0 : i32
      %dma_wait3A_260 = tpu.memref_slice %arg13[%dma_wait3A_256, %dma_wait3A_257, %dma_wait3A_258, %dma_wait3A_259] : memref<2x3x64x128xf32, #tpu.memory_space<vmem>> -> memref<1x1x64x128xf32, #tpu.memory_space<vmem>>
      %dma_wait3A_261 = tpu.memref_squeeze %dma_wait3A_260 : memref<1x1x64x128xf32, #tpu.memory_space<vmem>> -> memref<64x128xf32, #tpu.memory_space<vmem>>
      %dma_wait3A_262 = arith.constant 0 : i32
      %dma_wait3A_263 = tpu.memref_slice %arg12[%dma_wait3A_254, %dma_wait3A_255, %dma_wait3A_262] : memref<2x3x64xi32, #tpu.memory_space<vmem>> -> memref<1x1x64xi32, #tpu.memory_space<vmem>>
      %dma_wait3A_264 = tpu.memref_squeeze %dma_wait3A_263 : memref<1x1x64xi32, #tpu.memory_space<vmem>> -> memref<64xi32, #tpu.memory_space<vmem>>
      %dma_wait3A_265 = arith.constant 0 : i32
      %dma_wait3A_266 = arith.constant 0 : i32
      %dma_wait3A_267 = tpu.memref_slice %arg2[%dma_wait3A_265, %dma_wait3A_266] : memref<90000x128xf32, #tpu.memory_space<hbm>> -> memref<90000x128xf32, #tpu.memory_space<hbm>>
      tpu.wait_indirect_dma semaphore(%arg16 : memref<!tpu.dma_semaphore, #tpu.memory_space<semaphore_mem>>) src(%dma_wait3A_267 : memref<90000x128xf32, #tpu.memory_space<hbm>>) dst(%dma_wait3A_261 : memref<64x128xf32, #tpu.memory_space<vmem>>)
      %dma_wait3A_268 = arith.constant 1 : i32
      %dma_wait3A_269 = arith.constant 1 : i32
      %dma_wait3A_270 = arith.constant 1 : i32
      %dma_wait3A_271 = arith.constant 1 : i32
      %dma_wait3A_272 = arith.constant 0 : i32
      %dma_wait3A_273 = arith.constant 0 : i32
      %dma_wait3A_274 = tpu.memref_slice %arg13[%dma_wait3A_270, %dma_wait3A_271, %dma_wait3A_272, %dma_wait3A_273] : memref<2x3x64x128xf32, #tpu.memory_space<vmem>> -> memref<1x1x64x128xf32, #tpu.memory_space<vmem>>
      %dma_wait3A_275 = tpu.memref_squeeze %dma_wait3A_274 : memref<1x1x64x128xf32, #tpu.memory_space<vmem>> -> memref<64x128xf32, #tpu.memory_space<vmem>>
      %dma_wait3A_276 = arith.constant 0 : i32
      %dma_wait3A_277 = tpu.memref_slice %arg12[%dma_wait3A_268, %dma_wait3A_269, %dma_wait3A_276] : memref<2x3x64xi32, #tpu.memory_space<vmem>> -> memref<1x1x64xi32, #tpu.memory_space<vmem>>
      %dma_wait3A_278 = tpu.memref_squeeze %dma_wait3A_277 : memref<1x1x64xi32, #tpu.memory_space<vmem>> -> memref<64xi32, #tpu.memory_space<vmem>>
      %dma_wait3A_279 = arith.constant 0 : i32
      %dma_wait3A_280 = arith.constant 0 : i32
      %dma_wait3A_281 = tpu.memref_slice %arg2[%dma_wait3A_279, %dma_wait3A_280] : memref<90000x128xf32, #tpu.memory_space<hbm>> -> memref<90000x128xf32, #tpu.memory_space<hbm>>
      tpu.wait_indirect_dma semaphore(%arg16 : memref<!tpu.dma_semaphore, #tpu.memory_space<semaphore_mem>>) src(%dma_wait3A_281 : memref<90000x128xf32, #tpu.memory_space<hbm>>) dst(%dma_wait3A_275 : memref<64x128xf32, #tpu.memory_space<vmem>>)
      %dma_wait3A_282 = arith.constant 1 : i32
      %dma_wait3A_283 = arith.constant 2 : i32
      %dma_wait3A_284 = arith.constant 1 : i32
      %dma_wait3A_285 = arith.constant 2 : i32
      %dma_wait3A_286 = arith.constant 0 : i32
      %dma_wait3A_287 = arith.constant 0 : i32
      %dma_wait3A_288 = tpu.memref_slice %arg13[%dma_wait3A_284, %dma_wait3A_285, %dma_wait3A_286, %dma_wait3A_287] : memref<2x3x64x128xf32, #tpu.memory_space<vmem>> -> memref<1x1x64x128xf32, #tpu.memory_space<vmem>>
      %dma_wait3A_289 = tpu.memref_squeeze %dma_wait3A_288 : memref<1x1x64x128xf32, #tpu.memory_space<vmem>> -> memref<64x128xf32, #tpu.memory_space<vmem>>
      %dma_wait3A_290 = arith.constant 0 : i32
      %dma_wait3A_291 = tpu.memref_slice %arg12[%dma_wait3A_282, %dma_wait3A_283, %dma_wait3A_290] : memref<2x3x64xi32, #tpu.memory_space<vmem>> -> memref<1x1x64xi32, #tpu.memory_space<vmem>>
      %dma_wait3A_292 = tpu.memref_squeeze %dma_wait3A_291 : memref<1x1x64xi32, #tpu.memory_space<vmem>> -> memref<64xi32, #tpu.memory_space<vmem>>
      %dma_wait3A_293 = arith.constant 0 : i32
      %dma_wait3A_294 = arith.constant 0 : i32
      %dma_wait3A_295 = tpu.memref_slice %arg2[%dma_wait3A_293, %dma_wait3A_294] : memref<90000x128xf32, #tpu.memory_space<hbm>> -> memref<90000x128xf32, #tpu.memory_space<hbm>>
      tpu.wait_indirect_dma semaphore(%arg16 : memref<!tpu.dma_semaphore, #tpu.memory_space<semaphore_mem>>) src(%dma_wait3A_295 : memref<90000x128xf32, #tpu.memory_space<hbm>>) dst(%dma_wait3A_289 : memref<64x128xf32, #tpu.memory_space<vmem>>)
      %lt3A_296 = arith.constant 30 : i32
      %lt3A_297 = arith.cmpi slt, %scan3A_123, %lt3A_296 : i32
      %convert_element_type3A_298 = arith.extui %lt3A_297 : i1 to i32
      %cond3A_299 = arith.constant 0 : i32
      %cond3A_300 = arith.cmpi ne, %convert_element_type3A_298, %cond3A_299 : i32
      scf.if %cond3A_300 {
        %dma_start3A_309 = arith.constant 0 : i32
        %dma_start3A_310 = arith.constant 0 : i32
        %dma_start3A_311 = arith.constant 0 : i32
        %dma_start3A_312 = arith.constant 0 : i32
        %dma_start3A_313 = arith.constant 0 : i32
        %dma_start3A_314 = arith.constant 0 : i32
        %dma_start3A_315 = tpu.memref_slice %arg13[%dma_start3A_311, %dma_start3A_312, %dma_start3A_313, %dma_start3A_314] : memref<2x3x64x128xf32, #tpu.memory_space<vmem>> -> memref<1x1x64x128xf32, #tpu.memory_space<vmem>>
        %dma_start3A_316 = tpu.memref_squeeze %dma_start3A_315 : memref<1x1x64x128xf32, #tpu.memory_space<vmem>> -> memref<64x128xf32, #tpu.memory_space<vmem>>
        %dma_start3A_317 = arith.constant 0 : i32
        %dma_start3A_318 = tpu.memref_slice %arg12[%dma_start3A_309, %dma_start3A_310, %dma_start3A_317] : memref<2x3x64xi32, #tpu.memory_space<vmem>> -> memref<1x1x64xi32, #tpu.memory_space<vmem>>
        %dma_start3A_319 = tpu.memref_squeeze %dma_start3A_318 : memref<1x1x64xi32, #tpu.memory_space<vmem>> -> memref<64xi32, #tpu.memory_space<vmem>>
        %dma_start3A_320 = arith.constant 0 : i32
        %dma_start3A_321 = arith.constant 0 : i32
        %dma_start3A_322 = tpu.memref_slice %arg2[%dma_start3A_320, %dma_start3A_321] : memref<90000x128xf32, #tpu.memory_space<hbm>> -> memref<90000x128xf32, #tpu.memory_space<hbm>>
        tpu.enqueue_indirect_dma source(%dma_start3A_322 : memref<90000x128xf32, #tpu.memory_space<hbm>>) target(%dma_start3A_316 : memref<64x128xf32, #tpu.memory_space<vmem>>) offsets(%dma_start3A_319 : memref<64xi32, #tpu.memory_space<vmem>>) semaphore(%arg15 : memref<!tpu.dma_semaphore, #tpu.memory_space<semaphore_mem>>)
        %dma_start3A_323 = arith.constant 0 : i32
        %dma_start3A_324 = arith.constant 1 : i32
        %dma_start3A_325 = arith.constant 0 : i32
        %dma_start3A_326 = arith.constant 1 : i32
        %dma_start3A_327 = arith.constant 0 : i32
        %dma_start3A_328 = arith.constant 0 : i32
        %dma_start3A_329 = tpu.memref_slice %arg13[%dma_start3A_325, %dma_start3A_326, %dma_start3A_327, %dma_start3A_328] : memref<2x3x64x128xf32, #tpu.memory_space<vmem>> -> memref<1x1x64x128xf32, #tpu.memory_space<vmem>>
        %dma_start3A_330 = tpu.memref_squeeze %dma_start3A_329 : memref<1x1x64x128xf32, #tpu.memory_space<vmem>> -> memref<64x128xf32, #tpu.memory_space<vmem>>
        %dma_start3A_331 = arith.constant 0 : i32
        %dma_start3A_332 = tpu.memref_slice %arg12[%dma_start3A_323, %dma_start3A_324, %dma_start3A_331] : memref<2x3x64xi32, #tpu.memory_space<vmem>> -> memref<1x1x64xi32, #tpu.memory_space<vmem>>
        %dma_start3A_333 = tpu.memref_squeeze %dma_start3A_332 : memref<1x1x64xi32, #tpu.memory_space<vmem>> -> memref<64xi32, #tpu.memory_space<vmem>>
        %dma_start3A_334 = arith.constant 0 : i32
        %dma_start3A_335 = arith.constant 0 : i32
        %dma_start3A_336 = tpu.memref_slice %arg2[%dma_start3A_334, %dma_start3A_335] : memref<90000x128xf32, #tpu.memory_space<hbm>> -> memref<90000x128xf32, #tpu.memory_space<hbm>>
        tpu.enqueue_indirect_dma source(%dma_start3A_336 : memref<90000x128xf32, #tpu.memory_space<hbm>>) target(%dma_start3A_330 : memref<64x128xf32, #tpu.memory_space<vmem>>) offsets(%dma_start3A_333 : memref<64xi32, #tpu.memory_space<vmem>>) semaphore(%arg15 : memref<!tpu.dma_semaphore, #tpu.memory_space<semaphore_mem>>)
        %dma_start3A_337 = arith.constant 0 : i32
        %dma_start3A_338 = arith.constant 2 : i32
        %dma_start3A_339 = arith.constant 0 : i32
        %dma_start3A_340 = arith.constant 2 : i32
        %dma_start3A_341 = arith.constant 0 : i32
        %dma_start3A_342 = arith.constant 0 : i32
        %dma_start3A_343 = tpu.memref_slice %arg13[%dma_start3A_339, %dma_start3A_340, %dma_start3A_341, %dma_start3A_342] : memref<2x3x64x128xf32, #tpu.memory_space<vmem>> -> memref<1x1x64x128xf32, #tpu.memory_space<vmem>>
        %dma_start3A_344 = tpu.memref_squeeze %dma_start3A_343 : memref<1x1x64x128xf32, #tpu.memory_space<vmem>> -> memref<64x128xf32, #tpu.memory_space<vmem>>
        %dma_start3A_345 = arith.constant 0 : i32
        %dma_start3A_346 = tpu.memref_slice %arg12[%dma_start3A_337, %dma_start3A_338, %dma_start3A_345] : memref<2x3x64xi32, #tpu.memory_space<vmem>> -> memref<1x1x64xi32, #tpu.memory_space<vmem>>
        %dma_start3A_347 = tpu.memref_squeeze %dma_start3A_346 : memref<1x1x64xi32, #tpu.memory_space<vmem>> -> memref<64xi32, #tpu.memory_space<vmem>>
        %dma_start3A_348 = arith.constant 0 : i32
        %dma_start3A_349 = arith.constant 0 : i32
        %dma_start3A_350 = tpu.memref_slice %arg2[%dma_start3A_348, %dma_start3A_349] : memref<90000x128xf32, #tpu.memory_space<hbm>> -> memref<90000x128xf32, #tpu.memory_space<hbm>>
        tpu.enqueue_indirect_dma source(%dma_start3A_350 : memref<90000x128xf32, #tpu.memory_space<hbm>>) target(%dma_start3A_344 : memref<64x128xf32, #tpu.memory_space<vmem>>) offsets(%dma_start3A_347 : memref<64xi32, #tpu.memory_space<vmem>>) semaphore(%arg15 : memref<!tpu.dma_semaphore, #tpu.memory_space<semaphore_mem>>)
        %add3A_351 = arith.constant 192 : i32
        %add3A_352 = arith.addi %mul3A_127, %add3A_351 : i32
        %dma_start3A_353 = arith.constant 2 : i32
        %dma_start3A_354 = arith.constant 1 : i32
        %dma_start3A_355 = arith.constant 0 : i32
        %dma_start3A_356 = arith.constant 0 : i32
        %dma_start3A_357 = tpu.memref_slice %arg11[%dma_start3A_354, %dma_start3A_355, %dma_start3A_356] : memref<2x2x64xi32, #tpu.memory_space<vmem>> -> memref<1x1x64xi32, #tpu.memory_space<vmem>>
        %dma_start3A_358 = tpu.memref_squeeze %dma_start3A_357 : memref<1x1x64xi32, #tpu.memory_space<vmem>> -> memref<64xi32, #tpu.memory_space<vmem>>
        %dma_start3A_359 = tpu.memref_slice %arg10[%dma_start3A_353, %add3A_352] : memref<6x3968xi32, #tpu.memory_space<vmem>> -> memref<1x64xi32, #tpu.memory_space<vmem>>
        %dma_start3A_360 = tpu.memref_squeeze %dma_start3A_359 : memref<1x64xi32, #tpu.memory_space<vmem>> -> memref<64xi32, #tpu.memory_space<vmem>>
        %dma_start3A_361 = arith.constant 0 : i32
        %dma_start3A_362 = tpu.memref_slice %arg3[%dma_start3A_361] : memref<126976xi32, #tpu.memory_space<hbm>> -> memref<126976xi32, #tpu.memory_space<hbm>>
        tpu.enqueue_indirect_dma source(%dma_start3A_362 : memref<126976xi32, #tpu.memory_space<hbm>>) target(%dma_start3A_358 : memref<64xi32, #tpu.memory_space<vmem>>) offsets(%dma_start3A_360 : memref<64xi32, #tpu.memory_space<vmem>>) semaphore(%arg18 : memref<!tpu.dma_semaphore, #tpu.memory_space<semaphore_mem>>)
        %dma_start3A_363 = arith.constant 4 : i32
        %dma_start3A_364 = arith.constant 1 : i32
        %dma_start3A_365 = arith.constant 1 : i32
        %dma_start3A_366 = arith.constant 0 : i32
        %dma_start3A_367 = tpu.memref_slice %arg11[%dma_start3A_364, %dma_start3A_365, %dma_start3A_366] : memref<2x2x64xi32, #tpu.memory_space<vmem>> -> memref<1x1x64xi32, #tpu.memory_space<vmem>>
        %dma_start3A_368 = tpu.memref_squeeze %dma_start3A_367 : memref<1x1x64xi32, #tpu.memory_space<vmem>> -> memref<64xi32, #tpu.memory_space<vmem>>
        %dma_start3A_369 = tpu.memref_slice %arg10[%dma_start3A_363, %add3A_352] : memref<6x3968xi32, #tpu.memory_space<vmem>> -> memref<1x64xi32, #tpu.memory_space<vmem>>
        %dma_start3A_370 = tpu.memref_squeeze %dma_start3A_369 : memref<1x64xi32, #tpu.memory_space<vmem>> -> memref<64xi32, #tpu.memory_space<vmem>>
        %dma_start3A_371 = arith.constant 0 : i32
        %dma_start3A_372 = tpu.memref_slice %arg3[%dma_start3A_371] : memref<126976xi32, #tpu.memory_space<hbm>> -> memref<126976xi32, #tpu.memory_space<hbm>>
        tpu.enqueue_indirect_dma source(%dma_start3A_372 : memref<126976xi32, #tpu.memory_space<hbm>>) target(%dma_start3A_368 : memref<64xi32, #tpu.memory_space<vmem>>) offsets(%dma_start3A_370 : memref<64xi32, #tpu.memory_space<vmem>>) semaphore(%arg18 : memref<!tpu.dma_semaphore, #tpu.memory_space<semaphore_mem>>)
      } else {
      }
      %add3A_301 = arith.constant 64 : i32
      %add3A_302 = arith.addi %mul3A_127, %add3A_301 : i32
      %scan3A_303 = arith.constant 0 : i32
      %scan3A_304 = arith.constant 64 : i32
      %scan3A_305 = arith.addi %scan3A_303, %scan3A_304 : i32
      %scan3A_306 = arith.constant 1 : i32
      scf.for %scan3A_309 = %scan3A_303 to %scan3A_305 step %scan3A_306  : i32 {
        %get3A = arith.constant 1 : i32
        %get3A_310 = arith.constant 0 : i32
        %get3A_311 = arith.index_cast %get3A : i32 to index
        %get3A_312 = arith.index_cast %get3A_310 : i32 to index
        %get3A_313 = arith.index_cast %scan3A_309 : i32 to index
        %get3A_314 = arith.constant 0 : index
        %get3A_315 = tpu.vector_load %arg13[%get3A_311, %get3A_312, %get3A_313, %get3A_314] {strides = array<i32>} : memref<2x3x64x128xf32, #tpu.memory_space<vmem>>, vector<1x1x1x16xf32>,
        %get3A_316 = vector.shape_cast %get3A_315 : vector<1x1x1x16xf32> to vector<16xf32>
        %get3A_317 = arith.constant 1 : i32
        %get3A_318 = arith.constant 1 : i32
        %get3A_319 = arith.index_cast %get3A_317 : i32 to index
        %get3A_320 = arith.index_cast %get3A_318 : i32 to index
        %get3A_321 = arith.index_cast %scan3A_309 : i32 to index
        %get3A_322 = arith.constant 0 : index
        %get3A_323 = tpu.vector_load %arg13[%get3A_319, %get3A_320, %get3A_321, %get3A_322] {strides = array<i32>} : memref<2x3x64x128xf32, #tpu.memory_space<vmem>>, vector<1x1x1x16xf32>,
        %get3A_324 = vector.shape_cast %get3A_323 : vector<1x1x1x16xf32> to vector<16xf32>
        %add3A_325 = arith.addf %get3A_316, %get3A_324 : vector<16xf32>
        %get3A_326 = arith.constant 1 : i32
        %get3A_327 = arith.constant 2 : i32
        %get3A_328 = arith.index_cast %get3A_326 : i32 to index
        %get3A_329 = arith.index_cast %get3A_327 : i32 to index
        %get3A_330 = arith.index_cast %scan3A_309 : i32 to index
        %get3A_331 = arith.constant 0 : index
        %get3A_332 = tpu.vector_load %arg13[%get3A_328, %get3A_329, %get3A_330, %get3A_331] {strides = array<i32>} : memref<2x3x64x128xf32, #tpu.memory_space<vmem>>, vector<1x1x1x16xf32>,
        %get3A_333 = vector.shape_cast %get3A_332 : vector<1x1x1x16xf32> to vector<16xf32>
        %add3A_334 = arith.addf %add3A_325, %get3A_333 : vector<16xf32>
        %swap3A = arith.index_cast %scan3A_309 : i32 to index
        %swap3A_335 = arith.constant 0 : index
        %swap3A_336 = tpu.vector_load %arg14[%swap3A, %swap3A_335] {strides = array<i32>} : memref<64x128xf32, #tpu.memory_space<vmem>>, vector<1x16xf32>,
        %swap3A_337 = vector.shape_cast %swap3A_336 : vector<1x16xf32> to vector<16xf32>
        %swap3A_338 = vector.shape_cast %add3A_334 : vector<16xf32> to vector<1x16xf32>
        tpu.vector_store %arg14[%swap3A, %swap3A_335], %swap3A_338 {strides = array<i32>} : memref<64x128xf32, #tpu.memory_space<vmem>>, vector<1x16xf32>,
        %get3A_339 = arith.constant 1 : i32
        %get3A_340 = arith.constant 0 : i32
        %get3A_341 = arith.index_cast %get3A_339 : i32 to index
        %get3A_342 = arith.index_cast %get3A_340 : i32 to index
        %get3A_343 = arith.index_cast %scan3A_309 : i32 to index
        %get3A_344 = arith.constant 16 : index
        %get3A_345 = tpu.vector_load %arg13[%get3A_341, %get3A_342, %get3A_343, %get3A_344] {strides = array<i32>} : memref<2x3x64x128xf32, #tpu.memory_space<vmem>>, vector<1x1x1x16xf32>,
        %get3A_346 = vector.shape_cast %get3A_345 : vector<1x1x1x16xf32> to vector<16xf32>
        %get3A_347 = arith.constant 1 : i32
        %get3A_348 = arith.constant 1 : i32
        %get3A_349 = arith.index_cast %get3A_347 : i32 to index
        %get3A_350 = arith.index_cast %get3A_348 : i32 to index
        %get3A_351 = arith.index_cast %scan3A_309 : i32 to index
        %get3A_352 = arith.constant 16 : index
        %get3A_353 = tpu.vector_load %arg13[%get3A_349, %get3A_350, %get3A_351, %get3A_352] {strides = array<i32>} : memref<2x3x64x128xf32, #tpu.memory_space<vmem>>, vector<1x1x1x16xf32>,
        %get3A_354 = vector.shape_cast %get3A_353 : vector<1x1x1x16xf32> to vector<16xf32>
        %add3A_355 = arith.addf %get3A_346, %get3A_354 : vector<16xf32>
        %get3A_356 = arith.constant 1 : i32
        %get3A_357 = arith.constant 2 : i32
        %get3A_358 = arith.index_cast %get3A_356 : i32 to index
        %get3A_359 = arith.index_cast %get3A_357 : i32 to index
        %get3A_360 = arith.index_cast %scan3A_309 : i32 to index
        %get3A_361 = arith.constant 16 : index
        %get3A_362 = tpu.vector_load %arg13[%get3A_358, %get3A_359, %get3A_360, %get3A_361] {strides = array<i32>} : memref<2x3x64x128xf32, #tpu.memory_space<vmem>>, vector<1x1x1x16xf32>,
        %get3A_363 = vector.shape_cast %get3A_362 : vector<1x1x1x16xf32> to vector<16xf32>
        %add3A_364 = arith.addf %add3A_355, %get3A_363 : vector<16xf32>
        %swap3A_365 = arith.index_cast %scan3A_309 : i32 to index
        %swap3A_366 = arith.constant 16 : index
        %swap3A_367 = tpu.vector_load %arg14[%swap3A_365, %swap3A_366] {strides = array<i32>} : memref<64x128xf32, #tpu.memory_space<vmem>>, vector<1x16xf32>,
        %swap3A_368 = vector.shape_cast %swap3A_367 : vector<1x16xf32> to vector<16xf32>
        %swap3A_369 = vector.shape_cast %add3A_364 : vector<16xf32> to vector<1x16xf32>
        tpu.vector_store %arg14[%swap3A_365, %swap3A_366], %swap3A_369 {strides = array<i32>} : memref<64x128xf32, #tpu.memory_space<vmem>>, vector<1x16xf32>,
        %get3A_370 = arith.constant 1 : i32
        %get3A_371 = arith.constant 0 : i32
        %get3A_372 = arith.index_cast %get3A_370 : i32 to index
        %get3A_373 = arith.index_cast %get3A_371 : i32 to index
        %get3A_374 = arith.index_cast %scan3A_309 : i32 to index
        %get3A_375 = arith.constant 32 : index
        %get3A_376 = tpu.vector_load %arg13[%get3A_372, %get3A_373, %get3A_374, %get3A_375] {strides = array<i32>} : memref<2x3x64x128xf32, #tpu.memory_space<vmem>>, vector<1x1x1x16xf32>,
        %get3A_377 = vector.shape_cast %get3A_376 : vector<1x1x1x16xf32> to vector<16xf32>
        %get3A_378 = arith.constant 1 : i32
        %get3A_379 = arith.constant 1 : i32
        %get3A_380 = arith.index_cast %get3A_378 : i32 to index
        %get3A_381 = arith.index_cast %get3A_379 : i32 to index
        %get3A_382 = arith.index_cast %scan3A_309 : i32 to index
        %get3A_383 = arith.constant 32 : index
        %get3A_384 = tpu.vector_load %arg13[%get3A_380, %get3A_381, %get3A_382, %get3A_383] {strides = array<i32>} : memref<2x3x64x128xf32, #tpu.memory_space<vmem>>, vector<1x1x1x16xf32>,
        %get3A_385 = vector.shape_cast %get3A_384 : vector<1x1x1x16xf32> to vector<16xf32>
        %add3A_386 = arith.addf %get3A_377, %get3A_385 : vector<16xf32>
        %get3A_387 = arith.constant 1 : i32
        %get3A_388 = arith.constant 2 : i32
        %get3A_389 = arith.index_cast %get3A_387 : i32 to index
        %get3A_390 = arith.index_cast %get3A_388 : i32 to index
        %get3A_391 = arith.index_cast %scan3A_309 : i32 to index
        %get3A_392 = arith.constant 32 : index
        %get3A_393 = tpu.vector_load %arg13[%get3A_389, %get3A_390, %get3A_391, %get3A_392] {strides = array<i32>} : memref<2x3x64x128xf32, #tpu.memory_space<vmem>>, vector<1x1x1x16xf32>,
        %get3A_394 = vector.shape_cast %get3A_393 : vector<1x1x1x16xf32> to vector<16xf32>
        %add3A_395 = arith.addf %add3A_386, %get3A_394 : vector<16xf32>
        %swap3A_396 = arith.index_cast %scan3A_309 : i32 to index
        %swap3A_397 = arith.constant 32 : index
        %swap3A_398 = tpu.vector_load %arg14[%swap3A_396, %swap3A_397] {strides = array<i32>} : memref<64x128xf32, #tpu.memory_space<vmem>>, vector<1x16xf32>,
        %swap3A_399 = vector.shape_cast %swap3A_398 : vector<1x16xf32> to vector<16xf32>
        %swap3A_400 = vector.shape_cast %add3A_395 : vector<16xf32> to vector<1x16xf32>
        tpu.vector_store %arg14[%swap3A_396, %swap3A_397], %swap3A_400 {strides = array<i32>} : memref<64x128xf32, #tpu.memory_space<vmem>>, vector<1x16xf32>,
        %get3A_401 = arith.constant 1 : i32
        %get3A_402 = arith.constant 0 : i32
        %get3A_403 = arith.index_cast %get3A_401 : i32 to index
        %get3A_404 = arith.index_cast %get3A_402 : i32 to index
        %get3A_405 = arith.index_cast %scan3A_309 : i32 to index
        %get3A_406 = arith.constant 48 : index
        %get3A_407 = tpu.vector_load %arg13[%get3A_403, %get3A_404, %get3A_405, %get3A_406] {strides = array<i32>} : memref<2x3x64x128xf32, #tpu.memory_space<vmem>>, vector<1x1x1x16xf32>,
        %get3A_408 = vector.shape_cast %get3A_407 : vector<1x1x1x16xf32> to vector<16xf32>
        %get3A_409 = arith.constant 1 : i32
        %get3A_410 = arith.constant 1 : i32
        %get3A_411 = arith.index_cast %get3A_409 : i32 to index
        %get3A_412 = arith.index_cast %get3A_410 : i32 to index
        %get3A_413 = arith.index_cast %scan3A_309 : i32 to index
        %get3A_414 = arith.constant 48 : index
        %get3A_415 = tpu.vector_load %arg13[%get3A_411, %get3A_412, %get3A_413, %get3A_414] {strides = array<i32>} : memref<2x3x64x128xf32, #tpu.memory_space<vmem>>, vector<1x1x1x16xf32>,
        %get3A_416 = vector.shape_cast %get3A_415 : vector<1x1x1x16xf32> to vector<16xf32>
        %add3A_417 = arith.addf %get3A_408, %get3A_416 : vector<16xf32>
        %get3A_418 = arith.constant 1 : i32
        %get3A_419 = arith.constant 2 : i32
        %get3A_420 = arith.index_cast %get3A_418 : i32 to index
        %get3A_421 = arith.index_cast %get3A_419 : i32 to index
        %get3A_422 = arith.index_cast %scan3A_309 : i32 to index
        %get3A_423 = arith.constant 48 : index
        %get3A_424 = tpu.vector_load %arg13[%get3A_420, %get3A_421, %get3A_422, %get3A_423] {strides = array<i32>} : memref<2x3x64x128xf32, #tpu.memory_space<vmem>>, vector<1x1x1x16xf32>,
        %get3A_425 = vector.shape_cast %get3A_424 : vector<1x1x1x16xf32> to vector<16xf32>
        %add3A_426 = arith.addf %add3A_417, %get3A_425 : vector<16xf32>
        %swap3A_427 = arith.index_cast %scan3A_309 : i32 to index
        %swap3A_428 = arith.constant 48 : index
        %swap3A_429 = tpu.vector_load %arg14[%swap3A_427, %swap3A_428] {strides = array<i32>} : memref<64x128xf32, #tpu.memory_space<vmem>>, vector<1x16xf32>,
        %swap3A_430 = vector.shape_cast %swap3A_429 : vector<1x16xf32> to vector<16xf32>
        %swap3A_431 = vector.shape_cast %add3A_426 : vector<16xf32> to vector<1x16xf32>
        tpu.vector_store %arg14[%swap3A_427, %swap3A_428], %swap3A_431 {strides = array<i32>} : memref<64x128xf32, #tpu.memory_space<vmem>>, vector<1x16xf32>,
        %get3A_432 = arith.constant 1 : i32
        %get3A_433 = arith.constant 0 : i32
        %get3A_434 = arith.index_cast %get3A_432 : i32 to index
        %get3A_435 = arith.index_cast %get3A_433 : i32 to index
        %get3A_436 = arith.index_cast %scan3A_309 : i32 to index
        %get3A_437 = arith.constant 64 : index
        %get3A_438 = tpu.vector_load %arg13[%get3A_434, %get3A_435, %get3A_436, %get3A_437] {strides = array<i32>} : memref<2x3x64x128xf32, #tpu.memory_space<vmem>>, vector<1x1x1x16xf32>,
        %get3A_439 = vector.shape_cast %get3A_438 : vector<1x1x1x16xf32> to vector<16xf32>
        %get3A_440 = arith.constant 1 : i32
        %get3A_441 = arith.constant 1 : i32
        %get3A_442 = arith.index_cast %get3A_440 : i32 to index
        %get3A_443 = arith.index_cast %get3A_441 : i32 to index
        %get3A_444 = arith.index_cast %scan3A_309 : i32 to index
        %get3A_445 = arith.constant 64 : index
        %get3A_446 = tpu.vector_load %arg13[%get3A_442, %get3A_443, %get3A_444, %get3A_445] {strides = array<i32>} : memref<2x3x64x128xf32, #tpu.memory_space<vmem>>, vector<1x1x1x16xf32>,
        %get3A_447 = vector.shape_cast %get3A_446 : vector<1x1x1x16xf32> to vector<16xf32>
        %add3A_448 = arith.addf %get3A_439, %get3A_447 : vector<16xf32>
        %get3A_449 = arith.constant 1 : i32
        %get3A_450 = arith.constant 2 : i32
        %get3A_451 = arith.index_cast %get3A_449 : i32 to index
        %get3A_452 = arith.index_cast %get3A_450 : i32 to index
        %get3A_453 = arith.index_cast %scan3A_309 : i32 to index
        %get3A_454 = arith.constant 64 : index
        %get3A_455 = tpu.vector_load %arg13[%get3A_451, %get3A_452, %get3A_453, %get3A_454] {strides = array<i32>} : memref<2x3x64x128xf32, #tpu.memory_space<vmem>>, vector<1x1x1x16xf32>,
        %get3A_456 = vector.shape_cast %get3A_455 : vector<1x1x1x16xf32> to vector<16xf32>
        %add3A_457 = arith.addf %add3A_448, %get3A_456 : vector<16xf32>
        %swap3A_458 = arith.index_cast %scan3A_309 : i32 to index
        %swap3A_459 = arith.constant 64 : index
        %swap3A_460 = tpu.vector_load %arg14[%swap3A_458, %swap3A_459] {strides = array<i32>} : memref<64x128xf32, #tpu.memory_space<vmem>>, vector<1x16xf32>,
        %swap3A_461 = vector.shape_cast %swap3A_460 : vector<1x16xf32> to vector<16xf32>
        %swap3A_462 = vector.shape_cast %add3A_457 : vector<16xf32> to vector<1x16xf32>
        tpu.vector_store %arg14[%swap3A_458, %swap3A_459], %swap3A_462 {strides = array<i32>} : memref<64x128xf32, #tpu.memory_space<vmem>>, vector<1x16xf32>,
        %get3A_463 = arith.constant 1 : i32
        %get3A_464 = arith.constant 0 : i32
        %get3A_465 = arith.index_cast %get3A_463 : i32 to index
        %get3A_466 = arith.index_cast %get3A_464 : i32 to index
        %get3A_467 = arith.index_cast %scan3A_309 : i32 to index
        %get3A_468 = arith.constant 80 : index
        %get3A_469 = tpu.vector_load %arg13[%get3A_465, %get3A_466, %get3A_467, %get3A_468] {strides = array<i32>} : memref<2x3x64x128xf32, #tpu.memory_space<vmem>>, vector<1x1x1x16xf32>,
        %get3A_470 = vector.shape_cast %get3A_469 : vector<1x1x1x16xf32> to vector<16xf32>
        %get3A_471 = arith.constant 1 : i32
        %get3A_472 = arith.constant 1 : i32
        %get3A_473 = arith.index_cast %get3A_471 : i32 to index
        %get3A_474 = arith.index_cast %get3A_472 : i32 to index
        %get3A_475 = arith.index_cast %scan3A_309 : i32 to index
        %get3A_476 = arith.constant 80 : index
        %get3A_477 = tpu.vector_load %arg13[%get3A_473, %get3A_474, %get3A_475, %get3A_476] {strides = array<i32>} : memref<2x3x64x128xf32, #tpu.memory_space<vmem>>, vector<1x1x1x16xf32>,
        %get3A_478 = vector.shape_cast %get3A_477 : vector<1x1x1x16xf32> to vector<16xf32>
        %add3A_479 = arith.addf %get3A_470, %get3A_478 : vector<16xf32>
        %get3A_480 = arith.constant 1 : i32
        %get3A_481 = arith.constant 2 : i32
        %get3A_482 = arith.index_cast %get3A_480 : i32 to index
        %get3A_483 = arith.index_cast %get3A_481 : i32 to index
        %get3A_484 = arith.index_cast %scan3A_309 : i32 to index
        %get3A_485 = arith.constant 80 : index
        %get3A_486 = tpu.vector_load %arg13[%get3A_482, %get3A_483, %get3A_484, %get3A_485] {strides = array<i32>} : memref<2x3x64x128xf32, #tpu.memory_space<vmem>>, vector<1x1x1x16xf32>,
        %get3A_487 = vector.shape_cast %get3A_486 : vector<1x1x1x16xf32> to vector<16xf32>
        %add3A_488 = arith.addf %add3A_479, %get3A_487 : vector<16xf32>
        %swap3A_489 = arith.index_cast %scan3A_309 : i32 to index
        %swap3A_490 = arith.constant 80 : index
        %swap3A_491 = tpu.vector_load %arg14[%swap3A_489, %swap3A_490] {strides = array<i32>} : memref<64x128xf32, #tpu.memory_space<vmem>>, vector<1x16xf32>,
        %swap3A_492 = vector.shape_cast %swap3A_491 : vector<1x16xf32> to vector<16xf32>
        %swap3A_493 = vector.shape_cast %add3A_488 : vector<16xf32> to vector<1x16xf32>
        tpu.vector_store %arg14[%swap3A_489, %swap3A_490], %swap3A_493 {strides = array<i32>} : memref<64x128xf32, #tpu.memory_space<vmem>>, vector<1x16xf32>,
        %get3A_494 = arith.constant 1 : i32
        %get3A_495 = arith.constant 0 : i32
        %get3A_496 = arith.index_cast %get3A_494 : i32 to index
        %get3A_497 = arith.index_cast %get3A_495 : i32 to index
        %get3A_498 = arith.index_cast %scan3A_309 : i32 to index
        %get3A_499 = arith.constant 96 : index
        %get3A_500 = tpu.vector_load %arg13[%get3A_496, %get3A_497, %get3A_498, %get3A_499] {strides = array<i32>} : memref<2x3x64x128xf32, #tpu.memory_space<vmem>>, vector<1x1x1x16xf32>,
        %get3A_501 = vector.shape_cast %get3A_500 : vector<1x1x1x16xf32> to vector<16xf32>
        %get3A_502 = arith.constant 1 : i32
        %get3A_503 = arith.constant 1 : i32
        %get3A_504 = arith.index_cast %get3A_502 : i32 to index
        %get3A_505 = arith.index_cast %get3A_503 : i32 to index
        %get3A_506 = arith.index_cast %scan3A_309 : i32 to index
        %get3A_507 = arith.constant 96 : index
        %get3A_508 = tpu.vector_load %arg13[%get3A_504, %get3A_505, %get3A_506, %get3A_507] {strides = array<i32>} : memref<2x3x64x128xf32, #tpu.memory_space<vmem>>, vector<1x1x1x16xf32>,
        %get3A_509 = vector.shape_cast %get3A_508 : vector<1x1x1x16xf32> to vector<16xf32>
        %add3A_510 = arith.addf %get3A_501, %get3A_509 : vector<16xf32>
        %get3A_511 = arith.constant 1 : i32
        %get3A_512 = arith.constant 2 : i32
        %get3A_513 = arith.index_cast %get3A_511 : i32 to index
        %get3A_514 = arith.index_cast %get3A_512 : i32 to index
        %get3A_515 = arith.index_cast %scan3A_309 : i32 to index
        %get3A_516 = arith.constant 96 : index
        %get3A_517 = tpu.vector_load %arg13[%get3A_513, %get3A_514, %get3A_515, %get3A_516] {strides = array<i32>} : memref<2x3x64x128xf32, #tpu.memory_space<vmem>>, vector<1x1x1x16xf32>,
        %get3A_518 = vector.shape_cast %get3A_517 : vector<1x1x1x16xf32> to vector<16xf32>
        %add3A_519 = arith.addf %add3A_510, %get3A_518 : vector<16xf32>
        %swap3A_520 = arith.index_cast %scan3A_309 : i32 to index
        %swap3A_521 = arith.constant 96 : index
        %swap3A_522 = tpu.vector_load %arg14[%swap3A_520, %swap3A_521] {strides = array<i32>} : memref<64x128xf32, #tpu.memory_space<vmem>>, vector<1x16xf32>,
        %swap3A_523 = vector.shape_cast %swap3A_522 : vector<1x16xf32> to vector<16xf32>
        %swap3A_524 = vector.shape_cast %add3A_519 : vector<16xf32> to vector<1x16xf32>
        tpu.vector_store %arg14[%swap3A_520, %swap3A_521], %swap3A_524 {strides = array<i32>} : memref<64x128xf32, #tpu.memory_space<vmem>>, vector<1x16xf32>,
        %get3A_525 = arith.constant 1 : i32
        %get3A_526 = arith.constant 0 : i32
        %get3A_527 = arith.index_cast %get3A_525 : i32 to index
        %get3A_528 = arith.index_cast %get3A_526 : i32 to index
        %get3A_529 = arith.index_cast %scan3A_309 : i32 to index
        %get3A_530 = arith.constant 112 : index
        %get3A_531 = tpu.vector_load %arg13[%get3A_527, %get3A_528, %get3A_529, %get3A_530] {strides = array<i32>} : memref<2x3x64x128xf32, #tpu.memory_space<vmem>>, vector<1x1x1x16xf32>,
        %get3A_532 = vector.shape_cast %get3A_531 : vector<1x1x1x16xf32> to vector<16xf32>
        %get3A_533 = arith.constant 1 : i32
        %get3A_534 = arith.constant 1 : i32
        %get3A_535 = arith.index_cast %get3A_533 : i32 to index
        %get3A_536 = arith.index_cast %get3A_534 : i32 to index
        %get3A_537 = arith.index_cast %scan3A_309 : i32 to index
        %get3A_538 = arith.constant 112 : index
        %get3A_539 = tpu.vector_load %arg13[%get3A_535, %get3A_536, %get3A_537, %get3A_538] {strides = array<i32>} : memref<2x3x64x128xf32, #tpu.memory_space<vmem>>, vector<1x1x1x16xf32>,
        %get3A_540 = vector.shape_cast %get3A_539 : vector<1x1x1x16xf32> to vector<16xf32>
        %add3A_541 = arith.addf %get3A_532, %get3A_540 : vector<16xf32>
        %get3A_542 = arith.constant 1 : i32
        %get3A_543 = arith.constant 2 : i32
        %get3A_544 = arith.index_cast %get3A_542 : i32 to index
        %get3A_545 = arith.index_cast %get3A_543 : i32 to index
        %get3A_546 = arith.index_cast %scan3A_309 : i32 to index
        %get3A_547 = arith.constant 112 : index
        %get3A_548 = tpu.vector_load %arg13[%get3A_544, %get3A_545, %get3A_546, %get3A_547] {strides = array<i32>} : memref<2x3x64x128xf32, #tpu.memory_space<vmem>>, vector<1x1x1x16xf32>,
        %get3A_549 = vector.shape_cast %get3A_548 : vector<1x1x1x16xf32> to vector<16xf32>
        %add3A_550 = arith.addf %add3A_541, %get3A_549 : vector<16xf32>
        %swap3A_551 = arith.index_cast %scan3A_309 : i32 to index
        %swap3A_552 = arith.constant 112 : index
        %swap3A_553 = tpu.vector_load %arg14[%swap3A_551, %swap3A_552] {strides = array<i32>} : memref<64x128xf32, #tpu.memory_space<vmem>>, vector<1x16xf32>,
        %swap3A_554 = vector.shape_cast %swap3A_553 : vector<1x16xf32> to vector<16xf32>
        %swap3A_555 = vector.shape_cast %add3A_550 : vector<16xf32> to vector<1x16xf32>
        tpu.vector_store %arg14[%swap3A_551, %swap3A_552], %swap3A_555 {strides = array<i32>} : memref<64x128xf32, #tpu.memory_space<vmem>>, vector<1x16xf32>,
      }
      %scan3A_307 = arith.constant 64 : i32
      %add3A_308 = arith.addi %mul3A_2, %add3A_302 : i32
      "tpu.region"() ({
        %run_scoped3A_309 = tpu.sem_alloc : memref<!tpu.dma_semaphore, #tpu.memory_space<semaphore_mem>>
        %dma_start3A_310 = arith.constant 0 : i32
        %dma_start3A_311 = tpu.memref_slice %arg9[%add3A_308, %dma_start3A_310] : memref<126976x128xf32, #tpu.memory_space<hbm>> -> memref<64x128xf32, #tpu.memory_space<hbm>>
        %dma_start3A_312 = arith.constant 0 : i32
        %dma_start3A_313 = tpu.memref_slice %arg9[%add3A_308, %dma_start3A_312] : memref<126976x128xf32, #tpu.memory_space<hbm>> -> memref<64x128xf32, #tpu.memory_space<hbm>>
        tpu.enqueue_dma source(%arg14 : memref<64x128xf32, #tpu.memory_space<vmem>>) target(%dma_start3A_313 : memref<64x128xf32, #tpu.memory_space<hbm>>) target_semaphore(%run_scoped3A_309 : memref<!tpu.dma_semaphore, #tpu.memory_space<semaphore_mem>>)
        %dma_wait3A_314 = arith.constant 0 : i32
        %dma_wait3A_315 = tpu.memref_slice %arg9[%add3A_308, %dma_wait3A_314] : memref<126976x128xf32, #tpu.memory_space<hbm>> -> memref<64x128xf32, #tpu.memory_space<hbm>>
        %dma_wait3A_316 = arith.constant 0 : i32
        %dma_wait3A_317 = tpu.memref_slice %arg9[%add3A_308, %dma_wait3A_316] : memref<126976x128xf32, #tpu.memory_space<hbm>> -> memref<64x128xf32, #tpu.memory_space<hbm>>
        tpu.wait_dma2 semaphore(%run_scoped3A_309 : memref<!tpu.dma_semaphore, #tpu.memory_space<semaphore_mem>>) src(%arg14 : memref<64x128xf32, #tpu.memory_space<vmem>>) dst(%dma_wait3A_317 : memref<64x128xf32, #tpu.memory_space<hbm>>)
        tpu.yield
      }) : () -> ()
    }
    %scan3A_122 = arith.constant 31 : i32
    return
  }
}

module attributes {stable_mosaic.version = 14 : i64} {
  func.func @_expand_body(%arg0: i32, %arg1: memref<1000x128xf32, #tpu.memory_space<vmem>>, %arg2: memref<128x896xf32, #tpu.memory_space<vmem>>, %arg3: memref<9x1000x128xf32, #tpu.memory_space<vmem>>) attributes {dimension_semantics = [#tpu.dimension_semantics<arbitrary>], iteration_bounds = array<i64: 10>, scalar_prefetch = 0 : i64, scratch_operands = 0 : i64, tpu.core_type = #tpu.core_type<tc>, window_params = [{transform_indices = @transform_0, window_bounds = array<i64: 1000, 128>}, {pipeline_mode = #tpu.pipeline_mode<synchronous>, transform_indices = @transform_1, window_bounds = array<i64: 128, 896>}, {transform_indices = @transform_2, window_bounds = array<i64: 9, 1000, 128>}]} {
    %get3A = arith.constant 0 : index
    %get3A_0 = arith.constant 0 : index
    %get3A_1 = vector.load %arg1[%get3A, %get3A_0] : memref<1000x128xf32, #tpu.memory_space<vmem>>, vector<1000x128xf32>
    %get3A_2 = arith.constant 0 : index
    %get3A_3 = arith.constant 0 : index
    %get3A_4 = vector.load %arg2[%get3A_2, %get3A_3] : memref<128x896xf32, #tpu.memory_space<vmem>>, vector<128x896xf32>
    %dot_general3A = arith.constant dense<0.000000e+00> : vector<1000x896xf32>
    %dot_general3A_5 = tpu.matmul %get3A_1, %get3A_4, %dot_general3A {dimension_numbers = #tpu.dot_dimension_numbers<[1], [0], [0], [1], [0, 0, 1, 1], [], []>, transpose_lhs_hint = false} : vector<1000x128xf32>, vector<128x896xf32>, vector<1000x896xf32> -> vector<1000x896xf32>
    %swap3A = arith.constant 0 : index
    %swap3A_6 = arith.constant 0 : index
    %swap3A_7 = arith.constant 0 : index
    %swap3A_8 = vector.load %arg3[%swap3A, %swap3A_6, %swap3A_7] : memref<9x1000x128xf32, #tpu.memory_space<vmem>>, vector<1x1000x128xf32>
    %swap3A_9 = vector.shape_cast %swap3A_8 : vector<1x1000x128xf32> to vector<1000x128xf32>
    %swap3A_10 = vector.shape_cast %get3A_1 : vector<1000x128xf32> to vector<1x1000x128xf32>
    tpu.vector_store %arg3[%swap3A, %swap3A_6, %swap3A_7], %swap3A_10 {strides = array<i32>} : memref<9x1000x128xf32, #tpu.memory_space<vmem>>, vector<1x1000x128xf32>,
    %slice3A = vector.extract_strided_slice %dot_general3A_5 {offsets = [0, 0], sizes = [1000, 128], strides = [1, 1]} : vector<1000x896xf32> to vector<1000x128xf32>
    %swap3A_11 = arith.constant 1 : index
    %swap3A_12 = arith.constant 0 : index
    %swap3A_13 = arith.constant 0 : index
    %swap3A_14 = vector.load %arg3[%swap3A_11, %swap3A_12, %swap3A_13] : memref<9x1000x128xf32, #tpu.memory_space<vmem>>, vector<1x1000x128xf32>
    %swap3A_15 = vector.shape_cast %swap3A_14 : vector<1x1000x128xf32> to vector<1000x128xf32>
    %swap3A_16 = vector.shape_cast %slice3A : vector<1000x128xf32> to vector<1x1000x128xf32>
    tpu.vector_store %arg3[%swap3A_11, %swap3A_12, %swap3A_13], %swap3A_16 {strides = array<i32>} : memref<9x1000x128xf32, #tpu.memory_space<vmem>>, vector<1x1000x128xf32>,
    %slice3A_17 = vector.extract_strided_slice %dot_general3A_5 {offsets = [0, 128], sizes = [1000, 128], strides = [1, 1]} : vector<1000x896xf32> to vector<1000x128xf32>
    %swap3A_18 = arith.constant 2 : index
    %swap3A_19 = arith.constant 0 : index
    %swap3A_20 = arith.constant 0 : index
    %swap3A_21 = vector.load %arg3[%swap3A_18, %swap3A_19, %swap3A_20] : memref<9x1000x128xf32, #tpu.memory_space<vmem>>, vector<1x1000x128xf32>
    %swap3A_22 = vector.shape_cast %swap3A_21 : vector<1x1000x128xf32> to vector<1000x128xf32>
    %swap3A_23 = vector.shape_cast %slice3A_17 : vector<1000x128xf32> to vector<1x1000x128xf32>
    tpu.vector_store %arg3[%swap3A_18, %swap3A_19, %swap3A_20], %swap3A_23 {strides = array<i32>} : memref<9x1000x128xf32, #tpu.memory_space<vmem>>, vector<1x1000x128xf32>,
    %slice3A_24 = vector.extract_strided_slice %dot_general3A_5 {offsets = [0, 256], sizes = [1000, 128], strides = [1, 1]} : vector<1000x896xf32> to vector<1000x128xf32>
    %swap3A_25 = arith.constant 3 : index
    %swap3A_26 = arith.constant 0 : index
    %swap3A_27 = arith.constant 0 : index
    %swap3A_28 = vector.load %arg3[%swap3A_25, %swap3A_26, %swap3A_27] : memref<9x1000x128xf32, #tpu.memory_space<vmem>>, vector<1x1000x128xf32>
    %swap3A_29 = vector.shape_cast %swap3A_28 : vector<1x1000x128xf32> to vector<1000x128xf32>
    %swap3A_30 = vector.shape_cast %slice3A_24 : vector<1000x128xf32> to vector<1x1000x128xf32>
    tpu.vector_store %arg3[%swap3A_25, %swap3A_26, %swap3A_27], %swap3A_30 {strides = array<i32>} : memref<9x1000x128xf32, #tpu.memory_space<vmem>>, vector<1x1000x128xf32>,
    %slice3A_31 = vector.extract_strided_slice %dot_general3A_5 {offsets = [0, 384], sizes = [1000, 128], strides = [1, 1]} : vector<1000x896xf32> to vector<1000x128xf32>
    %swap3A_32 = arith.constant 4 : index
    %swap3A_33 = arith.constant 0 : index
    %swap3A_34 = arith.constant 0 : index
    %swap3A_35 = vector.load %arg3[%swap3A_32, %swap3A_33, %swap3A_34] : memref<9x1000x128xf32, #tpu.memory_space<vmem>>, vector<1x1000x128xf32>
    %swap3A_36 = vector.shape_cast %swap3A_35 : vector<1x1000x128xf32> to vector<1000x128xf32>
    %swap3A_37 = vector.shape_cast %slice3A_31 : vector<1000x128xf32> to vector<1x1000x128xf32>
    tpu.vector_store %arg3[%swap3A_32, %swap3A_33, %swap3A_34], %swap3A_37 {strides = array<i32>} : memref<9x1000x128xf32, #tpu.memory_space<vmem>>, vector<1x1000x128xf32>,
    %slice3A_38 = vector.extract_strided_slice %dot_general3A_5 {offsets = [0, 512], sizes = [1000, 128], strides = [1, 1]} : vector<1000x896xf32> to vector<1000x128xf32>
    %swap3A_39 = arith.constant 5 : index
    %swap3A_40 = arith.constant 0 : index
    %swap3A_41 = arith.constant 0 : index
    %swap3A_42 = vector.load %arg3[%swap3A_39, %swap3A_40, %swap3A_41] : memref<9x1000x128xf32, #tpu.memory_space<vmem>>, vector<1x1000x128xf32>
    %swap3A_43 = vector.shape_cast %swap3A_42 : vector<1x1000x128xf32> to vector<1000x128xf32>
    %swap3A_44 = vector.shape_cast %slice3A_38 : vector<1000x128xf32> to vector<1x1000x128xf32>
    tpu.vector_store %arg3[%swap3A_39, %swap3A_40, %swap3A_41], %swap3A_44 {strides = array<i32>} : memref<9x1000x128xf32, #tpu.memory_space<vmem>>, vector<1x1000x128xf32>,
    %slice3A_45 = vector.extract_strided_slice %dot_general3A_5 {offsets = [0, 640], sizes = [1000, 128], strides = [1, 1]} : vector<1000x896xf32> to vector<1000x128xf32>
    %swap3A_46 = arith.constant 6 : index
    %swap3A_47 = arith.constant 0 : index
    %swap3A_48 = arith.constant 0 : index
    %swap3A_49 = vector.load %arg3[%swap3A_46, %swap3A_47, %swap3A_48] : memref<9x1000x128xf32, #tpu.memory_space<vmem>>, vector<1x1000x128xf32>
    %swap3A_50 = vector.shape_cast %swap3A_49 : vector<1x1000x128xf32> to vector<1000x128xf32>
    %swap3A_51 = vector.shape_cast %slice3A_45 : vector<1000x128xf32> to vector<1x1000x128xf32>
    tpu.vector_store %arg3[%swap3A_46, %swap3A_47, %swap3A_48], %swap3A_51 {strides = array<i32>} : memref<9x1000x128xf32, #tpu.memory_space<vmem>>, vector<1x1000x128xf32>,
    %slice3A_52 = vector.extract_strided_slice %dot_general3A_5 {offsets = [0, 768], sizes = [1000, 128], strides = [1, 1]} : vector<1000x896xf32> to vector<1000x128xf32>
    %swap3A_53 = arith.constant 7 : index
    %swap3A_54 = arith.constant 0 : index
    %swap3A_55 = arith.constant 0 : index
    %swap3A_56 = vector.load %arg3[%swap3A_53, %swap3A_54, %swap3A_55] : memref<9x1000x128xf32, #tpu.memory_space<vmem>>, vector<1x1000x128xf32>
    %swap3A_57 = vector.shape_cast %swap3A_56 : vector<1x1000x128xf32> to vector<1000x128xf32>
    %swap3A_58 = vector.shape_cast %slice3A_52 : vector<1000x128xf32> to vector<1x1000x128xf32>
    tpu.vector_store %arg3[%swap3A_53, %swap3A_54, %swap3A_55], %swap3A_58 {strides = array<i32>} : memref<9x1000x128xf32, #tpu.memory_space<vmem>>, vector<1x1000x128xf32>,
    %broadcast_in_dim3A = arith.constant 0.000000e+00 : f32
    %broadcast_in_dim3A_59 = vector.broadcast %broadcast_in_dim3A : f32 to vector<1000x128xf32>
    %swap3A_60 = arith.constant 8 : index
    %swap3A_61 = arith.constant 0 : index
    %swap3A_62 = arith.constant 0 : index
    %swap3A_63 = vector.load %arg3[%swap3A_60, %swap3A_61, %swap3A_62] : memref<9x1000x128xf32, #tpu.memory_space<vmem>>, vector<1x1000x128xf32>
    %swap3A_64 = vector.shape_cast %swap3A_63 : vector<1x1000x128xf32> to vector<1000x128xf32>
    %swap3A_65 = vector.shape_cast %broadcast_in_dim3A_59 : vector<1000x128xf32> to vector<1x1000x128xf32>
    tpu.vector_store %arg3[%swap3A_60, %swap3A_61, %swap3A_62], %swap3A_65 {strides = array<i32>} : memref<9x1000x128xf32, #tpu.memory_space<vmem>>, vector<1x1000x128xf32>,
    return
  }
  func.func @transform_0(%arg0: i32) -> (i32, i32) {
    %c0_i32 = arith.constant 0 : i32
    %c0_i32_0 = arith.constant 0 : i32
    return %arg0, %c0_i32 : i32, i32
  }
  func.func @transform_1(%arg0: i32) -> (i32, i32) {
    %c0_i32 = arith.constant 0 : i32
    %c0_i32_0 = arith.constant 0 : i32
    %c0_i32_1 = arith.constant 0 : i32
    return %c0_i32, %c0_i32_0 : i32, i32
  }
  func.func @transform_2(%arg0: i32) -> (i32, i32, i32) {
    %c0_i32 = arith.constant 0 : i32
    %c0_i32_0 = arith.constant 0 : i32
    %c0_i32_1 = arith.constant 0 : i32
    return %c0_i32, %arg0, %c0_i32_0 : i32, i32, i32
  }
}

module attributes {stable_mosaic.version = 14 : i64} {
  func.func @_child_body(%arg0: i32, %arg1: memref<1024x128xf32, #tpu.memory_space<vmem>>, %arg2: memref<1024x1xf32, #tpu.memory_space<vmem>>, %arg3: memref<128x128xf32, #tpu.memory_space<vmem>>, %arg4: memref<128x128xf32, #tpu.memory_space<vmem>>, %arg5: memref<1024x128xf32, #tpu.memory_space<vmem>>) attributes {dimension_semantics = [#tpu.dimension_semantics<arbitrary>], iteration_bounds = array<i64: 124>, scalar_prefetch = 0 : i64, scratch_operands = 0 : i64, tpu.core_type = #tpu.core_type<tc>, window_params = [{transform_indices = @transform_0, window_bounds = array<i64: 1024, 128>}, {transform_indices = @transform_1, window_bounds = array<i64: 1024, 1>}, {pipeline_mode = #tpu.pipeline_mode<synchronous>, transform_indices = @transform_2, window_bounds = array<i64: 128, 128>}, {pipeline_mode = #tpu.pipeline_mode<synchronous>, transform_indices = @transform_3, window_bounds = array<i64: 128, 128>}, {transform_indices = @transform_4, window_bounds = array<i64: 1024, 128>}]} {
    %get3A = arith.constant 0 : index
    %get3A_0 = arith.constant 0 : index
    %get3A_1 = vector.load %arg1[%get3A, %get3A_0] : memref<1024x128xf32, #tpu.memory_space<vmem>>, vector<1024x128xf32>
    %gt3A = arith.constant 0.000000e+00 : f32
    %gt3A_2 = vector.broadcast %gt3A : f32 to vector<1024x128xf32>
    %gt3A_3 = arith.cmpf ogt, %get3A_1, %gt3A_2 : vector<1024x128xf32>
    %min3A = arith.constant 0.000000e+00 : f32
    %min3A_4 = vector.broadcast %min3A : f32 to vector<1024x128xf32>
    %min3A_5 = arith.minimumf %get3A_1, %min3A_4 : vector<1024x128xf32>
    %exp3A = math.exp %min3A_5 : vector<1024x128xf32>
    %sub3A = arith.constant 1.000000e+00 : f32
    %sub3A_6 = vector.broadcast %sub3A : f32 to vector<1024x128xf32>
    %sub3A_7 = arith.subf %exp3A, %sub3A_6 : vector<1024x128xf32>
    %select_n3A = arith.select %gt3A_3, %get3A_1, %sub3A_7 : vector<1024x128xi1>, vector<1024x128xf32>
    %get3A_8 = arith.constant 0 : index
    %get3A_9 = arith.constant 0 : index
    %get3A_10 = vector.load %arg3[%get3A_8, %get3A_9] : memref<128x128xf32, #tpu.memory_space<vmem>>, vector<128x128xf32>
    %dot_general3A = arith.constant dense<0.000000e+00> : vector<1024x128xf32>
    %dot_general3A_11 = tpu.matmul %select_n3A, %get3A_10, %dot_general3A {dimension_numbers = #tpu.dot_dimension_numbers<[1], [0], [0], [1], [0, 0, 1, 1], [], []>, transpose_lhs_hint = false} : vector<1024x128xf32>, vector<128x128xf32>, vector<1024x128xf32> -> vector<1024x128xf32>
    %get3A_12 = arith.constant 0 : index
    %get3A_13 = arith.constant 0 : index
    %get3A_14 = vector.load %arg4[%get3A_12, %get3A_13] : memref<128x128xf32, #tpu.memory_space<vmem>>, vector<128x128xf32>
    %dot_general3A_15 = arith.constant dense<0.000000e+00> : vector<1024x128xf32>
    %dot_general3A_16 = tpu.matmul %select_n3A, %get3A_14, %dot_general3A_15 {dimension_numbers = #tpu.dot_dimension_numbers<[1], [0], [0], [1], [0, 0, 1, 1], [], []>, transpose_lhs_hint = false} : vector<1024x128xf32>, vector<128x128xf32>, vector<1024x128xf32> -> vector<1024x128xf32>
    %get3A_17 = arith.constant 0 : index
    %get3A_18 = arith.constant 0 : index
    %get3A_19 = vector.load %arg2[%get3A_17, %get3A_18] : memref<1024x1xf32, #tpu.memory_space<vmem>>, vector<1024x1xf32>
    %eq3A = arith.constant 2.000000e+00 : f32
    %eq3A_20 = vector.broadcast %eq3A : f32 to vector<1024x1xf32>
    %eq3A_21 = arith.cmpf oeq, %get3A_19, %eq3A_20 : vector<1024x1xf32>
    %eq3A_22 = arith.constant 3.000000e+00 : f32
    %eq3A_23 = vector.broadcast %eq3A_22 : f32 to vector<1024x1xf32>
    %eq3A_24 = arith.cmpf oeq, %get3A_19, %eq3A_23 : vector<1024x1xf32>
    %broadcast_in_dim3A = vector.shape_cast %eq3A_24 : vector<1024x1xi1> to vector<1024x1xi1>
    %broadcast_in_dim3A_25 = vector.broadcast %broadcast_in_dim3A : vector<1024x1xi1> to vector<1024x128xi1>
    %select_n3A_26 = arith.select %broadcast_in_dim3A_25, %dot_general3A_16, %get3A_1 : vector<1024x128xi1>, vector<1024x128xf32>
    %broadcast_in_dim3A_27 = vector.shape_cast %eq3A_21 : vector<1024x1xi1> to vector<1024x1xi1>
    %broadcast_in_dim3A_28 = vector.broadcast %broadcast_in_dim3A_27 : vector<1024x1xi1> to vector<1024x128xi1>
    %select_n3A_29 = arith.select %broadcast_in_dim3A_28, %dot_general3A_11, %select_n3A_26 : vector<1024x128xi1>, vector<1024x128xf32>
    %swap3A = arith.constant 0 : index
    %swap3A_30 = arith.constant 0 : index
    %swap3A_31 = vector.load %arg5[%swap3A, %swap3A_30] : memref<1024x128xf32, #tpu.memory_space<vmem>>, vector<1024x128xf32>
    tpu.vector_store %arg5[%swap3A, %swap3A_30], %select_n3A_29 {strides = array<i32>} : memref<1024x128xf32, #tpu.memory_space<vmem>>, vector<1024x128xf32>,
    return
  }
  func.func @transform_0(%arg0: i32) -> (i32, i32) {
    %c0_i32 = arith.constant 0 : i32
    %c0_i32_0 = arith.constant 0 : i32
    return %arg0, %c0_i32 : i32, i32
  }
  func.func @transform_1(%arg0: i32) -> (i32, i32) {
    %c0_i32 = arith.constant 0 : i32
    %c0_i32_0 = arith.constant 0 : i32
    return %arg0, %c0_i32 : i32, i32
  }
  func.func @transform_2(%arg0: i32) -> (i32, i32) {
    %c0_i32 = arith.constant 0 : i32
    %c0_i32_0 = arith.constant 0 : i32
    %c0_i32_1 = arith.constant 0 : i32
    return %c0_i32, %c0_i32_0 : i32, i32
  }
  func.func @transform_3(%arg0: i32) -> (i32, i32) {
    %c0_i32 = arith.constant 0 : i32
    %c0_i32_0 = arith.constant 0 : i32
    %c0_i32_1 = arith.constant 0 : i32
    return %c0_i32, %c0_i32_0 : i32, i32
  }
  func.func @transform_4(%arg0: i32) -> (i32, i32) {
    %c0_i32 = arith.constant 0 : i32
    %c0_i32_0 = arith.constant 0 : i32
    return %arg0, %c0_i32 : i32, i32
  }
}

module attributes {stable_mosaic.version = 14 : i64} {
  func.func @_parent_body(%arg0: i32, %arg1: memref<2000x128xf32, #tpu.memory_space<vmem>>, %arg2: memref<2000x1xf32, #tpu.memory_space<vmem>>, %arg3: memref<128x128xf32, #tpu.memory_space<vmem>>, %arg4: memref<2000x128xf32, #tpu.memory_space<vmem>>) attributes {dimension_semantics = [#tpu.dimension_semantics<arbitrary>], iteration_bounds = array<i64: 10>, scalar_prefetch = 0 : i64, scratch_operands = 0 : i64, tpu.core_type = #tpu.core_type<tc>, window_params = [{transform_indices = @transform_0, window_bounds = array<i64: 2000, 128>}, {transform_indices = @transform_1, window_bounds = array<i64: 2000, 1>}, {pipeline_mode = #tpu.pipeline_mode<synchronous>, transform_indices = @transform_2, window_bounds = array<i64: 128, 128>}, {transform_indices = @transform_3, window_bounds = array<i64: 2000, 128>}]} {
    %get3A = arith.constant 0 : index
    %get3A_0 = arith.constant 0 : index
    %get3A_1 = vector.load %arg1[%get3A, %get3A_0] : memref<2000x128xf32, #tpu.memory_space<vmem>>, vector<2000x128xf32>
    %get3A_2 = arith.constant 0 : index
    %get3A_3 = arith.constant 0 : index
    %get3A_4 = vector.load %arg3[%get3A_2, %get3A_3] : memref<128x128xf32, #tpu.memory_space<vmem>>, vector<128x128xf32>
    %dot_general3A = arith.constant dense<0.000000e+00> : vector<2000x128xf32>
    %dot_general3A_5 = tpu.matmul %get3A_1, %get3A_4, %dot_general3A {dimension_numbers = #tpu.dot_dimension_numbers<[1], [0], [0], [1], [0, 0, 1, 1], [], []>, transpose_lhs_hint = false} : vector<2000x128xf32>, vector<128x128xf32>, vector<2000x128xf32> -> vector<2000x128xf32>
    %gt3A = arith.constant 0.000000e+00 : f32
    %gt3A_6 = vector.broadcast %gt3A : f32 to vector<2000x128xf32>
    %gt3A_7 = arith.cmpf ogt, %get3A_1, %gt3A_6 : vector<2000x128xf32>
    %min3A = arith.constant 0.000000e+00 : f32
    %min3A_8 = vector.broadcast %min3A : f32 to vector<2000x128xf32>
    %min3A_9 = arith.minimumf %get3A_1, %min3A_8 : vector<2000x128xf32>
    %exp3A = math.exp %min3A_9 : vector<2000x128xf32>
    %sub3A = arith.constant 1.000000e+00 : f32
    %sub3A_10 = vector.broadcast %sub3A : f32 to vector<2000x128xf32>
    %sub3A_11 = arith.subf %exp3A, %sub3A_10 : vector<2000x128xf32>
    %select_n3A = arith.select %gt3A_7, %get3A_1, %sub3A_11 : vector<2000x128xi1>, vector<2000x128xf32>
    %get3A_12 = arith.constant 0 : index
    %get3A_13 = arith.constant 0 : index
    %get3A_14 = vector.load %arg2[%get3A_12, %get3A_13] : memref<2000x1xf32, #tpu.memory_space<vmem>>, vector<2000x1xf32>
    %eq3A = arith.constant 0.000000e+00 : f32
    %eq3A_15 = vector.broadcast %eq3A : f32 to vector<2000x1xf32>
    %eq3A_16 = arith.cmpf oeq, %get3A_14, %eq3A_15 : vector<2000x1xf32>
    %eq3A_17 = arith.constant 1.000000e+00 : f32
    %eq3A_18 = vector.broadcast %eq3A_17 : f32 to vector<2000x1xf32>
    %eq3A_19 = arith.cmpf oeq, %get3A_14, %eq3A_18 : vector<2000x1xf32>
    %broadcast_in_dim3A = vector.shape_cast %eq3A_19 : vector<2000x1xi1> to vector<2000x1xi1>
    %broadcast_in_dim3A_20 = vector.broadcast %broadcast_in_dim3A : vector<2000x1xi1> to vector<2000x128xi1>
    %select_n3A_21 = arith.select %broadcast_in_dim3A_20, %dot_general3A_5, %select_n3A : vector<2000x128xi1>, vector<2000x128xf32>
    %broadcast_in_dim3A_22 = vector.shape_cast %eq3A_16 : vector<2000x1xi1> to vector<2000x1xi1>
    %broadcast_in_dim3A_23 = vector.broadcast %broadcast_in_dim3A_22 : vector<2000x1xi1> to vector<2000x128xi1>
    %select_n3A_24 = arith.select %broadcast_in_dim3A_23, %get3A_1, %select_n3A_21 : vector<2000x128xi1>, vector<2000x128xf32>
    %swap3A = arith.constant 0 : index
    %swap3A_25 = arith.constant 0 : index
    %swap3A_26 = vector.load %arg4[%swap3A, %swap3A_25] : memref<2000x128xf32, #tpu.memory_space<vmem>>, vector<2000x128xf32>
    tpu.vector_store %arg4[%swap3A, %swap3A_25], %select_n3A_24 {strides = array<i32>} : memref<2000x128xf32, #tpu.memory_space<vmem>>, vector<2000x128xf32>,
    return
  }
  func.func @transform_0(%arg0: i32) -> (i32, i32) {
    %c0_i32 = arith.constant 0 : i32
    %c0_i32_0 = arith.constant 0 : i32
    return %arg0, %c0_i32 : i32, i32
  }
  func.func @transform_1(%arg0: i32) -> (i32, i32) {
    %c0_i32 = arith.constant 0 : i32
    %c0_i32_0 = arith.constant 0 : i32
    return %arg0, %c0_i32 : i32, i32
  }
  func.func @transform_2(%arg0: i32) -> (i32, i32) {
    %c0_i32 = arith.constant 0 : i32
    %c0_i32_0 = arith.constant 0 : i32
    %c0_i32_1 = arith.constant 0 : i32
    return %c0_i32, %c0_i32_0 : i32, i32
  }
  func.func @transform_3(%arg0: i32) -> (i32, i32) {
    %c0_i32 = arith.constant 0 : i32
    %c0_i32_0 = arith.constant 0 : i32
    return %arg0, %c0_i32 : i32, i32
  }
}

</mosaic_0001>

<sc_bundles>
// kernel: kernel.10.cloned.1.call-start
scs
__scs_entry_jumppad:
0x0: {  	(pc) =	sbr.rel $0x88, $3  }
0x1: {  	(tag) =	ssettag $0x0;
	lr =	simm.s32 $0x1  }
0x2: {  	[smem:$0x3F96] =	sst lr;
	_ =	strace $0xD0000000  }
0x3: {  	_ = 	snop  }
0x4: {  	_ = 	snop  }
0x5: {  	_ = 	snop  }
0x6: {  	_ = 	snop  }
0x7: {  	_ = 	snop  }
__scs_overlays_trampoline_lowered:
0x8: {  	[smem:$0x3FA5] =	sst s0  }
0x9: {  	[smem:$0x3FA6] =	sst s1  }
0xa: {  	[smem:$0x3FA7] =	sst s2  }
0xb: {  	[smem:$0x3FA8] =	sst s3  }
0xc: {  	[smem:$0x3FA9] =	sst s4  }
0xd: {  	[smem:$0x3FAA] =	sst s5  }
0xe: {  	[smem:$0x3FAB] =	sst s6  }
0xf: {  	[smem:$0x3FAC] =	sst s7  }
0x10: {  	[smem:$0x3FAD] =	sst s8  }
0x11: {  	[smem:$0x3FAE] =	sst s9;
	s0 =	simm.s32 @!p0 $0x0  }
0x12: {  	s1 =	sld [smem:$0x3F94];
	s0 =	simm.s32 @p0 $0x1  }
0x13: {  	[smem:$0x3FAF] =	sst s0;
	s0 =	simm.s32 @!p1 $0x0  }
0x14: {  	s2 =	sld [smem:$0x3F93];
	s0 =	simm.s32 @p1 $0x1  }
0x15: {  	[smem:$0x3FB0] =	sst s0;
	s0 =	simm.s32 @!p2 $0x0  }
0x16: {  	s3 =	sld [smem:$0x3FDB];
	s0 =	simm.s32 @p2 $0x1  }
0x17: {  	s4 =	simm.s32 $0x1BF5;
	[smem:$0x3FB2] =	sst s0  }
0x18: {  	s0 =	sld [smem:$0x3F95];
	_ =	swait.ge [sflag:s4], $0x0  }
0x19: {  	s7 =	sld [smem:$0x3F96]  }
0x1a: {  	s8 =	sadd.s32 $0xFFFFE003, lr  }
0x1b: {  	s9 =	sadd.s32 $0xFFFFFEF7, lr;
	s5 =	simm.s32 $0xFFFFFFFF;
	p2 =	slt.u32 s8, $0xFFFFF086  }
0x1c: {  	p1 =	slt.u32 s9, $0xF7A;
	s5 =	simm.s32 @!p2 $0x0  }
0x1d: {  	s5 =	simm.s32 @p1 $0x1;
	p0 =	seq.s32 s7, s2  }
0x1e: {  	s7 =	smul.u32 @!p0 $0xF7A, s2;
	p2 =	seq.s32 @!p0 s5, $0x0  }
0x1f: {  	s9 =	smul.u32 $0xF7A, s1;
	s8 =	simm.s32 @!p0 $0x1BF5;
	p2 =	por !p2, p0  }
0x20: {  	[sflag:s8] =	ssyncset.s32 @!p0 $0xFFFFF086;
	s6 =	sadd.s32 @!p0 s3, s7;
	s7 =	simm.s32 @!p0 $0x108  }
0x21: {  	s3 =	sadd.s32 s3, s9;
	s6 =	sadd.s32 @!p0 $0x88, s6;
	s7 =	simm.s32 @p2 $0x1082  }
0x22: {  	[simem:s7], [sflag:s8] =	dma.local @!p0 [hbm:s6], $0xF7A  }
0x23: {  	s9 =	sor.u32 $0xD0000000, s2;
	s6 =	simm.s32 $0x108;
	_ =	swait.ge @!p0 [sflag:s8], $0x0  }
0x24: {  	s3 =	sadd.s32 $0x88, s3;
	s6 =	simm.s32 @!p1 $0x1082;
	[sflag:s4] =	ssyncset.s32 $0xFFFFF086  }
0x25: {  	[simem:s6], [sflag:s4] =	dma.local [hbm:s3], $0xF7A  }
0x26: {  	[smem:$0x3F96] =	sst s1;
	(tag) =	ssettag s2;
	_ =	strace s9  }
0x27: {  	s1 =	sld [smem:$0x3FA6]  }
0x28: {  	s2 =	sld [smem:$0x3FA7]  }
0x29: {  	s4 =	sld [smem:$0x3FA9]  }
0x2a: {  	p0 =	seq.s32 s5, $0x0;
	s5 =	sld [smem:$0x3FAA]  }
0x2b: {  	s6 =	sld [smem:$0x3FAB]  }
0x2c: {  	s7 =	sld [smem:$0x3FAC]  }
0x2d: {  	s3 =	simm.s32 $0x108;
	s8 =	sld [smem:$0x3FAD]  }
0x2e: {  	s3 =	simm.s32 @!p0 $0x1082;
	s9 =	sld [smem:$0x3FAE]  }
0x2f: {  	lr =	sadd.s32 s0, s3;
	s0 =	sld [smem:$0x3FA5]  }
0x30: {  	s3 =	sld [smem:$0x3FA8]  }
0x31: {  	[smem:$0x3FB1] =	sst s10  }
0x32: {  	s10 =	sld [smem:$0x3FAF];
	_ =	sdelay $0x3  }
0x33: {  	p0 =	seq.s32 s10, $0x1;
	s10 =	sld [smem:$0x3FB1];
	_ =	sdelay $0x3  }
0x34: {  	[smem:$0x3FB1] =	sst s10  }
0x35: {  	s10 =	sld [smem:$0x3FB0];
	_ =	sdelay $0x3  }
0x36: {  	p1 =	seq.s32 s10, $0x1;
	s10 =	sld [smem:$0x3FB1];
	_ =	sdelay $0x3  }
0x37: {  	[smem:$0x3FB1] =	sst s10  }
0x38: {  	s10 =	sld [smem:$0x3FB2]  }
0x39: {  	_ = 	snop;
	(pc) =	sbr.ind lr, $3  }
0x3a: {  	_ = 	snop  }
0x3b: {  	_ = 	snop  }
0x3c: {  	p2 =	seq.s32 s10, $0x1;
	s10 =	sld [smem:$0x3FB1]  }
0x3d: {  	_ =	shalt  }
0x3e: {  	_ =	shalt  }
0x3f: {  	_ =	shalt  }
0x40: {  	_ =	shalt  }
0x41: {  	_ =	shalt  }
0x42: {  	_ =	shalt  }
0x43: {  	_ =	shalt  }
0x44: {  	_ =	shalt  }
0x45: {  	_ =	shalt  }
0x46: {  	_ =	shalt  }
0x47: {  	_ =	shalt  }
0x48: {  	_ =	shalt  }
0x49: {  	_ =	shalt  }
0x4a: {  	_ =	shalt  }
0x4b: {  	_ =	shalt  }
0x4c: {  	_ =	shalt  }
0x4d: {  	_ =	shalt  }
0x4e: {  	_ =	shalt  }
0x4f: {  	_ =	shalt  }
0x50: {  	_ =	shalt  }
0x51: {  	_ =	shalt  }
0x52: {  	_ =	shalt  }
0x53: {  	_ =	shalt  }
0x54: {  	_ =	shalt  }
0x55: {  	_ =	shalt  }
0x56: {  	_ =	shalt  }
0x57: {  	_ =	shalt  }
0x58: {  	_ =	shalt  }
0x59: {  	_ =	shalt  }
0x5a: {  	_ =	shalt  }
0x5b: {  	_ =	shalt  }
0x5c: {  	_ =	shalt  }
0x5d: {  	_ =	shalt  }
0x5e: {  	_ =	shalt  }
0x5f: {  	_ =	shalt  }
0x60: {  	_ =	shalt  }
0x61: {  	_ =	shalt  }
0x62: {  	_ =	shalt  }
0x63: {  	_ =	shalt  }
0x64: {  	_ =	shalt  }
0x65: {  	_ =	shalt  }
0x66: {  	_ =	shalt  }
0x67: {  	_ =	shalt  }
0x68: {  	_ =	shalt  }
0x69: {  	_ =	shalt  }
0x6a: {  	_ =	shalt  }
0x6b: {  	_ =	shalt  }
0x6c: {  	_ =	shalt  }
0x6d: {  	_ =	shalt  }
0x6e: {  	_ =	shalt  }
0x6f: {  	_ =	shalt  }
0x70: {  	_ =	shalt  }
0x71: {  	_ =	shalt  }
0x72: {  	_ =	shalt  }
0x73: {  	_ =	shalt  }
0x74: {  	_ =	shalt  }
0x75: {  	_ =	shalt  }
0x76: {  	_ =	shalt  }
0x77: {  	_ =	shalt  }
0x78: {  	_ =	shalt  }
0x79: {  	_ =	shalt  }
0x7a: {  	_ =	shalt  }
0x7b: {  	_ =	shalt  }
0x7c: {  	_ =	shalt  }
0x7d: {  	_ =	shalt  }
0x7e: {  	_ =	shalt  }
0x7f: {  	_ =	shalt  }
0x80: {  	_ =	shalt  }
0x81: {  	_ =	shalt  }
0x82: {  	_ =	shalt  }
0x83: {  	_ =	shalt  }
0x84: {  	_ =	shalt  }
0x85: {  	_ =	shalt  }
0x86: {  	_ =	shalt  }
0x87: {  	_ =	shalt  }
.Lfunc_end0:
.L_simem_size_0:
called_computation.1_lowered:
.L_overlay_start_0:
0x88: {  	s2 =	sld [smem:$0x3FD9]  }
0x89: {  	s3 =	sld [smem:$0x3FFE];
	_ =	sdelay $0x1  }
0x8a: {  	s1 =	srdreg.scid  }
0x8b: {  	s0 =	sand.u32 $0x1, s1  }
0x8c: {  	s17 =	sshll.u32 s0, $0xA;
	s2 =	sadd.s32 s3, s2  }
0x8d: {  	s2 =	sadd.s32 s2, s17  }
0x8e: {  	[smem:$0x3FBD] =	sst s2  }
0x8f: {  	_ = 	snop  }
0x90: {  	s2 =	sld [smem:$0x3FD0];
	(tm) =	ssettm $0x1  }
0x91: {  	s18 =	sld [smem:$0x3FFB];
	_ =	sdelay $0x3  }
0x92: {  	_ =	strace s18  }
0x93: {  	s3 =	sld [smem:$0x3FFC];
	_ =	sdelay $0x3  }
0x94: {  	_ =	strace s3  }
0x95: {  	s3 =	sld [smem:$0x3FFD];
	_ =	sdelay $0x3  }
0x96: {  	_ =	strace s3  }
0x97: {  	_ =	strace $0x8FFFFFFF  }
0x98: {  	s19 =	sld [smem:$0x3FDB];
	_ =	sdelay $0x1  }
0x99: {  	s4 =	simm.s32 $_scs_section_size  }
0x9a: {  	s5 =	simm.s32 $_size__tile_overlayer_lowered;
	s6 =	simm.s32 $_tile_overlayer_lowered  }
0x9b: {  	s22 =	simm.s32 $0x1BFF;
	s21 =	sshll.u32 s6, $0x1;
	s3 =	sadd.s32 s4, s19  }
0x9c: {  	s7 =	simm.s32 $0x0;
	s20 =	sshll.u32 s5, $0x1;
	s5 =	sadd.s32 s21, s3  }
0x9d: {  	[timem:s7], [sflag:s22] =	dma.local [hbm:s5], s20  }
0x9e: {  	_ =	swait.ge [sflag:s22], s20  }
0x9f: {  	s4 =	ssub.s32 $0x0, s20;
	[sflag:s22] =	ssyncset.done $0x0  }
0xa0: {  	[sflag:s22] =	ssyncadd.s32 s4;
	_ =	sdelay $0x1  }
0xa1: {  	s23 =	simm.s32 $0x1B8B  }
0xa2: {  	_ =	swait.ge [sflag:s23], $0x1  }
0xa3: {  	[sflag:s23] =	ssyncset.done $0x0  }
0xa4: {  	s25 =	simm.s32 $0x1B8E;
	s24 =	sld [smem:$0x3FFE];
	[sflag:s23] =	ssyncadd.s32 $0xFFFFFFFF  }
0xa5: {  	s26 =	simm.s32 $execute0_lowered;
	[smem:$0x3FD2] =	sst s25  }
0xa6: {  	s5 =	sshll.u32 s26, $0x1;
	_ =	strace $0x80000049;
	[dreg:$0x1] =	wrdreg $0xFFFFFFFF  }
0xa7: {  	s28 =	simm.s32 $_size_execute0_lowered;
	s3 =	sadd.s32 s3, s5;
	[dreg:$0x0] =	wrdreg $0x0  }
0xa8: {  	s5 =	sshll.u32 s28, $0x1;
	[dreg:$0x2] =	wrdreg s3  }
0xa9: {  	[dreg:$0x3] =	wrdreg s5  }
0xaa: {  	[dreg:$0x4] =	wrdreg $0xC0  }
0xab: {  	_ =	task [dreg:s7], $0x5FFFF  }
0xac: {  	[dreg:$0x1] =	wrdreg $0xFFFFFFFF  }
0xad: {  	[dreg:$0x0] =	wrdreg $0x60  }
0xae: {  	[dreg:$0x2] =	wrdreg s24  }
0xaf: {  	[dreg:$0x3] =	wrdreg s2  }
0xb0: {  	[dreg:$0x4] =	wrdreg $0x9  }
0xb1: {  	_ =	task.clear_ibuf [dreg:s7], $0x5FFFF;
	_ =	strace $0x90000049  }
0xb2: {  	s29 =	simm.s32 $0x9;
	_ =	strace $0x8000004B  }
0xb3: {  	_ =	swait.ge [sflag:s29], $0x1  }
0xb4: {  	[sflag:s29] =	ssyncadd.s32 $0xFFFFFFFF  }
0xb5: {  	_ =	strace $0x9000004B  }
0xb6: {  	_ =	sfence  }
0xb7: {  	s30 =	sld [smem:$0x0];
	_ =	sdelay $0x2  }
0xb8: {  	s31 =	sshll.u32 s1, $0xD;
	s1 =	sshrl.u32 s1, $0x2  }
0xb9: {  	s3 =	sand.u32 $0x4000, s31;
	s1 =	sadd.s32 s1, s30  }
0xba: {  	s0 =	sor.u32 s3, s0;
	s1 =	sshll.u32 s1, $0x11  }
0xbb: {  	s0 =	sor.u32 s1, s0  }
0xbc: {  	s0 =	sadd.s32 $0x8F2B, s0  }
0xbd: {  	[sflag:s0] =	ssyncadd.remote.s32 $0x1  }
0xbe: {  	_ =	sfence.sel $0xFFFF  }
0xbf: {  	[dreg:$0x0] =	wrdreg $0xFFFFFFFF;
	(pc) =	sbr.abs _section_cstart, $3  }
0xc0: {  	[dreg:$0x1] =	wrdreg $0xFFFFFFFF  }
0xc1: {  	_ =	task.clear_ibuf [dreg:s7], $0x2FFFF;
	_ =	strace $0x9FFFFFFF  }
0xc2: {  	(tm) =	ssettm $0x7FFFFFFF  }
0xc3: {  	_ =	shalt  }
tec
execute0_lowered:
.L_overlay_start_1:
0x0: {  	(tag) =	ssettag $0x1  }
0x1: {  	s2 =	rddreg [dreg:$0x0];
	s1 =	srdreg.scid  }
0x2: {  	s0 =	stileid.u32;
	s6 =	rddreg [dreg:$0x1];
	s3 =	simm.s32 $0x0  }
0x3: {  	s9 =	simm.s32 $0x80;
	s10 =	simm.s32 $0x1400;
	s11 =	simm.s32 $0x5400  }
0x4: {  	s12 =	simm.s32 $0x1;
	s13 =	simm.s32 $0x9400;
	s14 =	simm.s32 $0x2  }
0x5: {  	s15 =	simm.s32 $0x0;
	s4 =	sand.u32 $0x1, s1;
	s5 =	sshll.u32 s0, $0x1  }
0x6: {  	s1 =	rddreg [dreg:$0x2];
	s5 =	sor.u32 s4, s5;
	s7 =	ssub.s32 $0x2, s4  }
0x7: {  	[smem:$0x7FF] =	sst s3;
	s4 =	smul.u32 $0x280, s5;
	s8 =	sshrl.u32 s7, $0x1  }
0x8: {  	_ =	strace $0x8000004A;
	s5 =	sadd.s32 $0x55BC00, s2;
	s7 =	ssub.s32 s7, s8  }
0x9: {  	s8 =	simm.s32 $0x3;
	s6 =	sadd.s32 s6, s4;
	s7 =	smax.u32 s7, $0x1  }
.LBB2_1:
0xa: {  	[tilespmem:s3], [sflag:$0x3] =	stream.linear.gather [hbm4b:s6+s3], $0x1400, $0x38;
	[tilespmem:$0x9C00] =	vst v63  }
0xb: {  	_ =	swait.ge [sflag:s8], $0x1400  }
0xc: {  	[sflag:s8] =	ssyncset.done $0x0  }
0xd: {  	s16 =	simm.s32 $0x0;
	[sflag:s8] =	ssyncadd.s32 $0xFFFFEC00  }
0xe: {  	[tilespmem:s10], [sflag:$0x1] =	stream.indirect.gather [hbm4b:s5+s9], $0x80, s3, s9, $0xb8;
	[tilespmem:$0x9C00] =	vst v63  }
.LBB2_2:
0xf: {  	s18 =	sshll.u32 s16, $0x5  }
0x10: {  	s17 =	sor.u32 $0x10, s18  }
0x11: {  	s19 =	sshll.u32 s17, $0x3  }
0x12: {  	s19 =	sand.u32 $0x3FFFFF80, s19  }
0x13: {  	[tilespmem:s11], [sflag:$0x2] =	stream.indirect.gather [hbm4b:s5+s9], $0x80, s19, s9, $0xb8;
	[tilespmem:$0x9C00] =	vst v63  }
0x14: {  	_ =	swait.ge [sflag:s12], $0x4000  }
0x15: {  	[sflag:s12] =	ssyncset.done $0x0  }
0x16: {  	s19 =	simm.s32 $0x1600;
	[sflag:s12] =	ssyncadd.s32 $0xFFFFC000  }
0x17: {  	v0 =	vld [tilespmem:s19+$0xFFFFFE80]  }
0x18: {  	v1 =	vld [tilespmem:s19+$0xFFFFFE00];
	_ =	sdelay $0x1  }
0x19: {  	v2 =	vld [tilespmem:s19+$0xFFFFFF00];
	_ =	sdelay $0x1  }
0x1a: {  	v3 =	vld [tilespmem:s19+$0xFFFFFF80]  }
0x1b: {  	v0 =	vadd.f32 v0, v1  }
0x1c: {  	v1 =	vld [tilespmem:s19+$0x0]  }
0x1d: {  	v0 =	vadd.f32 v2, v0  }
0x1e: {  	v2 =	vld [tilespmem:s19+$0x80]  }
0x1f: {  	v0 =	vadd.f32 v3, v0  }
0x20: {  	v3 =	vld [tilespmem:s19+$0x100]  }
0x21: {  	v0 =	vadd.f32 v1, v0  }
0x22: {  	v1 =	vld [tilespmem:s19+$0x180]  }
0x23: {  	v0 =	vadd.f32 v2, v0;
	_ =	sdelay $0x1  }
0x24: {  	v0 =	vadd.f32 v3, v0;
	_ =	sdelay $0x1  }
0x25: {  	v0 =	vadd.f32 v1, v0  }
0x26: {  	s20 =	simm.s32 $0x0  }
0x27: {  	[tilespmem:s20+$0x9400] =	vst v0  }
0x28: {  	v0 =	vld [tilespmem:s19+$0xFFFFFE10]  }
0x29: {  	v1 =	vld [tilespmem:s19+$0xFFFFFE90];
	_ =	sdelay $0x1  }
0x2a: {  	v2 =	vld [tilespmem:s19+$0xFFFFFF10];
	_ =	sdelay $0x1  }
0x2b: {  	v3 =	vld [tilespmem:s19+$0xFFFFFF90]  }
0x2c: {  	v0 =	vadd.f32 v1, v0  }
0x2d: {  	v1 =	vld [tilespmem:s19+$0x10]  }
0x2e: {  	v0 =	vadd.f32 v2, v0  }
0x2f: {  	v2 =	vld [tilespmem:s19+$0x90]  }
0x30: {  	v0 =	vadd.f32 v3, v0  }
0x31: {  	v3 =	vld [tilespmem:s19+$0x110]  }
0x32: {  	v0 =	vadd.f32 v1, v0  }
0x33: {  	v1 =	vld [tilespmem:s19+$0x190]  }
0x34: {  	v0 =	vadd.f32 v2, v0;
	_ =	sdelay $0x1  }
0x35: {  	v0 =	vadd.f32 v3, v0;
	_ =	sdelay $0x1  }
0x36: {  	v0 =	vadd.f32 v1, v0;
	_ =	sdelay $0x1  }
0x37: {  	[tilespmem:s20+$0x9410] =	vst v0  }
0x38: {  	v0 =	vld [tilespmem:s19+$0xFFFFFE20]  }
0x39: {  	v1 =	vld [tilespmem:s19+$0xFFFFFEA0];
	_ =	sdelay $0x1  }
0x3a: {  	v2 =	vld [tilespmem:s19+$0xFFFFFF20];
	_ =	sdelay $0x1  }
0x3b: {  	v3 =	vld [tilespmem:s19+$0xFFFFFFA0]  }
0x3c: {  	v0 =	vadd.f32 v1, v0  }
0x3d: {  	v1 =	vld [tilespmem:s19+$0x20]  }
0x3e: {  	v0 =	vadd.f32 v2, v0  }
0x3f: {  	v2 =	vld [tilespmem:s19+$0xA0]  }
0x40: {  	v0 =	vadd.f32 v3, v0  }
0x41: {  	v3 =	vld [tilespmem:s19+$0x120]  }
0x42: {  	v0 =	vadd.f32 v1, v0  }
0x43: {  	v1 =	vld [tilespmem:s19+$0x1A0]  }
0x44: {  	v0 =	vadd.f32 v2, v0;
	_ =	sdelay $0x1  }
0x45: {  	v0 =	vadd.f32 v3, v0;
	_ =	sdelay $0x1  }
0x46: {  	v0 =	vadd.f32 v1, v0;
	_ =	sdelay $0x1  }
0x47: {  	[tilespmem:s20+$0x9420] =	vst v0  }
0x48: {  	v0 =	vld [tilespmem:s19+$0xFFFFFE30]  }
0x49: {  	v1 =	vld [tilespmem:s19+$0xFFFFFEB0];
	_ =	sdelay $0x1  }
0x4a: {  	v2 =	vld [tilespmem:s19+$0xFFFFFF30];
	_ =	sdelay $0x1  }
0x4b: {  	v3 =	vld [tilespmem:s19+$0xFFFFFFB0]  }
0x4c: {  	v0 =	vadd.f32 v1, v0  }
0x4d: {  	v1 =	vld [tilespmem:s19+$0x30]  }
0x4e: {  	v0 =	vadd.f32 v2, v0  }
0x4f: {  	v2 =	vld [tilespmem:s19+$0xB0]  }
0x50: {  	v0 =	vadd.f32 v3, v0  }
0x51: {  	v3 =	vld [tilespmem:s19+$0x130]  }
0x52: {  	v0 =	vadd.f32 v1, v0  }
0x53: {  	v1 =	vld [tilespmem:s19+$0x1B0]  }
0x54: {  	v0 =	vadd.f32 v2, v0;
	_ =	sdelay $0x1  }
0x55: {  	v0 =	vadd.f32 v3, v0;
	_ =	sdelay $0x1  }
0x56: {  	v0 =	vadd.f32 v1, v0;
	_ =	sdelay $0x1  }
0x57: {  	[tilespmem:s20+$0x9430] =	vst v0  }
0x58: {  	v0 =	vld [tilespmem:s19+$0xFFFFFE40]  }
0x59: {  	v1 =	vld [tilespmem:s19+$0xFFFFFEC0];
	_ =	sdelay $0x1  }
0x5a: {  	v2 =	vld [tilespmem:s19+$0xFFFFFF40];
	_ =	sdelay $0x1  }
0x5b: {  	v3 =	vld [tilespmem:s19+$0xFFFFFFC0]  }
0x5c: {  	v0 =	vadd.f32 v1, v0  }
0x5d: {  	v1 =	vld [tilespmem:s19+$0x40]  }
0x5e: {  	v0 =	vadd.f32 v2, v0  }
0x5f: {  	v2 =	vld [tilespmem:s19+$0xC0]  }
0x60: {  	v0 =	vadd.f32 v3, v0  }
0x61: {  	v3 =	vld [tilespmem:s19+$0x140]  }
0x62: {  	v0 =	vadd.f32 v1, v0  }
0x63: {  	v1 =	vld [tilespmem:s19+$0x1C0]  }
0x64: {  	v0 =	vadd.f32 v2, v0;
	_ =	sdelay $0x1  }
0x65: {  	v0 =	vadd.f32 v3, v0;
	_ =	sdelay $0x1  }
0x66: {  	v0 =	vadd.f32 v1, v0;
	_ =	sdelay $0x1  }
0x67: {  	[tilespmem:s20+$0x9440] =	vst v0  }
0x68: {  	v0 =	vld [tilespmem:s19+$0xFFFFFE50]  }
0x69: {  	v1 =	vld [tilespmem:s19+$0xFFFFFED0];
	_ =	sdelay $0x1  }
0x6a: {  	v2 =	vld [tilespmem:s19+$0xFFFFFF50];
	_ =	sdelay $0x1  }
0x6b: {  	v3 =	vld [tilespmem:s19+$0xFFFFFFD0]  }
0x6c: {  	v0 =	vadd.f32 v1, v0  }
0x6d: {  	v1 =	vld [tilespmem:s19+$0x50]  }
0x6e: {  	v0 =	vadd.f32 v2, v0  }
0x6f: {  	v2 =	vld [tilespmem:s19+$0xD0]  }
0x70: {  	v0 =	vadd.f32 v3, v0  }
0x71: {  	v3 =	vld [tilespmem:s19+$0x150]  }
0x72: {  	v0 =	vadd.f32 v1, v0  }
0x73: {  	v1 =	vld [tilespmem:s19+$0x1D0]  }
0x74: {  	v0 =	vadd.f32 v2, v0;
	_ =	sdelay $0x1  }
0x75: {  	v0 =	vadd.f32 v3, v0;
	_ =	sdelay $0x1  }
0x76: {  	v0 =	vadd.f32 v1, v0;
	_ =	sdelay $0x1  }
0x77: {  	[tilespmem:s20+$0x9450] =	vst v0  }
0x78: {  	v0 =	vld [tilespmem:s19+$0xFFFFFE60]  }
0x79: {  	v1 =	vld [tilespmem:s19+$0xFFFFFEE0];
	_ =	sdelay $0x1  }
0x7a: {  	v2 =	vld [tilespmem:s19+$0xFFFFFF60];
	_ =	sdelay $0x1  }
0x7b: {  	v3 =	vld [tilespmem:s19+$0xFFFFFFE0]  }
0x7c: {  	v0 =	vadd.f32 v1, v0  }
0x7d: {  	v1 =	vld [tilespmem:s19+$0x60]  }
0x7e: {  	v0 =	vadd.f32 v2, v0  }
0x7f: {  	v2 =	vld [tilespmem:s19+$0xE0]  }
0x80: {  	v0 =	vadd.f32 v3, v0  }
0x81: {  	v3 =	vld [tilespmem:s19+$0x160]  }
0x82: {  	v0 =	vadd.f32 v1, v0  }
0x83: {  	v1 =	vld [tilespmem:s19+$0x1E0]  }
0x84: {  	v0 =	vadd.f32 v2, v0;
	_ =	sdelay $0x1  }
0x85: {  	v0 =	vadd.f32 v3, v0;
	_ =	sdelay $0x1  }
0x86: {  	v0 =	vadd.f32 v1, v0;
	_ =	sdelay $0x1  }
0x87: {  	[tilespmem:s20+$0x9460] =	vst v0  }
0x88: {  	v0 =	vld [tilespmem:s19+$0xFFFFFE70]  }
0x89: {  	v1 =	vld [tilespmem:s19+$0xFFFFFEF0];
	_ =	sdelay $0x1  }
0x8a: {  	v2 =	vld [tilespmem:s19+$0xFFFFFF70];
	_ =	sdelay $0x1  }
0x8b: {  	v4 =	vld [tilespmem:s19+$0xFFFFFFF0]  }
0x8c: {  	v1 =	vadd.f32 v1, v0  }
0x8d: {  	v3 =	vld [tilespmem:s19+$0x70]  }
0x8e: {  	v0 =	vld [tilespmem:s19+$0xF0];
	v5 =	vadd.f32 v2, v1  }
0x8f: {  	v1 =	vld [tilespmem:s19+$0x170]  }
0x90: {  	s21 =	simm.s32 $0x200;
	v2 =	vld [tilespmem:s19+$0x1F0];
	v4 =	vadd.f32 v4, v5  }
.LBB2_3:
0x91: {  	p0 =	sne.s32 s21, $0x1E00  }
0x92: {  	s19 =	sadd.s32 $0x400, s19;
	s22 =	smov.u32 s21;
	s21 =	sadd.s32 $0x200, s21;
	v3 =	vadd.f32 v3, v4  }
0x93: {  	_ = 	snop  }
0x94: {  	v0 =	vadd.f32 v0, v3;
	_ =	sdelay $0x1  }
0x95: {  	v0 =	vadd.f32 v1, v0;
	_ =	sdelay $0x1  }
0x96: {  	v0 =	vadd.f32 v2, v0;
	_ =	sdelay $0x1  }
0x97: {  	[tilespmem:s20+$0x9470] =	vst v0  }
0x98: {  	v0 =	vld [tilespmem:s19+$0xFFFFFE80]  }
0x99: {  	v1 =	vld [tilespmem:s19+$0xFFFFFE00]  }
0x9a: {  	v2 =	vld [tilespmem:s19+$0xFFFFFF00];
	_ =	sdelay $0x2  }
0x9b: {  	v3 =	vld [tilespmem:s19+$0xFFFFFF80]  }
0x9c: {  	v0 =	vadd.f32 v0, v1  }
0x9d: {  	v1 =	vld [tilespmem:s19+$0x0]  }
0x9e: {  	v0 =	vadd.f32 v2, v0  }
0x9f: {  	v2 =	vld [tilespmem:s19+$0x80]  }
0xa0: {  	v0 =	vadd.f32 v3, v0  }
0xa1: {  	v3 =	vld [tilespmem:s19+$0x100]  }
0xa2: {  	v0 =	vadd.f32 v1, v0  }
0xa3: {  	v1 =	vld [tilespmem:s19+$0x180]  }
0xa4: {  	v0 =	vadd.f32 v2, v0;
	_ =	sdelay $0x1  }
0xa5: {  	v0 =	vadd.f32 v3, v0;
	_ =	sdelay $0x1  }
0xa6: {  	v0 =	vadd.f32 v1, v0  }
0xa7: {  	s20 =	sshra.s32 s22, $0x2  }
0xa8: {  	[tilespmem:s20+$0x9400] =	vst v0  }
0xa9: {  	v0 =	vld [tilespmem:s19+$0xFFFFFE10]  }
0xaa: {  	v1 =	vld [tilespmem:s19+$0xFFFFFE90];
	_ =	sdelay $0x1  }
0xab: {  	v2 =	vld [tilespmem:s19+$0xFFFFFF10];
	_ =	sdelay $0x1  }
0xac: {  	v3 =	vld [tilespmem:s19+$0xFFFFFF90]  }
0xad: {  	v0 =	vadd.f32 v1, v0  }
0xae: {  	v1 =	vld [tilespmem:s19+$0x10]  }
0xaf: {  	v0 =	vadd.f32 v2, v0  }
0xb0: {  	v2 =	vld [tilespmem:s19+$0x90]  }
0xb1: {  	v0 =	vadd.f32 v3, v0  }
0xb2: {  	v3 =	vld [tilespmem:s19+$0x110]  }
0xb3: {  	v0 =	vadd.f32 v1, v0  }
0xb4: {  	v1 =	vld [tilespmem:s19+$0x190]  }
0xb5: {  	v0 =	vadd.f32 v2, v0;
	_ =	sdelay $0x1  }
0xb6: {  	v0 =	vadd.f32 v3, v0;
	_ =	sdelay $0x1  }
0xb7: {  	v0 =	vadd.f32 v1, v0;
	_ =	sdelay $0x1  }
0xb8: {  	[tilespmem:s20+$0x9410] =	vst v0  }
0xb9: {  	v0 =	vld [tilespmem:s19+$0xFFFFFE20]  }
0xba: {  	v1 =	vld [tilespmem:s19+$0xFFFFFEA0];
	_ =	sdelay $0x1  }
0xbb: {  	v2 =	vld [tilespmem:s19+$0xFFFFFF20];
	_ =	sdelay $0x1  }
0xbc: {  	v3 =	vld [tilespmem:s19+$0xFFFFFFA0]  }
0xbd: {  	v0 =	vadd.f32 v1, v0  }
0xbe: {  	v1 =	vld [tilespmem:s19+$0x20]  }
0xbf: {  	v0 =	vadd.f32 v2, v0  }
0xc0: {  	v2 =	vld [tilespmem:s19+$0xA0]  }
0xc1: {  	v0 =	vadd.f32 v3, v0  }
0xc2: {  	v3 =	vld [tilespmem:s19+$0x120]  }
0xc3: {  	v0 =	vadd.f32 v1, v0  }
0xc4: {  	v1 =	vld [tilespmem:s19+$0x1A0]  }
0xc5: {  	v0 =	vadd.f32 v2, v0;
	_ =	sdelay $0x1  }
0xc6: {  	v0 =	vadd.f32 v3, v0;
	_ =	sdelay $0x1  }
0xc7: {  	v0 =	vadd.f32 v1, v0;
	_ =	sdelay $0x1  }
0xc8: {  	[tilespmem:s20+$0x9420] =	vst v0  }
0xc9: {  	v0 =	vld [tilespmem:s19+$0xFFFFFE30]  }
0xca: {  	v1 =	vld [tilespmem:s19+$0xFFFFFEB0];
	_ =	sdelay $0x1  }
0xcb: {  	v2 =	vld [tilespmem:s19+$0xFFFFFF30];
	_ =	sdelay $0x1  }
0xcc: {  	v3 =	vld [tilespmem:s19+$0xFFFFFFB0]  }
0xcd: {  	v0 =	vadd.f32 v1, v0  }
0xce: {  	v1 =	vld [tilespmem:s19+$0x30]  }
0xcf: {  	v0 =	vadd.f32 v2, v0  }
0xd0: {  	v2 =	vld [tilespmem:s19+$0xB0]  }
0xd1: {  	v0 =	vadd.f32 v3, v0  }
0xd2: {  	v3 =	vld [tilespmem:s19+$0x130]  }
0xd3: {  	v0 =	vadd.f32 v1, v0  }
0xd4: {  	v1 =	vld [tilespmem:s19+$0x1B0]  }
0xd5: {  	v0 =	vadd.f32 v2, v0;
	_ =	sdelay $0x1  }
0xd6: {  	v0 =	vadd.f32 v3, v0;
	_ =	sdelay $0x1  }
0xd7: {  	v0 =	vadd.f32 v1, v0;
	_ =	sdelay $0x1  }
0xd8: {  	[tilespmem:s20+$0x9430] =	vst v0  }
0xd9: {  	v0 =	vld [tilespmem:s19+$0xFFFFFE40]  }
0xda: {  	v1 =	vld [tilespmem:s19+$0xFFFFFEC0];
	_ =	sdelay $0x1  }
0xdb: {  	v2 =	vld [tilespmem:s19+$0xFFFFFF40];
	_ =	sdelay $0x1  }
0xdc: {  	v3 =	vld [tilespmem:s19+$0xFFFFFFC0]  }
0xdd: {  	v0 =	vadd.f32 v1, v0  }
0xde: {  	v1 =	vld [tilespmem:s19+$0x40]  }
0xdf: {  	v0 =	vadd.f32 v2, v0  }
0xe0: {  	v2 =	vld [tilespmem:s19+$0xC0]  }
0xe1: {  	v0 =	vadd.f32 v3, v0  }
0xe2: {  	v3 =	vld [tilespmem:s19+$0x140]  }
0xe3: {  	v0 =	vadd.f32 v1, v0  }
0xe4: {  	v1 =	vld [tilespmem:s19+$0x1C0]  }
0xe5: {  	v0 =	vadd.f32 v2, v0;
	_ =	sdelay $0x1  }
0xe6: {  	v0 =	vadd.f32 v3, v0;
	_ =	sdelay $0x1  }
0xe7: {  	v0 =	vadd.f32 v1, v0;
	_ =	sdelay $0x1  }
0xe8: {  	[tilespmem:s20+$0x9440] =	vst v0  }
0xe9: {  	v0 =	vld [tilespmem:s19+$0xFFFFFE50]  }
0xea: {  	v1 =	vld [tilespmem:s19+$0xFFFFFED0]  }
0xeb: {  	v2 =	vld [tilespmem:s19+$0xFFFFFF50]  }
0xec: {  	v3 =	vld [tilespmem:s19+$0xFFFFFFD0]  }
0xed: {  	v4 =	vld [tilespmem:s19+$0x50]  }
0xee: {  	v5 =	vld [tilespmem:s19+$0xD0]  }
0xef: {  	v0 =	vadd.f32 v1, v0;
	v1 =	vld [tilespmem:s19+$0x150]  }
0xf0: {  	v6 =	vld [tilespmem:s19+$0x1D0]  }
0xf1: {  	v0 =	vadd.f32 v2, v0;
	_ =	sdelay $0x1  }
0xf2: {  	v0 =	vadd.f32 v3, v0;
	_ =	sdelay $0x1  }
0xf3: {  	v0 =	vadd.f32 v4, v0;
	_ =	sdelay $0x1  }
0xf4: {  	v0 =	vadd.f32 v5, v0;
	_ =	sdelay $0x1  }
0xf5: {  	v0 =	vadd.f32 v1, v0;
	_ =	sdelay $0x1  }
0xf6: {  	v0 =	vadd.f32 v6, v0;
	_ =	sdelay $0x1  }
0xf7: {  	[tilespmem:s20+$0x9450] =	vst v0  }
0xf8: {  	v0 =	vld [tilespmem:s19+$0xFFFFFE60]  }
0xf9: {  	v1 =	vld [tilespmem:s19+$0xFFFFFEE0]  }
0xfa: {  	v2 =	vld [tilespmem:s19+$0xFFFFFF60]  }
0xfb: {  	v3 =	vld [tilespmem:s19+$0xFFFFFFE0]  }
0xfc: {  	v4 =	vld [tilespmem:s19+$0x60]  }
0xfd: {  	v5 =	vld [tilespmem:s19+$0xE0]  }
0xfe: {  	v0 =	vadd.f32 v1, v0;
	v1 =	vld [tilespmem:s19+$0x160]  }
0xff: {  	v6 =	vld [tilespmem:s19+$0x1E0]  }
0x100: {  	v0 =	vadd.f32 v2, v0;
	_ =	sdelay $0x1  }
0x101: {  	v0 =	vadd.f32 v3, v0;
	_ =	sdelay $0x1  }
0x102: {  	v0 =	vadd.f32 v4, v0;
	_ =	sdelay $0x1  }
0x103: {  	v0 =	vadd.f32 v5, v0;
	_ =	sdelay $0x1  }
0x104: {  	v0 =	vadd.f32 v1, v0;
	_ =	sdelay $0x1  }
0x105: {  	v0 =	vadd.f32 v6, v0;
	_ =	sdelay $0x1  }
0x106: {  	[tilespmem:s20+$0x9460] =	vst v0  }
0x107: {  	v1 =	vld [tilespmem:s19+$0xFFFFFE70]  }
0x108: {  	v2 =	vld [tilespmem:s19+$0xFFFFFEF0]  }
0x109: {  	v4 =	vld [tilespmem:s19+$0xFFFFFF70]  }
0x10a: {  	v5 =	vld [tilespmem:s19+$0xFFFFFFF0]  }
0x10b: {  	v3 =	vld [tilespmem:s19+$0x70]  }
0x10c: {  	v0 =	vld [tilespmem:s19+$0xF0]  }
.Ltmp0:
0x10d: {  	v6 =	vadd.f32 v2, v1;
	v1 =	vld [tilespmem:s19+$0x170];
	(pc) =	sbr.rel @p0 .LBB2_3-.Ltmp0, $3  }
0x10e: {  	v2 =	vld [tilespmem:s19+$0x1F0]  }
0x10f: {  	v4 =	vadd.f32 v4, v6;
	_ =	sdelay $0x1  }
0x110: {  	v4 =	vadd.f32 v5, v4  }
0x111: {  	_ = 	snop  }
0x112: {  	v3 =	vadd.f32 v3, v4;
	_ =	sdelay $0x1  }
0x113: {  	v0 =	vadd.f32 v0, v3;
	_ =	sdelay $0x1  }
0x114: {  	v0 =	vadd.f32 v1, v0;
	_ =	sdelay $0x1  }
0x115: {  	s18 =	sadd.s32 s4, s18;
	v0 =	vadd.f32 v2, v0  }
0x116: {  	s18 =	sshll.u32 s18, $0x4  }
0x117: {  	p0 =	seq.s32 s16, $0x13;
	s18 =	sadd.s32 s2, s18;
	[tilespmem:s20+$0x9470] =	vst v0  }
0x118: {  	[hbm4b:s18+s3] =	stream.linear.scatter [tilespmem:s13], [sflag:$0x3], $0x800, $0x38;
	[tilespmem:$0x9C00] =	vst v63  }
0x119: {  	s18 =	sshll.u32 @!p0 s16, $0x8;
	_ =	swait.ge [sflag:s8], $0x800  }
0x11a: {  	s19 =	simm.s32 @!p0 $0x80;
	s18 =	sand.u32 @!p0 $0x3FFFFF00, s18;
	[sflag:s8] =	ssyncset.done $0x0  }
0x11b: {  	s20 =	simm.s32 @!p0 $0x1400;
	s18 =	sadd.s32 @!p0 $0x100, s18;
	[sflag:s8] =	ssyncadd.s32 $0xFFFFF800  }
0x11c: {  	[tilespmem:s20], [sflag:$0x1] =	stream.indirect.gather @!p0 [hbm4b:s5+s19], $0x80, s18, s19, $0xb8;
	[tilespmem:$0x9C00] =	vst v63  }
0x11d: {  	_ =	swait.ge [sflag:s14], $0x4000  }
0x11e: {  	[sflag:s14] =	ssyncset.done $0x0  }
0x11f: {  	s31 =	simm.s32 $0x0;
	[sflag:s14] =	ssyncadd.s32 $0xFFFFC000  }
0x120: {  	v0 =	vld [tilespmem:s31+$0x5400]  }
0x121: {  	v1 =	vld [tilespmem:s31+$0x5480];
	_ =	sdelay $0x1  }
0x122: {  	v2 =	vld [tilespmem:s31+$0x5500];
	_ =	sdelay $0x1  }
0x123: {  	v3 =	vld [tilespmem:s31+$0x5580]  }
0x124: {  	v0 =	vadd.f32 v1, v0  }
0x125: {  	v1 =	vld [tilespmem:s31+$0x5600]  }
0x126: {  	v0 =	vadd.f32 v2, v0  }
0x127: {  	v2 =	vld [tilespmem:s31+$0x5680]  }
0x128: {  	v0 =	vadd.f32 v3, v0  }
0x129: {  	v3 =	vld [tilespmem:s31+$0x5700]  }
0x12a: {  	v0 =	vadd.f32 v1, v0  }
0x12b: {  	v1 =	vld [tilespmem:s31+$0x5780]  }
0x12c: {  	v0 =	vadd.f32 v2, v0;
	_ =	sdelay $0x1  }
0x12d: {  	v0 =	vadd.f32 v3, v0;
	_ =	sdelay $0x1  }
0x12e: {  	v0 =	vadd.f32 v1, v0  }
0x12f: {  	s18 =	simm.s32 $0x9440  }
0x130: {  	[tilespmem:s18+$0xFFFFFFC0] =	vst v0  }
0x131: {  	v0 =	vld [tilespmem:s31+$0x5410]  }
0x132: {  	v1 =	vld [tilespmem:s31+$0x5490];
	_ =	sdelay $0x1  }
0x133: {  	v2 =	vld [tilespmem:s31+$0x5510];
	_ =	sdelay $0x1  }
0x134: {  	v3 =	vld [tilespmem:s31+$0x5590]  }
0x135: {  	v0 =	vadd.f32 v1, v0  }
0x136: {  	v1 =	vld [tilespmem:s31+$0x5610]  }
0x137: {  	v0 =	vadd.f32 v2, v0  }
0x138: {  	v2 =	vld [tilespmem:s31+$0x5690]  }
0x139: {  	v0 =	vadd.f32 v3, v0  }
0x13a: {  	v3 =	vld [tilespmem:s31+$0x5710]  }
0x13b: {  	v0 =	vadd.f32 v1, v0  }
0x13c: {  	v1 =	vld [tilespmem:s31+$0x5790]  }
0x13d: {  	v0 =	vadd.f32 v2, v0;
	_ =	sdelay $0x1  }
0x13e: {  	v0 =	vadd.f32 v3, v0;
	_ =	sdelay $0x1  }
0x13f: {  	v0 =	vadd.f32 v1, v0;
	_ =	sdelay $0x1  }
0x140: {  	[tilespmem:s18+$0xFFFFFFD0] =	vst v0  }
0x141: {  	v0 =	vld [tilespmem:s31+$0x5420]  }
0x142: {  	v1 =	vld [tilespmem:s31+$0x54A0];
	_ =	sdelay $0x1  }
0x143: {  	v2 =	vld [tilespmem:s31+$0x5520];
	_ =	sdelay $0x1  }
0x144: {  	v3 =	vld [tilespmem:s31+$0x55A0]  }
0x145: {  	v0 =	vadd.f32 v1, v0  }
0x146: {  	v1 =	vld [tilespmem:s31+$0x5620]  }
0x147: {  	v0 =	vadd.f32 v2, v0  }
0x148: {  	v2 =	vld [tilespmem:s31+$0x56A0]  }
0x149: {  	v0 =	vadd.f32 v3, v0  }
0x14a: {  	v3 =	vld [tilespmem:s31+$0x5720]  }
0x14b: {  	v0 =	vadd.f32 v1, v0  }
0x14c: {  	v1 =	vld [tilespmem:s31+$0x57A0]  }
0x14d: {  	v0 =	vadd.f32 v2, v0;
	_ =	sdelay $0x1  }
0x14e: {  	v0 =	vadd.f32 v3, v0;
	_ =	sdelay $0x1  }
0x14f: {  	v0 =	vadd.f32 v1, v0;
	_ =	sdelay $0x1  }
0x150: {  	[tilespmem:s18+$0xFFFFFFE0] =	vst v0  }
0x151: {  	v0 =	vld [tilespmem:s31+$0x5430]  }
0x152: {  	v1 =	vld [tilespmem:s31+$0x54B0];
	_ =	sdelay $0x1  }
0x153: {  	v2 =	vld [tilespmem:s31+$0x5530];
	_ =	sdelay $0x1  }
0x154: {  	v3 =	vld [tilespmem:s31+$0x55B0]  }
0x155: {  	v0 =	vadd.f32 v1, v0  }
0x156: {  	v1 =	vld [tilespmem:s31+$0x5630]  }
0x157: {  	v0 =	vadd.f32 v2, v0  }
0x158: {  	v2 =	vld [tilespmem:s31+$0x56B0]  }
0x159: {  	v0 =	vadd.f32 v3, v0  }
0x15a: {  	v3 =	vld [tilespmem:s31+$0x5730]  }
0x15b: {  	v0 =	vadd.f32 v1, v0  }
0x15c: {  	v1 =	vld [tilespmem:s31+$0x57B0]  }
0x15d: {  	v0 =	vadd.f32 v2, v0;
	_ =	sdelay $0x1  }
0x15e: {  	v0 =	vadd.f32 v3, v0;
	_ =	sdelay $0x1  }
0x15f: {  	v0 =	vadd.f32 v1, v0;
	_ =	sdelay $0x1  }
0x160: {  	[tilespmem:s18+$0xFFFFFFF0] =	vst v0  }
0x161: {  	v0 =	vld [tilespmem:s31+$0x5440]  }
0x162: {  	v1 =	vld [tilespmem:s31+$0x54C0];
	_ =	sdelay $0x1  }
0x163: {  	v2 =	vld [tilespmem:s31+$0x5540];
	_ =	sdelay $0x1  }
0x164: {  	v3 =	vld [tilespmem:s31+$0x55C0]  }
0x165: {  	v0 =	vadd.f32 v1, v0  }
0x166: {  	v1 =	vld [tilespmem:s31+$0x5640]  }
0x167: {  	v0 =	vadd.f32 v2, v0  }
0x168: {  	v2 =	vld [tilespmem:s31+$0x56C0]  }
0x169: {  	v0 =	vadd.f32 v3, v0  }
0x16a: {  	v3 =	vld [tilespmem:s31+$0x5740]  }
0x16b: {  	v0 =	vadd.f32 v1, v0  }
0x16c: {  	v1 =	vld [tilespmem:s31+$0x57C0]  }
0x16d: {  	v0 =	vadd.f32 v2, v0;
	_ =	sdelay $0x1  }
0x16e: {  	v0 =	vadd.f32 v3, v0;
	_ =	sdelay $0x1  }
0x16f: {  	v0 =	vadd.f32 v1, v0;
	_ =	sdelay $0x1  }
0x170: {  	[tilespmem:s18+$0x0] =	vst v0  }
0x171: {  	v0 =	vld [tilespmem:s31+$0x5450]  }
0x172: {  	v1 =	vld [tilespmem:s31+$0x54D0];
	_ =	sdelay $0x1  }
0x173: {  	v2 =	vld [tilespmem:s31+$0x5550];
	_ =	sdelay $0x1  }
0x174: {  	v3 =	vld [tilespmem:s31+$0x55D0]  }
0x175: {  	v0 =	vadd.f32 v1, v0  }
0x176: {  	v1 =	vld [tilespmem:s31+$0x5650]  }
0x177: {  	v0 =	vadd.f32 v2, v0  }
0x178: {  	v2 =	vld [tilespmem:s31+$0x56D0]  }
0x179: {  	v0 =	vadd.f32 v3, v0  }
0x17a: {  	v3 =	vld [tilespmem:s31+$0x5750]  }
0x17b: {  	v0 =	vadd.f32 v1, v0  }
0x17c: {  	v1 =	vld [tilespmem:s31+$0x57D0]  }
0x17d: {  	v0 =	vadd.f32 v2, v0;
	_ =	sdelay $0x1  }
0x17e: {  	v0 =	vadd.f32 v3, v0;
	_ =	sdelay $0x1  }
0x17f: {  	v0 =	vadd.f32 v1, v0;
	_ =	sdelay $0x1  }
0x180: {  	[tilespmem:s18+$0x10] =	vst v0  }
0x181: {  	v0 =	vld [tilespmem:s31+$0x5460]  }
0x182: {  	v1 =	vld [tilespmem:s31+$0x54E0];
	_ =	sdelay $0x1  }
0x183: {  	v2 =	vld [tilespmem:s31+$0x5560];
	_ =	sdelay $0x1  }
0x184: {  	v3 =	vld [tilespmem:s31+$0x55E0]  }
0x185: {  	v0 =	vadd.f32 v1, v0  }
0x186: {  	v1 =	vld [tilespmem:s31+$0x5660]  }
0x187: {  	v0 =	vadd.f32 v2, v0  }
0x188: {  	v2 =	vld [tilespmem:s31+$0x56E0]  }
0x189: {  	v0 =	vadd.f32 v3, v0  }
0x18a: {  	v3 =	vld [tilespmem:s31+$0x5760]  }
0x18b: {  	v0 =	vadd.f32 v1, v0  }
0x18c: {  	v1 =	vld [tilespmem:s31+$0x57E0]  }
0x18d: {  	v0 =	vadd.f32 v2, v0;
	_ =	sdelay $0x1  }
0x18e: {  	v0 =	vadd.f32 v3, v0;
	_ =	sdelay $0x1  }
0x18f: {  	v0 =	vadd.f32 v1, v0;
	_ =	sdelay $0x1  }
0x190: {  	[tilespmem:s18+$0x20] =	vst v0  }
0x191: {  	v0 =	vld [tilespmem:s31+$0x5470]  }
0x192: {  	v1 =	vld [tilespmem:s31+$0x54F0];
	_ =	sdelay $0x1  }
0x193: {  	v2 =	vld [tilespmem:s31+$0x5570];
	_ =	sdelay $0x1  }
0x194: {  	v4 =	vld [tilespmem:s31+$0x55F0]  }
0x195: {  	v3 =	vadd.f32 v1, v0  }
0x196: {  	v1 =	vld [tilespmem:s31+$0x5670]  }
0x197: {  	v0 =	vld [tilespmem:s31+$0x56F0];
	v5 =	vadd.f32 v2, v3  }
0x198: {  	v2 =	vld [tilespmem:s31+$0x5770]  }
0x199: {  	s20 =	simm.s32 $0x1000;
	s19 =	simm.s32 $0x9440;
	v3 =	vld [tilespmem:s31+$0x57F0];
	v4 =	vadd.f32 v4, v5  }
.LBB2_5:
0x19a: {  	p0 =	sne.s32 s20, $0xF000  }
0x19b: {  	s18 =	sadd.s32 $0x80, s18;
	s21 =	smov.u32 s20;
	s20 =	sadd.s32 $0x1000, s20  }
0x19c: {  	v1 =	vadd.f32 v1, v4;
	_ =	sdelay $0x1  }
0x19d: {  	v0 =	vadd.f32 v0, v1;
	_ =	sdelay $0x1  }
0x19e: {  	v0 =	vadd.f32 v2, v0;
	_ =	sdelay $0x1  }
0x19f: {  	v0 =	vadd.f32 v3, v0  }
0x1a0: {  	s21 =	sshra.s32 s21, $0x2  }
0x1a1: {  	[tilespmem:s19+$0x30] =	vst v0;
	s19 =	smov.u32 s18  }
0x1a2: {  	v0 =	vld [tilespmem:s21+$0x5400]  }
0x1a3: {  	v1 =	vld [tilespmem:s21+$0x5480]  }
0x1a4: {  	v2 =	vld [tilespmem:s21+$0x5500];
	_ =	sdelay $0x1  }
0x1a5: {  	v3 =	vld [tilespmem:s21+$0x5580];
	_ =	sdelay $0x1  }
0x1a6: {  	v0 =	vadd.f32 v1, v0  }
0x1a7: {  	v1 =	vld [tilespmem:s21+$0x5600]  }
0x1a8: {  	v0 =	vadd.f32 v2, v0  }
0x1a9: {  	v2 =	vld [tilespmem:s21+$0x5680]  }
0x1aa: {  	v0 =	vadd.f32 v3, v0  }
0x1ab: {  	v3 =	vld [tilespmem:s21+$0x5700]  }
0x1ac: {  	v0 =	vadd.f32 v1, v0  }
0x1ad: {  	v1 =	vld [tilespmem:s21+$0x5780]  }
0x1ae: {  	v0 =	vadd.f32 v2, v0;
	_ =	sdelay $0x1  }
0x1af: {  	v0 =	vadd.f32 v3, v0;
	_ =	sdelay $0x1  }
0x1b0: {  	v0 =	vadd.f32 v1, v0;
	_ =	sdelay $0x1  }
0x1b1: {  	[tilespmem:s18+$0xFFFFFFC0] =	vst v0  }
0x1b2: {  	v0 =	vld [tilespmem:s21+$0x5410]  }
0x1b3: {  	v1 =	vld [tilespmem:s21+$0x5490];
	_ =	sdelay $0x1  }
0x1b4: {  	v2 =	vld [tilespmem:s21+$0x5510];
	_ =	sdelay $0x1  }
0x1b5: {  	v3 =	vld [tilespmem:s21+$0x5590]  }
0x1b6: {  	v0 =	vadd.f32 v1, v0  }
0x1b7: {  	v1 =	vld [tilespmem:s21+$0x5610]  }
0x1b8: {  	v0 =	vadd.f32 v2, v0  }
0x1b9: {  	v2 =	vld [tilespmem:s21+$0x5690]  }
0x1ba: {  	v0 =	vadd.f32 v3, v0  }
0x1bb: {  	v3 =	vld [tilespmem:s21+$0x5710]  }
0x1bc: {  	v0 =	vadd.f32 v1, v0  }
0x1bd: {  	v1 =	vld [tilespmem:s21+$0x5790]  }
0x1be: {  	v0 =	vadd.f32 v2, v0;
	_ =	sdelay $0x1  }
0x1bf: {  	v0 =	vadd.f32 v3, v0;
	_ =	sdelay $0x1  }
0x1c0: {  	v0 =	vadd.f32 v1, v0;
	_ =	sdelay $0x1  }
0x1c1: {  	[tilespmem:s18+$0xFFFFFFD0] =	vst v0  }
0x1c2: {  	v0 =	vld [tilespmem:s21+$0x5420]  }
0x1c3: {  	v1 =	vld [tilespmem:s21+$0x54A0];
	_ =	sdelay $0x1  }
0x1c4: {  	v2 =	vld [tilespmem:s21+$0x5520];
	_ =	sdelay $0x1  }
0x1c5: {  	v3 =	vld [tilespmem:s21+$0x55A0]  }
0x1c6: {  	v0 =	vadd.f32 v1, v0  }
0x1c7: {  	v1 =	vld [tilespmem:s21+$0x5620]  }
0x1c8: {  	v0 =	vadd.f32 v2, v0  }
0x1c9: {  	v2 =	vld [tilespmem:s21+$0x56A0]  }
0x1ca: {  	v0 =	vadd.f32 v3, v0  }
0x1cb: {  	v3 =	vld [tilespmem:s21+$0x5720]  }
0x1cc: {  	v0 =	vadd.f32 v1, v0  }
0x1cd: {  	v1 =	vld [tilespmem:s21+$0x57A0]  }
0x1ce: {  	v0 =	vadd.f32 v2, v0;
	_ =	sdelay $0x1  }
0x1cf: {  	v0 =	vadd.f32 v3, v0;
	_ =	sdelay $0x1  }
0x1d0: {  	v0 =	vadd.f32 v1, v0;
	_ =	sdelay $0x1  }
0x1d1: {  	[tilespmem:s18+$0xFFFFFFE0] =	vst v0  }
0x1d2: {  	v0 =	vld [tilespmem:s21+$0x5430]  }
0x1d3: {  	v1 =	vld [tilespmem:s21+$0x54B0];
	_ =	sdelay $0x1  }
0x1d4: {  	v2 =	vld [tilespmem:s21+$0x5530];
	_ =	sdelay $0x1  }
0x1d5: {  	v3 =	vld [tilespmem:s21+$0x55B0]  }
0x1d6: {  	v0 =	vadd.f32 v1, v0  }
0x1d7: {  	v1 =	vld [tilespmem:s21+$0x5630]  }
0x1d8: {  	v0 =	vadd.f32 v2, v0  }
0x1d9: {  	v2 =	vld [tilespmem:s21+$0x56B0]  }
0x1da: {  	v0 =	vadd.f32 v3, v0  }
0x1db: {  	v3 =	vld [tilespmem:s21+$0x5730]  }
0x1dc: {  	v0 =	vadd.f32 v1, v0  }
0x1dd: {  	v1 =	vld [tilespmem:s21+$0x57B0]  }
0x1de: {  	v0 =	vadd.f32 v2, v0;
	_ =	sdelay $0x1  }
0x1df: {  	v0 =	vadd.f32 v3, v0;
	_ =	sdelay $0x1  }
0x1e0: {  	v0 =	vadd.f32 v1, v0;
	_ =	sdelay $0x1  }
0x1e1: {  	[tilespmem:s18+$0xFFFFFFF0] =	vst v0  }
0x1e2: {  	v0 =	vld [tilespmem:s21+$0x5440]  }
0x1e3: {  	v1 =	vld [tilespmem:s21+$0x54C0]  }
0x1e4: {  	v2 =	vld [tilespmem:s21+$0x5540];
	_ =	sdelay $0x2  }
0x1e5: {  	v3 =	vld [tilespmem:s21+$0x55C0]  }
0x1e6: {  	v0 =	vadd.f32 v1, v0  }
0x1e7: {  	v1 =	vld [tilespmem:s21+$0x5640]  }
0x1e8: {  	v0 =	vadd.f32 v2, v0  }
0x1e9: {  	v2 =	vld [tilespmem:s21+$0x56C0]  }
0x1ea: {  	v0 =	vadd.f32 v3, v0  }
0x1eb: {  	v3 =	vld [tilespmem:s21+$0x5740]  }
0x1ec: {  	v0 =	vadd.f32 v1, v0  }
0x1ed: {  	v1 =	vld [tilespmem:s21+$0x57C0]  }
0x1ee: {  	v0 =	vadd.f32 v2, v0;
	_ =	sdelay $0x1  }
0x1ef: {  	v0 =	vadd.f32 v3, v0;
	_ =	sdelay $0x1  }
0x1f0: {  	v0 =	vadd.f32 v1, v0;
	_ =	sdelay $0x1  }
0x1f1: {  	[tilespmem:s18+$0x0] =	vst v0  }
0x1f2: {  	v0 =	vld [tilespmem:s21+$0x5450]  }
0x1f3: {  	v1 =	vld [tilespmem:s21+$0x54D0]  }
0x1f4: {  	v2 =	vld [tilespmem:s21+$0x5550]  }
0x1f5: {  	v3 =	vld [tilespmem:s21+$0x55D0]  }
0x1f6: {  	v4 =	vld [tilespmem:s21+$0x5650]  }
0x1f7: {  	v5 =	vld [tilespmem:s21+$0x56D0]  }
0x1f8: {  	v0 =	vadd.f32 v1, v0;
	v1 =	vld [tilespmem:s21+$0x5750]  }
0x1f9: {  	v6 =	vld [tilespmem:s21+$0x57D0]  }
0x1fa: {  	v0 =	vadd.f32 v2, v0;
	_ =	sdelay $0x1  }
0x1fb: {  	v0 =	vadd.f32 v3, v0;
	_ =	sdelay $0x1  }
0x1fc: {  	v0 =	vadd.f32 v4, v0;
	_ =	sdelay $0x1  }
0x1fd: {  	v0 =	vadd.f32 v5, v0;
	_ =	sdelay $0x1  }
0x1fe: {  	v0 =	vadd.f32 v1, v0;
	_ =	sdelay $0x1  }
0x1ff: {  	v0 =	vadd.f32 v6, v0;
	_ =	sdelay $0x1  }
0x200: {  	[tilespmem:s18+$0x10] =	vst v0  }
0x201: {  	v0 =	vld [tilespmem:s21+$0x5460]  }
0x202: {  	v1 =	vld [tilespmem:s21+$0x54E0]  }
0x203: {  	v2 =	vld [tilespmem:s21+$0x5560]  }
0x204: {  	v3 =	vld [tilespmem:s21+$0x55E0]  }
0x205: {  	v4 =	vld [tilespmem:s21+$0x5660]  }
0x206: {  	v5 =	vld [tilespmem:s21+$0x56E0]  }
0x207: {  	v0 =	vadd.f32 v1, v0;
	v1 =	vld [tilespmem:s21+$0x5760]  }
0x208: {  	v6 =	vld [tilespmem:s21+$0x57E0]  }
0x209: {  	v0 =	vadd.f32 v2, v0;
	_ =	sdelay $0x1  }
0x20a: {  	v0 =	vadd.f32 v3, v0;
	_ =	sdelay $0x1  }
0x20b: {  	v0 =	vadd.f32 v4, v0;
	_ =	sdelay $0x1  }
0x20c: {  	v0 =	vadd.f32 v5, v0;
	_ =	sdelay $0x1  }
0x20d: {  	v0 =	vadd.f32 v1, v0;
	_ =	sdelay $0x1  }
0x20e: {  	v0 =	vadd.f32 v6, v0;
	_ =	sdelay $0x1  }
0x20f: {  	[tilespmem:s18+$0x20] =	vst v0  }
0x210: {  	v2 =	vld [tilespmem:s21+$0x5470]  }
0x211: {  	v3 =	vld [tilespmem:s21+$0x54F0]  }
0x212: {  	v4 =	vld [tilespmem:s21+$0x5570]  }
0x213: {  	v5 =	vld [tilespmem:s21+$0x55F0]  }
0x214: {  	v1 =	vld [tilespmem:s21+$0x5670]  }
0x215: {  	v0 =	vld [tilespmem:s21+$0x56F0]  }
.Ltmp1:
0x216: {  	v6 =	vadd.f32 v3, v2;
	v2 =	vld [tilespmem:s21+$0x5770];
	(pc) =	sbr.rel @p0 .LBB2_5-.Ltmp1, $3  }
0x217: {  	v3 =	vld [tilespmem:s21+$0x57F0]  }
0x218: {  	v4 =	vadd.f32 v4, v6;
	_ =	sdelay $0x1  }
0x219: {  	v4 =	vadd.f32 v5, v4  }
0x21a: {  	_ = 	snop  }
0x21b: {  	v1 =	vadd.f32 v1, v4;
	_ =	sdelay $0x1  }
0x21c: {  	v0 =	vadd.f32 v0, v1;
	_ =	sdelay $0x1  }
0x21d: {  	v0 =	vadd.f32 v2, v0;
	_ =	sdelay $0x1  }
0x21e: {  	s17 =	sadd.s32 s4, s17;
	s16 =	sadd.s32 $0x1, s16;
	v0 =	vadd.f32 v3, v0  }
0x21f: {  	s17 =	sshll.u32 s17, $0x4;
	p0 =	sne.s32 s16, $0x14  }
.Ltmp2:
0x220: {  	s17 =	sadd.s32 s2, s17;
	[tilespmem:s19+$0x30] =	vst v0;
	(pc) =	sbr.rel @p0 .LBB2_2-.Ltmp2, $4  }
0x221: {  	[hbm4b:s17+s3] =	stream.linear.scatter [tilespmem:s13], [sflag:$0x3], $0x800, $0x38;
	[tilespmem:$0x9C00] =	vst v63  }
0x222: {  	_ =	swait.ge [sflag:s8], $0x800  }
0x223: {  	[sflag:s8] =	ssyncset.done $0x0  }
0x224: {  	[sflag:s8] =	ssyncadd.s32 $0xFFFFF800  }
0x225: {  	s15 =	sadd.s32 $0x1, s15  }
0x226: {  	p0 =	sne.s32 s15, s7  }
.Ltmp3:
0x227: {  	_ = 	snop;
	(pc) =	sbr.rel @p0 .LBB2_1-.Ltmp3, $1  }
0x228: {  	_ =	sdelay $0x3  }
0x229: {  	_ =	sfence.sel $0x180000  }
0x22a: {  	[bflag:$0x0] =	sbarrier.arrive $0xFFFF  }
0x22b: {  	p0 =	sne.s32 s0, $0x0;
	_ =	strace $0x9000004A  }
0x22c: {  	s0 =	sadd.s32 @!p0 $0x100000, s1;
	[bflag:$0x2] =	sbarrier.arrive $0xFFFF  }
0x22d: {  	[sflag:s0] =	ssyncadd.tile.s32 @!p0 $0x1;
	_ =	shalt  }
.Lfunc_end2:
_tile_overlayer_lowered:
.L_overlay_start_2:
0x22e: {  	(tag) =	ssettag $0x2  }
0x22f: {  	s0 =	rddreg [dreg:$0x0];
	s2 =	stileid.u32  }
0x230: {  	s1 =	rddreg [dreg:$0x1];
	p0 =	sne.s32 s2, $0x0  }
0x231: {  	s3 =	rddreg [dreg:$0x2];
	[bflag:$0x3] =	sbarrier.arrive $0xFFFF;
	s2 =	simm.s32 @!p0 $0x1C03  }
0x232: {  	[timem:s3], [sflag:s2] =	dma.local @!p0 [hbm:s0], s1  }
0x233: {  	s0 =	simm.s32 @!p0 $0x3  }
0x234: {  	_ =	swait.ge @!p0 [sflag:s0], s1  }
0x235: {  	s1 =	ssub.s32 @!p0 $0x0, s1;
	[sflag:s0] =	ssyncset.done @!p0 $0x0  }
0x236: {  	[sflag:s0] =	ssyncadd.s32 @!p0 s1  }
0x237: {  	[bflag:$0x3] =	sbarrier.arrive $0xFFFF  }
0x238: {  	_ =	shalt  }

// kernel: kernel.7.cloned.1.call-start
scs
__scs_entry_jumppad:
0x0: {  	(pc) =	sbr.rel $0x88, $3  }
0x1: {  	(tag) =	ssettag $0x0;
	lr =	simm.s32 $0x1  }
0x2: {  	[smem:$0x3F96] =	sst lr;
	_ =	strace $0xD0000000  }
0x3: {  	_ = 	snop  }
0x4: {  	_ = 	snop  }
0x5: {  	_ = 	snop  }
0x6: {  	_ = 	snop  }
0x7: {  	_ = 	snop  }
__scs_overlays_trampoline_lowered:
0x8: {  	[smem:$0x3FA5] =	sst s0  }
0x9: {  	[smem:$0x3FA6] =	sst s1  }
0xa: {  	[smem:$0x3FA7] =	sst s2  }
0xb: {  	[smem:$0x3FA8] =	sst s3  }
0xc: {  	[smem:$0x3FA9] =	sst s4  }
0xd: {  	[smem:$0x3FAA] =	sst s5  }
0xe: {  	[smem:$0x3FAB] =	sst s6  }
0xf: {  	[smem:$0x3FAC] =	sst s7  }
0x10: {  	[smem:$0x3FAD] =	sst s8  }
0x11: {  	[smem:$0x3FAE] =	sst s9;
	s0 =	simm.s32 @!p0 $0x0  }
0x12: {  	s1 =	sld [smem:$0x3F94];
	s0 =	simm.s32 @p0 $0x1  }
0x13: {  	[smem:$0x3FAF] =	sst s0;
	s0 =	simm.s32 @!p1 $0x0  }
0x14: {  	s2 =	sld [smem:$0x3F93];
	s0 =	simm.s32 @p1 $0x1  }
0x15: {  	[smem:$0x3FB0] =	sst s0;
	s0 =	simm.s32 @!p2 $0x0  }
0x16: {  	s3 =	sld [smem:$0x3FDB];
	s0 =	simm.s32 @p2 $0x1  }
0x17: {  	s4 =	simm.s32 $0x1BF5;
	[smem:$0x3FB2] =	sst s0  }
0x18: {  	s0 =	sld [smem:$0x3F95];
	_ =	swait.ge [sflag:s4], $0x0  }
0x19: {  	s7 =	sld [smem:$0x3F96]  }
0x1a: {  	s8 =	sadd.s32 $0xFFFFE003, lr  }
0x1b: {  	s9 =	sadd.s32 $0xFFFFFEF7, lr;
	s5 =	simm.s32 $0xFFFFFFFF;
	p2 =	slt.u32 s8, $0xFFFFF086  }
0x1c: {  	p1 =	slt.u32 s9, $0xF7A;
	s5 =	simm.s32 @!p2 $0x0  }
0x1d: {  	s5 =	simm.s32 @p1 $0x1;
	p0 =	seq.s32 s7, s2  }
0x1e: {  	s7 =	smul.u32 @!p0 $0xF7A, s2;
	p2 =	seq.s32 @!p0 s5, $0x0  }
0x1f: {  	s9 =	smul.u32 $0xF7A, s1;
	s8 =	simm.s32 @!p0 $0x1BF5;
	p2 =	por !p2, p0  }
0x20: {  	[sflag:s8] =	ssyncset.s32 @!p0 $0xFFFFF086;
	s6 =	sadd.s32 @!p0 s3, s7;
	s7 =	simm.s32 @!p0 $0x108  }
0x21: {  	s3 =	sadd.s32 s3, s9;
	s6 =	sadd.s32 @!p0 $0x88, s6;
	s7 =	simm.s32 @p2 $0x1082  }
0x22: {  	[simem:s7], [sflag:s8] =	dma.local @!p0 [hbm:s6], $0xF7A  }
0x23: {  	s9 =	sor.u32 $0xD0000000, s2;
	s6 =	simm.s32 $0x108;
	_ =	swait.ge @!p0 [sflag:s8], $0x0  }
0x24: {  	s3 =	sadd.s32 $0x88, s3;
	s6 =	simm.s32 @!p1 $0x1082;
	[sflag:s4] =	ssyncset.s32 $0xFFFFF086  }
0x25: {  	[simem:s6], [sflag:s4] =	dma.local [hbm:s3], $0xF7A  }
0x26: {  	[smem:$0x3F96] =	sst s1;
	(tag) =	ssettag s2;
	_ =	strace s9  }
0x27: {  	s1 =	sld [smem:$0x3FA6]  }
0x28: {  	s2 =	sld [smem:$0x3FA7]  }
0x29: {  	s4 =	sld [smem:$0x3FA9]  }
0x2a: {  	p0 =	seq.s32 s5, $0x0;
	s5 =	sld [smem:$0x3FAA]  }
0x2b: {  	s6 =	sld [smem:$0x3FAB]  }
0x2c: {  	s7 =	sld [smem:$0x3FAC]  }
0x2d: {  	s3 =	simm.s32 $0x108;
	s8 =	sld [smem:$0x3FAD]  }
0x2e: {  	s3 =	simm.s32 @!p0 $0x1082;
	s9 =	sld [smem:$0x3FAE]  }
0x2f: {  	lr =	sadd.s32 s0, s3;
	s0 =	sld [smem:$0x3FA5]  }
0x30: {  	s3 =	sld [smem:$0x3FA8]  }
0x31: {  	[smem:$0x3FB1] =	sst s10  }
0x32: {  	s10 =	sld [smem:$0x3FAF];
	_ =	sdelay $0x3  }
0x33: {  	p0 =	seq.s32 s10, $0x1;
	s10 =	sld [smem:$0x3FB1];
	_ =	sdelay $0x3  }
0x34: {  	[smem:$0x3FB1] =	sst s10  }
0x35: {  	s10 =	sld [smem:$0x3FB0];
	_ =	sdelay $0x3  }
0x36: {  	p1 =	seq.s32 s10, $0x1;
	s10 =	sld [smem:$0x3FB1];
	_ =	sdelay $0x3  }
0x37: {  	[smem:$0x3FB1] =	sst s10  }
0x38: {  	s10 =	sld [smem:$0x3FB2]  }
0x39: {  	_ = 	snop;
	(pc) =	sbr.ind lr, $3  }
0x3a: {  	_ = 	snop  }
0x3b: {  	_ = 	snop  }
0x3c: {  	p2 =	seq.s32 s10, $0x1;
	s10 =	sld [smem:$0x3FB1]  }
0x3d: {  	_ =	shalt  }
0x3e: {  	_ =	shalt  }
0x3f: {  	_ =	shalt  }
0x40: {  	_ =	shalt  }
0x41: {  	_ =	shalt  }
0x42: {  	_ =	shalt  }
0x43: {  	_ =	shalt  }
0x44: {  	_ =	shalt  }
0x45: {  	_ =	shalt  }
0x46: {  	_ =	shalt  }
0x47: {  	_ =	shalt  }
0x48: {  	_ =	shalt  }
0x49: {  	_ =	shalt  }
0x4a: {  	_ =	shalt  }
0x4b: {  	_ =	shalt  }
0x4c: {  	_ =	shalt  }
0x4d: {  	_ =	shalt  }
0x4e: {  	_ =	shalt  }
0x4f: {  	_ =	shalt  }
0x50: {  	_ =	shalt  }
0x51: {  	_ =	shalt  }
0x52: {  	_ =	shalt  }
0x53: {  	_ =	shalt  }
0x54: {  	_ =	shalt  }
0x55: {  	_ =	shalt  }
0x56: {  	_ =	shalt  }
0x57: {  	_ =	shalt  }
0x58: {  	_ =	shalt  }
0x59: {  	_ =	shalt  }
0x5a: {  	_ =	shalt  }
0x5b: {  	_ =	shalt  }
0x5c: {  	_ =	shalt  }
0x5d: {  	_ =	shalt  }
0x5e: {  	_ =	shalt  }
0x5f: {  	_ =	shalt  }
0x60: {  	_ =	shalt  }
0x61: {  	_ =	shalt  }
0x62: {  	_ =	shalt  }
0x63: {  	_ =	shalt  }
0x64: {  	_ =	shalt  }
0x65: {  	_ =	shalt  }
0x66: {  	_ =	shalt  }
0x67: {  	_ =	shalt  }
0x68: {  	_ =	shalt  }
0x69: {  	_ =	shalt  }
0x6a: {  	_ =	shalt  }
0x6b: {  	_ =	shalt  }
0x6c: {  	_ =	shalt  }
0x6d: {  	_ =	shalt  }
0x6e: {  	_ =	shalt  }
0x6f: {  	_ =	shalt  }
0x70: {  	_ =	shalt  }
0x71: {  	_ =	shalt  }
0x72: {  	_ =	shalt  }
0x73: {  	_ =	shalt  }
0x74: {  	_ =	shalt  }
0x75: {  	_ =	shalt  }
0x76: {  	_ =	shalt  }
0x77: {  	_ =	shalt  }
0x78: {  	_ =	shalt  }
0x79: {  	_ =	shalt  }
0x7a: {  	_ =	shalt  }
0x7b: {  	_ =	shalt  }
0x7c: {  	_ =	shalt  }
0x7d: {  	_ =	shalt  }
0x7e: {  	_ =	shalt  }
0x7f: {  	_ =	shalt  }
0x80: {  	_ =	shalt  }
0x81: {  	_ =	shalt  }
0x82: {  	_ =	shalt  }
0x83: {  	_ =	shalt  }
0x84: {  	_ =	shalt  }
0x85: {  	_ =	shalt  }
0x86: {  	_ =	shalt  }
0x87: {  	_ =	shalt  }
.Lfunc_end0:
.L_simem_size_0:
called_computation_lowered:
.L_overlay_start_0:
0x88: {  	s2 =	sld [smem:$0x3FD9]  }
0x89: {  	s3 =	sld [smem:$0x3FFE];
	_ =	sdelay $0x1  }
0x8a: {  	s1 =	srdreg.scid  }
0x8b: {  	s0 =	sand.u32 $0x1, s1  }
0x8c: {  	s16 =	sshll.u32 s0, $0xA;
	s2 =	sadd.s32 s3, s2  }
0x8d: {  	s2 =	sadd.s32 s2, s16  }
0x8e: {  	[smem:$0x3FBD] =	sst s2  }
0x8f: {  	_ = 	snop  }
0x90: {  	(tm) =	ssettm $0x1  }
0x91: {  	s17 =	sld [smem:$0x3FFB];
	_ =	sdelay $0x3  }
0x92: {  	_ =	strace s17  }
0x93: {  	s2 =	sld [smem:$0x3FFC];
	_ =	sdelay $0x3  }
0x94: {  	_ =	strace s2  }
0x95: {  	s2 =	sld [smem:$0x3FFD];
	_ =	sdelay $0x3  }
0x96: {  	_ =	strace s2  }
0x97: {  	_ =	strace $0x8FFFFFFF  }
0x98: {  	s18 =	sld [smem:$0x3FDB];
	_ =	sdelay $0x1  }
0x99: {  	s19 =	simm.s32 $_scs_section_size  }
0x9a: {  	s4 =	simm.s32 $_size__tile_overlayer_lowered;
	s5 =	simm.s32 $_tile_overlayer_lowered  }
0x9b: {  	s22 =	simm.s32 $0x1BFF;
	s21 =	sshll.u32 s5, $0x1;
	s2 =	sadd.s32 s19, s18  }
0x9c: {  	s6 =	simm.s32 $0x0;
	s20 =	sshll.u32 s4, $0x1;
	s4 =	sadd.s32 s21, s2  }
0x9d: {  	[timem:s6], [sflag:s22] =	dma.local [hbm:s4], s20  }
0x9e: {  	_ =	swait.ge [sflag:s22], s20  }
0x9f: {  	s3 =	ssub.s32 $0x0, s20;
	[sflag:s22] =	ssyncset.done $0x0  }
0xa0: {  	[sflag:s22] =	ssyncadd.s32 s3;
	_ =	sdelay $0x1  }
0xa1: {  	s23 =	simm.s32 $0x1B8B  }
0xa2: {  	_ =	swait.ge [sflag:s23], $0x1  }
0xa3: {  	[sflag:s23] =	ssyncset.done $0x0  }
0xa4: {  	s25 =	simm.s32 $0x1B8E;
	s24 =	sld [smem:$0x3FFE];
	[sflag:s23] =	ssyncadd.s32 $0xFFFFFFFF  }
0xa5: {  	s26 =	simm.s32 $execute0_lowered;
	[smem:$0x3FD2] =	sst s25  }
0xa6: {  	s4 =	sshll.u32 s26, $0x1;
	_ =	strace $0x80000046;
	[dreg:$0x1] =	wrdreg $0xFFFFFFFF  }
0xa7: {  	s28 =	simm.s32 $_size_execute0_lowered;
	s2 =	sadd.s32 s2, s4;
	[dreg:$0x0] =	wrdreg $0x0  }
0xa8: {  	s4 =	sshll.u32 s28, $0x1;
	[dreg:$0x2] =	wrdreg s2  }
0xa9: {  	[dreg:$0x3] =	wrdreg s4  }
0xaa: {  	[dreg:$0x4] =	wrdreg $0xC0  }
0xab: {  	_ =	task [dreg:s6], $0x5FFFF  }
0xac: {  	[dreg:$0x1] =	wrdreg $0xFFFFFFFF  }
0xad: {  	[dreg:$0x0] =	wrdreg $0x60  }
0xae: {  	[dreg:$0x2] =	wrdreg s24  }
0xaf: {  	[dreg:$0x3] =	wrdreg $0x9  }
0xb0: {  	_ =	task.clear_ibuf [dreg:s6], $0x4FFFF;
	_ =	strace $0x90000046  }
0xb1: {  	s29 =	simm.s32 $0x9;
	_ =	strace $0x80000048  }
0xb2: {  	_ =	swait.ge [sflag:s29], $0x1  }
0xb3: {  	[sflag:s29] =	ssyncadd.s32 $0xFFFFFFFF  }
0xb4: {  	_ =	strace $0x90000048  }
0xb5: {  	_ =	sfence  }
0xb6: {  	s30 =	sld [smem:$0x0];
	_ =	sdelay $0x2  }
0xb7: {  	s31 =	sshll.u32 s1, $0xD;
	s1 =	sshrl.u32 s1, $0x2  }
0xb8: {  	s3 =	sand.u32 $0x4000, s31;
	s1 =	sadd.s32 s1, s30  }
0xb9: {  	s0 =	sor.u32 s3, s0;
	s1 =	sshll.u32 s1, $0x11  }
0xba: {  	s0 =	sor.u32 s1, s0  }
0xbb: {  	s0 =	sadd.s32 $0x8F2B, s0  }
0xbc: {  	[sflag:s0] =	ssyncadd.remote.s32 $0x1  }
0xbd: {  	_ =	sfence.sel $0xFFFF  }
0xbe: {  	[dreg:$0x0] =	wrdreg $0xFFFFFFFF;
	(pc) =	sbr.abs _section_cstart, $3  }
0xbf: {  	[dreg:$0x1] =	wrdreg $0xFFFFFFFF  }
0xc0: {  	_ =	task.clear_ibuf [dreg:s6], $0x2FFFF;
	_ =	strace $0x9FFFFFFF  }
0xc1: {  	(tm) =	ssettm $0x7FFFFFFF  }
tec
execute0_lowered:
.L_overlay_start_1:
0x0: {  	(tag) =	ssettag $0x1  }
0x1: {  	s0 =	srdreg.scid;
	s10 =	stileid.u32  }
0x2: {  	s2 =	rddreg [dreg:$0x0];
	s3 =	simm.s32 $0x0;
	s17 =	simm.s32 $0x5  }
0x3: {  	s18 =	simm.s32 $0x40;
	s23 =	simm.s32 $0x3;
	s20 =	simm.s32 $0x4  }
0x4: {  	s16 =	simm.s32 $0x1;
	s24 =	simm.s32 $0x2;
	s0 =	sand.u32 $0x1, s0  }
0x5: {  	s1 =	sshll.u32 s10, $0x1;
	[smem:$0x7FF] =	sst s3;
	s13 =	smul.u32 $0x1F00, s10  }
0x6: {  	s1 =	sor.u32 s0, s1;
	s8 =	ssub.s32 $0x2, s0;
	s0 =	smul.u32 $0xF80, s0  }
0x7: {  	s5 =	sadd.s32 $0x173000, s2;
	s4 =	smul.u32 $0xF80, s1;
	s9 =	sshrl.u32 s8, $0x1  }
0x8: {  	s6 =	sadd.s32 $0x176E00, s2;
	_ =	strace $0x80000047;
	s14 =	ssub.s32 s8, s9  }
0x9: {  	s0 =	sadd.s32 s0, s13;
	s1 =	sshrl.u32 s4, $0x3;
	s30 =	smax.u32 s14, $0x1  }
0xa: {  	s31 =	sor.u32 $0x40, s0;
	[dreg:$0x3] =	wrdreg s0;
	s0 =	sadd.s32 $0x80, s0  }
0xb: {  	s14 =	simm.s32 $0x14200;
	s12 =	sadd.s32 s1, s2;
	[dreg:$0x2] =	wrdreg s30  }
0xc: {  	s9 =	sadd.s32 s5, s1;
	[dreg:$0x4] =	wrdreg s31;
	s7 =	sadd.s32 $0x167600, s12  }
0xd: {  	v1 =	vimm.s32 $0xC350;
	[dreg:$0x5] =	wrdreg s0;
	s8 =	sadd.s32 $0x16B400, s12;
	s10 =	sadd.s32 $0x163800, s12  }
0xe: {  	v0 =	vlaneseq.u32;
	v2 =	vimm.s32 $0xEA60;
	v3 =	vimm.s32 $0x11170;
	s1 =	simm.s32 $0x0;
	s11 =	sadd.s32 $0x15FA00, s12;
	s12 =	sadd.s32 $0x16F200, s12  }
.LBB2_1:
0xf: {  	[dreg:$0x6] =	wrdreg s1;
	s0 =	simm.s32 $0x10  }
0x10: {  	s15 =	sadd.s32 $0x0, s9;
	s1 =	simm.s32 $0x400;
	s13 =	simm.s32 $0x0  }
.LBB2_2:
0x11: {  	[tilespmem:s13], [sflag:$0x5] =	stream.linear.gather [hbm4b:s15+s3], $0x80, $0x38;
	[tilespmem:$0x16200] =	vst v63  }
0x12: {  	s15 =	smov.u32 s0;
	s13 =	smov.u32 s1;
	p0 =	sne.s32 s0, $0x1E0  }
.Ltmp0:
0x13: {  	s0 =	sadd.s32 $0x10, s0;
	(pc) =	sbr.rel @p0 .LBB2_2-.Ltmp0, $2  }
0x14: {  	_ =	sdelay $0x2  }
0x15: {  	s1 =	sadd.s32 $0x400, s1;
	s15 =	sadd.s32 s15, s9  }
0x16: {  	[tilespmem:s13], [sflag:$0x5] =	stream.linear.gather [hbm4b:s15+s3], $0x80, $0x38;
	[tilespmem:$0x16200] =	vst v63  }
0x17: {  	_ =	swait.ge [sflag:s17], $0xF80  }
0x18: {  	s0 =	simm.s32 $0x80;
	s1 =	simm.s32 $0x10;
	[sflag:s17] =	ssyncset.done $0x0  }
0x19: {  	s15 =	sadd.s32 $0x0, s7;
	s13 =	simm.s32 $0x480;
	[sflag:s17] =	ssyncadd.s32 $0xFFFFF080  }
.LBB2_4:
0x1a: {  	[tilespmem:s0], [sflag:$0x5] =	stream.linear.gather [hbm4b:s15+s3], $0x80, $0x38;
	[tilespmem:$0x16200] =	vst v63  }
0x1b: {  	s15 =	smov.u32 s1;
	s0 =	smov.u32 s13;
	p0 =	sne.s32 s1, $0x1E0  }
.Ltmp1:
0x1c: {  	s1 =	sadd.s32 $0x10, s1;
	(pc) =	sbr.rel @p0 .LBB2_4-.Ltmp1, $2  }
0x1d: {  	_ =	sdelay $0x2  }
0x1e: {  	s13 =	sadd.s32 $0x400, s13;
	s15 =	sadd.s32 s15, s7  }
0x1f: {  	[tilespmem:s0], [sflag:$0x5] =	stream.linear.gather [hbm4b:s15+s3], $0x80, $0x38;
	[tilespmem:$0x16200] =	vst v63  }
0x20: {  	_ =	swait.ge [sflag:s17], $0xF80  }
0x21: {  	s0 =	simm.s32 $0x100;
	s1 =	simm.s32 $0x10;
	[sflag:s17] =	ssyncset.done $0x0  }
0x22: {  	s15 =	sadd.s32 $0x0, s8;
	s13 =	simm.s32 $0x500;
	[sflag:s17] =	ssyncadd.s32 $0xFFFFF080  }
.LBB2_6:
0x23: {  	[tilespmem:s0], [sflag:$0x5] =	stream.linear.gather [hbm4b:s15+s3], $0x80, $0x38;
	[tilespmem:$0x16200] =	vst v63  }
0x24: {  	s15 =	smov.u32 s1;
	s0 =	smov.u32 s13;
	p0 =	sne.s32 s1, $0x1E0  }
.Ltmp2:
0x25: {  	s1 =	sadd.s32 $0x10, s1;
	(pc) =	sbr.rel @p0 .LBB2_6-.Ltmp2, $2  }
0x26: {  	_ =	sdelay $0x2  }
0x27: {  	s13 =	sadd.s32 $0x400, s13;
	s15 =	sadd.s32 s15, s8  }
0x28: {  	[tilespmem:s0], [sflag:$0x5] =	stream.linear.gather [hbm4b:s15+s3], $0x80, $0x38;
	[tilespmem:$0x16200] =	vst v63  }
0x29: {  	_ =	swait.ge [sflag:s17], $0xF80  }
0x2a: {  	s0 =	simm.s32 $0x180;
	s1 =	simm.s32 $0x10;
	[sflag:s17] =	ssyncset.done $0x0  }
0x2b: {  	s15 =	sadd.s32 $0x0, s10;
	s13 =	simm.s32 $0x580;
	[sflag:s17] =	ssyncadd.s32 $0xFFFFF080  }
.LBB2_8:
0x2c: {  	[tilespmem:s0], [sflag:$0x5] =	stream.linear.gather [hbm4b:s15+s3], $0x80, $0x38;
	[tilespmem:$0x16200] =	vst v63  }
0x2d: {  	s15 =	smov.u32 s1;
	s0 =	smov.u32 s13;
	p0 =	sne.s32 s1, $0x1E0  }
.Ltmp3:
0x2e: {  	s1 =	sadd.s32 $0x10, s1;
	(pc) =	sbr.rel @p0 .LBB2_8-.Ltmp3, $2  }
0x2f: {  	_ =	sdelay $0x2  }
0x30: {  	s13 =	sadd.s32 $0x400, s13;
	s15 =	sadd.s32 s15, s10  }
0x31: {  	[tilespmem:s0], [sflag:$0x5] =	stream.linear.gather [hbm4b:s15+s3], $0x80, $0x38;
	[tilespmem:$0x16200] =	vst v63  }
0x32: {  	_ =	swait.ge [sflag:s17], $0xF80  }
0x33: {  	s0 =	simm.s32 $0x200;
	s1 =	simm.s32 $0x10;
	[sflag:s17] =	ssyncset.done $0x0  }
0x34: {  	s15 =	sadd.s32 $0x0, s11;
	s13 =	simm.s32 $0x600;
	[sflag:s17] =	ssyncadd.s32 $0xFFFFF080  }
.LBB2_10:
0x35: {  	[tilespmem:s0], [sflag:$0x5] =	stream.linear.gather [hbm4b:s15+s3], $0x80, $0x38;
	[tilespmem:$0x16200] =	vst v63  }
0x36: {  	s15 =	smov.u32 s1;
	s0 =	smov.u32 s13;
	p0 =	sne.s32 s1, $0x1E0  }
.Ltmp4:
0x37: {  	s1 =	sadd.s32 $0x10, s1;
	(pc) =	sbr.rel @p0 .LBB2_10-.Ltmp4, $2  }
0x38: {  	_ =	sdelay $0x2  }
0x39: {  	s13 =	sadd.s32 $0x400, s13;
	s15 =	sadd.s32 s15, s11  }
0x3a: {  	[tilespmem:s0], [sflag:$0x5] =	stream.linear.gather [hbm4b:s15+s3], $0x80, $0x38;
	[tilespmem:$0x16200] =	vst v63  }
0x3b: {  	_ =	swait.ge [sflag:s17], $0xF80  }
0x3c: {  	s0 =	simm.s32 $0x280;
	s1 =	simm.s32 $0x10;
	[sflag:s17] =	ssyncset.done $0x0  }
0x3d: {  	s15 =	sadd.s32 $0x0, s12;
	s13 =	simm.s32 $0x680;
	[sflag:s17] =	ssyncadd.s32 $0xFFFFF080  }
.LBB2_12:
0x3e: {  	[tilespmem:s0], [sflag:$0x5] =	stream.linear.gather [hbm4b:s15+s3], $0x80, $0x38;
	[tilespmem:$0x16200] =	vst v63  }
0x3f: {  	s15 =	smov.u32 s1;
	s0 =	smov.u32 s13;
	p0 =	sne.s32 s1, $0x1E0  }
.Ltmp5:
0x40: {  	s1 =	sadd.s32 $0x10, s1;
	(pc) =	sbr.rel @p0 .LBB2_12-.Ltmp5, $2  }
0x41: {  	_ =	sdelay $0x2  }
0x42: {  	s13 =	sadd.s32 $0x400, s13;
	s15 =	sadd.s32 s15, s12  }
0x43: {  	[tilespmem:s0], [sflag:$0x5] =	stream.linear.gather [hbm4b:s15+s3], $0x80, $0x38;
	[tilespmem:$0x16200] =	vst v63  }
0x44: {  	_ =	swait.ge [sflag:s17], $0xF80  }
0x45: {  	[sflag:s17] =	ssyncset.done $0x0  }
0x46: {  	s28 =	simm.s32 $0x100;
	s1 =	simm.s32 $0x7C00;
	[sflag:s17] =	ssyncadd.s32 $0xFFFFF080  }
0x47: {  	[tilespmem:s1], [sflag:$0x3] =	stream.indirect.gather [hbm4b:s5+s18], $0x1, s28, s18, $0xb8;
	[tilespmem:$0x16200] =	vst v63  }
0x48: {  	s29 =	simm.s32 $0x200;
	s30 =	simm.s32 $0x7C80  }
0x49: {  	[tilespmem:s30], [sflag:$0x3] =	stream.indirect.gather [hbm4b:s5+s18], $0x1, s29, s18, $0xb8;
	[tilespmem:$0x16200] =	vst v63  }
0x4a: {  	_ =	swait.ge [sflag:s23], $0x40  }
0x4b: {  	[sflag:s23] =	ssyncset.done $0x0  }
0x4c: {  	[sflag:s23] =	ssyncadd.s32 $0xFFFFFFC0  }
0x4d: {  	_ =	swait.ge [sflag:s23], $0x40  }
0x4e: {  	[sflag:s23] =	ssyncset.done $0x0  }
0x4f: {  	s19 =	simm.s32 $0x0;
	[sflag:s23] =	ssyncadd.s32 $0xFFFFFFC0  }
0x50: {  	s31 =	rddreg [dreg:$0x3];
	v6 =	vld [tilespmem:s19+$0x280]  }
0x51: {  	v12 =	vor.u32 s31, v0;
	v5 =	vld [tilespmem:s19+$0x80]  }
0x52: {  	v8 =	vld [tilespmem:s19+$0x7C80];
	v7 =	vmulhi.u32 $0xD1B71759, v12  }
0x53: {  	v9 =	vld [tilespmem:s19+$0x180]  }
0x54: {  	v13 =	vld [tilespmem:s19+$0x7C00];
	v10 =	vshrl.u32 v7, $0xD  }
0x55: {  	s1 =	simm.s32 $0x10;
	v15 =	vmul.u32 $0x2710, v10  }
0x56: {  	v4 =	vld [tilespmem:s1+$0x280];
	vm0 =	veq.s32 v6, $0x2;
	vm1 =	vgt.s32 v5, $0xFFFFFFFF;
	vm2 =	vgt.s32 v6, $0x1  }
0x57: {  	vm4 =	veq.s32 v6, $0x1;
	v14 =	vsel vm0, $0x4E20, v1;
	v5 =	vsel vm0, $0x7530, v2  }
0x58: {  	v7 =	vld [tilespmem:s19+$0x0];
	vm3 =	vmand vm2, vm1;
	v11 =	vsel vm0, $0x9C40, v3;
	vm0 =	vgt.s32 v9, $0xFFFFFFFF  }
0x59: {  	v10 =	vld [tilespmem:s1+$0x80];
	v11 =	vadd.s32 v11, v8;
	v16 =	vadd.s32 v5, v13;
	vm1 =	vmand vm2, vm0  }
0x5a: {  	v5 =	vld [tilespmem:s1+$0x7C80];
	v8 =	vsub.s32 v12, v15;
	vm2 =	veq.s32 v6, $0x0;
	v9 =	vsel vm4, $0x2710, v14  }
0x5b: {  	s0 =	sadd.s32 $0x10, s31;
	vm0 =	veq.s32 v4, $0x2;
	v6 =	vld [tilespmem:s1+$0x180];
	v13 =	vadd.s32 $0x13880, v8;
	v14 =	vsel vm2, $0x0, v9  }
0x5c: {  	s13 =	simm.s32 $0x80;
	v12 =	vld [tilespmem:s1+$0x7C00];
	v9 =	vor.u32 s0, v0;
	v8 =	vsel vm0, $0x4E20, v1;
	v15 =	vsel vm3, v16, v13  }
.LBB2_14:
0x5d: {  	s15 =	sshra.s32 s13, $0x2;
	p0 =	sne.s32 s13, $0xC0;
	s13 =	sadd.s32 $0x40, s13;
	v16 =	vmulhi.u32 $0xD1B71759, v9;
	v7 =	vadd.s32 v7, v14;
	[tilespmem:s19+$0x7E80] =	vst v15;
	v11 =	vsel vm1, v11, v13  }
0x5e: {  	vm2 =	vgt.s32 v4, $0x1;
	v13 =	vsel vm0, $0x7530, v2;
	v15 =	vld [tilespmem:s15+$0x280];
	vm1 =	vgt.s32 v10, $0xFFFFFFFF;
	[tilespmem:s19+$0x7E00] =	vst v7  }
0x5f: {  	v14 =	vsel vm0, $0x9C40, v3;
	v7 =	vld [tilespmem:s1+$0x0];
	v10 =	vshrl.u32 v16, $0xD;
	vm3 =	vmand vm2, vm1;
	[tilespmem:s19+$0x7F00] =	vst v11;
	s19 =	smov.u32 s1;
	s1 =	smov.u32 s15  }
.Ltmp6:
0x60: {  	v11 =	vadd.s32 v14, v5;
	v16 =	vmul.u32 $0x2710, v10;
	vm0 =	vgt.s32 v6, $0xFFFFFFFF;
	(pc) =	sbr.rel @p0 .LBB2_14-.Ltmp6, $4  }
0x61: {  	vm4 =	veq.s32 v4, $0x1;
	v10 =	vld [tilespmem:s1+$0x80];
	v17 =	vadd.s32 v13, v12;
	vm1 =	vmand vm2, vm0  }
0x62: {  	v8 =	vsel vm4, $0x2710, v8;
	vm2 =	veq.s32 v4, $0x0;
	v5 =	vld [tilespmem:s1+$0x7C80];
	v9 =	vsub.s32 v9, v16  }
0x63: {  	s0 =	sadd.s32 $0x10, s0;
	v14 =	vsel vm2, $0x0, v8;
	vm0 =	veq.s32 v15, $0x2;
	v6 =	vld [tilespmem:s1+$0x180];
	v13 =	vadd.s32 $0x13880, v9;
	v4 =	vmovc v15  }
0x64: {  	v9 =	vor.u32 s0, v0;
	v8 =	vsel vm0, $0x4E20, v1;
	v12 =	vld [tilespmem:s1+$0x7C00];
	v15 =	vsel vm3, v17, v13  }
0x65: {  	v16 =	vmulhi.u32 $0xD1B71759, v9  }
0x66: {  	v7 =	vadd.s32 v7, v14;
	[tilespmem:s19+$0x7E80] =	vst v15  }
0x67: {  	v11 =	vsel vm1, v11, v13;
	[tilespmem:s19+$0x7E00] =	vst v7;
	v59 =	vshrl.u32 v16, $0xD  }
0x68: {  	vm2 =	vgt.s32 v4, $0x1;
	v61 =	vsel vm0, $0x7530, v2;
	v60 =	vld [tilespmem:s1+$0x0];
	v7 =	vmul.u32 $0x2710, v59  }
0x69: {  	v62 =	vsel vm0, $0x9C40, v3;
	vm14 =	veq.s32 v4, $0x1;
	vm3 =	veq.s32 v4, $0x0  }
0x6a: {  	vm13 =	vgt.s32 v10, $0xFFFFFFFF;
	v4 =	vsel vm14, $0x2710, v8;
	v7 =	vsub.s32 v9, v7  }
0x6b: {  	vm1 =	vmand vm2, vm13;
	v12 =	vadd.s32 v61, v12;
	v7 =	vadd.s32 $0x13880, v7  }
0x6c: {  	[tilespmem:s19+$0x7F00] =	vst v11;
	v4 =	vsel vm3, $0x0, v4;
	vm15 =	vgt.s32 v6, $0xFFFFFFFF;
	v63 =	vsel vm1, v12, v7  }
0x6d: {  	v5 =	vadd.s32 v62, v5;
	vm0 =	vmand vm2, vm15;
	v4 =	vadd.s32 v60, v4;
	[tilespmem:s1+$0x7E80] =	vst v63  }
0x6e: {  	v5 =	vsel vm0, v5, v7;
	[tilespmem:s1+$0x7E00] =	vst v4  }
0x6f: {  	s0 =	simm.s32 $0x7E00;
	s31 =	simm.s32 $0x8200;
	[tilespmem:s1+$0x7F00] =	vst v5  }
0x70: {  	[tilespmem:s31], [sflag:$0x1] =	stream.indirect.gather [hbm4b:s2+s18], $0x80, s0, s18, $0xb8;
	[tilespmem:$0x16200] =	vst v63  }
0x71: {  	s13 =	simm.s32 $0x7E80;
	s15 =	simm.s32 $0xA200  }
0x72: {  	[tilespmem:s15], [sflag:$0x1] =	stream.indirect.gather [hbm4b:s2+s18], $0x80, s13, s18, $0xb8;
	[tilespmem:$0x16200] =	vst v63  }
0x73: {  	s21 =	simm.s32 $0xC200;
	s19 =	simm.s32 $0x7F00  }
0x74: {  	[tilespmem:s21], [sflag:$0x1] =	stream.indirect.gather [hbm4b:s2+s18], $0x80, s19, s18, $0xb8;
	[tilespmem:$0x16200] =	vst v63  }
0x75: {  	s22 =	simm.s32 $0x140;
	s25 =	simm.s32 $0x7D00;
	s26 =	simm.s32 $0x240  }
0x76: {  	[tilespmem:s25], [sflag:$0x4] =	stream.indirect.gather [hbm4b:s5+s18], $0x1, s22, s18, $0xb8;
	[tilespmem:$0x16200] =	vst v63  }
0x77: {  	s28 =	simm.s32 $0x400;
	s29 =	rddreg [dreg:$0x5];
	s31 =	simm.s32 $0x7D80  }
0x78: {  	[tilespmem:s31], [sflag:$0x4] =	stream.indirect.gather [hbm4b:s5+s18], $0x1, s26, s18, $0xb8;
	[tilespmem:$0x16200] =	vst v63  }
0x79: {  	s30 =	rddreg [dreg:$0x4];
	s25 =	simm.s32 $0x0;
	s26 =	simm.s32 $0x2C0  }
.LBB2_16:
0x7a: {  	_ =	swait.ge [sflag:s20], $0x40  }
0x7b: {  	v4 =	vmov s26;
	[sflag:s20] =	ssyncset.done $0x0  }
0x7c: {  	[sflag:s20] =	ssyncadd.s32 $0xFFFFFFC0  }
0x7d: {  	_ =	swait.ge [sflag:s20], $0x40  }
0x7e: {  	[sflag:s20] =	ssyncset.done $0x0  }
0x7f: {  	s22 =	simm.s32 $0x0;
	[sflag:s20] =	ssyncadd.s32 $0xFFFFFFC0  }
0x80: {  	v5 =	vld.idx.msk [tilespmem:v4+s22+$0x0 ss:$0x1], $0xffff;
	_ =	sdelay $0x3  }
0x81: {  	v6 =	vld.idx.msk [tilespmem:v4+s22+$0xFFFFFD80 ss:$0x1], $0xffff  }
0x82: {  	vm0 =	veq.s32 v5, $0x2  }
0x83: {  	vm1 =	veq.s32 v5, $0x1;
	v7 =	vsel vm0, $0x4E20, v1  }
0x84: {  	vm2 =	veq.s32 v5, $0x0;
	v7 =	vsel vm1, $0x2710, v7  }
0x85: {  	v7 =	vsel vm2, $0x0, v7  }
0x86: {  	v6 =	vadd.s32 v6, v7  }
0x87: {  	[tilespmem:s22+$0x8000] =	vst v6;
	v6 =	vor.u32 s30, v0  }
0x88: {  	v7 =	vld.idx.msk [tilespmem:v4+s22+$0xFFFFFE00 ss:$0x1], $0xffff;
	v8 =	vmulhi.u32 $0xD1B71759, v6  }
0x89: {  	v9 =	vld [tilespmem:s22+$0x7D00]  }
0x8a: {  	v8 =	vshrl.u32 v8, $0xD  }
0x8b: {  	v8 =	vmul.u32 $0x2710, v8  }
0x8c: {  	vm14 =	vgt.s32 v5, $0x1  }
0x8d: {  	v10 =	vsel vm0, $0x7530, v2;
	v6 =	vsub.s32 v6, v8;
	vm13 =	vgt.s32 v7, $0xFFFFFFFF  }
0x8e: {  	v5 =	vadd.s32 $0x13880, v6;
	vm1 =	vmand vm14, vm13;
	v6 =	vadd.s32 v10, v9  }
0x8f: {  	v6 =	vsel vm1, v6, v5  }
0x90: {  	[tilespmem:s22+$0x8080] =	vst v6  }
0x91: {  	v6 =	vld.idx.msk [tilespmem:v4+s22+$0xFFFFFF00 ss:$0x1], $0xffff  }
0x92: {  	v7 =	vld [tilespmem:s22+$0x7D80];
	_ =	sdelay $0x3  }
0x93: {  	s21 =	sshll.u32 s25, $0x7;
	s0 =	sshll.u32 s25, $0xA;
	v63 =	vsel vm0, $0x9C40, v3;
	vm15 =	vgt.s32 v6, $0xFFFFFFFF  }
0x94: {  	s13 =	simm.s32 $0x80;
	s31 =	smov.u32 s30;
	s15 =	sadd.s32 s21, s4;
	v6 =	vadd.s32 v63, v7;
	vm0 =	vmand vm14, vm15  }
0x95: {  	s19 =	sand.u32 $0x3FFFFC00, s0;
	s0 =	simm.s32 $0x40;
	s1 =	sadd.s32 $0x40, s15;
	v5 =	vsel vm0, v6, v5  }
.LBB2_17:
0x96: {  	[tilespmem:s22+$0x8100] =	vst v5;
	s22 =	sshra.s32 s0, $0x2  }
0x97: {  	s31 =	sadd.s32 $0x10, s31;
	s0 =	smov.u32 s13;
	s15 =	sadd.s32 $0x40, s13  }
0x98: {  	p0 =	sne.s32 s13, $0xC0;
	v5 =	vld.idx.msk [tilespmem:v4+s22+$0x0 ss:$0x1], $0xffff;
	_ =	sdelay $0x3  }
0x99: {  	v6 =	vld.idx.msk [tilespmem:v4+s22+$0xFFFFFD80 ss:$0x1], $0xffff;
	_ =	sdelay $0x1  }
0x9a: {  	vm0 =	veq.s32 v5, $0x2  }
0x9b: {  	vm1 =	veq.s32 v5, $0x1;
	v7 =	vsel vm0, $0x4E20, v1;
	v8 =	vsel vm0, $0x7530, v2  }
0x9c: {  	vm2 =	veq.s32 v5, $0x0;
	v9 =	vsel vm0, $0x9C40, v3;
	v7 =	vsel vm1, $0x2710, v7  }
0x9d: {  	v7 =	vsel vm2, $0x0, v7  }
0x9e: {  	v6 =	vadd.s32 v6, v7  }
0x9f: {  	[tilespmem:s22+$0x8000] =	vst v6  }
0xa0: {  	v6 =	vor.u32 s31, v0;
	v7 =	vld.idx.msk [tilespmem:v4+s22+$0xFFFFFE00 ss:$0x1], $0xffff  }
0xa1: {  	v10 =	vmulhi.u32 $0xD1B71759, v6  }
0xa2: {  	v11 =	vld [tilespmem:s22+$0x7D00]  }
0xa3: {  	v10 =	vshrl.u32 v10, $0xD  }
0xa4: {  	v10 =	vmul.u32 $0x2710, v10;
	_ =	sdelay $0x1  }
0xa5: {  	vm1 =	vgt.s32 v5, $0x1;
	v6 =	vsub.s32 v6, v10;
	vm0 =	vgt.s32 v7, $0xFFFFFFFF  }
0xa6: {  	v5 =	vadd.s32 $0x13880, v6;
	vm0 =	vmand vm1, vm0;
	v6 =	vadd.s32 v8, v11  }
0xa7: {  	v6 =	vsel vm0, v6, v5  }
0xa8: {  	[tilespmem:s22+$0x8080] =	vst v6  }
0xa9: {  	v6 =	vld.idx.msk [tilespmem:v4+s22+$0xFFFFFF00 ss:$0x1], $0xffff;
	_ =	sdelay $0x1  }
0xaa: {  	v7 =	vld [tilespmem:s22+$0x7D80];
	_ =	sdelay $0x1  }
.Ltmp7:
0xab: {  	(pc) =	sbr.rel @p0 .LBB2_17-.Ltmp7, $4  }
0xac: {  	_ = 	snop  }
0xad: {  	vm0 =	vgt.s32 v6, $0xFFFFFFFF  }
0xae: {  	vm0 =	vmand vm1, vm0;
	v6 =	vadd.s32 v9, v7  }
0xaf: {  	s13 =	smov.u32 s15;
	v5 =	vsel vm0, v6, v5  }
0xb0: {  	_ =	sdelay $0x2  }
0xb1: {  	s0 =	sshra.s32 s0, $0x2;
	[tilespmem:s22+$0x8100] =	vst v5  }
0xb2: {  	v5 =	vld.idx.msk [tilespmem:v4+s0+$0x0 ss:$0x1], $0xffff;
	_ =	sdelay $0x3  }
0xb3: {  	v6 =	vld.idx.msk [tilespmem:v4+s0+$0xFFFFFD80 ss:$0x1], $0xffff  }
0xb4: {  	vm0 =	veq.s32 v5, $0x2  }
0xb5: {  	vm1 =	veq.s32 v5, $0x1;
	v7 =	vsel vm0, $0x4E20, v1  }
0xb6: {  	vm2 =	veq.s32 v5, $0x0;
	v7 =	vsel vm1, $0x2710, v7  }
0xb7: {  	v7 =	vsel vm2, $0x0, v7  }
0xb8: {  	s13 =	sadd.s32 $0x10, s31;
	v6 =	vadd.s32 v6, v7  }
0xb9: {  	[tilespmem:s0+$0x8000] =	vst v6;
	v6 =	vor.u32 s13, v0  }
0xba: {  	v7 =	vld.idx.msk [tilespmem:v4+s0+$0xFFFFFE00 ss:$0x1], $0xffff;
	v8 =	vmulhi.u32 $0xD1B71759, v6  }
0xbb: {  	v9 =	vld [tilespmem:s0+$0x7D00]  }
0xbc: {  	v8 =	vshrl.u32 v8, $0xD  }
0xbd: {  	v8 =	vmul.u32 $0x2710, v8  }
0xbe: {  	vm14 =	vgt.s32 v5, $0x1  }
0xbf: {  	v10 =	vsel vm0, $0x7530, v2;
	v6 =	vsub.s32 v6, v8;
	vm13 =	vgt.s32 v7, $0xFFFFFFFF  }
0xc0: {  	v5 =	vadd.s32 $0x13880, v6;
	vm1 =	vmand vm14, vm13;
	v6 =	vadd.s32 v10, v9  }
0xc1: {  	v6 =	vsel vm1, v6, v5  }
0xc2: {  	[tilespmem:s0+$0x8080] =	vst v6  }
0xc3: {  	v4 =	vld.idx.msk [tilespmem:v4+s0+$0xFFFFFF00 ss:$0x1], $0xffff  }
0xc4: {  	v6 =	vld [tilespmem:s0+$0x7D80];
	_ =	sdelay $0x3  }
0xc5: {  	v7 =	vsel vm0, $0x9C40, v3;
	vm15 =	vgt.s32 v4, $0xFFFFFFFF  }
0xc6: {  	v4 =	vadd.s32 v7, v6;
	vm0 =	vmand vm14, vm15  }
0xc7: {  	v4 =	vsel vm0, v4, v5  }
0xc8: {  	s15 =	simm.s32 $0x8000;
	s22 =	simm.s32 $0xE200;
	[tilespmem:s0+$0x8100] =	vst v4  }
0xc9: {  	[tilespmem:s22], [sflag:$0x2] =	stream.indirect.gather [hbm4b:s2+s18], $0x80, s15, s18, $0xb8;
	[tilespmem:$0x16200] =	vst v63  }
0xca: {  	s15 =	simm.s32 $0x8080;
	s22 =	simm.s32 $0x10200  }
0xcb: {  	[tilespmem:s22], [sflag:$0x2] =	stream.indirect.gather [hbm4b:s2+s18], $0x80, s15, s18, $0xb8;
	[tilespmem:$0x16200] =	vst v63  }
0xcc: {  	p0 =	seq.s32 s25, $0x1E;
	s15 =	simm.s32 $0x8100;
	s22 =	simm.s32 $0x12200  }
0xcd: {  	[tilespmem:s22], [sflag:$0x2] =	stream.indirect.gather [hbm4b:s2+s18], $0x80, s15, s18, $0xb8;
	[tilespmem:$0x16200] =	vst v63  }
0xce: {  	s13 =	simm.s32 @!p0 $0x40;
	s0 =	sadd.s32 @!p0 $0x500, s19;
	s15 =	simm.s32 @!p0 $0x7C00  }
0xcf: {  	[tilespmem:s15], [sflag:$0x3] =	stream.indirect.gather @!p0 [hbm4b:s5+s13], $0x1, s0, s13, $0xb8;
	[tilespmem:$0x16200] =	vst v63  }
0xd0: {  	s0 =	sadd.s32 @!p0 $0x600, s19;
	s15 =	simm.s32 @!p0 $0x7C80  }
0xd1: {  	[tilespmem:s15], [sflag:$0x3] =	stream.indirect.gather @!p0 [hbm4b:s5+s13], $0x1, s0, s13, $0xb8;
	[tilespmem:$0x16200] =	vst v63  }
0xd2: {  	_ =	swait.ge [sflag:s16], $0x2000  }
0xd3: {  	[sflag:s16] =	ssyncset.done $0x0  }
0xd4: {  	[sflag:s16] =	ssyncadd.s32 $0xFFFFE000  }
0xd5: {  	_ =	swait.ge [sflag:s16], $0x2000  }
0xd6: {  	[sflag:s16] =	ssyncset.done $0x0  }
0xd7: {  	[sflag:s16] =	ssyncadd.s32 $0xFFFFE000  }
0xd8: {  	_ =	swait.ge [sflag:s16], $0x2000  }
0xd9: {  	[sflag:s16] =	ssyncset.done $0x0  }
0xda: {  	s22 =	simm.s32 $0x0;
	[sflag:s16] =	ssyncadd.s32 $0xFFFFE000  }
0xdb: {  	v4 =	vld [tilespmem:s22+$0x8270]  }
0xdc: {  	v5 =	vld [tilespmem:s22+$0xA270]  }
0xdd: {  	v6 =	vld [tilespmem:s22+$0x8200]  }
0xde: {  	v7 =	vld [tilespmem:s22+$0xC270]  }
0xdf: {  	v8 =	vld [tilespmem:s22+$0xA200]  }
0xe0: {  	v9 =	vld [tilespmem:s22+$0x8210]  }
0xe1: {  	v10 =	vld [tilespmem:s22+$0xA210]  }
0xe2: {  	v11 =	vld [tilespmem:s22+$0xA220]  }
0xe3: {  	v13 =	vld [tilespmem:s22+$0xA230]  }
0xe4: {  	v14 =	vld [tilespmem:s22+$0x8240]  }
0xe5: {  	v15 =	vld [tilespmem:s22+$0xA240]  }
0xe6: {  	v16 =	vld [tilespmem:s22+$0x8250]  }
0xe7: {  	v17 =	vld [tilespmem:s22+$0xA250]  }
0xe8: {  	v18 =	vld [tilespmem:s22+$0x8260]  }
0xe9: {  	v19 =	vld [tilespmem:s22+$0xA260]  }
0xea: {  	v20 =	vld [tilespmem:s22+$0xC200]  }
0xeb: {  	v4 =	vadd.f32 v5, v4;
	v5 =	vld [tilespmem:s22+$0x8220]  }
0xec: {  	v21 =	vld [tilespmem:s22+$0xC210]  }
0xed: {  	v4 =	vadd.f32 v7, v4;
	v7 =	vld [tilespmem:s22+$0x8230]  }
0xee: {  	v22 =	vld [tilespmem:s22+$0xC220]  }
0xef: {  	v12 =	vld [tilespmem:s22+$0xC230];
	v6 =	vadd.f32 v8, v6;
	v23 =	vadd.f32 v10, v9  }
0xf0: {  	v9 =	vld [tilespmem:s22+$0xC240];
	v8 =	vadd.f32 v17, v16;
	v24 =	vadd.f32 v11, v5  }
0xf1: {  	v10 =	vld [tilespmem:s22+$0xC250];
	v5 =	vadd.f32 v15, v14;
	v14 =	vadd.f32 v20, v6  }
0xf2: {  	s31 =	simm.s32 $0x80;
	[tilespmem:s22+$0x14270] =	vst v4;
	v11 =	vld [tilespmem:s22+$0xC260];
	v4 =	vadd.f32 v13, v7;
	v13 =	vadd.f32 v21, v23  }
0xf3: {  	s0 =	simm.s32 $0x400;
	v6 =	vadd.f32 v19, v18;
	v7 =	vld [tilespmem:s31+$0x8270];
	[tilespmem:s22+$0x14200] =	vst v14;
	v14 =	vadd.f32 v22, v24  }
.LBB2_19:
0xf4: {  	p1 =	sne.s32 s0, $0x7E00;
	v15 =	vld [tilespmem:s31+$0xA270];
	[tilespmem:s22+$0x14210] =	vst v13;
	v4 =	vadd.f32 v12, v4  }
0xf5: {  	v12 =	vld [tilespmem:s31+$0x8200];
	[tilespmem:s22+$0x14220] =	vst v14;
	v5 =	vadd.f32 v9, v5  }
0xf6: {  	v9 =	vld [tilespmem:s31+$0xC270];
	[tilespmem:s22+$0x14230] =	vst v4;
	v4 =	vadd.f32 v10, v8  }
0xf7: {  	v8 =	vld [tilespmem:s31+$0xA200];
	[tilespmem:s22+$0x14240] =	vst v5;
	v5 =	vadd.f32 v11, v6  }
0xf8: {  	v6 =	vld [tilespmem:s31+$0x8210];
	[tilespmem:s22+$0x14250] =	vst v4  }
0xf9: {  	v4 =	vld [tilespmem:s31+$0xA210];
	v7 =	vadd.f32 v15, v7;
	[tilespmem:s22+$0x14260] =	vst v5;
	s22 =	smov.u32 s31  }
0xfa: {  	v5 =	vld [tilespmem:s22+$0x8220]  }
0xfb: {  	v10 =	vld [tilespmem:s22+$0xA220];
	v7 =	vadd.f32 v9, v7  }
0xfc: {  	v11 =	vadd.f32 v8, v12;
	v8 =	vld [tilespmem:s22+$0x8230]  }
0xfd: {  	v9 =	vld [tilespmem:s22+$0xA230];
	[tilespmem:s22+$0x14270] =	vst v7  }
0xfe: {  	v7 =	vadd.f32 v4, v6;
	v6 =	vld [tilespmem:s22+$0x8240]  }
0xff: {  	v12 =	vld [tilespmem:s22+$0xA240]  }
0x100: {  	v14 =	vadd.f32 v10, v5;
	v10 =	vld [tilespmem:s22+$0x8250]  }
0x101: {  	v13 =	vld [tilespmem:s22+$0xA250]  }
0x102: {  	v4 =	vadd.f32 v9, v8;
	v15 =	vld [tilespmem:s22+$0x8260]  }
0x103: {  	v16 =	vld [tilespmem:s22+$0xA260]  }
0x104: {  	v17 =	vld [tilespmem:s22+$0xC200];
	v5 =	vadd.f32 v12, v6  }
0x105: {  	v18 =	vld [tilespmem:s22+$0xC210]  }
0x106: {  	v19 =	vld [tilespmem:s22+$0xC220];
	v8 =	vadd.f32 v13, v10  }
.Ltmp8:
0x107: {  	v12 =	vld [tilespmem:s22+$0xC230];
	(pc) =	sbr.rel @p1 .LBB2_19-.Ltmp8, $4  }
0x108: {  	v9 =	vld [tilespmem:s22+$0xC240];
	v6 =	vadd.f32 v16, v15  }
0x109: {  	v15 =	vadd.f32 v17, v11;
	v10 =	vld [tilespmem:s22+$0xC250]  }
0x10a: {  	s31 =	sshra.s32 s0, $0x2;
	v13 =	vadd.f32 v18, v7;
	v11 =	vld [tilespmem:s22+$0xC260]  }
0x10b: {  	s0 =	sadd.s32 $0x200, s0;
	v7 =	vld [tilespmem:s31+$0x8270];
	[tilespmem:s22+$0x14200] =	vst v15;
	v14 =	vadd.f32 v19, v14  }
0x10c: {  	v15 =	vld [tilespmem:s31+$0xA270];
	[tilespmem:s22+$0x14210] =	vst v13;
	v4 =	vadd.f32 v12, v4  }
0x10d: {  	v13 =	vld [tilespmem:s31+$0x8200];
	[tilespmem:s22+$0x14220] =	vst v14;
	v5 =	vadd.f32 v9, v5  }
0x10e: {  	v49 =	vld [tilespmem:s31+$0xC270];
	[tilespmem:s22+$0x14230] =	vst v4;
	v8 =	vadd.f32 v10, v8  }
0x10f: {  	v4 =	vld [tilespmem:s31+$0xA200];
	[tilespmem:s22+$0x14240] =	vst v5;
	v6 =	vadd.f32 v11, v6  }
0x110: {  	v5 =	vld [tilespmem:s31+$0x8210];
	[tilespmem:s22+$0x14250] =	vst v8  }
0x111: {  	v8 =	vld [tilespmem:s31+$0xA210];
	[tilespmem:s22+$0x14260] =	vst v6  }
0x112: {  	v51 =	vld [tilespmem:s31+$0x8220]  }
0x113: {  	v52 =	vld [tilespmem:s31+$0xA220]  }
0x114: {  	v53 =	vld [tilespmem:s31+$0x8230]  }
0x115: {  	v54 =	vld [tilespmem:s31+$0xA230]  }
0x116: {  	v55 =	vld [tilespmem:s31+$0x8240]  }
0x117: {  	v56 =	vld [tilespmem:s31+$0xA240]  }
0x118: {  	v14 =	vld [tilespmem:s31+$0x8250]  }
0x119: {  	v57 =	vld [tilespmem:s31+$0xA250]  }
0x11a: {  	v16 =	vld [tilespmem:s31+$0x8260]  }
0x11b: {  	v17 =	vld [tilespmem:s31+$0xA260]  }
0x11c: {  	v18 =	vld [tilespmem:s31+$0xC200]  }
0x11d: {  	v19 =	vld [tilespmem:s31+$0xC210]  }
0x11e: {  	v50 =	vadd.f32 v15, v7;
	v20 =	vld [tilespmem:s31+$0xC220]  }
0x11f: {  	v58 =	vld [tilespmem:s31+$0xC230];
	v4 =	vadd.f32 v4, v13  }
0x120: {  	v59 =	vld [tilespmem:s31+$0xC240];
	v6 =	vadd.f32 v49, v50;
	v5 =	vadd.f32 v8, v5  }
0x121: {  	v60 =	vld [tilespmem:s31+$0xC250];
	v7 =	vadd.f32 v52, v51;
	v4 =	vadd.f32 v18, v4  }
0x122: {  	v61 =	vld [tilespmem:s31+$0xC260];
	[tilespmem:s31+$0x14270] =	vst v6;
	v10 =	vadd.f32 v54, v53;
	v5 =	vadd.f32 v19, v5  }
0x123: {  	v6 =	vadd.f32 v56, v55;
	[tilespmem:s31+$0x14200] =	vst v4;
	v4 =	vadd.f32 v20, v7  }
0x124: {  	v62 =	vadd.f32 v57, v14;
	[tilespmem:s31+$0x14210] =	vst v5;
	v5 =	vadd.f32 v58, v10  }
0x125: {  	v63 =	vadd.f32 v17, v16;
	[tilespmem:s31+$0x14220] =	vst v4;
	v4 =	vadd.f32 v59, v6  }
0x126: {  	[tilespmem:s31+$0x14230] =	vst v5;
	v5 =	vadd.f32 v60, v62  }
0x127: {  	s0 =	sadd.s32 s4, s21;
	[tilespmem:s31+$0x14240] =	vst v4;
	v4 =	vadd.f32 v61, v63  }
0x128: {  	s0 =	sshll.u32 s0, $0x4;
	[tilespmem:s31+$0x14250] =	vst v5  }
.Ltmp9:
0x129: {  	s0 =	sadd.s32 s6, s0;
	[tilespmem:s31+$0x14260] =	vst v4;
	(pc) =	sbr.rel @!p0 .LBB2_21-.Ltmp9, $4  }
0x12a: {  	[hbm4b:s0+s3] =	stream.linear.scatter [tilespmem:s14], [sflag:$0x5], $0x2000, $0x38;
	[tilespmem:$0x16200] =	vst v63  }
0x12b: {  	_ =	swait.ge [sflag:s17], $0x2000  }
0x12c: {  	[sflag:s17] =	ssyncset.done $0x0  }
0x12d: {  	[sflag:s17] =	ssyncadd.s32 $0xFFFFE000  }
0x12e: {  	_ =	swait.ge [sflag:s24], $0x2000  }
0x12f: {  	[sflag:s24] =	ssyncset.done $0x0  }
0x130: {  	[sflag:s24] =	ssyncadd.s32 $0xFFFFE000  }
0x131: {  	_ =	swait.ge [sflag:s24], $0x2000  }
.Ltmp10:
0x132: {  	[sflag:s24] =	ssyncset.done $0x0;
	(pc) =	sbr.rel .LBB2_25-.Ltmp10, $4  }
0x133: {  	[sflag:s24] =	ssyncadd.s32 $0xFFFFE000  }
0x134: {  	_ =	swait.ge [sflag:s24], $0x2000  }
0x135: {  	[sflag:s24] =	ssyncset.done $0x0  }
0x136: {  	[sflag:s24] =	ssyncadd.s32 $0xFFFFE000  }
.LBB2_21:
0x137: {  	_ =	swait.ge [sflag:s23], $0x40  }
0x138: {  	v4 =	vmov s28;
	[sflag:s23] =	ssyncset.done $0x0  }
0x139: {  	[sflag:s23] =	ssyncadd.s32 $0xFFFFFFC0  }
0x13a: {  	_ =	swait.ge [sflag:s23], $0x40  }
0x13b: {  	[sflag:s23] =	ssyncset.done $0x0  }
0x13c: {  	s21 =	simm.s32 $0x0;
	[sflag:s23] =	ssyncadd.s32 $0xFFFFFFC0  }
0x13d: {  	v5 =	vld.idx.msk [tilespmem:v4+s21+$0x280 ss:$0x1], $0xffff;
	_ =	sdelay $0x3  }
0x13e: {  	v6 =	vld.idx.msk [tilespmem:v4+s21+$0x0 ss:$0x1], $0xffff  }
0x13f: {  	vm0 =	veq.s32 v5, $0x2  }
0x140: {  	vm1 =	veq.s32 v5, $0x1;
	v7 =	vsel vm0, $0x4E20, v1  }
0x141: {  	vm2 =	veq.s32 v5, $0x0;
	v7 =	vsel vm1, $0x2710, v7  }
0x142: {  	v7 =	vsel vm2, $0x0, v7  }
0x143: {  	v6 =	vadd.s32 v6, v7  }
0x144: {  	[tilespmem:s21+$0x7E00] =	vst v6;
	v6 =	vor.u32 s29, v0  }
0x145: {  	v7 =	vld.idx.msk [tilespmem:v4+s21+$0x80 ss:$0x1], $0xffff;
	v8 =	vmulhi.u32 $0xD1B71759, v6  }
0x146: {  	v9 =	vld [tilespmem:s21+$0x7C00]  }
0x147: {  	v8 =	vshrl.u32 v8, $0xD  }
0x148: {  	v8 =	vmul.u32 $0x2710, v8  }
0x149: {  	vm14 =	vgt.s32 v5, $0x1  }
0x14a: {  	v10 =	vsel vm0, $0x7530, v2;
	v6 =	vsub.s32 v6, v8;
	vm13 =	vgt.s32 v7, $0xFFFFFFFF  }
0x14b: {  	v5 =	vadd.s32 $0x13880, v6;
	vm1 =	vmand vm14, vm13;
	v6 =	vadd.s32 v10, v9  }
0x14c: {  	v6 =	vsel vm1, v6, v5  }
0x14d: {  	[tilespmem:s21+$0x7E80] =	vst v6  }
0x14e: {  	v6 =	vld.idx.msk [tilespmem:v4+s21+$0x180 ss:$0x1], $0xffff  }
0x14f: {  	v7 =	vld [tilespmem:s21+$0x7C80];
	_ =	sdelay $0x3  }
0x150: {  	v63 =	vsel vm0, $0x9C40, v3;
	vm15 =	vgt.s32 v6, $0xFFFFFFFF  }
0x151: {  	v6 =	vadd.s32 v63, v7;
	vm0 =	vmand vm14, vm15  }
0x152: {  	s0 =	simm.s32 $0x40;
	s15 =	simm.s32 $0x80;
	s22 =	smov.u32 s29;
	v5 =	vsel vm0, v6, v5  }
.LBB2_22:
0x153: {  	[tilespmem:s21+$0x7F00] =	vst v5;
	s21 =	sshra.s32 s0, $0x2  }
0x154: {  	s22 =	sadd.s32 $0x10, s22;
	s0 =	smov.u32 s15;
	s13 =	sadd.s32 $0x40, s15  }
0x155: {  	p0 =	sne.s32 s15, $0xC0;
	v5 =	vld.idx.msk [tilespmem:v4+s21+$0x280 ss:$0x1], $0xffff;
	_ =	sdelay $0x3  }
0x156: {  	v6 =	vld.idx.msk [tilespmem:v4+s21+$0x0 ss:$0x1], $0xffff;
	_ =	sdelay $0x1  }
0x157: {  	vm0 =	veq.s32 v5, $0x2  }
0x158: {  	vm1 =	veq.s32 v5, $0x1;
	v7 =	vsel vm0, $0x4E20, v1;
	v8 =	vsel vm0, $0x7530, v2  }
0x159: {  	vm2 =	veq.s32 v5, $0x0;
	v9 =	vsel vm0, $0x9C40, v3;
	v7 =	vsel vm1, $0x2710, v7  }
0x15a: {  	v7 =	vsel vm2, $0x0, v7  }
0x15b: {  	v6 =	vadd.s32 v6, v7  }
0x15c: {  	[tilespmem:s21+$0x7E00] =	vst v6  }
0x15d: {  	v6 =	vor.u32 s22, v0;
	v7 =	vld.idx.msk [tilespmem:v4+s21+$0x80 ss:$0x1], $0xffff  }
0x15e: {  	v10 =	vmulhi.u32 $0xD1B71759, v6  }
0x15f: {  	v11 =	vld [tilespmem:s21+$0x7C00]  }
0x160: {  	v10 =	vshrl.u32 v10, $0xD  }
0x161: {  	v10 =	vmul.u32 $0x2710, v10;
	_ =	sdelay $0x1  }
0x162: {  	vm1 =	vgt.s32 v5, $0x1;
	v6 =	vsub.s32 v6, v10;
	vm0 =	vgt.s32 v7, $0xFFFFFFFF  }
0x163: {  	v5 =	vadd.s32 $0x13880, v6;
	vm0 =	vmand vm1, vm0;
	v6 =	vadd.s32 v8, v11  }
0x164: {  	v6 =	vsel vm0, v6, v5  }
0x165: {  	[tilespmem:s21+$0x7E80] =	vst v6  }
0x166: {  	v6 =	vld.idx.msk [tilespmem:v4+s21+$0x180 ss:$0x1], $0xffff;
	_ =	sdelay $0x1  }
0x167: {  	v7 =	vld [tilespmem:s21+$0x7C80];
	_ =	sdelay $0x1  }
.Ltmp11:
0x168: {  	(pc) =	sbr.rel @p0 .LBB2_22-.Ltmp11, $4  }
0x169: {  	_ = 	snop  }
0x16a: {  	vm0 =	vgt.s32 v6, $0xFFFFFFFF  }
0x16b: {  	vm0 =	vmand vm1, vm0;
	v6 =	vadd.s32 v9, v7  }
0x16c: {  	s15 =	smov.u32 s13;
	v5 =	vsel vm0, v6, v5  }
0x16d: {  	_ =	sdelay $0x2  }
0x16e: {  	s0 =	sshra.s32 s0, $0x2;
	[tilespmem:s21+$0x7F00] =	vst v5  }
0x16f: {  	v5 =	vld.idx.msk [tilespmem:v4+s0+$0x280 ss:$0x1], $0xffff;
	_ =	sdelay $0x3  }
0x170: {  	v6 =	vld.idx.msk [tilespmem:v4+s0+$0x0 ss:$0x1], $0xffff  }
0x171: {  	vm0 =	veq.s32 v5, $0x2  }
0x172: {  	vm1 =	veq.s32 v5, $0x1;
	v7 =	vsel vm0, $0x4E20, v1  }
0x173: {  	vm2 =	veq.s32 v5, $0x0;
	v7 =	vsel vm1, $0x2710, v7  }
0x174: {  	v7 =	vsel vm2, $0x0, v7  }
0x175: {  	s13 =	sadd.s32 $0x10, s22;
	v6 =	vadd.s32 v6, v7  }
0x176: {  	v59 =	vor.u32 s13, v0;
	[tilespmem:s0+$0x7E00] =	vst v6  }
0x177: {  	v8 =	vmulhi.u32 $0xD1B71759, v59;
	v60 =	vld.idx.msk [tilespmem:v4+s0+$0x80 ss:$0x1], $0xffff  }
0x178: {  	v9 =	vld [tilespmem:s0+$0x7C00]  }
0x179: {  	v8 =	vshrl.u32 v8, $0xD  }
0x17a: {  	v8 =	vmul.u32 $0x2710, v8  }
0x17b: {  	vm14 =	vgt.s32 v5, $0x1  }
0x17c: {  	v10 =	vsel vm0, $0x7530, v2;
	v6 =	vsub.s32 v59, v8;
	vm13 =	vgt.s32 v60, $0xFFFFFFFF  }
0x17d: {  	v61 =	vadd.s32 v10, v9;
	v5 =	vadd.s32 $0x13880, v6;
	vm1 =	vmand vm14, vm13  }
0x17e: {  	v6 =	vsel vm1, v61, v5  }
0x17f: {  	[tilespmem:s0+$0x7E80] =	vst v6  }
0x180: {  	v4 =	vld.idx.msk [tilespmem:v4+s0+$0x180 ss:$0x1], $0xffff  }
0x181: {  	v62 =	vld [tilespmem:s0+$0x7C80];
	_ =	sdelay $0x3  }
0x182: {  	v63 =	vsel vm0, $0x9C40, v3;
	vm15 =	vgt.s32 v4, $0xFFFFFFFF  }
0x183: {  	v4 =	vadd.s32 v63, v62;
	vm0 =	vmand vm14, vm15  }
0x184: {  	v4 =	vsel vm0, v4, v5  }
0x185: {  	[tilespmem:s0+$0x7F00] =	vst v4  }
0x186: {  	_ =	swait.ge [sflag:s24], $0x2000  }
0x187: {  	[sflag:s24] =	ssyncset.done $0x0  }
0x188: {  	[sflag:s24] =	ssyncadd.s32 $0xFFFFE000  }
0x189: {  	_ =	swait.ge [sflag:s24], $0x2000  }
0x18a: {  	[sflag:s24] =	ssyncset.done $0x0  }
0x18b: {  	[sflag:s24] =	ssyncadd.s32 $0xFFFFE000  }
0x18c: {  	_ =	swait.ge [sflag:s24], $0x2000  }
0x18d: {  	[sflag:s24] =	ssyncset.done $0x0  }
0x18e: {  	s22 =	simm.s32 $0x7E00;
	s31 =	simm.s32 $0x8200;
	[sflag:s24] =	ssyncadd.s32 $0xFFFFE000  }
0x18f: {  	[tilespmem:s31], [sflag:$0x1] =	stream.indirect.gather [hbm4b:s2+s18], $0x80, s22, s18, $0xb8;
	[tilespmem:$0x16200] =	vst v63  }
0x190: {  	s15 =	simm.s32 $0x7E80;
	s21 =	simm.s32 $0xA200  }
0x191: {  	[tilespmem:s21], [sflag:$0x1] =	stream.indirect.gather [hbm4b:s2+s18], $0x80, s15, s18, $0xb8;
	[tilespmem:$0x16200] =	vst v63  }
0x192: {  	s22 =	simm.s32 $0x7F00;
	s31 =	simm.s32 $0xC200  }
0x193: {  	[tilespmem:s31], [sflag:$0x1] =	stream.indirect.gather [hbm4b:s2+s18], $0x80, s22, s18, $0xb8;
	[tilespmem:$0x16200] =	vst v63  }
0x194: {  	s15 =	sadd.s32 $0x540, s19;
	s21 =	simm.s32 $0x7D00  }
0x195: {  	[tilespmem:s21], [sflag:$0x4] =	stream.indirect.gather [hbm4b:s5+s18], $0x1, s15, s18, $0xb8;
	[tilespmem:$0x16200] =	vst v63  }
0x196: {  	s22 =	sadd.s32 $0x640, s19;
	s31 =	simm.s32 $0x7D80  }
0x197: {  	[tilespmem:s31], [sflag:$0x4] =	stream.indirect.gather [hbm4b:s5+s18], $0x1, s22, s18, $0xb8;
	[tilespmem:$0x16200] =	vst v63  }
.LBB2_25:
0x198: {  	s19 =	simm.s32 $0x0  }
0x199: {  	v4 =	vld [tilespmem:s19+$0xE270]  }
0x19a: {  	v5 =	vld [tilespmem:s19+$0x10270]  }
0x19b: {  	v6 =	vld [tilespmem:s19+$0xE200]  }
0x19c: {  	v7 =	vld [tilespmem:s19+$0x12270]  }
0x19d: {  	v8 =	vld [tilespmem:s19+$0x10200]  }
0x19e: {  	v9 =	vld [tilespmem:s19+$0xE210]  }
0x19f: {  	v10 =	vld [tilespmem:s19+$0x10210]  }
0x1a0: {  	v11 =	vld [tilespmem:s19+$0x10220]  }
0x1a1: {  	v13 =	vld [tilespmem:s19+$0x10230]  }
0x1a2: {  	v14 =	vld [tilespmem:s19+$0xE240]  }
0x1a3: {  	v15 =	vld [tilespmem:s19+$0x10240]  }
0x1a4: {  	v16 =	vld [tilespmem:s19+$0xE250]  }
0x1a5: {  	v17 =	vld [tilespmem:s19+$0x10250]  }
0x1a6: {  	v18 =	vld [tilespmem:s19+$0xE260]  }
0x1a7: {  	v19 =	vld [tilespmem:s19+$0x10260]  }
0x1a8: {  	v20 =	vld [tilespmem:s19+$0x12200]  }
0x1a9: {  	v4 =	vadd.f32 v5, v4;
	v5 =	vld [tilespmem:s19+$0xE220]  }
0x1aa: {  	v21 =	vld [tilespmem:s19+$0x12210]  }
0x1ab: {  	v4 =	vadd.f32 v7, v4;
	v7 =	vld [tilespmem:s19+$0xE230]  }
0x1ac: {  	v22 =	vld [tilespmem:s19+$0x12220]  }
0x1ad: {  	v12 =	vld [tilespmem:s19+$0x12230];
	v6 =	vadd.f32 v8, v6;
	v23 =	vadd.f32 v10, v9  }
0x1ae: {  	v9 =	vld [tilespmem:s19+$0x12240];
	v8 =	vadd.f32 v17, v16;
	v24 =	vadd.f32 v11, v5  }
0x1af: {  	v10 =	vld [tilespmem:s19+$0x12250];
	v5 =	vadd.f32 v15, v14;
	v14 =	vadd.f32 v20, v6  }
0x1b0: {  	s21 =	simm.s32 $0x80;
	[tilespmem:s19+$0x14270] =	vst v4;
	v11 =	vld [tilespmem:s19+$0x12260];
	v4 =	vadd.f32 v13, v7;
	v13 =	vadd.f32 v21, v23  }
0x1b1: {  	s0 =	simm.s32 $0x400;
	v6 =	vadd.f32 v19, v18;
	v7 =	vld [tilespmem:s21+$0xE270];
	[tilespmem:s19+$0x14200] =	vst v14;
	v14 =	vadd.f32 v22, v24  }
.LBB2_26:
0x1b2: {  	p0 =	sne.s32 s0, $0x7E00;
	v15 =	vld [tilespmem:s21+$0x10270];
	[tilespmem:s19+$0x14210] =	vst v13;
	v4 =	vadd.f32 v12, v4  }
0x1b3: {  	v12 =	vld [tilespmem:s21+$0xE200];
	[tilespmem:s19+$0x14220] =	vst v14;
	v5 =	vadd.f32 v9, v5  }
0x1b4: {  	v9 =	vld [tilespmem:s21+$0x12270];
	[tilespmem:s19+$0x14230] =	vst v4;
	v4 =	vadd.f32 v10, v8  }
0x1b5: {  	v8 =	vld [tilespmem:s21+$0x10200];
	[tilespmem:s19+$0x14240] =	vst v5;
	v5 =	vadd.f32 v11, v6  }
0x1b6: {  	v6 =	vld [tilespmem:s21+$0xE210];
	[tilespmem:s19+$0x14250] =	vst v4  }
0x1b7: {  	v4 =	vld [tilespmem:s21+$0x10210];
	v7 =	vadd.f32 v15, v7;
	[tilespmem:s19+$0x14260] =	vst v5;
	s19 =	smov.u32 s21  }
0x1b8: {  	v5 =	vld [tilespmem:s19+$0xE220]  }
0x1b9: {  	v10 =	vld [tilespmem:s19+$0x10220];
	v7 =	vadd.f32 v9, v7  }
0x1ba: {  	v11 =	vadd.f32 v8, v12;
	v8 =	vld [tilespmem:s19+$0xE230]  }
0x1bb: {  	v9 =	vld [tilespmem:s19+$0x10230];
	[tilespmem:s19+$0x14270] =	vst v7  }
0x1bc: {  	v7 =	vadd.f32 v4, v6;
	v6 =	vld [tilespmem:s19+$0xE240]  }
0x1bd: {  	v12 =	vld [tilespmem:s19+$0x10240]  }
0x1be: {  	v14 =	vadd.f32 v10, v5;
	v10 =	vld [tilespmem:s19+$0xE250]  }
0x1bf: {  	v13 =	vld [tilespmem:s19+$0x10250]  }
0x1c0: {  	v4 =	vadd.f32 v9, v8;
	v15 =	vld [tilespmem:s19+$0xE260]  }
0x1c1: {  	v16 =	vld [tilespmem:s19+$0x10260]  }
0x1c2: {  	v17 =	vld [tilespmem:s19+$0x12200];
	v5 =	vadd.f32 v12, v6  }
0x1c3: {  	v18 =	vld [tilespmem:s19+$0x12210]  }
0x1c4: {  	v19 =	vld [tilespmem:s19+$0x12220];
	v8 =	vadd.f32 v13, v10  }
.Ltmp12:
0x1c5: {  	v12 =	vld [tilespmem:s19+$0x12230];
	(pc) =	sbr.rel @p0 .LBB2_26-.Ltmp12, $4  }
0x1c6: {  	v9 =	vld [tilespmem:s19+$0x12240];
	v6 =	vadd.f32 v16, v15  }
0x1c7: {  	v15 =	vadd.f32 v17, v11;
	v10 =	vld [tilespmem:s19+$0x12250]  }
0x1c8: {  	s21 =	sshra.s32 s0, $0x2;
	v13 =	vadd.f32 v18, v7;
	v11 =	vld [tilespmem:s19+$0x12260]  }
0x1c9: {  	s0 =	sadd.s32 $0x200, s0;
	v7 =	vld [tilespmem:s21+$0xE270];
	[tilespmem:s19+$0x14200] =	vst v15;
	v14 =	vadd.f32 v19, v14  }
0x1ca: {  	v15 =	vld [tilespmem:s21+$0x10270];
	[tilespmem:s19+$0x14210] =	vst v13;
	v4 =	vadd.f32 v12, v4  }
0x1cb: {  	v13 =	vld [tilespmem:s21+$0xE200];
	[tilespmem:s19+$0x14220] =	vst v14;
	v5 =	vadd.f32 v9, v5  }
0x1cc: {  	v49 =	vld [tilespmem:s21+$0x12270];
	[tilespmem:s19+$0x14230] =	vst v4;
	v8 =	vadd.f32 v10, v8  }
0x1cd: {  	v4 =	vld [tilespmem:s21+$0x10200];
	[tilespmem:s19+$0x14240] =	vst v5;
	v6 =	vadd.f32 v11, v6  }
0x1ce: {  	v5 =	vld [tilespmem:s21+$0xE210];
	[tilespmem:s19+$0x14250] =	vst v8  }
0x1cf: {  	v8 =	vld [tilespmem:s21+$0x10210];
	[tilespmem:s19+$0x14260] =	vst v6  }
0x1d0: {  	v51 =	vld [tilespmem:s21+$0xE220]  }
0x1d1: {  	v52 =	vld [tilespmem:s21+$0x10220]  }
0x1d2: {  	v53 =	vld [tilespmem:s21+$0xE230]  }
0x1d3: {  	v54 =	vld [tilespmem:s21+$0x10230]  }
0x1d4: {  	v55 =	vld [tilespmem:s21+$0xE240]  }
0x1d5: {  	v56 =	vld [tilespmem:s21+$0x10240]  }
0x1d6: {  	v14 =	vld [tilespmem:s21+$0xE250]  }
0x1d7: {  	v57 =	vld [tilespmem:s21+$0x10250]  }
0x1d8: {  	v16 =	vld [tilespmem:s21+$0xE260]  }
0x1d9: {  	v17 =	vld [tilespmem:s21+$0x10260]  }
0x1da: {  	v18 =	vld [tilespmem:s21+$0x12200]  }
0x1db: {  	v19 =	vld [tilespmem:s21+$0x12210]  }
0x1dc: {  	v50 =	vadd.f32 v15, v7;
	v20 =	vld [tilespmem:s21+$0x12220]  }
0x1dd: {  	v58 =	vld [tilespmem:s21+$0x12230];
	v4 =	vadd.f32 v4, v13  }
0x1de: {  	v59 =	vld [tilespmem:s21+$0x12240];
	v6 =	vadd.f32 v49, v50;
	v5 =	vadd.f32 v8, v5  }
0x1df: {  	v60 =	vld [tilespmem:s21+$0x12250];
	v7 =	vadd.f32 v52, v51;
	v4 =	vadd.f32 v18, v4  }
0x1e0: {  	v61 =	vld [tilespmem:s21+$0x12260];
	[tilespmem:s21+$0x14270] =	vst v6;
	v10 =	vadd.f32 v54, v53;
	v5 =	vadd.f32 v19, v5  }
0x1e1: {  	v6 =	vadd.f32 v56, v55;
	[tilespmem:s21+$0x14200] =	vst v4;
	v4 =	vadd.f32 v20, v7  }
0x1e2: {  	v62 =	vadd.f32 v57, v14;
	[tilespmem:s21+$0x14210] =	vst v5;
	v5 =	vadd.f32 v58, v10  }
0x1e3: {  	v63 =	vadd.f32 v17, v16;
	[tilespmem:s21+$0x14220] =	vst v4;
	v4 =	vadd.f32 v59, v6  }
0x1e4: {  	[tilespmem:s21+$0x14230] =	vst v5;
	v5 =	vadd.f32 v60, v62  }
0x1e5: {  	s25 =	sadd.s32 $0x1, s25;
	[tilespmem:s21+$0x14240] =	vst v4;
	v4 =	vadd.f32 v61, v63  }
0x1e6: {  	s0 =	sshll.u32 s1, $0x4;
	p0 =	sne.s32 s25, $0x1F;
	[tilespmem:s21+$0x14250] =	vst v5  }
.Ltmp13:
0x1e7: {  	s0 =	sadd.s32 s6, s0;
	[tilespmem:s21+$0x14260] =	vst v4;
	(pc) =	sbr.rel @p0 .LBB2_16-.Ltmp13, $4  }
0x1e8: {  	[hbm4b:s0+s3] =	stream.linear.scatter [tilespmem:s14], [sflag:$0x5], $0x2000, $0x38;
	[tilespmem:$0x16200] =	vst v63  }
0x1e9: {  	_ =	swait.ge [sflag:s17], $0x2000  }
0x1ea: {  	s30 =	sadd.s32 $0x80, s30;
	s26 =	sadd.s32 $0x400, s26;
	[sflag:s17] =	ssyncset.done $0x0  }
0x1eb: {  	s29 =	sadd.s32 $0x80, s29;
	s28 =	sadd.s32 $0x400, s28;
	[sflag:s17] =	ssyncadd.s32 $0xFFFFE000  }
0x1ec: {  	s1 =	rddreg [dreg:$0x6]  }
0x1ed: {  	s0 =	rddreg [dreg:$0x2];
	s1 =	sadd.s32 $0x1, s1  }
0x1ee: {  	p0 =	sne.s32 s1, s0  }
.Ltmp14:
0x1ef: {  	_ = 	snop;
	(pc) =	sbr.rel @p0 .LBB2_1-.Ltmp14, $1  }
0x1f0: {  	_ =	sdelay $0x3  }
0x1f1: {  	_ =	sfence.sel $0x180000  }
0x1f2: {  	[bflag:$0x0] =	sbarrier.arrive $0xFFFF  }
0x1f3: {  	_ =	strace $0x90000047  }
0x1f4: {  	s0 =	stileid.u32;
	[bflag:$0x2] =	sbarrier.arrive $0xFFFF  }
0x1f5: {  	p0 =	sne.s32 s0, $0x0;
	s0 =	rddreg [dreg:$0x1]  }
0x1f6: {  	s0 =	sadd.s32 @!p0 $0x100000, s0  }
0x1f7: {  	[sflag:s0] =	ssyncadd.tile.s32 @!p0 $0x1;
	_ =	shalt  }
.Lfunc_end2:
_tile_overlayer_lowered:
.L_overlay_start_2:
0x1f8: {  	(tag) =	ssettag $0x2  }
0x1f9: {  	s0 =	rddreg [dreg:$0x0];
	s2 =	stileid.u32  }
0x1fa: {  	s1 =	rddreg [dreg:$0x1];
	p0 =	sne.s32 s2, $0x0  }
0x1fb: {  	s3 =	rddreg [dreg:$0x2];
	[bflag:$0x3] =	sbarrier.arrive $0xFFFF;
	s2 =	simm.s32 @!p0 $0x1C05  }
0x1fc: {  	[timem:s3], [sflag:s2] =	dma.local @!p0 [hbm:s0], s1  }
0x1fd: {  	s0 =	simm.s32 @!p0 $0x5  }
0x1fe: {  	_ =	swait.ge @!p0 [sflag:s0], s1  }
0x1ff: {  	s1 =	ssub.s32 @!p0 $0x0, s1;
	[sflag:s0] =	ssyncset.done @!p0 $0x0  }
0x200: {  	[sflag:s0] =	ssyncadd.s32 @!p0 s1  }
0x201: {  	[bflag:$0x3] =	sbarrier.arrive $0xFFFF  }
0x202: {  	_ =	shalt  }

</sc_bundles>
